<compile_context>
chip_gen: v7x
topology: tpu7x:2x2x1
jax: 0.10.2.dev20260603
libtpu: 0.0.44.dev20260713+nightly
codegen_flags: <defaults>
</compile_context>

<pallas_src>
import functools

import jax
import jax.numpy as jnp
from jax import lax
from jax.experimental import pallas as pl
from jax.experimental.pallas import tpu as pltpu
from jax.experimental.pallas import tpu_sc as plsc

N_SAT = 10000
N_GW = 16
N_CELL = 256
D_SAT = 32
HID = 128
ROUNDS = 3
E_SS = 160000
E_SC = 80000
E_GC = 2048
IN_DIM_ = HID + N_GW + N_CELL

B = 128
SAT_ACC = 10112
CELL_ACC = 384
SAT_PAD_DST = SAT_ACC - 1
CELL_PAD_DST = CELL_ACC - 1
NCHG = 40
SS_GROUPS = 2
ROWS_SAT = SAT_ACC // 16
ROWS_CELL = CELL_ACC // 16

_MESH = plsc.VectorSubcoreMesh(core_axis_name="c", subcore_axis_name="s")

F32 = jnp.float32


def _dot(a, b):
    return lax.dot_general(a, b, (((1,), (0,)), ((), ())),
                           preferred_element_type=F32)



def _pipe_pass(tab, isrc, idst, base, n, rows2, acc, sem_g, sem_s):
    pltpu.async_copy(tab.at[isrc.at[base]], rows2.at[0], sem_g)

    def body(j, carry):
        cur = lax.rem(j, 2)
        nxt = lax.rem(j + 1, 2)
        pltpu.make_async_copy(tab.at[isrc.at[base + j]], rows2.at[cur],
                              sem_g).wait()

        @pl.when(j > 0)
        def _():
            pltpu.make_async_copy(rows2.at[nxt], acc.at[idst.at[base + j - 1]],
                                  sem_s).wait()

        @pl.when(j < n - 1)
        def _():
            pltpu.async_copy(tab.at[isrc.at[base + j + 1]], rows2.at[nxt],
                             sem_g)

        pltpu.async_copy(rows2.at[cur], acc.at[idst.at[base + j]], sem_s,
                         add=True)
        return carry

    lax.fori_loop(0, n, body, 0)
    pltpu.make_async_copy(rows2.at[(n - 1) % 2], acc.at[idst.at[base + n - 1]],
                          sem_s).wait()


@functools.partial(
    pl.kernel,
    out_type=[
        jax.ShapeDtypeStruct((SAT_ACC, HID), F32),
        jax.ShapeDtypeStruct((SAT_ACC, HID), F32),
        jax.ShapeDtypeStruct((CELL_ACC, HID), F32),
    ],
    mesh=_MESH,
    scratch_types=[
        pltpu.VMEM((NCHG, B), jnp.int32),
        pltpu.VMEM((NCHG, B), jnp.int32),
        pltpu.VMEM((2, B, HID), F32),
        pltpu.VMEM_SHARED((SAT_ACC, HID), F32),
        pltpu.VMEM_SHARED((CELL_ACC, HID), F32),
        pltpu.SemaphoreType.DMA,
        pltpu.SemaphoreType.DMA,
    ],
)
def _round_agg(sat_h, cell_h, ssS_h, ssD_h, csS_h, csD_h, scS_h, scD_h, z_h,
               oss, ocs, osc, isrc, idst, rows2, acc, acc2, sem_g, sem_s):
    c = lax.axis_index("c")
    s = lax.axis_index("s")
    r0 = s * ROWS_SAT
    q0 = s * ROWS_CELL
    pltpu.sync_copy(z_h, acc.at[pl.ds(r0, ROWS_SAT)])

    @pl.when(c == 1)
    def _():
        pltpu.sync_copy(z_h.at[pl.ds(0, ROWS_CELL)], acc2.at[pl.ds(q0, ROWS_CELL)])

    plsc.subcore_barrier()

    @pl.when(c == 0)
    def _():
        for h in range(SS_GROUPS):
            pltpu.sync_copy(ssS_h.at[s, h], isrc)
            pltpu.sync_copy(ssD_h.at[s, h], idst)
            _pipe_pass(sat_h, isrc, idst, 0, NCHG, rows2, acc, sem_g, sem_s)

    @pl.when(c == 1)
    def _():
        pltpu.sync_copy(csS_h.at[s], isrc)
        pltpu.sync_copy(csD_h.at[s], idst)
        _pipe_pass(cell_h, isrc, idst, 0, NCHG, rows2, acc, sem_g, sem_s)
        pltpu.sync_copy(scS_h.at[s], isrc)
        pltpu.sync_copy(scD_h.at[s], idst)
        _pipe_pass(sat_h, isrc, idst, 0, NCHG, rows2, acc2, sem_g, sem_s)

    plsc.subcore_barrier()

    @pl.when(c == 0)
    def _():
        pltpu.sync_copy(acc.at[pl.ds(r0, ROWS_SAT)], oss.at[pl.ds(r0, ROWS_SAT)])

    @pl.when(c == 1)
    def _():
        pltpu.sync_copy(acc.at[pl.ds(r0, ROWS_SAT)], ocs.at[pl.ds(r0, ROWS_SAT)])
        pltpu.sync_copy(acc2.at[pl.ds(q0, ROWS_CELL)], osc.at[pl.ds(q0, ROWS_CELL)])


@functools.partial(
    pl.kernel,
    out_type=[
        jax.ShapeDtypeStruct((SAT_ACC, HID), F32),
        jax.ShapeDtypeStruct((SAT_ACC, HID), F32),
        jax.ShapeDtypeStruct((CELL_ACC, HID), F32),
        jax.ShapeDtypeStruct((CELL_ACC, HID), F32),
    ],
    mesh=_MESH,
    scratch_types=[
        pltpu.VMEM((NCHG, B), jnp.int32),
        pltpu.VMEM((NCHG, B), jnp.int32),
        pltpu.VMEM((2, B, HID), F32),
        pltpu.VMEM_SHARED((SAT_ACC, HID), F32),
        pltpu.VMEM_SHARED((CELL_ACC, HID), F32),
        pltpu.VMEM_SHARED((CELL_ACC, HID), F32),
        pltpu.SemaphoreType.DMA,
        pltpu.SemaphoreType.DMA,
    ],
)
def _init_agg(xsat_h, xcell_h, xgw_h, ssS_h, ssD_h, csS_h, csD_h, scS_h, scD_h,
              gcS_h, gcD_h, z_h,
              o_ss, o_cs, o_sc, o_gc,
              isrc, idst, rows2, acc, acc2, acc3, sem_g, sem_s):
    c = lax.axis_index("c")
    s = lax.axis_index("s")
    r0 = s * ROWS_SAT
    q0 = s * ROWS_CELL
    pltpu.sync_copy(z_h, acc.at[pl.ds(r0, ROWS_SAT)])

    @pl.when(c == 1)
    def _():
        pltpu.sync_copy(z_h.at[pl.ds(0, ROWS_CELL)], acc2.at[pl.ds(q0, ROWS_CELL)])
        pltpu.sync_copy(z_h.at[pl.ds(0, ROWS_CELL)], acc3.at[pl.ds(q0, ROWS_CELL)])

    plsc.subcore_barrier()

    @pl.when(c == 0)
    def _():
        for h in range(SS_GROUPS):
            pltpu.sync_copy(ssS_h.at[s, h], isrc)
            pltpu.sync_copy(ssD_h.at[s, h], idst)
            _pipe_pass(xsat_h, isrc, idst, 0, NCHG, rows2, acc, sem_g, sem_s)

    @pl.when(c == 1)
    def _():
        pltpu.sync_copy(csS_h.at[s], isrc)
        pltpu.sync_copy(csD_h.at[s], idst)
        _pipe_pass(xcell_h, isrc, idst, 0, NCHG, rows2, acc, sem_g, sem_s)
        pltpu.sync_copy(scS_h.at[s], isrc)
        pltpu.sync_copy(scD_h.at[s], idst)
        _pipe_pass(xsat_h, isrc, idst, 0, NCHG, rows2, acc2, sem_g, sem_s)
        pltpu.sync_copy(gcS_h.at[s], isrc.at[pl.ds(0, 1)])
        pltpu.sync_copy(gcD_h.at[s], idst.at[pl.ds(0, 1)])
        pltpu.async_copy(xgw_h.at[isrc.at[0]], rows2.at[0], sem_g).wait()
        pltpu.sync_copy(rows2.at[0], acc3.at[idst.at[0]], add=True)

    plsc.subcore_barrier()

    @pl.when(c == 0)
    def _():
        pltpu.sync_copy(acc.at[pl.ds(r0, ROWS_SAT)], o_ss.at[pl.ds(r0, ROWS_SAT)])

    @pl.when(c == 1)
    def _():
        pltpu.sync_copy(acc.at[pl.ds(r0, ROWS_SAT)], o_cs.at[pl.ds(r0, ROWS_SAT)])
        pltpu.sync_copy(acc2.at[pl.ds(q0, ROWS_CELL)], o_sc.at[pl.ds(q0, ROWS_CELL)])
        pltpu.sync_copy(acc3.at[pl.ds(q0, ROWS_CELL)], o_gc.at[pl.ds(q0, ROWS_CELL)])



_BLK = 2000
_GRID = N_SAT // _BLK


def _full(shape):
    return pl.BlockSpec(shape, lambda i: (0, 0))


def _rows(shape):
    return pl.BlockSpec(shape, lambda i: (i, 0))


def _round_dense_body(sat_r, sss_r, css_r, scs_r, ccs_r, vis_r,
                      wlss_r, wrss_r, wrcs_r, wlcs_r, wlsc_r, wrsc_r,
                      blss_r, blcs_r, blsc_r,
                      wg0_r, bg0_r, wc0_r, bc0_r,
                      wg1_r, bg1_r, wc1_r, bc1_r, demw_r,
                      ssc_r, csc_r, cell_r,
                      ns_r, gl_r, cl_r, dem_r, ncell_r):
    i = pl.program_id(0)
    wg = wg0_r[...]
    wc = wc0_r[...]
    bg = bg0_r[...]
    bc = bc0_r[...]

    def fold_m(m):
        return m[0:HID] + _dot(wg, m[HID:HID + N_GW]) + _dot(wc, m[HID + N_GW:])

    def fold_v(m):
        return _dot(bg, m[HID:HID + N_GW]) + _dot(bc, m[HID + N_GW:])

    wlss = wlss_r[...]
    wr = wrss_r[...] + wrcs_r[...]
    u1 = fold_m(wlss)
    u2 = fold_m(wr)
    u3 = fold_v(wlss)
    u4 = blss_r[...] + blcs_r[...] + fold_v(wr)

    css = css_r[...]
    ccs = ccs_r[...]
    m_ss = sss_r[...] * (1.0 / jnp.maximum(css, 1.0))
    m_cs = scs_r[...] * (1.0 / jnp.maximum(ccs, 1.0))
    ind = (css > 0.0).astype(F32)
    z = (_dot(m_ss, u1) + _dot(m_cs, wlcs_r[...])
         + _dot(sat_r[...], u2) + ind * u3 + u4)
    ns = jnp.maximum(z, 0.0)
    ns_r[...] = ns
    gl_r[...] = _dot(ns, wg1_r[...]) + bg1_r[...]
    cl = _dot(ns, wc1_r[...]) + bc1_r[...]
    cl_r[...] = cl
    sig = 1.0 / (1.0 + jnp.exp(-cl))
    dem_r[...] = jnp.sum(sig * vis_r[...] * demw_r[...], axis=1, keepdims=True)

    @pl.when(i == 0)
    def _():
        wlsc = wlsc_r[...]
        v1 = fold_m(wlsc)
        v2 = fold_v(wlsc) + blsc_r[...]
        csc = csc_r[...]
        m_sc = ssc_r[...] * (1.0 / jnp.maximum(csc, 1.0))
        indc = (csc > 0.0).astype(F32)
        ncell_r[...] = jnp.maximum(
            _dot(m_sc, v1) + indc * v2 + _dot(cell_r[...], wrsc_r[...]), 0.0)


_round_dense = pl.pallas_call(
    _round_dense_body,
    grid=(_GRID,),
    in_specs=[_rows((_BLK, HID)), _rows((_BLK, HID)), _rows((_BLK, 1)),
              _rows((_BLK, HID)), _rows((_BLK, 1)), _rows((_BLK, N_CELL)),
              _full((IN_DIM_, HID)), _full((IN_DIM_, HID)),
              _full((IN_DIM_, HID)), _full((HID, HID)),
              _full((IN_DIM_, HID)), _full((HID, HID)),
              _full((1, HID)), _full((1, HID)), _full((1, HID)),
              _full((HID, N_GW)), _full((1, N_GW)),
              _full((HID, N_CELL)), _full((1, N_CELL)),
              _full((HID, N_GW)), _full((1, N_GW)),
              _full((HID, N_CELL)), _full((1, N_CELL)), _full((1, N_CELL)),
              _full((N_CELL, HID)), _full((N_CELL, 1)), _full((N_CELL, HID))],
    out_specs=[_rows((_BLK, HID)), _rows((_BLK, N_GW)),
               _rows((_BLK, N_CELL)), _rows((_BLK, 1)),
               _full((N_CELL, HID))],
    out_shape=[jax.ShapeDtypeStruct((N_SAT, HID), F32),
               jax.ShapeDtypeStruct((N_SAT, N_GW), F32),
               jax.ShapeDtypeStruct((N_SAT, N_CELL), F32),
               jax.ShapeDtypeStruct((N_SAT, 1), F32),
               jax.ShapeDtypeStruct((N_CELL, HID), F32)],
)


def _init_dense_body(xs_r, sss_r, css_r, scs_r, ccs_r, vis_r,
                     wla_r, wlb_r, wra_r, wrb_r, bla_r, blb_r,
                     wg_r, bg_r, wc_r, bc_r, demw_r,
                     sgc_r, cgc_r, ssc_r, csc_r, xc_r,
                     wlc_r, wld_r, wrc_r, wrd_r, blc_r, bld_r,
                     sat_r, gl_r, cl_r, dem_r, cell_r):
    i = pl.program_id(0)
    css = css_r[...]
    ccs = ccs_r[...]
    m_ss = sss_r[...] * (1.0 / jnp.maximum(css, 1.0))
    m_cs = scs_r[...] * (1.0 / jnp.maximum(ccs, 1.0))
    z = (_dot(m_ss, wla_r[...]) + _dot(m_cs, wlb_r[...])
         + _dot(xs_r[...], wra_r[...] + wrb_r[...]) + bla_r[...] + blb_r[...])
    sat = jnp.maximum(z, 0.0)
    sat_r[...] = sat
    gl_r[...] = _dot(sat, wg_r[...]) + bg_r[...]
    cl = _dot(sat, wc_r[...]) + bc_r[...]
    cl_r[...] = cl
    sig = 1.0 / (1.0 + jnp.exp(-cl))
    dem_r[...] = jnp.sum(sig * vis_r[...] * demw_r[...], axis=1, keepdims=True)

    @pl.when(i == 0)
    def _():
        cgc = cgc_r[...]
        csc = csc_r[...]
        m_gc = sgc_r[...] * (1.0 / jnp.maximum(cgc, 1.0))
        m_sc = ssc_r[...] * (1.0 / jnp.maximum(csc, 1.0))
        zc = (_dot(m_gc, wlc_r[...]) + _dot(m_sc, wld_r[...])
              + _dot(xc_r[...], wrc_r[...] + wrd_r[...])
              + blc_r[...] + bld_r[...])
        cell_r[...] = jnp.maximum(zc, 0.0)


_init_dense = pl.pallas_call(
    _init_dense_body,
    grid=(_GRID,),
    in_specs=[_rows((_BLK, D_SAT)), _rows((_BLK, D_SAT)), _rows((_BLK, 1)),
              _rows((_BLK, 16)), _rows((_BLK, 1)), _rows((_BLK, N_CELL)),
              _full((D_SAT, HID)), _full((16, HID)),
              _full((D_SAT, HID)), _full((D_SAT, HID)),
              _full((1, HID)), _full((1, HID)),
              _full((HID, N_GW)), _full((1, N_GW)),
              _full((HID, N_CELL)), _full((1, N_CELL)), _full((1, N_CELL)),
              _full((N_CELL, 16)), _full((N_CELL, 1)),
              _full((N_CELL, D_SAT)), _full((N_CELL, 1)),
              _full((N_CELL, 8)),
              _full((16, HID)), _full((D_SAT, HID)),
              _full((8, HID)), _full((8, HID)),
              _full((1, HID)), _full((1, HID))],
    out_specs=[_rows((_BLK, HID)), _rows((_BLK, N_GW)),
               _rows((_BLK, N_CELL)), _rows((_BLK, 1)),
               _full((N_CELL, HID))],
    out_shape=[jax.ShapeDtypeStruct((N_SAT, HID), F32),
               jax.ShapeDtypeStruct((N_SAT, N_GW), F32),
               jax.ShapeDtypeStruct((N_SAT, N_CELL), F32),
               jax.ShapeDtypeStruct((N_SAT, 1), F32),
               jax.ShapeDtypeStruct((N_CELL, HID), F32)],
)



def _prep_idx(idx, groups, nch, fill):
    cap = 16 * groups * nch * B
    idx = idx.astype(jnp.int32)
    pad = cap - idx.shape[0]
    if pad:
        idx = jnp.concatenate([idx, jnp.full((pad,), fill, jnp.int32)])
    shape = (16, groups, nch, B) if groups > 1 else (16, nch, B)
    return idx.reshape(shape)


def kernel(x_sat, x_gateway, x_cell, cell_visibility_matrix, cell_demands,
           ei_ss, sg_src, sg_dst, gc_src, gc_dst, sc_src, sc_dst,
           cs_src, cs_dst, params):
    p = params
    vis = cell_visibility_matrix
    demw = cell_demands[None, :]

    def _pad_table(x):
        n, d = x.shape
        return jnp.concatenate(
            [x, jnp.zeros((n, HID - 1 - d), F32), jnp.ones((n, 1), F32)], axis=1)

    xs128 = _pad_table(x_sat)
    xc128 = _pad_table(x_cell)
    xg128 = _pad_table(x_gateway)

    ssS = _prep_idx(ei_ss[0], SS_GROUPS, NCHG, 0)
    ssD = _prep_idx(ei_ss[1], SS_GROUPS, NCHG, SAT_PAD_DST)
    csS = _prep_idx(cs_src, 1, NCHG, 0)
    csD = _prep_idx(cs_dst, 1, NCHG, SAT_PAD_DST)
    scS = _prep_idx(sc_src, 1, NCHG, 0)
    scD = _prep_idx(sc_dst, 1, NCHG, CELL_PAD_DST)
    gcS = _prep_idx(gc_src, 1, 1, 0)
    gcD = _prep_idx(gc_dst, 1, 1, CELL_PAD_DST)

    z128 = jnp.zeros((ROWS_SAT, HID), F32)

    S_ss0, S_cs0, S_sc0, S_gc0 = _init_agg(
        xs128, xc128, xg128, ssS, ssD, csS, csD, scS, scD, gcS, gcD, z128)

    cnt_ss = S_ss0[:N_SAT, HID - 1:]
    cnt_cs = S_cs0[:N_SAT, HID - 1:]
    cnt_sc = S_sc0[:N_CELL, HID - 1:]
    cnt_gc = S_gc0[:N_CELL, HID - 1:]

    sat, gl, cl, dem, cell = _init_dense(
        x_sat, S_ss0[:N_SAT, :D_SAT], cnt_ss, S_cs0[:N_SAT, :16], cnt_cs, vis,
        p["init_ss_Wl"], jnp.pad(p["init_cs_Wl"], ((0, 8), (0, 0))),
        p["init_ss_Wr"], p["init_cs_Wr"],
        p["init_ss_bl"][None, :], p["init_cs_bl"][None, :],
        p["gw_head_W0"], p["gw_head_b0"][None, :],
        p["cell_head_W0"], p["cell_head_b0"][None, :], demw,
        S_gc0[:N_CELL, :16], cnt_gc, S_sc0[:N_CELL, :D_SAT], cnt_sc, x_cell,
        jnp.pad(p["init_gc_Wl"], ((0, 8), (0, 0))), p["init_sc_Wl"],
        p["init_gc_Wr"], p["init_sc_Wr"],
        p["init_gc_bl"][None, :], p["init_sc_bl"][None, :])

    gls, cls, dems = [gl], [cl], [dem]
    for i in range(ROUNDS):
        S_ss, S_cs, S_sc = _round_agg(sat, cell, ssS, ssD, csS, csD, scS, scD,
                                      z128)
        sat, gl, cl, dem, cell = _round_dense(
            sat, S_ss[:N_SAT], cnt_ss, S_cs[:N_SAT], cnt_cs, vis,
            p["r%d_ss_Wl" % i], p["r%d_ss_Wr" % i], p["r%d_cs_Wr" % i],
            p["r%d_cs_Wl" % i], p["r%d_sc_Wl" % i], p["r%d_sc_Wr" % i],
            p["r%d_ss_bl" % i][None, :], p["r%d_cs_bl" % i][None, :],
            p["r%d_sc_bl" % i][None, :],
            p["gw_head_W%d" % i], p["gw_head_b%d" % i][None, :],
            p["cell_head_W%d" % i], p["cell_head_b%d" % i][None, :],
            p["gw_head_W%d" % (i + 1)], p["gw_head_b%d" % (i + 1)][None, :],
            p["cell_head_W%d" % (i + 1)], p["cell_head_b%d" % (i + 1)][None, :],
            demw,
            S_sc[:N_CELL], cnt_sc, cell)
        gls.append(gl)
        cls.append(cl)
        dems.append(dem)

    return (jnp.stack(gls), jnp.stack(cls),
            jnp.stack([d[:, 0] for d in dems]))

# --- scband reference (transcript-rebuilt; emitter-appended) ---
"""Pipeline reference for scband-sat-gateway-gnn-70978629533813 (READ-ONLY COPY).

The authoritative reference and input builder live on the scoring server;
editing this copy changes nothing except your own understanding.
"""

import jax, jax.numpy as jnp
import numpy as np

N_SAT = 10000
N_GW = 16
N_CELL = 256
D_SAT = 32
D_GW = 8
D_CELL = 8
HID = 128
ROUNDS = 3
IN_DIM = HID + N_GW + N_CELL  # 400
E_SS = 160000
E_SG = 20000
E_GC = 2048
E_SC = 80000


def _lin(key, din, dout):
    return jax.random.normal(key, (din, dout), jnp.float32) / np.sqrt(din)


def setup_inputs(seed: int = 0) -> dict:
    key = jax.random.key(seed)
    ks = iter(jax.random.split(key, 96))
    inp = {}
    inp["x_sat"] = jax.random.normal(next(ks), (N_SAT, D_SAT), jnp.float32)
    inp["x_gateway"] = jax.random.normal(next(ks), (N_GW, D_GW), jnp.float32)
    inp["x_cell"] = jax.random.normal(next(ks), (N_CELL, D_CELL), jnp.float32)
    inp["cell_visibility_matrix"] = (jax.random.uniform(next(ks), (N_SAT, N_CELL)) < 0.1).astype(jnp.float32)
    inp["cell_demands"] = jax.random.uniform(next(ks), (N_CELL,), jnp.float32)
    inp["ei_ss"] = jax.random.randint(next(ks), (2, E_SS), 0, N_SAT)
    inp["sg_src"] = jax.random.randint(next(ks), (E_SG,), 0, N_SAT)
    inp["sg_dst"] = jax.random.randint(next(ks), (E_SG,), 0, N_GW)
    inp["gc_src"] = jax.random.randint(next(ks), (E_GC,), 0, N_GW)
    inp["gc_dst"] = jax.random.randint(next(ks), (E_GC,), 0, N_CELL)
    inp["sc_src"] = jax.random.randint(next(ks), (E_SC,), 0, N_SAT)
    inp["sc_dst"] = jax.random.randint(next(ks), (E_SC,), 0, N_CELL)
    inp["cs_src"] = jax.random.randint(next(ks), (E_SC,), 0, N_CELL)
    inp["cs_dst"] = jax.random.randint(next(ks), (E_SC,), 0, N_SAT)
    p = {}

    def mk_sage(prefix, din_src, din_dst):
        p[prefix + "_Wl"] = _lin(next(ks), din_src, HID)
        p[prefix + "_bl"] = jnp.zeros((HID,), jnp.float32)
        p[prefix + "_Wr"] = _lin(next(ks), din_dst, HID)

    mk_sage("init_ss", D_SAT, D_SAT)
    mk_sage("init_sg", D_SAT, D_GW)
    mk_sage("init_gc", D_GW, D_CELL)
    mk_sage("init_sc", D_SAT, D_CELL)
    mk_sage("init_cs", D_CELL, D_SAT)
    for i in range(ROUNDS):
        mk_sage("r%d_ss" % i, IN_DIM, IN_DIM)
        mk_sage("r%d_sc" % i, IN_DIM, HID)
        mk_sage("r%d_cs" % i, HID, IN_DIM)
    for i in range(ROUNDS + 1):
        p["gw_head_W%d" % i] = _lin(next(ks), HID, N_GW)
        p["gw_head_b%d" % i] = jnp.zeros((N_GW,), jnp.float32)
        p["cell_head_W%d" % i] = _lin(next(ks), HID, N_CELL)
        p["cell_head_b%d" % i] = jnp.zeros((N_CELL,), jnp.float32)
    inp["params"] = p
    return inp


def _sage(x_src, x_dst, src, dst, Wl, bl, Wr, num_dst):
    # PyG SAGEConv: mean-aggregate source feats per dst, lin_l(agg) + bias + lin_r(x_dst)
    msg = jnp.take(x_src, src, axis=0)
    agg = jax.ops.segment_sum(msg, dst, num_segments=num_dst)
    cnt = jax.ops.segment_sum(jnp.ones(src.shape[0], x_src.dtype), dst, num_segments=num_dst)
    mean = agg / jnp.maximum(cnt, 1.0)[:, None]
    return mean @ Wl + bl + x_dst @ Wr


def _forward(x_sat, x_gateway, x_cell, vis, demands, p, ei_ss, sg_src, sg_dst, gc_src, gc_dst, sc_src, sc_dst, cs_src, cs_dst):
    ss_src, ss_dst = ei_ss[0], ei_ss[1]
    sat = jax.nn.relu(
        _sage(x_sat, x_sat, ss_src, ss_dst, p["init_ss_Wl"], p["init_ss_bl"], p["init_ss_Wr"], N_SAT)
        + _sage(x_cell, x_sat, cs_src, cs_dst, p["init_cs_Wl"], p["init_cs_bl"], p["init_cs_Wr"], N_SAT))
    cell = jax.nn.relu(
        _sage(x_gateway, x_cell, gc_src, gc_dst, p["init_gc_Wl"], p["init_gc_bl"], p["init_gc_Wr"], N_CELL)
        + _sage(x_sat, x_cell, sc_src, sc_dst, p["init_sc_Wl"], p["init_sc_bl"], p["init_sc_Wr"], N_CELL))
    _gw = jax.nn.relu(_sage(x_sat, x_gateway, sg_src, sg_dst, p["init_sg_Wl"], p["init_sg_bl"], p["init_sg_Wr"], N_GW))
    gw_logits = []
    cell_logits = []
    sat_demands = []
    gl = sat @ p["gw_head_W0"] + p["gw_head_b0"]
    cl = sat @ p["cell_head_W0"] + p["cell_head_b0"]
    gw_logits.append(gl)
    cell_logits.append(cl)
    sat_demands.append((jax.nn.sigmoid(cl) * vis) @ demands)
    sat_cat = jnp.concatenate([sat, gl, cl], axis=1)
    for i in range(ROUNDS):
        new_sat = jax.nn.relu(
            _sage(sat_cat, sat_cat, ss_src, ss_dst, p["r%d_ss_Wl" % i], p["r%d_ss_bl" % i], p["r%d_ss_Wr" % i], N_SAT)
            + _sage(cell, sat_cat, cs_src, cs_dst, p["r%d_cs_Wl" % i], p["r%d_cs_bl" % i], p["r%d_cs_Wr" % i], N_SAT))
        new_cell = jax.nn.relu(
            _sage(sat_cat, cell, sc_src, sc_dst, p["r%d_sc_Wl" % i], p["r%d_sc_bl" % i], p["r%d_sc_Wr" % i], N_CELL))
        sat, cell = new_sat, new_cell
        gl = sat @ p["gw_head_W%d" % (i + 1)] + p["gw_head_b%d" % (i + 1)]
        cl = sat @ p["cell_head_W%d" % (i + 1)] + p["cell_head_b%d" % (i + 1)]
        gw_logits.append(gl)
        cell_logits.append(cl)
        sat_demands.append((jax.nn.sigmoid(cl) * vis) @ demands)
        sat_cat = jnp.concatenate([sat, gl, cl], axis=1)
    return (jnp.stack(gw_logits), jnp.stack(cell_logits), jnp.stack(sat_demands))


def reference(x_sat, x_gateway, x_cell, cell_visibility_matrix, cell_demands, ei_ss, sg_src, sg_dst, gc_src, gc_dst, sc_src, sc_dst, cs_src, cs_dst, params):
    return _forward(x_sat, x_gateway, x_cell, cell_visibility_matrix, cell_demands, params, ei_ss, sg_src, sg_dst, gc_src, gc_dst, sc_src, sc_dst, cs_src, cs_dst)

if __name__ == "__main__":
    import jax
    _d = setup_inputs()
    print(jax.jit(kernel)(*tuple(_d.values())))

</pallas_src>

<mosaic_0001>
#map = affine_map<(d0, d1) -> (0, 0)>
#map1 = affine_map<(d0, d1) -> (0, 0, 0, 0)>
#map2 = affine_map<(d0, d1) -> (0, 0, 0)>
module attributes {stable_mosaic.version = 14 : i64} {
  func.func @_round_agg(%arg0: i32, %arg1: i32, %arg2: memref<10000x128xf32, #tpu.memory_space<hbm>>, %arg3: memref<256x128xf32, #tpu.memory_space<hbm>>, %arg4: memref<16x2x40x128xi32, #tpu.memory_space<hbm>>, %arg5: memref<16x2x40x128xi32, #tpu.memory_space<hbm>>, %arg6: memref<16x40x128xi32, #tpu.memory_space<hbm>>, %arg7: memref<16x40x128xi32, #tpu.memory_space<hbm>>, %arg8: memref<16x40x128xi32, #tpu.memory_space<hbm>>, %arg9: memref<16x40x128xi32, #tpu.memory_space<hbm>>, %arg10: memref<632x128xf32, #tpu.memory_space<hbm>>, %arg11: memref<10112x128xf32, #tpu.memory_space<hbm>>, %arg12: memref<10112x128xf32, #tpu.memory_space<hbm>>, %arg13: memref<384x128xf32, #tpu.memory_space<hbm>>, %arg14: memref<40x128xi32, #tpu.memory_space<vmem>>, %arg15: memref<40x128xi32, #tpu.memory_space<vmem>>, %arg16: memref<2x128x128xf32, #tpu.memory_space<vmem>>, %arg17: memref<10112x128xf32, #tpu.memory_space<vmem_shared>>, %arg18: memref<384x128xf32, #tpu.memory_space<vmem_shared>>, %arg19: memref<!tpu.dma_semaphore, #tpu.memory_space<semaphore_mem>>, %arg20: memref<!tpu.dma_semaphore, #tpu.memory_space<semaphore_mem>>) attributes {dimension_semantics = [#tpu.dimension_semantics<core_parallel>, #tpu.dimension_semantics<subcore_parallel>], iteration_bounds = array<i64: 2, 16>, scalar_prefetch = 0 : i64, scratch_operands = 7 : i64, tpu.core_type = #tpu.core_type<sc_vector_subcore>, window_params = [{transform_indices = #map}, {transform_indices = #map}, {transform_indices = #map1}, {transform_indices = #map1}, {transform_indices = #map2}, {transform_indices = #map2}, {transform_indices = #map2}, {transform_indices = #map2}, {transform_indices = #map}, {transform_indices = #map}, {transform_indices = #map}, {transform_indices = #map}]} {
    %mul3A = arith.constant 632 : i32
    %mul3A_0 = arith.muli %arg1, %mul3A : i32
    %mul3A_1 = arith.constant 24 : i32
    %mul3A_2 = arith.muli %arg1, %mul3A_1 : i32
    "tpu.region"() ({
      %run_scoped3A = tpu.sem_alloc : memref<!tpu.dma_semaphore, #tpu.memory_space<semaphore_mem>>
      %dma_start3A = arith.constant 0 : i32
      %dma_start3A_26 = tpu.memref_slice %arg17[%mul3A_0, %dma_start3A] : memref<10112x128xf32, #tpu.memory_space<vmem_shared>> -> memref<632x128xf32, #tpu.memory_space<vmem_shared>>
      tpu.enqueue_dma source(%arg10 : memref<632x128xf32, #tpu.memory_space<hbm>>) target(%dma_start3A_26 : memref<632x128xf32, #tpu.memory_space<vmem_shared>>) target_semaphore(%run_scoped3A : memref<!tpu.dma_semaphore, #tpu.memory_space<semaphore_mem>>)
      %dma_wait3A = arith.constant 0 : i32
      %dma_wait3A_27 = tpu.memref_slice %arg17[%mul3A_0, %dma_wait3A] : memref<10112x128xf32, #tpu.memory_space<vmem_shared>> -> memref<632x128xf32, #tpu.memory_space<vmem_shared>>
      tpu.wait_dma2 semaphore(%run_scoped3A : memref<!tpu.dma_semaphore, #tpu.memory_space<semaphore_mem>>) src(%arg10 : memref<632x128xf32, #tpu.memory_space<hbm>>) dst(%dma_wait3A_27 : memref<632x128xf32, #tpu.memory_space<vmem_shared>>)
      tpu.yield
    }) : () -> ()
    %eq3A = arith.constant 1 : i32
    %eq3A_3 = arith.cmpi eq, %arg0, %eq3A : i32
    %convert_element_type3A = arith.extui %eq3A_3 : i1 to i32
    %cond3A = arith.constant 0 : i32
    %cond3A_4 = arith.cmpi ne, %convert_element_type3A, %cond3A : i32
    scf.if %cond3A_4 {
      "tpu.region"() ({
        %run_scoped3A = tpu.sem_alloc : memref<!tpu.dma_semaphore, #tpu.memory_space<semaphore_mem>>
        %dma_start3A = arith.constant 0 : i32
        %dma_start3A_26 = tpu.memref_slice %arg18[%mul3A_2, %dma_start3A] : memref<384x128xf32, #tpu.memory_space<vmem_shared>> -> memref<24x128xf32, #tpu.memory_space<vmem_shared>>
        %dma_start3A_27 = arith.constant 0 : i32
        %dma_start3A_28 = arith.constant 0 : i32
        %dma_start3A_29 = tpu.memref_slice %arg10[%dma_start3A_27, %dma_start3A_28] : memref<632x128xf32, #tpu.memory_space<hbm>> -> memref<24x128xf32, #tpu.memory_space<hbm>>
        tpu.enqueue_dma source(%dma_start3A_29 : memref<24x128xf32, #tpu.memory_space<hbm>>) target(%dma_start3A_26 : memref<24x128xf32, #tpu.memory_space<vmem_shared>>) target_semaphore(%run_scoped3A : memref<!tpu.dma_semaphore, #tpu.memory_space<semaphore_mem>>)
        %dma_wait3A = arith.constant 0 : i32
        %dma_wait3A_30 = tpu.memref_slice %arg18[%mul3A_2, %dma_wait3A] : memref<384x128xf32, #tpu.memory_space<vmem_shared>> -> memref<24x128xf32, #tpu.memory_space<vmem_shared>>
        %dma_wait3A_31 = arith.constant 0 : i32
        %dma_wait3A_32 = arith.constant 0 : i32
        %dma_wait3A_33 = tpu.memref_slice %arg10[%dma_wait3A_31, %dma_wait3A_32] : memref<632x128xf32, #tpu.memory_space<hbm>> -> memref<24x128xf32, #tpu.memory_space<hbm>>
        tpu.wait_dma2 semaphore(%run_scoped3A : memref<!tpu.dma_semaphore, #tpu.memory_space<semaphore_mem>>) src(%dma_wait3A_33 : memref<24x128xf32, #tpu.memory_space<hbm>>) dst(%dma_wait3A_30 : memref<24x128xf32, #tpu.memory_space<vmem_shared>>)
        tpu.yield
      }) : () -> ()
    } else {
    }
    %barrier3A = arith.constant 0 : index
    tpu.barrier barrier_id(%barrier3A)
    %eq3A_5 = arith.constant 0 : i32
    %eq3A_6 = arith.cmpi eq, %arg0, %eq3A_5 : i32
    %convert_element_type3A_7 = arith.extui %eq3A_6 : i1 to i32
    %cond3A_8 = arith.constant 0 : i32
    %cond3A_9 = arith.cmpi ne, %convert_element_type3A_7, %cond3A_8 : i32
    scf.if %cond3A_9 {
      %run_scoped3A = arith.constant 0 : i32
      "tpu.region"() ({
        %run_scoped3A_86 = tpu.sem_alloc : memref<!tpu.dma_semaphore, #tpu.memory_space<semaphore_mem>>
        %dma_start3A_87 = arith.constant 0 : i32
        %dma_start3A_88 = arith.constant 0 : i32
        %dma_start3A_89 = tpu.memref_slice %arg4[%arg1, %run_scoped3A, %dma_start3A_87, %dma_start3A_88] : memref<16x2x40x128xi32, #tpu.memory_space<hbm>> -> memref<1x1x40x128xi32, #tpu.memory_space<hbm>>
        %dma_start3A_90 = tpu.memref_squeeze %dma_start3A_89 : memref<1x1x40x128xi32, #tpu.memory_space<hbm>> -> memref<40x128xi32, #tpu.memory_space<hbm>>
        %dma_start3A_91 = arith.constant 0 : i32
        %dma_start3A_92 = arith.constant 0 : i32
        %dma_start3A_93 = tpu.memref_slice %arg4[%arg1, %run_scoped3A, %dma_start3A_91, %dma_start3A_92] : memref<16x2x40x128xi32, #tpu.memory_space<hbm>> -> memref<1x1x40x128xi32, #tpu.memory_space<hbm>>
        %dma_start3A_94 = tpu.memref_squeeze %dma_start3A_93 : memref<1x1x40x128xi32, #tpu.memory_space<hbm>> -> memref<40x128xi32, #tpu.memory_space<hbm>>
        tpu.enqueue_dma source(%dma_start3A_94 : memref<40x128xi32, #tpu.memory_space<hbm>>) target(%arg14 : memref<40x128xi32, #tpu.memory_space<vmem>>) target_semaphore(%run_scoped3A_86 : memref<!tpu.dma_semaphore, #tpu.memory_space<semaphore_mem>>)
        %dma_wait3A_95 = arith.constant 0 : i32
        %dma_wait3A_96 = arith.constant 0 : i32
        %dma_wait3A_97 = tpu.memref_slice %arg4[%arg1, %run_scoped3A, %dma_wait3A_95, %dma_wait3A_96] : memref<16x2x40x128xi32, #tpu.memory_space<hbm>> -> memref<1x1x40x128xi32, #tpu.memory_space<hbm>>
        %dma_wait3A_98 = tpu.memref_squeeze %dma_wait3A_97 : memref<1x1x40x128xi32, #tpu.memory_space<hbm>> -> memref<40x128xi32, #tpu.memory_space<hbm>>
        %dma_wait3A_99 = arith.constant 0 : i32
        %dma_wait3A_100 = arith.constant 0 : i32
        %dma_wait3A_101 = tpu.memref_slice %arg4[%arg1, %run_scoped3A, %dma_wait3A_99, %dma_wait3A_100] : memref<16x2x40x128xi32, #tpu.memory_space<hbm>> -> memref<1x1x40x128xi32, #tpu.memory_space<hbm>>
        %dma_wait3A_102 = tpu.memref_squeeze %dma_wait3A_101 : memref<1x1x40x128xi32, #tpu.memory_space<hbm>> -> memref<40x128xi32, #tpu.memory_space<hbm>>
        tpu.wait_dma2 semaphore(%run_scoped3A_86 : memref<!tpu.dma_semaphore, #tpu.memory_space<semaphore_mem>>) src(%dma_wait3A_102 : memref<40x128xi32, #tpu.memory_space<hbm>>) dst(%arg14 : memref<40x128xi32, #tpu.memory_space<vmem>>)
        tpu.yield
      }) : () -> ()
      %run_scoped3A_26 = arith.constant 0 : i32
      "tpu.region"() ({
        %run_scoped3A_86 = tpu.sem_alloc : memref<!tpu.dma_semaphore, #tpu.memory_space<semaphore_mem>>
        %dma_start3A_87 = arith.constant 0 : i32
        %dma_start3A_88 = arith.constant 0 : i32
        %dma_start3A_89 = tpu.memref_slice %arg5[%arg1, %run_scoped3A_26, %dma_start3A_87, %dma_start3A_88] : memref<16x2x40x128xi32, #tpu.memory_space<hbm>> -> memref<1x1x40x128xi32, #tpu.memory_space<hbm>>
        %dma_start3A_90 = tpu.memref_squeeze %dma_start3A_89 : memref<1x1x40x128xi32, #tpu.memory_space<hbm>> -> memref<40x128xi32, #tpu.memory_space<hbm>>
        %dma_start3A_91 = arith.constant 0 : i32
        %dma_start3A_92 = arith.constant 0 : i32
        %dma_start3A_93 = tpu.memref_slice %arg5[%arg1, %run_scoped3A_26, %dma_start3A_91, %dma_start3A_92] : memref<16x2x40x128xi32, #tpu.memory_space<hbm>> -> memref<1x1x40x128xi32, #tpu.memory_space<hbm>>
        %dma_start3A_94 = tpu.memref_squeeze %dma_start3A_93 : memref<1x1x40x128xi32, #tpu.memory_space<hbm>> -> memref<40x128xi32, #tpu.memory_space<hbm>>
        tpu.enqueue_dma source(%dma_start3A_94 : memref<40x128xi32, #tpu.memory_space<hbm>>) target(%arg15 : memref<40x128xi32, #tpu.memory_space<vmem>>) target_semaphore(%run_scoped3A_86 : memref<!tpu.dma_semaphore, #tpu.memory_space<semaphore_mem>>)
        %dma_wait3A_95 = arith.constant 0 : i32
        %dma_wait3A_96 = arith.constant 0 : i32
        %dma_wait3A_97 = tpu.memref_slice %arg5[%arg1, %run_scoped3A_26, %dma_wait3A_95, %dma_wait3A_96] : memref<16x2x40x128xi32, #tpu.memory_space<hbm>> -> memref<1x1x40x128xi32, #tpu.memory_space<hbm>>
        %dma_wait3A_98 = tpu.memref_squeeze %dma_wait3A_97 : memref<1x1x40x128xi32, #tpu.memory_space<hbm>> -> memref<40x128xi32, #tpu.memory_space<hbm>>
        %dma_wait3A_99 = arith.constant 0 : i32
        %dma_wait3A_100 = arith.constant 0 : i32
        %dma_wait3A_101 = tpu.memref_slice %arg5[%arg1, %run_scoped3A_26, %dma_wait3A_99, %dma_wait3A_100] : memref<16x2x40x128xi32, #tpu.memory_space<hbm>> -> memref<1x1x40x128xi32, #tpu.memory_space<hbm>>
        %dma_wait3A_102 = tpu.memref_squeeze %dma_wait3A_101 : memref<1x1x40x128xi32, #tpu.memory_space<hbm>> -> memref<40x128xi32, #tpu.memory_space<hbm>>
        tpu.wait_dma2 semaphore(%run_scoped3A_86 : memref<!tpu.dma_semaphore, #tpu.memory_space<semaphore_mem>>) src(%dma_wait3A_102 : memref<40x128xi32, #tpu.memory_space<hbm>>) dst(%arg15 : memref<40x128xi32, #tpu.memory_space<vmem>>)
        tpu.yield
      }) : () -> ()
      %dma_start3A = arith.constant 0 : i32
      %dma_start3A_27 = arith.constant 0 : i32
      %dma_start3A_28 = arith.constant 0 : i32
      %dma_start3A_29 = arith.constant 0 : i32
      %dma_start3A_30 = tpu.memref_slice %arg16[%dma_start3A_27, %dma_start3A_28, %dma_start3A_29] : memref<2x128x128xf32, #tpu.memory_space<vmem>> -> memref<1x128x128xf32, #tpu.memory_space<vmem>>
      %dma_start3A_31 = tpu.memref_squeeze %dma_start3A_30 : memref<1x128x128xf32, #tpu.memory_space<vmem>> -> memref<128x128xf32, #tpu.memory_space<vmem>>
      %dma_start3A_32 = arith.constant 0 : i32
      %dma_start3A_33 = tpu.memref_slice %arg14[%dma_start3A, %dma_start3A_32] : memref<40x128xi32, #tpu.memory_space<vmem>> -> memref<1x128xi32, #tpu.memory_space<vmem>>
      %dma_start3A_34 = tpu.memref_squeeze %dma_start3A_33 : memref<1x128xi32, #tpu.memory_space<vmem>> -> memref<128xi32, #tpu.memory_space<vmem>>
      %dma_start3A_35 = arith.constant 0 : i32
      %dma_start3A_36 = arith.constant 0 : i32
      %dma_start3A_37 = tpu.memref_slice %arg2[%dma_start3A_35, %dma_start3A_36] : memref<10000x128xf32, #tpu.memory_space<hbm>> -> memref<10000x128xf32, #tpu.memory_space<hbm>>
      tpu.enqueue_indirect_dma source(%dma_start3A_37 : memref<10000x128xf32, #tpu.memory_space<hbm>>) target(%dma_start3A_31 : memref<128x128xf32, #tpu.memory_space<vmem>>) offsets(%dma_start3A_34 : memref<128xi32, #tpu.memory_space<vmem>>) semaphore(%arg19 : memref<!tpu.dma_semaphore, #tpu.memory_space<semaphore_mem>>)
      %scan3A = arith.constant 0 : i32
      %scan3A_38 = arith.constant 0 : i32
      %scan3A_39 = arith.constant 40 : i32
      %scan3A_40 = arith.addi %scan3A_38, %scan3A_39 : i32
      %scan3A_41 = arith.constant 1 : i32
      scf.for %scan3A_86 = %scan3A_38 to %scan3A_40 step %scan3A_41  : i32 {
        %rem3A = arith.constant 2 : i32
        %rem3A_87 = arith.remsi %scan3A_86, %rem3A : i32
        %add3A = arith.constant 1 : i32
        %add3A_88 = arith.addi %scan3A_86, %add3A : i32
        %rem3A_89 = arith.constant 2 : i32
        %rem3A_90 = arith.remsi %add3A_88, %rem3A_89 : i32
        %add3A_91 = arith.constant 0 : i32
        %add3A_92 = arith.addi %add3A_91, %scan3A_86 : i32
        %dma_wait3A_93 = arith.constant 0 : i32
        %dma_wait3A_94 = arith.constant 0 : i32
        %dma_wait3A_95 = tpu.memref_slice %arg16[%rem3A_87, %dma_wait3A_93, %dma_wait3A_94] : memref<2x128x128xf32, #tpu.memory_space<vmem>> -> memref<1x128x128xf32, #tpu.memory_space<vmem>>
        %dma_wait3A_96 = tpu.memref_squeeze %dma_wait3A_95 : memref<1x128x128xf32, #tpu.memory_space<vmem>> -> memref<128x128xf32, #tpu.memory_space<vmem>>
        %dma_wait3A_97 = arith.constant 0 : i32
        %dma_wait3A_98 = tpu.memref_slice %arg14[%add3A_92, %dma_wait3A_97] : memref<40x128xi32, #tpu.memory_space<vmem>> -> memref<1x128xi32, #tpu.memory_space<vmem>>
        %dma_wait3A_99 = tpu.memref_squeeze %dma_wait3A_98 : memref<1x128xi32, #tpu.memory_space<vmem>> -> memref<128xi32, #tpu.memory_space<vmem>>
        %dma_wait3A_100 = arith.constant 0 : i32
        %dma_wait3A_101 = arith.constant 0 : i32
        %dma_wait3A_102 = tpu.memref_slice %arg2[%dma_wait3A_100, %dma_wait3A_101] : memref<10000x128xf32, #tpu.memory_space<hbm>> -> memref<10000x128xf32, #tpu.memory_space<hbm>>
        tpu.wait_indirect_dma semaphore(%arg19 : memref<!tpu.dma_semaphore, #tpu.memory_space<semaphore_mem>>) src(%dma_wait3A_102 : memref<10000x128xf32, #tpu.memory_space<hbm>>) dst(%dma_wait3A_96 : memref<128x128xf32, #tpu.memory_space<vmem>>)
        %gt3A = arith.constant 0 : i32
        %gt3A_103 = arith.cmpi sgt, %scan3A_86, %gt3A : i32
        %convert_element_type3A_104 = arith.extui %gt3A_103 : i1 to i32
        %cond3A_105 = arith.constant 0 : i32
        %cond3A_106 = arith.cmpi ne, %convert_element_type3A_104, %cond3A_105 : i32
        scf.if %cond3A_106 {
          %add3A_123 = arith.constant 0 : i32
          %add3A_124 = arith.addi %add3A_123, %scan3A_86 : i32
          %sub3A = arith.constant 1 : i32
          %sub3A_125 = arith.subi %add3A_124, %sub3A : i32
          %dma_wait3A_126 = arith.constant 0 : i32
          %dma_wait3A_127 = arith.constant 0 : i32
          %dma_wait3A_128 = tpu.memref_slice %arg16[%rem3A_90, %dma_wait3A_126, %dma_wait3A_127] : memref<2x128x128xf32, #tpu.memory_space<vmem>> -> memref<1x128x128xf32, #tpu.memory_space<vmem>>
          %dma_wait3A_129 = tpu.memref_squeeze %dma_wait3A_128 : memref<1x128x128xf32, #tpu.memory_space<vmem>> -> memref<128x128xf32, #tpu.memory_space<vmem>>
          %dma_wait3A_130 = arith.constant 0 : i32
          %dma_wait3A_131 = tpu.memref_slice %arg15[%sub3A_125, %dma_wait3A_130] : memref<40x128xi32, #tpu.memory_space<vmem>> -> memref<1x128xi32, #tpu.memory_space<vmem>>
          %dma_wait3A_132 = tpu.memref_squeeze %dma_wait3A_131 : memref<1x128xi32, #tpu.memory_space<vmem>> -> memref<128xi32, #tpu.memory_space<vmem>>
          %dma_wait3A_133 = arith.constant 0 : i32
          %dma_wait3A_134 = arith.constant 0 : i32
          %dma_wait3A_135 = tpu.memref_slice %arg17[%dma_wait3A_133, %dma_wait3A_134] : memref<10112x128xf32, #tpu.memory_space<vmem_shared>> -> memref<10112x128xf32, #tpu.memory_space<vmem_shared>>
          tpu.wait_indirect_dma semaphore(%arg20 : memref<!tpu.dma_semaphore, #tpu.memory_space<semaphore_mem>>) src(%dma_wait3A_129 : memref<128x128xf32, #tpu.memory_space<vmem>>) dst(%dma_wait3A_135 : memref<10112x128xf32, #tpu.memory_space<vmem_shared>>)
        } else {
        }
        %lt3A = arith.constant 39 : i32
        %lt3A_107 = arith.cmpi slt, %scan3A_86, %lt3A : i32
        %convert_element_type3A_108 = arith.extui %lt3A_107 : i1 to i32
        %cond3A_109 = arith.constant 0 : i32
        %cond3A_110 = arith.cmpi ne, %convert_element_type3A_108, %cond3A_109 : i32
        scf.if %cond3A_110 {
          %add3A_123 = arith.constant 0 : i32
          %add3A_124 = arith.addi %add3A_123, %scan3A_86 : i32
          %add3A_125 = arith.constant 1 : i32
          %add3A_126 = arith.addi %add3A_124, %add3A_125 : i32
          %dma_start3A_127 = arith.constant 0 : i32
          %dma_start3A_128 = arith.constant 0 : i32
          %dma_start3A_129 = tpu.memref_slice %arg16[%rem3A_90, %dma_start3A_127, %dma_start3A_128] : memref<2x128x128xf32, #tpu.memory_space<vmem>> -> memref<1x128x128xf32, #tpu.memory_space<vmem>>
          %dma_start3A_130 = tpu.memref_squeeze %dma_start3A_129 : memref<1x128x128xf32, #tpu.memory_space<vmem>> -> memref<128x128xf32, #tpu.memory_space<vmem>>
          %dma_start3A_131 = arith.constant 0 : i32
          %dma_start3A_132 = tpu.memref_slice %arg14[%add3A_126, %dma_start3A_131] : memref<40x128xi32, #tpu.memory_space<vmem>> -> memref<1x128xi32, #tpu.memory_space<vmem>>
          %dma_start3A_133 = tpu.memref_squeeze %dma_start3A_132 : memref<1x128xi32, #tpu.memory_space<vmem>> -> memref<128xi32, #tpu.memory_space<vmem>>
          %dma_start3A_134 = arith.constant 0 : i32
          %dma_start3A_135 = arith.constant 0 : i32
          %dma_start3A_136 = tpu.memref_slice %arg2[%dma_start3A_134, %dma_start3A_135] : memref<10000x128xf32, #tpu.memory_space<hbm>> -> memref<10000x128xf32, #tpu.memory_space<hbm>>
          tpu.enqueue_indirect_dma source(%dma_start3A_136 : memref<10000x128xf32, #tpu.memory_space<hbm>>) target(%dma_start3A_130 : memref<128x128xf32, #tpu.memory_space<vmem>>) offsets(%dma_start3A_133 : memref<128xi32, #tpu.memory_space<vmem>>) semaphore(%arg19 : memref<!tpu.dma_semaphore, #tpu.memory_space<semaphore_mem>>)
        } else {
        }
        %add3A_111 = arith.constant 0 : i32
        %add3A_112 = arith.addi %add3A_111, %scan3A_86 : i32
        %dma_start3A_113 = arith.constant 0 : i32
        %dma_start3A_114 = arith.constant 0 : i32
        %dma_start3A_115 = tpu.memref_slice %arg16[%rem3A_87, %dma_start3A_113, %dma_start3A_114] : memref<2x128x128xf32, #tpu.memory_space<vmem>> -> memref<1x128x128xf32, #tpu.memory_space<vmem>>
        %dma_start3A_116 = tpu.memref_squeeze %dma_start3A_115 : memref<1x128x128xf32, #tpu.memory_space<vmem>> -> memref<128x128xf32, #tpu.memory_space<vmem>>
        %dma_start3A_117 = arith.constant 0 : i32
        %dma_start3A_118 = tpu.memref_slice %arg15[%add3A_112, %dma_start3A_117] : memref<40x128xi32, #tpu.memory_space<vmem>> -> memref<1x128xi32, #tpu.memory_space<vmem>>
        %dma_start3A_119 = tpu.memref_squeeze %dma_start3A_118 : memref<1x128xi32, #tpu.memory_space<vmem>> -> memref<128xi32, #tpu.memory_space<vmem>>
        %dma_start3A_120 = arith.constant 0 : i32
        %dma_start3A_121 = arith.constant 0 : i32
        %dma_start3A_122 = tpu.memref_slice %arg17[%dma_start3A_120, %dma_start3A_121] : memref<10112x128xf32, #tpu.memory_space<vmem_shared>> -> memref<10112x128xf32, #tpu.memory_space<vmem_shared>>
        tpu.enqueue_indirect_dma source(%dma_start3A_116 : memref<128x128xf32, #tpu.memory_space<vmem>>) target(%dma_start3A_122 : memref<10112x128xf32, #tpu.memory_space<vmem_shared>>) offsets(%dma_start3A_119 : memref<128xi32, #tpu.memory_space<vmem>>) semaphore(%arg20 : memref<!tpu.dma_semaphore, #tpu.memory_space<semaphore_mem>>) {add = true}
      }
      %scan3A_42 = arith.constant 40 : i32
      %dma_wait3A = arith.constant 1 : i32
      %dma_wait3A_43 = arith.constant 39 : i32
      %dma_wait3A_44 = arith.constant 0 : i32
      %dma_wait3A_45 = arith.constant 0 : i32
      %dma_wait3A_46 = tpu.memref_slice %arg16[%dma_wait3A, %dma_wait3A_44, %dma_wait3A_45] : memref<2x128x128xf32, #tpu.memory_space<vmem>> -> memref<1x128x128xf32, #tpu.memory_space<vmem>>
      %dma_wait3A_47 = tpu.memref_squeeze %dma_wait3A_46 : memref<1x128x128xf32, #tpu.memory_space<vmem>> -> memref<128x128xf32, #tpu.memory_space<vmem>>
      %dma_wait3A_48 = arith.constant 0 : i32
      %dma_wait3A_49 = tpu.memref_slice %arg15[%dma_wait3A_43, %dma_wait3A_48] : memref<40x128xi32, #tpu.memory_space<vmem>> -> memref<1x128xi32, #tpu.memory_space<vmem>>
      %dma_wait3A_50 = tpu.memref_squeeze %dma_wait3A_49 : memref<1x128xi32, #tpu.memory_space<vmem>> -> memref<128xi32, #tpu.memory_space<vmem>>
      %dma_wait3A_51 = arith.constant 0 : i32
      %dma_wait3A_52 = arith.constant 0 : i32
      %dma_wait3A_53 = tpu.memref_slice %arg17[%dma_wait3A_51, %dma_wait3A_52] : memref<10112x128xf32, #tpu.memory_space<vmem_shared>> -> memref<10112x128xf32, #tpu.memory_space<vmem_shared>>
      tpu.wait_indirect_dma semaphore(%arg20 : memref<!tpu.dma_semaphore, #tpu.memory_space<semaphore_mem>>) src(%dma_wait3A_47 : memref<128x128xf32, #tpu.memory_space<vmem>>) dst(%dma_wait3A_53 : memref<10112x128xf32, #tpu.memory_space<vmem_shared>>)
      %run_scoped3A_54 = arith.constant 1 : i32
      "tpu.region"() ({
        %run_scoped3A_86 = tpu.sem_alloc : memref<!tpu.dma_semaphore, #tpu.memory_space<semaphore_mem>>
        %dma_start3A_87 = arith.constant 0 : i32
        %dma_start3A_88 = arith.constant 0 : i32
        %dma_start3A_89 = tpu.memref_slice %arg4[%arg1, %run_scoped3A_54, %dma_start3A_87, %dma_start3A_88] : memref<16x2x40x128xi32, #tpu.memory_space<hbm>> -> memref<1x1x40x128xi32, #tpu.memory_space<hbm>>
        %dma_start3A_90 = tpu.memref_squeeze %dma_start3A_89 : memref<1x1x40x128xi32, #tpu.memory_space<hbm>> -> memref<40x128xi32, #tpu.memory_space<hbm>>
        %dma_start3A_91 = arith.constant 0 : i32
        %dma_start3A_92 = arith.constant 0 : i32
        %dma_start3A_93 = tpu.memref_slice %arg4[%arg1, %run_scoped3A_54, %dma_start3A_91, %dma_start3A_92] : memref<16x2x40x128xi32, #tpu.memory_space<hbm>> -> memref<1x1x40x128xi32, #tpu.memory_space<hbm>>
        %dma_start3A_94 = tpu.memref_squeeze %dma_start3A_93 : memref<1x1x40x128xi32, #tpu.memory_space<hbm>> -> memref<40x128xi32, #tpu.memory_space<hbm>>
        tpu.enqueue_dma source(%dma_start3A_94 : memref<40x128xi32, #tpu.memory_space<hbm>>) target(%arg14 : memref<40x128xi32, #tpu.memory_space<vmem>>) target_semaphore(%run_scoped3A_86 : memref<!tpu.dma_semaphore, #tpu.memory_space<semaphore_mem>>)
        %dma_wait3A_95 = arith.constant 0 : i32
        %dma_wait3A_96 = arith.constant 0 : i32
        %dma_wait3A_97 = tpu.memref_slice %arg4[%arg1, %run_scoped3A_54, %dma_wait3A_95, %dma_wait3A_96] : memref<16x2x40x128xi32, #tpu.memory_space<hbm>> -> memref<1x1x40x128xi32, #tpu.memory_space<hbm>>
        %dma_wait3A_98 = tpu.memref_squeeze %dma_wait3A_97 : memref<1x1x40x128xi32, #tpu.memory_space<hbm>> -> memref<40x128xi32, #tpu.memory_space<hbm>>
        %dma_wait3A_99 = arith.constant 0 : i32
        %dma_wait3A_100 = arith.constant 0 : i32
        %dma_wait3A_101 = tpu.memref_slice %arg4[%arg1, %run_scoped3A_54, %dma_wait3A_99, %dma_wait3A_100] : memref<16x2x40x128xi32, #tpu.memory_space<hbm>> -> memref<1x1x40x128xi32, #tpu.memory_space<hbm>>
        %dma_wait3A_102 = tpu.memref_squeeze %dma_wait3A_101 : memref<1x1x40x128xi32, #tpu.memory_space<hbm>> -> memref<40x128xi32, #tpu.memory_space<hbm>>
        tpu.wait_dma2 semaphore(%run_scoped3A_86 : memref<!tpu.dma_semaphore, #tpu.memory_space<semaphore_mem>>) src(%dma_wait3A_102 : memref<40x128xi32, #tpu.memory_space<hbm>>) dst(%arg14 : memref<40x128xi32, #tpu.memory_space<vmem>>)
        tpu.yield
      }) : () -> ()
      %run_scoped3A_55 = arith.constant 1 : i32
      "tpu.region"() ({
        %run_scoped3A_86 = tpu.sem_alloc : memref<!tpu.dma_semaphore, #tpu.memory_space<semaphore_mem>>
        %dma_start3A_87 = arith.constant 0 : i32
        %dma_start3A_88 = arith.constant 0 : i32
        %dma_start3A_89 = tpu.memref_slice %arg5[%arg1, %run_scoped3A_55, %dma_start3A_87, %dma_start3A_88] : memref<16x2x40x128xi32, #tpu.memory_space<hbm>> -> memref<1x1x40x128xi32, #tpu.memory_space<hbm>>
        %dma_start3A_90 = tpu.memref_squeeze %dma_start3A_89 : memref<1x1x40x128xi32, #tpu.memory_space<hbm>> -> memref<40x128xi32, #tpu.memory_space<hbm>>
        %dma_start3A_91 = arith.constant 0 : i32
        %dma_start3A_92 = arith.constant 0 : i32
        %dma_start3A_93 = tpu.memref_slice %arg5[%arg1, %run_scoped3A_55, %dma_start3A_91, %dma_start3A_92] : memref<16x2x40x128xi32, #tpu.memory_space<hbm>> -> memref<1x1x40x128xi32, #tpu.memory_space<hbm>>
        %dma_start3A_94 = tpu.memref_squeeze %dma_start3A_93 : memref<1x1x40x128xi32, #tpu.memory_space<hbm>> -> memref<40x128xi32, #tpu.memory_space<hbm>>
        tpu.enqueue_dma source(%dma_start3A_94 : memref<40x128xi32, #tpu.memory_space<hbm>>) target(%arg15 : memref<40x128xi32, #tpu.memory_space<vmem>>) target_semaphore(%run_scoped3A_86 : memref<!tpu.dma_semaphore, #tpu.memory_space<semaphore_mem>>)
        %dma_wait3A_95 = arith.constant 0 : i32
        %dma_wait3A_96 = arith.constant 0 : i32
        %dma_wait3A_97 = tpu.memref_slice %arg5[%arg1, %run_scoped3A_55, %dma_wait3A_95, %dma_wait3A_96] : memref<16x2x40x128xi32, #tpu.memory_space<hbm>> -> memref<1x1x40x128xi32, #tpu.memory_space<hbm>>
        %dma_wait3A_98 = tpu.memref_squeeze %dma_wait3A_97 : memref<1x1x40x128xi32, #tpu.memory_space<hbm>> -> memref<40x128xi32, #tpu.memory_space<hbm>>
        %dma_wait3A_99 = arith.constant 0 : i32
        %dma_wait3A_100 = arith.constant 0 : i32
        %dma_wait3A_101 = tpu.memref_slice %arg5[%arg1, %run_scoped3A_55, %dma_wait3A_99, %dma_wait3A_100] : memref<16x2x40x128xi32, #tpu.memory_space<hbm>> -> memref<1x1x40x128xi32, #tpu.memory_space<hbm>>
        %dma_wait3A_102 = tpu.memref_squeeze %dma_wait3A_101 : memref<1x1x40x128xi32, #tpu.memory_space<hbm>> -> memref<40x128xi32, #tpu.memory_space<hbm>>
        tpu.wait_dma2 semaphore(%run_scoped3A_86 : memref<!tpu.dma_semaphore, #tpu.memory_space<semaphore_mem>>) src(%dma_wait3A_102 : memref<40x128xi32, #tpu.memory_space<hbm>>) dst(%arg15 : memref<40x128xi32, #tpu.memory_space<vmem>>)
        tpu.yield
      }) : () -> ()
      %dma_start3A_56 = arith.constant 0 : i32
      %dma_start3A_57 = arith.constant 0 : i32
      %dma_start3A_58 = arith.constant 0 : i32
      %dma_start3A_59 = arith.constant 0 : i32
      %dma_start3A_60 = tpu.memref_slice %arg16[%dma_start3A_57, %dma_start3A_58, %dma_start3A_59] : memref<2x128x128xf32, #tpu.memory_space<vmem>> -> memref<1x128x128xf32, #tpu.memory_space<vmem>>
      %dma_start3A_61 = tpu.memref_squeeze %dma_start3A_60 : memref<1x128x128xf32, #tpu.memory_space<vmem>> -> memref<128x128xf32, #tpu.memory_space<vmem>>
      %dma_start3A_62 = arith.constant 0 : i32
      %dma_start3A_63 = tpu.memref_slice %arg14[%dma_start3A_56, %dma_start3A_62] : memref<40x128xi32, #tpu.memory_space<vmem>> -> memref<1x128xi32, #tpu.memory_space<vmem>>
      %dma_start3A_64 = tpu.memref_squeeze %dma_start3A_63 : memref<1x128xi32, #tpu.memory_space<vmem>> -> memref<128xi32, #tpu.memory_space<vmem>>
      %dma_start3A_65 = arith.constant 0 : i32
      %dma_start3A_66 = arith.constant 0 : i32
      %dma_start3A_67 = tpu.memref_slice %arg2[%dma_start3A_65, %dma_start3A_66] : memref<10000x128xf32, #tpu.memory_space<hbm>> -> memref<10000x128xf32, #tpu.memory_space<hbm>>
      tpu.enqueue_indirect_dma source(%dma_start3A_67 : memref<10000x128xf32, #tpu.memory_space<hbm>>) target(%dma_start3A_61 : memref<128x128xf32, #tpu.memory_space<vmem>>) offsets(%dma_start3A_64 : memref<128xi32, #tpu.memory_space<vmem>>) semaphore(%arg19 : memref<!tpu.dma_semaphore, #tpu.memory_space<semaphore_mem>>)
      %scan3A_68 = arith.constant 0 : i32
      %scan3A_69 = arith.constant 0 : i32
      %scan3A_70 = arith.constant 40 : i32
      %scan3A_71 = arith.addi %scan3A_69, %scan3A_70 : i32
      %scan3A_72 = arith.constant 1 : i32
      scf.for %scan3A_86 = %scan3A_69 to %scan3A_71 step %scan3A_72  : i32 {
        %rem3A = arith.constant 2 : i32
        %rem3A_87 = arith.remsi %scan3A_86, %rem3A : i32
        %add3A = arith.constant 1 : i32
        %add3A_88 = arith.addi %scan3A_86, %add3A : i32
        %rem3A_89 = arith.constant 2 : i32
        %rem3A_90 = arith.remsi %add3A_88, %rem3A_89 : i32
        %add3A_91 = arith.constant 0 : i32
        %add3A_92 = arith.addi %add3A_91, %scan3A_86 : i32
        %dma_wait3A_93 = arith.constant 0 : i32
        %dma_wait3A_94 = arith.constant 0 : i32
        %dma_wait3A_95 = tpu.memref_slice %arg16[%rem3A_87, %dma_wait3A_93, %dma_wait3A_94] : memref<2x128x128xf32, #tpu.memory_space<vmem>> -> memref<1x128x128xf32, #tpu.memory_space<vmem>>
        %dma_wait3A_96 = tpu.memref_squeeze %dma_wait3A_95 : memref<1x128x128xf32, #tpu.memory_space<vmem>> -> memref<128x128xf32, #tpu.memory_space<vmem>>
        %dma_wait3A_97 = arith.constant 0 : i32
        %dma_wait3A_98 = tpu.memref_slice %arg14[%add3A_92, %dma_wait3A_97] : memref<40x128xi32, #tpu.memory_space<vmem>> -> memref<1x128xi32, #tpu.memory_space<vmem>>
        %dma_wait3A_99 = tpu.memref_squeeze %dma_wait3A_98 : memref<1x128xi32, #tpu.memory_space<vmem>> -> memref<128xi32, #tpu.memory_space<vmem>>
        %dma_wait3A_100 = arith.constant 0 : i32
        %dma_wait3A_101 = arith.constant 0 : i32
        %dma_wait3A_102 = tpu.memref_slice %arg2[%dma_wait3A_100, %dma_wait3A_101] : memref<10000x128xf32, #tpu.memory_space<hbm>> -> memref<10000x128xf32, #tpu.memory_space<hbm>>
        tpu.wait_indirect_dma semaphore(%arg19 : memref<!tpu.dma_semaphore, #tpu.memory_space<semaphore_mem>>) src(%dma_wait3A_102 : memref<10000x128xf32, #tpu.memory_space<hbm>>) dst(%dma_wait3A_96 : memref<128x128xf32, #tpu.memory_space<vmem>>)
        %gt3A = arith.constant 0 : i32
        %gt3A_103 = arith.cmpi sgt, %scan3A_86, %gt3A : i32
        %convert_element_type3A_104 = arith.extui %gt3A_103 : i1 to i32
        %cond3A_105 = arith.constant 0 : i32
        %cond3A_106 = arith.cmpi ne, %convert_element_type3A_104, %cond3A_105 : i32
        scf.if %cond3A_106 {
          %add3A_123 = arith.constant 0 : i32
          %add3A_124 = arith.addi %add3A_123, %scan3A_86 : i32
          %sub3A = arith.constant 1 : i32
          %sub3A_125 = arith.subi %add3A_124, %sub3A : i32
          %dma_wait3A_126 = arith.constant 0 : i32
          %dma_wait3A_127 = arith.constant 0 : i32
          %dma_wait3A_128 = tpu.memref_slice %arg16[%rem3A_90, %dma_wait3A_126, %dma_wait3A_127] : memref<2x128x128xf32, #tpu.memory_space<vmem>> -> memref<1x128x128xf32, #tpu.memory_space<vmem>>
          %dma_wait3A_129 = tpu.memref_squeeze %dma_wait3A_128 : memref<1x128x128xf32, #tpu.memory_space<vmem>> -> memref<128x128xf32, #tpu.memory_space<vmem>>
          %dma_wait3A_130 = arith.constant 0 : i32
          %dma_wait3A_131 = tpu.memref_slice %arg15[%sub3A_125, %dma_wait3A_130] : memref<40x128xi32, #tpu.memory_space<vmem>> -> memref<1x128xi32, #tpu.memory_space<vmem>>
          %dma_wait3A_132 = tpu.memref_squeeze %dma_wait3A_131 : memref<1x128xi32, #tpu.memory_space<vmem>> -> memref<128xi32, #tpu.memory_space<vmem>>
          %dma_wait3A_133 = arith.constant 0 : i32
          %dma_wait3A_134 = arith.constant 0 : i32
          %dma_wait3A_135 = tpu.memref_slice %arg17[%dma_wait3A_133, %dma_wait3A_134] : memref<10112x128xf32, #tpu.memory_space<vmem_shared>> -> memref<10112x128xf32, #tpu.memory_space<vmem_shared>>
          tpu.wait_indirect_dma semaphore(%arg20 : memref<!tpu.dma_semaphore, #tpu.memory_space<semaphore_mem>>) src(%dma_wait3A_129 : memref<128x128xf32, #tpu.memory_space<vmem>>) dst(%dma_wait3A_135 : memref<10112x128xf32, #tpu.memory_space<vmem_shared>>)
        } else {
        }
        %lt3A = arith.constant 39 : i32
        %lt3A_107 = arith.cmpi slt, %scan3A_86, %lt3A : i32
        %convert_element_type3A_108 = arith.extui %lt3A_107 : i1 to i32
        %cond3A_109 = arith.constant 0 : i32
        %cond3A_110 = arith.cmpi ne, %convert_element_type3A_108, %cond3A_109 : i32
        scf.if %cond3A_110 {
          %add3A_123 = arith.constant 0 : i32
          %add3A_124 = arith.addi %add3A_123, %scan3A_86 : i32
          %add3A_125 = arith.constant 1 : i32
          %add3A_126 = arith.addi %add3A_124, %add3A_125 : i32
          %dma_start3A_127 = arith.constant 0 : i32
          %dma_start3A_128 = arith.constant 0 : i32
          %dma_start3A_129 = tpu.memref_slice %arg16[%rem3A_90, %dma_start3A_127, %dma_start3A_128] : memref<2x128x128xf32, #tpu.memory_space<vmem>> -> memref<1x128x128xf32, #tpu.memory_space<vmem>>
          %dma_start3A_130 = tpu.memref_squeeze %dma_start3A_129 : memref<1x128x128xf32, #tpu.memory_space<vmem>> -> memref<128x128xf32, #tpu.memory_space<vmem>>
          %dma_start3A_131 = arith.constant 0 : i32
          %dma_start3A_132 = tpu.memref_slice %arg14[%add3A_126, %dma_start3A_131] : memref<40x128xi32, #tpu.memory_space<vmem>> -> memref<1x128xi32, #tpu.memory_space<vmem>>
          %dma_start3A_133 = tpu.memref_squeeze %dma_start3A_132 : memref<1x128xi32, #tpu.memory_space<vmem>> -> memref<128xi32, #tpu.memory_space<vmem>>
          %dma_start3A_134 = arith.constant 0 : i32
          %dma_start3A_135 = arith.constant 0 : i32
          %dma_start3A_136 = tpu.memref_slice %arg2[%dma_start3A_134, %dma_start3A_135] : memref<10000x128xf32, #tpu.memory_space<hbm>> -> memref<10000x128xf32, #tpu.memory_space<hbm>>
          tpu.enqueue_indirect_dma source(%dma_start3A_136 : memref<10000x128xf32, #tpu.memory_space<hbm>>) target(%dma_start3A_130 : memref<128x128xf32, #tpu.memory_space<vmem>>) offsets(%dma_start3A_133 : memref<128xi32, #tpu.memory_space<vmem>>) semaphore(%arg19 : memref<!tpu.dma_semaphore, #tpu.memory_space<semaphore_mem>>)
        } else {
        }
        %add3A_111 = arith.constant 0 : i32
        %add3A_112 = arith.addi %add3A_111, %scan3A_86 : i32
        %dma_start3A_113 = arith.constant 0 : i32
        %dma_start3A_114 = arith.constant 0 : i32
        %dma_start3A_115 = tpu.memref_slice %arg16[%rem3A_87, %dma_start3A_113, %dma_start3A_114] : memref<2x128x128xf32, #tpu.memory_space<vmem>> -> memref<1x128x128xf32, #tpu.memory_space<vmem>>
        %dma_start3A_116 = tpu.memref_squeeze %dma_start3A_115 : memref<1x128x128xf32, #tpu.memory_space<vmem>> -> memref<128x128xf32, #tpu.memory_space<vmem>>
        %dma_start3A_117 = arith.constant 0 : i32
        %dma_start3A_118 = tpu.memref_slice %arg15[%add3A_112, %dma_start3A_117] : memref<40x128xi32, #tpu.memory_space<vmem>> -> memref<1x128xi32, #tpu.memory_space<vmem>>
        %dma_start3A_119 = tpu.memref_squeeze %dma_start3A_118 : memref<1x128xi32, #tpu.memory_space<vmem>> -> memref<128xi32, #tpu.memory_space<vmem>>
        %dma_start3A_120 = arith.constant 0 : i32
        %dma_start3A_121 = arith.constant 0 : i32
        %dma_start3A_122 = tpu.memref_slice %arg17[%dma_start3A_120, %dma_start3A_121] : memref<10112x128xf32, #tpu.memory_space<vmem_shared>> -> memref<10112x128xf32, #tpu.memory_space<vmem_shared>>
        tpu.enqueue_indirect_dma source(%dma_start3A_116 : memref<128x128xf32, #tpu.memory_space<vmem>>) target(%dma_start3A_122 : memref<10112x128xf32, #tpu.memory_space<vmem_shared>>) offsets(%dma_start3A_119 : memref<128xi32, #tpu.memory_space<vmem>>) semaphore(%arg20 : memref<!tpu.dma_semaphore, #tpu.memory_space<semaphore_mem>>) {add = true}
      }
      %scan3A_73 = arith.constant 40 : i32
      %dma_wait3A_74 = arith.constant 1 : i32
      %dma_wait3A_75 = arith.constant 39 : i32
      %dma_wait3A_76 = arith.constant 0 : i32
      %dma_wait3A_77 = arith.constant 0 : i32
      %dma_wait3A_78 = tpu.memref_slice %arg16[%dma_wait3A_74, %dma_wait3A_76, %dma_wait3A_77] : memref<2x128x128xf32, #tpu.memory_space<vmem>> -> memref<1x128x128xf32, #tpu.memory_space<vmem>>
      %dma_wait3A_79 = tpu.memref_squeeze %dma_wait3A_78 : memref<1x128x128xf32, #tpu.memory_space<vmem>> -> memref<128x128xf32, #tpu.memory_space<vmem>>
      %dma_wait3A_80 = arith.constant 0 : i32
      %dma_wait3A_81 = tpu.memref_slice %arg15[%dma_wait3A_75, %dma_wait3A_80] : memref<40x128xi32, #tpu.memory_space<vmem>> -> memref<1x128xi32, #tpu.memory_space<vmem>>
      %dma_wait3A_82 = tpu.memref_squeeze %dma_wait3A_81 : memref<1x128xi32, #tpu.memory_space<vmem>> -> memref<128xi32, #tpu.memory_space<vmem>>
      %dma_wait3A_83 = arith.constant 0 : i32
      %dma_wait3A_84 = arith.constant 0 : i32
      %dma_wait3A_85 = tpu.memref_slice %arg17[%dma_wait3A_83, %dma_wait3A_84] : memref<10112x128xf32, #tpu.memory_space<vmem_shared>> -> memref<10112x128xf32, #tpu.memory_space<vmem_shared>>
      tpu.wait_indirect_dma semaphore(%arg20 : memref<!tpu.dma_semaphore, #tpu.memory_space<semaphore_mem>>) src(%dma_wait3A_79 : memref<128x128xf32, #tpu.memory_space<vmem>>) dst(%dma_wait3A_85 : memref<10112x128xf32, #tpu.memory_space<vmem_shared>>)
    } else {
    }
    %eq3A_10 = arith.constant 1 : i32
    %eq3A_11 = arith.cmpi eq, %arg0, %eq3A_10 : i32
    %convert_element_type3A_12 = arith.extui %eq3A_11 : i1 to i32
    %cond3A_13 = arith.constant 0 : i32
    %cond3A_14 = arith.cmpi ne, %convert_element_type3A_12, %cond3A_13 : i32
    scf.if %cond3A_14 {
      "tpu.region"() ({
        %run_scoped3A = tpu.sem_alloc : memref<!tpu.dma_semaphore, #tpu.memory_space<semaphore_mem>>
        %dma_start3A_83 = arith.constant 0 : i32
        %dma_start3A_84 = arith.constant 0 : i32
        %dma_start3A_85 = tpu.memref_slice %arg6[%arg1, %dma_start3A_83, %dma_start3A_84] : memref<16x40x128xi32, #tpu.memory_space<hbm>> -> memref<1x40x128xi32, #tpu.memory_space<hbm>>
        %dma_start3A_86 = tpu.memref_squeeze %dma_start3A_85 : memref<1x40x128xi32, #tpu.memory_space<hbm>> -> memref<40x128xi32, #tpu.memory_space<hbm>>
        %dma_start3A_87 = arith.constant 0 : i32
        %dma_start3A_88 = arith.constant 0 : i32
        %dma_start3A_89 = tpu.memref_slice %arg6[%arg1, %dma_start3A_87, %dma_start3A_88] : memref<16x40x128xi32, #tpu.memory_space<hbm>> -> memref<1x40x128xi32, #tpu.memory_space<hbm>>
        %dma_start3A_90 = tpu.memref_squeeze %dma_start3A_89 : memref<1x40x128xi32, #tpu.memory_space<hbm>> -> memref<40x128xi32, #tpu.memory_space<hbm>>
        tpu.enqueue_dma source(%dma_start3A_90 : memref<40x128xi32, #tpu.memory_space<hbm>>) target(%arg14 : memref<40x128xi32, #tpu.memory_space<vmem>>) target_semaphore(%run_scoped3A : memref<!tpu.dma_semaphore, #tpu.memory_space<semaphore_mem>>)
        %dma_wait3A_91 = arith.constant 0 : i32
        %dma_wait3A_92 = arith.constant 0 : i32
        %dma_wait3A_93 = tpu.memref_slice %arg6[%arg1, %dma_wait3A_91, %dma_wait3A_92] : memref<16x40x128xi32, #tpu.memory_space<hbm>> -> memref<1x40x128xi32, #tpu.memory_space<hbm>>
        %dma_wait3A_94 = tpu.memref_squeeze %dma_wait3A_93 : memref<1x40x128xi32, #tpu.memory_space<hbm>> -> memref<40x128xi32, #tpu.memory_space<hbm>>
        %dma_wait3A_95 = arith.constant 0 : i32
        %dma_wait3A_96 = arith.constant 0 : i32
        %dma_wait3A_97 = tpu.memref_slice %arg6[%arg1, %dma_wait3A_95, %dma_wait3A_96] : memref<16x40x128xi32, #tpu.memory_space<hbm>> -> memref<1x40x128xi32, #tpu.memory_space<hbm>>
        %dma_wait3A_98 = tpu.memref_squeeze %dma_wait3A_97 : memref<1x40x128xi32, #tpu.memory_space<hbm>> -> memref<40x128xi32, #tpu.memory_space<hbm>>
        tpu.wait_dma2 semaphore(%run_scoped3A : memref<!tpu.dma_semaphore, #tpu.memory_space<semaphore_mem>>) src(%dma_wait3A_98 : memref<40x128xi32, #tpu.memory_space<hbm>>) dst(%arg14 : memref<40x128xi32, #tpu.memory_space<vmem>>)
        tpu.yield
      }) : () -> ()
      "tpu.region"() ({
        %run_scoped3A = tpu.sem_alloc : memref<!tpu.dma_semaphore, #tpu.memory_space<semaphore_mem>>
        %dma_start3A_83 = arith.constant 0 : i32
        %dma_start3A_84 = arith.constant 0 : i32
        %dma_start3A_85 = tpu.memref_slice %arg7[%arg1, %dma_start3A_83, %dma_start3A_84] : memref<16x40x128xi32, #tpu.memory_space<hbm>> -> memref<1x40x128xi32, #tpu.memory_space<hbm>>
        %dma_start3A_86 = tpu.memref_squeeze %dma_start3A_85 : memref<1x40x128xi32, #tpu.memory_space<hbm>> -> memref<40x128xi32, #tpu.memory_space<hbm>>
        %dma_start3A_87 = arith.constant 0 : i32
        %dma_start3A_88 = arith.constant 0 : i32
        %dma_start3A_89 = tpu.memref_slice %arg7[%arg1, %dma_start3A_87, %dma_start3A_88] : memref<16x40x128xi32, #tpu.memory_space<hbm>> -> memref<1x40x128xi32, #tpu.memory_space<hbm>>
        %dma_start3A_90 = tpu.memref_squeeze %dma_start3A_89 : memref<1x40x128xi32, #tpu.memory_space<hbm>> -> memref<40x128xi32, #tpu.memory_space<hbm>>
        tpu.enqueue_dma source(%dma_start3A_90 : memref<40x128xi32, #tpu.memory_space<hbm>>) target(%arg15 : memref<40x128xi32, #tpu.memory_space<vmem>>) target_semaphore(%run_scoped3A : memref<!tpu.dma_semaphore, #tpu.memory_space<semaphore_mem>>)
        %dma_wait3A_91 = arith.constant 0 : i32
        %dma_wait3A_92 = arith.constant 0 : i32
        %dma_wait3A_93 = tpu.memref_slice %arg7[%arg1, %dma_wait3A_91, %dma_wait3A_92] : memref<16x40x128xi32, #tpu.memory_space<hbm>> -> memref<1x40x128xi32, #tpu.memory_space<hbm>>
        %dma_wait3A_94 = tpu.memref_squeeze %dma_wait3A_93 : memref<1x40x128xi32, #tpu.memory_space<hbm>> -> memref<40x128xi32, #tpu.memory_space<hbm>>
        %dma_wait3A_95 = arith.constant 0 : i32
        %dma_wait3A_96 = arith.constant 0 : i32
        %dma_wait3A_97 = tpu.memref_slice %arg7[%arg1, %dma_wait3A_95, %dma_wait3A_96] : memref<16x40x128xi32, #tpu.memory_space<hbm>> -> memref<1x40x128xi32, #tpu.memory_space<hbm>>
        %dma_wait3A_98 = tpu.memref_squeeze %dma_wait3A_97 : memref<1x40x128xi32, #tpu.memory_space<hbm>> -> memref<40x128xi32, #tpu.memory_space<hbm>>
        tpu.wait_dma2 semaphore(%run_scoped3A : memref<!tpu.dma_semaphore, #tpu.memory_space<semaphore_mem>>) src(%dma_wait3A_98 : memref<40x128xi32, #tpu.memory_space<hbm>>) dst(%arg15 : memref<40x128xi32, #tpu.memory_space<vmem>>)
        tpu.yield
      }) : () -> ()
      %dma_start3A = arith.constant 0 : i32
      %dma_start3A_26 = arith.constant 0 : i32
      %dma_start3A_27 = arith.constant 0 : i32
      %dma_start3A_28 = arith.constant 0 : i32
      %dma_start3A_29 = tpu.memref_slice %arg16[%dma_start3A_26, %dma_start3A_27, %dma_start3A_28] : memref<2x128x128xf32, #tpu.memory_space<vmem>> -> memref<1x128x128xf32, #tpu.memory_space<vmem>>
      %dma_start3A_30 = tpu.memref_squeeze %dma_start3A_29 : memref<1x128x128xf32, #tpu.memory_space<vmem>> -> memref<128x128xf32, #tpu.memory_space<vmem>>
      %dma_start3A_31 = arith.constant 0 : i32
      %dma_start3A_32 = tpu.memref_slice %arg14[%dma_start3A, %dma_start3A_31] : memref<40x128xi32, #tpu.memory_space<vmem>> -> memref<1x128xi32, #tpu.memory_space<vmem>>
      %dma_start3A_33 = tpu.memref_squeeze %dma_start3A_32 : memref<1x128xi32, #tpu.memory_space<vmem>> -> memref<128xi32, #tpu.memory_space<vmem>>
      %dma_start3A_34 = arith.constant 0 : i32
      %dma_start3A_35 = arith.constant 0 : i32
      %dma_start3A_36 = tpu.memref_slice %arg3[%dma_start3A_34, %dma_start3A_35] : memref<256x128xf32, #tpu.memory_space<hbm>> -> memref<256x128xf32, #tpu.memory_space<hbm>>
      tpu.enqueue_indirect_dma source(%dma_start3A_36 : memref<256x128xf32, #tpu.memory_space<hbm>>) target(%dma_start3A_30 : memref<128x128xf32, #tpu.memory_space<vmem>>) offsets(%dma_start3A_33 : memref<128xi32, #tpu.memory_space<vmem>>) semaphore(%arg19 : memref<!tpu.dma_semaphore, #tpu.memory_space<semaphore_mem>>)
      %scan3A = arith.constant 0 : i32
      %scan3A_37 = arith.constant 0 : i32
      %scan3A_38 = arith.constant 40 : i32
      %scan3A_39 = arith.addi %scan3A_37, %scan3A_38 : i32
      %scan3A_40 = arith.constant 1 : i32
      scf.for %scan3A_83 = %scan3A_37 to %scan3A_39 step %scan3A_40  : i32 {
        %rem3A = arith.constant 2 : i32
        %rem3A_84 = arith.remsi %scan3A_83, %rem3A : i32
        %add3A = arith.constant 1 : i32
        %add3A_85 = arith.addi %scan3A_83, %add3A : i32
        %rem3A_86 = arith.constant 2 : i32
        %rem3A_87 = arith.remsi %add3A_85, %rem3A_86 : i32
        %add3A_88 = arith.constant 0 : i32
        %add3A_89 = arith.addi %add3A_88, %scan3A_83 : i32
        %dma_wait3A_90 = arith.constant 0 : i32
        %dma_wait3A_91 = arith.constant 0 : i32
        %dma_wait3A_92 = tpu.memref_slice %arg16[%rem3A_84, %dma_wait3A_90, %dma_wait3A_91] : memref<2x128x128xf32, #tpu.memory_space<vmem>> -> memref<1x128x128xf32, #tpu.memory_space<vmem>>
        %dma_wait3A_93 = tpu.memref_squeeze %dma_wait3A_92 : memref<1x128x128xf32, #tpu.memory_space<vmem>> -> memref<128x128xf32, #tpu.memory_space<vmem>>
        %dma_wait3A_94 = arith.constant 0 : i32
        %dma_wait3A_95 = tpu.memref_slice %arg14[%add3A_89, %dma_wait3A_94] : memref<40x128xi32, #tpu.memory_space<vmem>> -> memref<1x128xi32, #tpu.memory_space<vmem>>
        %dma_wait3A_96 = tpu.memref_squeeze %dma_wait3A_95 : memref<1x128xi32, #tpu.memory_space<vmem>> -> memref<128xi32, #tpu.memory_space<vmem>>
        %dma_wait3A_97 = arith.constant 0 : i32
        %dma_wait3A_98 = arith.constant 0 : i32
        %dma_wait3A_99 = tpu.memref_slice %arg3[%dma_wait3A_97, %dma_wait3A_98] : memref<256x128xf32, #tpu.memory_space<hbm>> -> memref<256x128xf32, #tpu.memory_space<hbm>>
        tpu.wait_indirect_dma semaphore(%arg19 : memref<!tpu.dma_semaphore, #tpu.memory_space<semaphore_mem>>) src(%dma_wait3A_99 : memref<256x128xf32, #tpu.memory_space<hbm>>) dst(%dma_wait3A_93 : memref<128x128xf32, #tpu.memory_space<vmem>>)
        %gt3A = arith.constant 0 : i32
        %gt3A_100 = arith.cmpi sgt, %scan3A_83, %gt3A : i32
        %convert_element_type3A_101 = arith.extui %gt3A_100 : i1 to i32
        %cond3A_102 = arith.constant 0 : i32
        %cond3A_103 = arith.cmpi ne, %convert_element_type3A_101, %cond3A_102 : i32
        scf.if %cond3A_103 {
          %add3A_120 = arith.constant 0 : i32
          %add3A_121 = arith.addi %add3A_120, %scan3A_83 : i32
          %sub3A = arith.constant 1 : i32
          %sub3A_122 = arith.subi %add3A_121, %sub3A : i32
          %dma_wait3A_123 = arith.constant 0 : i32
          %dma_wait3A_124 = arith.constant 0 : i32
          %dma_wait3A_125 = tpu.memref_slice %arg16[%rem3A_87, %dma_wait3A_123, %dma_wait3A_124] : memref<2x128x128xf32, #tpu.memory_space<vmem>> -> memref<1x128x128xf32, #tpu.memory_space<vmem>>
          %dma_wait3A_126 = tpu.memref_squeeze %dma_wait3A_125 : memref<1x128x128xf32, #tpu.memory_space<vmem>> -> memref<128x128xf32, #tpu.memory_space<vmem>>
          %dma_wait3A_127 = arith.constant 0 : i32
          %dma_wait3A_128 = tpu.memref_slice %arg15[%sub3A_122, %dma_wait3A_127] : memref<40x128xi32, #tpu.memory_space<vmem>> -> memref<1x128xi32, #tpu.memory_space<vmem>>
          %dma_wait3A_129 = tpu.memref_squeeze %dma_wait3A_128 : memref<1x128xi32, #tpu.memory_space<vmem>> -> memref<128xi32, #tpu.memory_space<vmem>>
          %dma_wait3A_130 = arith.constant 0 : i32
          %dma_wait3A_131 = arith.constant 0 : i32
          %dma_wait3A_132 = tpu.memref_slice %arg17[%dma_wait3A_130, %dma_wait3A_131] : memref<10112x128xf32, #tpu.memory_space<vmem_shared>> -> memref<10112x128xf32, #tpu.memory_space<vmem_shared>>
          tpu.wait_indirect_dma semaphore(%arg20 : memref<!tpu.dma_semaphore, #tpu.memory_space<semaphore_mem>>) src(%dma_wait3A_126 : memref<128x128xf32, #tpu.memory_space<vmem>>) dst(%dma_wait3A_132 : memref<10112x128xf32, #tpu.memory_space<vmem_shared>>)
        } else {
        }
        %lt3A = arith.constant 39 : i32
        %lt3A_104 = arith.cmpi slt, %scan3A_83, %lt3A : i32
        %convert_element_type3A_105 = arith.extui %lt3A_104 : i1 to i32
        %cond3A_106 = arith.constant 0 : i32
        %cond3A_107 = arith.cmpi ne, %convert_element_type3A_105, %cond3A_106 : i32
        scf.if %cond3A_107 {
          %add3A_120 = arith.constant 0 : i32
          %add3A_121 = arith.addi %add3A_120, %scan3A_83 : i32
          %add3A_122 = arith.constant 1 : i32
          %add3A_123 = arith.addi %add3A_121, %add3A_122 : i32
          %dma_start3A_124 = arith.constant 0 : i32
          %dma_start3A_125 = arith.constant 0 : i32
          %dma_start3A_126 = tpu.memref_slice %arg16[%rem3A_87, %dma_start3A_124, %dma_start3A_125] : memref<2x128x128xf32, #tpu.memory_space<vmem>> -> memref<1x128x128xf32, #tpu.memory_space<vmem>>
          %dma_start3A_127 = tpu.memref_squeeze %dma_start3A_126 : memref<1x128x128xf32, #tpu.memory_space<vmem>> -> memref<128x128xf32, #tpu.memory_space<vmem>>
          %dma_start3A_128 = arith.constant 0 : i32
          %dma_start3A_129 = tpu.memref_slice %arg14[%add3A_123, %dma_start3A_128] : memref<40x128xi32, #tpu.memory_space<vmem>> -> memref<1x128xi32, #tpu.memory_space<vmem>>
          %dma_start3A_130 = tpu.memref_squeeze %dma_start3A_129 : memref<1x128xi32, #tpu.memory_space<vmem>> -> memref<128xi32, #tpu.memory_space<vmem>>
          %dma_start3A_131 = arith.constant 0 : i32
          %dma_start3A_132 = arith.constant 0 : i32
          %dma_start3A_133 = tpu.memref_slice %arg3[%dma_start3A_131, %dma_start3A_132] : memref<256x128xf32, #tpu.memory_space<hbm>> -> memref<256x128xf32, #tpu.memory_space<hbm>>
          tpu.enqueue_indirect_dma source(%dma_start3A_133 : memref<256x128xf32, #tpu.memory_space<hbm>>) target(%dma_start3A_127 : memref<128x128xf32, #tpu.memory_space<vmem>>) offsets(%dma_start3A_130 : memref<128xi32, #tpu.memory_space<vmem>>) semaphore(%arg19 : memref<!tpu.dma_semaphore, #tpu.memory_space<semaphore_mem>>)
        } else {
        }
        %add3A_108 = arith.constant 0 : i32
        %add3A_109 = arith.addi %add3A_108, %scan3A_83 : i32
        %dma_start3A_110 = arith.constant 0 : i32
        %dma_start3A_111 = arith.constant 0 : i32
        %dma_start3A_112 = tpu.memref_slice %arg16[%rem3A_84, %dma_start3A_110, %dma_start3A_111] : memref<2x128x128xf32, #tpu.memory_space<vmem>> -> memref<1x128x128xf32, #tpu.memory_space<vmem>>
        %dma_start3A_113 = tpu.memref_squeeze %dma_start3A_112 : memref<1x128x128xf32, #tpu.memory_space<vmem>> -> memref<128x128xf32, #tpu.memory_space<vmem>>
        %dma_start3A_114 = arith.constant 0 : i32
        %dma_start3A_115 = tpu.memref_slice %arg15[%add3A_109, %dma_start3A_114] : memref<40x128xi32, #tpu.memory_space<vmem>> -> memref<1x128xi32, #tpu.memory_space<vmem>>
        %dma_start3A_116 = tpu.memref_squeeze %dma_start3A_115 : memref<1x128xi32, #tpu.memory_space<vmem>> -> memref<128xi32, #tpu.memory_space<vmem>>
        %dma_start3A_117 = arith.constant 0 : i32
        %dma_start3A_118 = arith.constant 0 : i32
        %dma_start3A_119 = tpu.memref_slice %arg17[%dma_start3A_117, %dma_start3A_118] : memref<10112x128xf32, #tpu.memory_space<vmem_shared>> -> memref<10112x128xf32, #tpu.memory_space<vmem_shared>>
        tpu.enqueue_indirect_dma source(%dma_start3A_113 : memref<128x128xf32, #tpu.memory_space<vmem>>) target(%dma_start3A_119 : memref<10112x128xf32, #tpu.memory_space<vmem_shared>>) offsets(%dma_start3A_116 : memref<128xi32, #tpu.memory_space<vmem>>) semaphore(%arg20 : memref<!tpu.dma_semaphore, #tpu.memory_space<semaphore_mem>>) {add = true}
      }
      %scan3A_41 = arith.constant 40 : i32
      %dma_wait3A = arith.constant 1 : i32
      %dma_wait3A_42 = arith.constant 39 : i32
      %dma_wait3A_43 = arith.constant 0 : i32
      %dma_wait3A_44 = arith.constant 0 : i32
      %dma_wait3A_45 = tpu.memref_slice %arg16[%dma_wait3A, %dma_wait3A_43, %dma_wait3A_44] : memref<2x128x128xf32, #tpu.memory_space<vmem>> -> memref<1x128x128xf32, #tpu.memory_space<vmem>>
      %dma_wait3A_46 = tpu.memref_squeeze %dma_wait3A_45 : memref<1x128x128xf32, #tpu.memory_space<vmem>> -> memref<128x128xf32, #tpu.memory_space<vmem>>
      %dma_wait3A_47 = arith.constant 0 : i32
      %dma_wait3A_48 = tpu.memref_slice %arg15[%dma_wait3A_42, %dma_wait3A_47] : memref<40x128xi32, #tpu.memory_space<vmem>> -> memref<1x128xi32, #tpu.memory_space<vmem>>
      %dma_wait3A_49 = tpu.memref_squeeze %dma_wait3A_48 : memref<1x128xi32, #tpu.memory_space<vmem>> -> memref<128xi32, #tpu.memory_space<vmem>>
      %dma_wait3A_50 = arith.constant 0 : i32
      %dma_wait3A_51 = arith.constant 0 : i32
      %dma_wait3A_52 = tpu.memref_slice %arg17[%dma_wait3A_50, %dma_wait3A_51] : memref<10112x128xf32, #tpu.memory_space<vmem_shared>> -> memref<10112x128xf32, #tpu.memory_space<vmem_shared>>
      tpu.wait_indirect_dma semaphore(%arg20 : memref<!tpu.dma_semaphore, #tpu.memory_space<semaphore_mem>>) src(%dma_wait3A_46 : memref<128x128xf32, #tpu.memory_space<vmem>>) dst(%dma_wait3A_52 : memref<10112x128xf32, #tpu.memory_space<vmem_shared>>)
      "tpu.region"() ({
        %run_scoped3A = tpu.sem_alloc : memref<!tpu.dma_semaphore, #tpu.memory_space<semaphore_mem>>
        %dma_start3A_83 = arith.constant 0 : i32
        %dma_start3A_84 = arith.constant 0 : i32
        %dma_start3A_85 = tpu.memref_slice %arg8[%arg1, %dma_start3A_83, %dma_start3A_84] : memref<16x40x128xi32, #tpu.memory_space<hbm>> -> memref<1x40x128xi32, #tpu.memory_space<hbm>>
        %dma_start3A_86 = tpu.memref_squeeze %dma_start3A_85 : memref<1x40x128xi32, #tpu.memory_space<hbm>> -> memref<40x128xi32, #tpu.memory_space<hbm>>
        %dma_start3A_87 = arith.constant 0 : i32
        %dma_start3A_88 = arith.constant 0 : i32
        %dma_start3A_89 = tpu.memref_slice %arg8[%arg1, %dma_start3A_87, %dma_start3A_88] : memref<16x40x128xi32, #tpu.memory_space<hbm>> -> memref<1x40x128xi32, #tpu.memory_space<hbm>>
        %dma_start3A_90 = tpu.memref_squeeze %dma_start3A_89 : memref<1x40x128xi32, #tpu.memory_space<hbm>> -> memref<40x128xi32, #tpu.memory_space<hbm>>
        tpu.enqueue_dma source(%dma_start3A_90 : memref<40x128xi32, #tpu.memory_space<hbm>>) target(%arg14 : memref<40x128xi32, #tpu.memory_space<vmem>>) target_semaphore(%run_scoped3A : memref<!tpu.dma_semaphore, #tpu.memory_space<semaphore_mem>>)
        %dma_wait3A_91 = arith.constant 0 : i32
        %dma_wait3A_92 = arith.constant 0 : i32
        %dma_wait3A_93 = tpu.memref_slice %arg8[%arg1, %dma_wait3A_91, %dma_wait3A_92] : memref<16x40x128xi32, #tpu.memory_space<hbm>> -> memref<1x40x128xi32, #tpu.memory_space<hbm>>
        %dma_wait3A_94 = tpu.memref_squeeze %dma_wait3A_93 : memref<1x40x128xi32, #tpu.memory_space<hbm>> -> memref<40x128xi32, #tpu.memory_space<hbm>>
        %dma_wait3A_95 = arith.constant 0 : i32
        %dma_wait3A_96 = arith.constant 0 : i32
        %dma_wait3A_97 = tpu.memref_slice %arg8[%arg1, %dma_wait3A_95, %dma_wait3A_96] : memref<16x40x128xi32, #tpu.memory_space<hbm>> -> memref<1x40x128xi32, #tpu.memory_space<hbm>>
        %dma_wait3A_98 = tpu.memref_squeeze %dma_wait3A_97 : memref<1x40x128xi32, #tpu.memory_space<hbm>> -> memref<40x128xi32, #tpu.memory_space<hbm>>
        tpu.wait_dma2 semaphore(%run_scoped3A : memref<!tpu.dma_semaphore, #tpu.memory_space<semaphore_mem>>) src(%dma_wait3A_98 : memref<40x128xi32, #tpu.memory_space<hbm>>) dst(%arg14 : memref<40x128xi32, #tpu.memory_space<vmem>>)
        tpu.yield
      }) : () -> ()
      "tpu.region"() ({
        %run_scoped3A = tpu.sem_alloc : memref<!tpu.dma_semaphore, #tpu.memory_space<semaphore_mem>>
        %dma_start3A_83 = arith.constant 0 : i32
        %dma_start3A_84 = arith.constant 0 : i32
        %dma_start3A_85 = tpu.memref_slice %arg9[%arg1, %dma_start3A_83, %dma_start3A_84] : memref<16x40x128xi32, #tpu.memory_space<hbm>> -> memref<1x40x128xi32, #tpu.memory_space<hbm>>
        %dma_start3A_86 = tpu.memref_squeeze %dma_start3A_85 : memref<1x40x128xi32, #tpu.memory_space<hbm>> -> memref<40x128xi32, #tpu.memory_space<hbm>>
        %dma_start3A_87 = arith.constant 0 : i32
        %dma_start3A_88 = arith.constant 0 : i32
        %dma_start3A_89 = tpu.memref_slice %arg9[%arg1, %dma_start3A_87, %dma_start3A_88] : memref<16x40x128xi32, #tpu.memory_space<hbm>> -> memref<1x40x128xi32, #tpu.memory_space<hbm>>
        %dma_start3A_90 = tpu.memref_squeeze %dma_start3A_89 : memref<1x40x128xi32, #tpu.memory_space<hbm>> -> memref<40x128xi32, #tpu.memory_space<hbm>>
        tpu.enqueue_dma source(%dma_start3A_90 : memref<40x128xi32, #tpu.memory_space<hbm>>) target(%arg15 : memref<40x128xi32, #tpu.memory_space<vmem>>) target_semaphore(%run_scoped3A : memref<!tpu.dma_semaphore, #tpu.memory_space<semaphore_mem>>)
        %dma_wait3A_91 = arith.constant 0 : i32
        %dma_wait3A_92 = arith.constant 0 : i32
        %dma_wait3A_93 = tpu.memref_slice %arg9[%arg1, %dma_wait3A_91, %dma_wait3A_92] : memref<16x40x128xi32, #tpu.memory_space<hbm>> -> memref<1x40x128xi32, #tpu.memory_space<hbm>>
        %dma_wait3A_94 = tpu.memref_squeeze %dma_wait3A_93 : memref<1x40x128xi32, #tpu.memory_space<hbm>> -> memref<40x128xi32, #tpu.memory_space<hbm>>
        %dma_wait3A_95 = arith.constant 0 : i32
        %dma_wait3A_96 = arith.constant 0 : i32
        %dma_wait3A_97 = tpu.memref_slice %arg9[%arg1, %dma_wait3A_95, %dma_wait3A_96] : memref<16x40x128xi32, #tpu.memory_space<hbm>> -> memref<1x40x128xi32, #tpu.memory_space<hbm>>
        %dma_wait3A_98 = tpu.memref_squeeze %dma_wait3A_97 : memref<1x40x128xi32, #tpu.memory_space<hbm>> -> memref<40x128xi32, #tpu.memory_space<hbm>>
        tpu.wait_dma2 semaphore(%run_scoped3A : memref<!tpu.dma_semaphore, #tpu.memory_space<semaphore_mem>>) src(%dma_wait3A_98 : memref<40x128xi32, #tpu.memory_space<hbm>>) dst(%arg15 : memref<40x128xi32, #tpu.memory_space<vmem>>)
        tpu.yield
      }) : () -> ()
      %dma_start3A_53 = arith.constant 0 : i32
      %dma_start3A_54 = arith.constant 0 : i32
      %dma_start3A_55 = arith.constant 0 : i32
      %dma_start3A_56 = arith.constant 0 : i32
      %dma_start3A_57 = tpu.memref_slice %arg16[%dma_start3A_54, %dma_start3A_55, %dma_start3A_56] : memref<2x128x128xf32, #tpu.memory_space<vmem>> -> memref<1x128x128xf32, #tpu.memory_space<vmem>>
      %dma_start3A_58 = tpu.memref_squeeze %dma_start3A_57 : memref<1x128x128xf32, #tpu.memory_space<vmem>> -> memref<128x128xf32, #tpu.memory_space<vmem>>
      %dma_start3A_59 = arith.constant 0 : i32
      %dma_start3A_60 = tpu.memref_slice %arg14[%dma_start3A_53, %dma_start3A_59] : memref<40x128xi32, #tpu.memory_space<vmem>> -> memref<1x128xi32, #tpu.memory_space<vmem>>
      %dma_start3A_61 = tpu.memref_squeeze %dma_start3A_60 : memref<1x128xi32, #tpu.memory_space<vmem>> -> memref<128xi32, #tpu.memory_space<vmem>>
      %dma_start3A_62 = arith.constant 0 : i32
      %dma_start3A_63 = arith.constant 0 : i32
      %dma_start3A_64 = tpu.memref_slice %arg2[%dma_start3A_62, %dma_start3A_63] : memref<10000x128xf32, #tpu.memory_space<hbm>> -> memref<10000x128xf32, #tpu.memory_space<hbm>>
      tpu.enqueue_indirect_dma source(%dma_start3A_64 : memref<10000x128xf32, #tpu.memory_space<hbm>>) target(%dma_start3A_58 : memref<128x128xf32, #tpu.memory_space<vmem>>) offsets(%dma_start3A_61 : memref<128xi32, #tpu.memory_space<vmem>>) semaphore(%arg19 : memref<!tpu.dma_semaphore, #tpu.memory_space<semaphore_mem>>)
      %scan3A_65 = arith.constant 0 : i32
      %scan3A_66 = arith.constant 0 : i32
      %scan3A_67 = arith.constant 40 : i32
      %scan3A_68 = arith.addi %scan3A_66, %scan3A_67 : i32
      %scan3A_69 = arith.constant 1 : i32
      scf.for %scan3A_83 = %scan3A_66 to %scan3A_68 step %scan3A_69  : i32 {
        %rem3A = arith.constant 2 : i32
        %rem3A_84 = arith.remsi %scan3A_83, %rem3A : i32
        %add3A = arith.constant 1 : i32
        %add3A_85 = arith.addi %scan3A_83, %add3A : i32
        %rem3A_86 = arith.constant 2 : i32
        %rem3A_87 = arith.remsi %add3A_85, %rem3A_86 : i32
        %add3A_88 = arith.constant 0 : i32
        %add3A_89 = arith.addi %add3A_88, %scan3A_83 : i32
        %dma_wait3A_90 = arith.constant 0 : i32
        %dma_wait3A_91 = arith.constant 0 : i32
        %dma_wait3A_92 = tpu.memref_slice %arg16[%rem3A_84, %dma_wait3A_90, %dma_wait3A_91] : memref<2x128x128xf32, #tpu.memory_space<vmem>> -> memref<1x128x128xf32, #tpu.memory_space<vmem>>
        %dma_wait3A_93 = tpu.memref_squeeze %dma_wait3A_92 : memref<1x128x128xf32, #tpu.memory_space<vmem>> -> memref<128x128xf32, #tpu.memory_space<vmem>>
        %dma_wait3A_94 = arith.constant 0 : i32
        %dma_wait3A_95 = tpu.memref_slice %arg14[%add3A_89, %dma_wait3A_94] : memref<40x128xi32, #tpu.memory_space<vmem>> -> memref<1x128xi32, #tpu.memory_space<vmem>>
        %dma_wait3A_96 = tpu.memref_squeeze %dma_wait3A_95 : memref<1x128xi32, #tpu.memory_space<vmem>> -> memref<128xi32, #tpu.memory_space<vmem>>
        %dma_wait3A_97 = arith.constant 0 : i32
        %dma_wait3A_98 = arith.constant 0 : i32
        %dma_wait3A_99 = tpu.memref_slice %arg2[%dma_wait3A_97, %dma_wait3A_98] : memref<10000x128xf32, #tpu.memory_space<hbm>> -> memref<10000x128xf32, #tpu.memory_space<hbm>>
        tpu.wait_indirect_dma semaphore(%arg19 : memref<!tpu.dma_semaphore, #tpu.memory_space<semaphore_mem>>) src(%dma_wait3A_99 : memref<10000x128xf32, #tpu.memory_space<hbm>>) dst(%dma_wait3A_93 : memref<128x128xf32, #tpu.memory_space<vmem>>)
        %gt3A = arith.constant 0 : i32
        %gt3A_100 = arith.cmpi sgt, %scan3A_83, %gt3A : i32
        %convert_element_type3A_101 = arith.extui %gt3A_100 : i1 to i32
        %cond3A_102 = arith.constant 0 : i32
        %cond3A_103 = arith.cmpi ne, %convert_element_type3A_101, %cond3A_102 : i32
        scf.if %cond3A_103 {
          %add3A_120 = arith.constant 0 : i32
          %add3A_121 = arith.addi %add3A_120, %scan3A_83 : i32
          %sub3A = arith.constant 1 : i32
          %sub3A_122 = arith.subi %add3A_121, %sub3A : i32
          %dma_wait3A_123 = arith.constant 0 : i32
          %dma_wait3A_124 = arith.constant 0 : i32
          %dma_wait3A_125 = tpu.memref_slice %arg16[%rem3A_87, %dma_wait3A_123, %dma_wait3A_124] : memref<2x128x128xf32, #tpu.memory_space<vmem>> -> memref<1x128x128xf32, #tpu.memory_space<vmem>>
          %dma_wait3A_126 = tpu.memref_squeeze %dma_wait3A_125 : memref<1x128x128xf32, #tpu.memory_space<vmem>> -> memref<128x128xf32, #tpu.memory_space<vmem>>
          %dma_wait3A_127 = arith.constant 0 : i32
          %dma_wait3A_128 = tpu.memref_slice %arg15[%sub3A_122, %dma_wait3A_127] : memref<40x128xi32, #tpu.memory_space<vmem>> -> memref<1x128xi32, #tpu.memory_space<vmem>>
          %dma_wait3A_129 = tpu.memref_squeeze %dma_wait3A_128 : memref<1x128xi32, #tpu.memory_space<vmem>> -> memref<128xi32, #tpu.memory_space<vmem>>
          %dma_wait3A_130 = arith.constant 0 : i32
          %dma_wait3A_131 = arith.constant 0 : i32
          %dma_wait3A_132 = tpu.memref_slice %arg18[%dma_wait3A_130, %dma_wait3A_131] : memref<384x128xf32, #tpu.memory_space<vmem_shared>> -> memref<384x128xf32, #tpu.memory_space<vmem_shared>>
          tpu.wait_indirect_dma semaphore(%arg20 : memref<!tpu.dma_semaphore, #tpu.memory_space<semaphore_mem>>) src(%dma_wait3A_126 : memref<128x128xf32, #tpu.memory_space<vmem>>) dst(%dma_wait3A_132 : memref<384x128xf32, #tpu.memory_space<vmem_shared>>)
        } else {
        }
        %lt3A = arith.constant 39 : i32
        %lt3A_104 = arith.cmpi slt, %scan3A_83, %lt3A : i32
        %convert_element_type3A_105 = arith.extui %lt3A_104 : i1 to i32
        %cond3A_106 = arith.constant 0 : i32
        %cond3A_107 = arith.cmpi ne, %convert_element_type3A_105, %cond3A_106 : i32
        scf.if %cond3A_107 {
          %add3A_120 = arith.constant 0 : i32
          %add3A_121 = arith.addi %add3A_120, %scan3A_83 : i32
          %add3A_122 = arith.constant 1 : i32
          %add3A_123 = arith.addi %add3A_121, %add3A_122 : i32
          %dma_start3A_124 = arith.constant 0 : i32
          %dma_start3A_125 = arith.constant 0 : i32
          %dma_start3A_126 = tpu.memref_slice %arg16[%rem3A_87, %dma_start3A_124, %dma_start3A_125] : memref<2x128x128xf32, #tpu.memory_space<vmem>> -> memref<1x128x128xf32, #tpu.memory_space<vmem>>
          %dma_start3A_127 = tpu.memref_squeeze %dma_start3A_126 : memref<1x128x128xf32, #tpu.memory_space<vmem>> -> memref<128x128xf32, #tpu.memory_space<vmem>>
          %dma_start3A_128 = arith.constant 0 : i32
          %dma_start3A_129 = tpu.memref_slice %arg14[%add3A_123, %dma_start3A_128] : memref<40x128xi32, #tpu.memory_space<vmem>> -> memref<1x128xi32, #tpu.memory_space<vmem>>
          %dma_start3A_130 = tpu.memref_squeeze %dma_start3A_129 : memref<1x128xi32, #tpu.memory_space<vmem>> -> memref<128xi32, #tpu.memory_space<vmem>>
          %dma_start3A_131 = arith.constant 0 : i32
          %dma_start3A_132 = arith.constant 0 : i32
          %dma_start3A_133 = tpu.memref_slice %arg2[%dma_start3A_131, %dma_start3A_132] : memref<10000x128xf32, #tpu.memory_space<hbm>> -> memref<10000x128xf32, #tpu.memory_space<hbm>>
          tpu.enqueue_indirect_dma source(%dma_start3A_133 : memref<10000x128xf32, #tpu.memory_space<hbm>>) target(%dma_start3A_127 : memref<128x128xf32, #tpu.memory_space<vmem>>) offsets(%dma_start3A_130 : memref<128xi32, #tpu.memory_space<vmem>>) semaphore(%arg19 : memref<!tpu.dma_semaphore, #tpu.memory_space<semaphore_mem>>)
        } else {
        }
        %add3A_108 = arith.constant 0 : i32
        %add3A_109 = arith.addi %add3A_108, %scan3A_83 : i32
        %dma_start3A_110 = arith.constant 0 : i32
        %dma_start3A_111 = arith.constant 0 : i32
        %dma_start3A_112 = tpu.memref_slice %arg16[%rem3A_84, %dma_start3A_110, %dma_start3A_111] : memref<2x128x128xf32, #tpu.memory_space<vmem>> -> memref<1x128x128xf32, #tpu.memory_space<vmem>>
        %dma_start3A_113 = tpu.memref_squeeze %dma_start3A_112 : memref<1x128x128xf32, #tpu.memory_space<vmem>> -> memref<128x128xf32, #tpu.memory_space<vmem>>
        %dma_start3A_114 = arith.constant 0 : i32
        %dma_start3A_115 = tpu.memref_slice %arg15[%add3A_109, %dma_start3A_114] : memref<40x128xi32, #tpu.memory_space<vmem>> -> memref<1x128xi32, #tpu.memory_space<vmem>>
        %dma_start3A_116 = tpu.memref_squeeze %dma_start3A_115 : memref<1x128xi32, #tpu.memory_space<vmem>> -> memref<128xi32, #tpu.memory_space<vmem>>
        %dma_start3A_117 = arith.constant 0 : i32
        %dma_start3A_118 = arith.constant 0 : i32
        %dma_start3A_119 = tpu.memref_slice %arg18[%dma_start3A_117, %dma_start3A_118] : memref<384x128xf32, #tpu.memory_space<vmem_shared>> -> memref<384x128xf32, #tpu.memory_space<vmem_shared>>
        tpu.enqueue_indirect_dma source(%dma_start3A_113 : memref<128x128xf32, #tpu.memory_space<vmem>>) target(%dma_start3A_119 : memref<384x128xf32, #tpu.memory_space<vmem_shared>>) offsets(%dma_start3A_116 : memref<128xi32, #tpu.memory_space<vmem>>) semaphore(%arg20 : memref<!tpu.dma_semaphore, #tpu.memory_space<semaphore_mem>>) {add = true}
      }
      %scan3A_70 = arith.constant 40 : i32
      %dma_wait3A_71 = arith.constant 1 : i32
      %dma_wait3A_72 = arith.constant 39 : i32
      %dma_wait3A_73 = arith.constant 0 : i32
      %dma_wait3A_74 = arith.constant 0 : i32
      %dma_wait3A_75 = tpu.memref_slice %arg16[%dma_wait3A_71, %dma_wait3A_73, %dma_wait3A_74] : memref<2x128x128xf32, #tpu.memory_space<vmem>> -> memref<1x128x128xf32, #tpu.memory_space<vmem>>
      %dma_wait3A_76 = tpu.memref_squeeze %dma_wait3A_75 : memref<1x128x128xf32, #tpu.memory_space<vmem>> -> memref<128x128xf32, #tpu.memory_space<vmem>>
      %dma_wait3A_77 = arith.constant 0 : i32
      %dma_wait3A_78 = tpu.memref_slice %arg15[%dma_wait3A_72, %dma_wait3A_77] : memref<40x128xi32, #tpu.memory_space<vmem>> -> memref<1x128xi32, #tpu.memory_space<vmem>>
      %dma_wait3A_79 = tpu.memref_squeeze %dma_wait3A_78 : memref<1x128xi32, #tpu.memory_space<vmem>> -> memref<128xi32, #tpu.memory_space<vmem>>
      %dma_wait3A_80 = arith.constant 0 : i32
      %dma_wait3A_81 = arith.constant 0 : i32
      %dma_wait3A_82 = tpu.memref_slice %arg18[%dma_wait3A_80, %dma_wait3A_81] : memref<384x128xf32, #tpu.memory_space<vmem_shared>> -> memref<384x128xf32, #tpu.memory_space<vmem_shared>>
      tpu.wait_indirect_dma semaphore(%arg20 : memref<!tpu.dma_semaphore, #tpu.memory_space<semaphore_mem>>) src(%dma_wait3A_76 : memref<128x128xf32, #tpu.memory_space<vmem>>) dst(%dma_wait3A_82 : memref<384x128xf32, #tpu.memory_space<vmem_shared>>)
    } else {
    }
    %barrier3A_15 = arith.constant 0 : index
    tpu.barrier barrier_id(%barrier3A_15)
    %eq3A_16 = arith.constant 0 : i32
    %eq3A_17 = arith.cmpi eq, %arg0, %eq3A_16 : i32
    %convert_element_type3A_18 = arith.extui %eq3A_17 : i1 to i32
    %cond3A_19 = arith.constant 0 : i32
    %cond3A_20 = arith.cmpi ne, %convert_element_type3A_18, %cond3A_19 : i32
    scf.if %cond3A_20 {
      "tpu.region"() ({
        %run_scoped3A = tpu.sem_alloc : memref<!tpu.dma_semaphore, #tpu.memory_space<semaphore_mem>>
        %dma_start3A = arith.constant 0 : i32
        %dma_start3A_26 = tpu.memref_slice %arg11[%mul3A_0, %dma_start3A] : memref<10112x128xf32, #tpu.memory_space<hbm>> -> memref<632x128xf32, #tpu.memory_space<hbm>>
        %dma_start3A_27 = arith.constant 0 : i32
        %dma_start3A_28 = tpu.memref_slice %arg17[%mul3A_0, %dma_start3A_27] : memref<10112x128xf32, #tpu.memory_space<vmem_shared>> -> memref<632x128xf32, #tpu.memory_space<vmem_shared>>
        tpu.enqueue_dma source(%dma_start3A_28 : memref<632x128xf32, #tpu.memory_space<vmem_shared>>) target(%dma_start3A_26 : memref<632x128xf32, #tpu.memory_space<hbm>>) target_semaphore(%run_scoped3A : memref<!tpu.dma_semaphore, #tpu.memory_space<semaphore_mem>>)
        %dma_wait3A = arith.constant 0 : i32
        %dma_wait3A_29 = tpu.memref_slice %arg11[%mul3A_0, %dma_wait3A] : memref<10112x128xf32, #tpu.memory_space<hbm>> -> memref<632x128xf32, #tpu.memory_space<hbm>>
        %dma_wait3A_30 = arith.constant 0 : i32
        %dma_wait3A_31 = tpu.memref_slice %arg17[%mul3A_0, %dma_wait3A_30] : memref<10112x128xf32, #tpu.memory_space<vmem_shared>> -> memref<632x128xf32, #tpu.memory_space<vmem_shared>>
        tpu.wait_dma2 semaphore(%run_scoped3A : memref<!tpu.dma_semaphore, #tpu.memory_space<semaphore_mem>>) src(%dma_wait3A_31 : memref<632x128xf32, #tpu.memory_space<vmem_shared>>) dst(%dma_wait3A_29 : memref<632x128xf32, #tpu.memory_space<hbm>>)
        tpu.yield
      }) : () -> ()
    } else {
    }
    %eq3A_21 = arith.constant 1 : i32
    %eq3A_22 = arith.cmpi eq, %arg0, %eq3A_21 : i32
    %convert_element_type3A_23 = arith.extui %eq3A_22 : i1 to i32
    %cond3A_24 = arith.constant 0 : i32
    %cond3A_25 = arith.cmpi ne, %convert_element_type3A_23, %cond3A_24 : i32
    scf.if %cond3A_25 {
      "tpu.region"() ({
        %run_scoped3A = tpu.sem_alloc : memref<!tpu.dma_semaphore, #tpu.memory_space<semaphore_mem>>
        %dma_start3A = arith.constant 0 : i32
        %dma_start3A_26 = tpu.memref_slice %arg12[%mul3A_0, %dma_start3A] : memref<10112x128xf32, #tpu.memory_space<hbm>> -> memref<632x128xf32, #tpu.memory_space<hbm>>
        %dma_start3A_27 = arith.constant 0 : i32
        %dma_start3A_28 = tpu.memref_slice %arg17[%mul3A_0, %dma_start3A_27] : memref<10112x128xf32, #tpu.memory_space<vmem_shared>> -> memref<632x128xf32, #tpu.memory_space<vmem_shared>>
        tpu.enqueue_dma source(%dma_start3A_28 : memref<632x128xf32, #tpu.memory_space<vmem_shared>>) target(%dma_start3A_26 : memref<632x128xf32, #tpu.memory_space<hbm>>) target_semaphore(%run_scoped3A : memref<!tpu.dma_semaphore, #tpu.memory_space<semaphore_mem>>)
        %dma_wait3A = arith.constant 0 : i32
        %dma_wait3A_29 = tpu.memref_slice %arg12[%mul3A_0, %dma_wait3A] : memref<10112x128xf32, #tpu.memory_space<hbm>> -> memref<632x128xf32, #tpu.memory_space<hbm>>
        %dma_wait3A_30 = arith.constant 0 : i32
        %dma_wait3A_31 = tpu.memref_slice %arg17[%mul3A_0, %dma_wait3A_30] : memref<10112x128xf32, #tpu.memory_space<vmem_shared>> -> memref<632x128xf32, #tpu.memory_space<vmem_shared>>
        tpu.wait_dma2 semaphore(%run_scoped3A : memref<!tpu.dma_semaphore, #tpu.memory_space<semaphore_mem>>) src(%dma_wait3A_31 : memref<632x128xf32, #tpu.memory_space<vmem_shared>>) dst(%dma_wait3A_29 : memref<632x128xf32, #tpu.memory_space<hbm>>)
        tpu.yield
      }) : () -> ()
      "tpu.region"() ({
        %run_scoped3A = tpu.sem_alloc : memref<!tpu.dma_semaphore, #tpu.memory_space<semaphore_mem>>
        %dma_start3A = arith.constant 0 : i32
        %dma_start3A_26 = tpu.memref_slice %arg13[%mul3A_2, %dma_start3A] : memref<384x128xf32, #tpu.memory_space<hbm>> -> memref<24x128xf32, #tpu.memory_space<hbm>>
        %dma_start3A_27 = arith.constant 0 : i32
        %dma_start3A_28 = tpu.memref_slice %arg18[%mul3A_2, %dma_start3A_27] : memref<384x128xf32, #tpu.memory_space<vmem_shared>> -> memref<24x128xf32, #tpu.memory_space<vmem_shared>>
        tpu.enqueue_dma source(%dma_start3A_28 : memref<24x128xf32, #tpu.memory_space<vmem_shared>>) target(%dma_start3A_26 : memref<24x128xf32, #tpu.memory_space<hbm>>) target_semaphore(%run_scoped3A : memref<!tpu.dma_semaphore, #tpu.memory_space<semaphore_mem>>)
        %dma_wait3A = arith.constant 0 : i32
        %dma_wait3A_29 = tpu.memref_slice %arg13[%mul3A_2, %dma_wait3A] : memref<384x128xf32, #tpu.memory_space<hbm>> -> memref<24x128xf32, #tpu.memory_space<hbm>>
        %dma_wait3A_30 = arith.constant 0 : i32
        %dma_wait3A_31 = tpu.memref_slice %arg18[%mul3A_2, %dma_wait3A_30] : memref<384x128xf32, #tpu.memory_space<vmem_shared>> -> memref<24x128xf32, #tpu.memory_space<vmem_shared>>
        tpu.wait_dma2 semaphore(%run_scoped3A : memref<!tpu.dma_semaphore, #tpu.memory_space<semaphore_mem>>) src(%dma_wait3A_31 : memref<24x128xf32, #tpu.memory_space<vmem_shared>>) dst(%dma_wait3A_29 : memref<24x128xf32, #tpu.memory_space<hbm>>)
        tpu.yield
      }) : () -> ()
    } else {
    }
    return
  }
}

#map = affine_map<(d0, d1) -> (0, 0)>
#map1 = affine_map<(d0, d1) -> (0, 0, 0, 0)>
#map2 = affine_map<(d0, d1) -> (0, 0, 0)>
module attributes {stable_mosaic.version = 14 : i64} {
  func.func @_init_agg(%arg0: i32, %arg1: i32, %arg2: memref<10000x128xf32, #tpu.memory_space<hbm>>, %arg3: memref<256x128xf32, #tpu.memory_space<hbm>>, %arg4: memref<16x128xf32, #tpu.memory_space<hbm>>, %arg5: memref<16x2x40x128xi32, #tpu.memory_space<hbm>>, %arg6: memref<16x2x40x128xi32, #tpu.memory_space<hbm>>, %arg7: memref<16x40x128xi32, #tpu.memory_space<hbm>>, %arg8: memref<16x40x128xi32, #tpu.memory_space<hbm>>, %arg9: memref<16x40x128xi32, #tpu.memory_space<hbm>>, %arg10: memref<16x40x128xi32, #tpu.memory_space<hbm>>, %arg11: memref<16x1x128xi32, #tpu.memory_space<hbm>>, %arg12: memref<16x1x128xi32, #tpu.memory_space<hbm>>, %arg13: memref<632x128xf32, #tpu.memory_space<hbm>>, %arg14: memref<10112x128xf32, #tpu.memory_space<hbm>>, %arg15: memref<10112x128xf32, #tpu.memory_space<hbm>>, %arg16: memref<384x128xf32, #tpu.memory_space<hbm>>, %arg17: memref<384x128xf32, #tpu.memory_space<hbm>>, %arg18: memref<40x128xi32, #tpu.memory_space<vmem>>, %arg19: memref<40x128xi32, #tpu.memory_space<vmem>>, %arg20: memref<2x128x128xf32, #tpu.memory_space<vmem>>, %arg21: memref<10112x128xf32, #tpu.memory_space<vmem_shared>>, %arg22: memref<384x128xf32, #tpu.memory_space<vmem_shared>>, %arg23: memref<384x128xf32, #tpu.memory_space<vmem_shared>>, %arg24: memref<!tpu.dma_semaphore, #tpu.memory_space<semaphore_mem>>, %arg25: memref<!tpu.dma_semaphore, #tpu.memory_space<semaphore_mem>>) attributes {dimension_semantics = [#tpu.dimension_semantics<core_parallel>, #tpu.dimension_semantics<subcore_parallel>], iteration_bounds = array<i64: 2, 16>, scalar_prefetch = 0 : i64, scratch_operands = 8 : i64, tpu.core_type = #tpu.core_type<sc_vector_subcore>, window_params = [{transform_indices = #map}, {transform_indices = #map}, {transform_indices = #map}, {transform_indices = #map1}, {transform_indices = #map1}, {transform_indices = #map2}, {transform_indices = #map2}, {transform_indices = #map2}, {transform_indices = #map2}, {transform_indices = #map2}, {transform_indices = #map2}, {transform_indices = #map}, {transform_indices = #map}, {transform_indices = #map}, {transform_indices = #map}, {transform_indices = #map}]} {
    %mul3A = arith.constant 632 : i32
    %mul3A_0 = arith.muli %arg1, %mul3A : i32
    %mul3A_1 = arith.constant 24 : i32
    %mul3A_2 = arith.muli %arg1, %mul3A_1 : i32
    "tpu.region"() ({
      %run_scoped3A = tpu.sem_alloc : memref<!tpu.dma_semaphore, #tpu.memory_space<semaphore_mem>>
      %dma_start3A = arith.constant 0 : i32
      %dma_start3A_26 = tpu.memref_slice %arg21[%mul3A_0, %dma_start3A] : memref<10112x128xf32, #tpu.memory_space<vmem_shared>> -> memref<632x128xf32, #tpu.memory_space<vmem_shared>>
      tpu.enqueue_dma source(%arg13 : memref<632x128xf32, #tpu.memory_space<hbm>>) target(%dma_start3A_26 : memref<632x128xf32, #tpu.memory_space<vmem_shared>>) target_semaphore(%run_scoped3A : memref<!tpu.dma_semaphore, #tpu.memory_space<semaphore_mem>>)
      %dma_wait3A = arith.constant 0 : i32
      %dma_wait3A_27 = tpu.memref_slice %arg21[%mul3A_0, %dma_wait3A] : memref<10112x128xf32, #tpu.memory_space<vmem_shared>> -> memref<632x128xf32, #tpu.memory_space<vmem_shared>>
      tpu.wait_dma2 semaphore(%run_scoped3A : memref<!tpu.dma_semaphore, #tpu.memory_space<semaphore_mem>>) src(%arg13 : memref<632x128xf32, #tpu.memory_space<hbm>>) dst(%dma_wait3A_27 : memref<632x128xf32, #tpu.memory_space<vmem_shared>>)
      tpu.yield
    }) : () -> ()
    %eq3A = arith.constant 1 : i32
    %eq3A_3 = arith.cmpi eq, %arg0, %eq3A : i32
    %convert_element_type3A = arith.extui %eq3A_3 : i1 to i32
    %cond3A = arith.constant 0 : i32
    %cond3A_4 = arith.cmpi ne, %convert_element_type3A, %cond3A : i32
    scf.if %cond3A_4 {
      "tpu.region"() ({
        %run_scoped3A = tpu.sem_alloc : memref<!tpu.dma_semaphore, #tpu.memory_space<semaphore_mem>>
        %dma_start3A = arith.constant 0 : i32
        %dma_start3A_26 = tpu.memref_slice %arg22[%mul3A_2, %dma_start3A] : memref<384x128xf32, #tpu.memory_space<vmem_shared>> -> memref<24x128xf32, #tpu.memory_space<vmem_shared>>
        %dma_start3A_27 = arith.constant 0 : i32
        %dma_start3A_28 = arith.constant 0 : i32
        %dma_start3A_29 = tpu.memref_slice %arg13[%dma_start3A_27, %dma_start3A_28] : memref<632x128xf32, #tpu.memory_space<hbm>> -> memref<24x128xf32, #tpu.memory_space<hbm>>
        tpu.enqueue_dma source(%dma_start3A_29 : memref<24x128xf32, #tpu.memory_space<hbm>>) target(%dma_start3A_26 : memref<24x128xf32, #tpu.memory_space<vmem_shared>>) target_semaphore(%run_scoped3A : memref<!tpu.dma_semaphore, #tpu.memory_space<semaphore_mem>>)
        %dma_wait3A = arith.constant 0 : i32
        %dma_wait3A_30 = tpu.memref_slice %arg22[%mul3A_2, %dma_wait3A] : memref<384x128xf32, #tpu.memory_space<vmem_shared>> -> memref<24x128xf32, #tpu.memory_space<vmem_shared>>
        %dma_wait3A_31 = arith.constant 0 : i32
        %dma_wait3A_32 = arith.constant 0 : i32
        %dma_wait3A_33 = tpu.memref_slice %arg13[%dma_wait3A_31, %dma_wait3A_32] : memref<632x128xf32, #tpu.memory_space<hbm>> -> memref<24x128xf32, #tpu.memory_space<hbm>>
        tpu.wait_dma2 semaphore(%run_scoped3A : memref<!tpu.dma_semaphore, #tpu.memory_space<semaphore_mem>>) src(%dma_wait3A_33 : memref<24x128xf32, #tpu.memory_space<hbm>>) dst(%dma_wait3A_30 : memref<24x128xf32, #tpu.memory_space<vmem_shared>>)
        tpu.yield
      }) : () -> ()
      "tpu.region"() ({
        %run_scoped3A = tpu.sem_alloc : memref<!tpu.dma_semaphore, #tpu.memory_space<semaphore_mem>>
        %dma_start3A = arith.constant 0 : i32
        %dma_start3A_26 = tpu.memref_slice %arg23[%mul3A_2, %dma_start3A] : memref<384x128xf32, #tpu.memory_space<vmem_shared>> -> memref<24x128xf32, #tpu.memory_space<vmem_shared>>
        %dma_start3A_27 = arith.constant 0 : i32
        %dma_start3A_28 = arith.constant 0 : i32
        %dma_start3A_29 = tpu.memref_slice %arg13[%dma_start3A_27, %dma_start3A_28] : memref<632x128xf32, #tpu.memory_space<hbm>> -> memref<24x128xf32, #tpu.memory_space<hbm>>
        tpu.enqueue_dma source(%dma_start3A_29 : memref<24x128xf32, #tpu.memory_space<hbm>>) target(%dma_start3A_26 : memref<24x128xf32, #tpu.memory_space<vmem_shared>>) target_semaphore(%run_scoped3A : memref<!tpu.dma_semaphore, #tpu.memory_space<semaphore_mem>>)
        %dma_wait3A = arith.constant 0 : i32
        %dma_wait3A_30 = tpu.memref_slice %arg23[%mul3A_2, %dma_wait3A] : memref<384x128xf32, #tpu.memory_space<vmem_shared>> -> memref<24x128xf32, #tpu.memory_space<vmem_shared>>
        %dma_wait3A_31 = arith.constant 0 : i32
        %dma_wait3A_32 = arith.constant 0 : i32
        %dma_wait3A_33 = tpu.memref_slice %arg13[%dma_wait3A_31, %dma_wait3A_32] : memref<632x128xf32, #tpu.memory_space<hbm>> -> memref<24x128xf32, #tpu.memory_space<hbm>>
        tpu.wait_dma2 semaphore(%run_scoped3A : memref<!tpu.dma_semaphore, #tpu.memory_space<semaphore_mem>>) src(%dma_wait3A_33 : memref<24x128xf32, #tpu.memory_space<hbm>>) dst(%dma_wait3A_30 : memref<24x128xf32, #tpu.memory_space<vmem_shared>>)
        tpu.yield
      }) : () -> ()
    } else {
    }
    %barrier3A = arith.constant 0 : index
    tpu.barrier barrier_id(%barrier3A)
    %eq3A_5 = arith.constant 0 : i32
    %eq3A_6 = arith.cmpi eq, %arg0, %eq3A_5 : i32
    %convert_element_type3A_7 = arith.extui %eq3A_6 : i1 to i32
    %cond3A_8 = arith.constant 0 : i32
    %cond3A_9 = arith.cmpi ne, %convert_element_type3A_7, %cond3A_8 : i32
    scf.if %cond3A_9 {
      %run_scoped3A = arith.constant 0 : i32
      "tpu.region"() ({
        %run_scoped3A_86 = tpu.sem_alloc : memref<!tpu.dma_semaphore, #tpu.memory_space<semaphore_mem>>
        %dma_start3A_87 = arith.constant 0 : i32
        %dma_start3A_88 = arith.constant 0 : i32
        %dma_start3A_89 = tpu.memref_slice %arg5[%arg1, %run_scoped3A, %dma_start3A_87, %dma_start3A_88] : memref<16x2x40x128xi32, #tpu.memory_space<hbm>> -> memref<1x1x40x128xi32, #tpu.memory_space<hbm>>
        %dma_start3A_90 = tpu.memref_squeeze %dma_start3A_89 : memref<1x1x40x128xi32, #tpu.memory_space<hbm>> -> memref<40x128xi32, #tpu.memory_space<hbm>>
        %dma_start3A_91 = arith.constant 0 : i32
        %dma_start3A_92 = arith.constant 0 : i32
        %dma_start3A_93 = tpu.memref_slice %arg5[%arg1, %run_scoped3A, %dma_start3A_91, %dma_start3A_92] : memref<16x2x40x128xi32, #tpu.memory_space<hbm>> -> memref<1x1x40x128xi32, #tpu.memory_space<hbm>>
        %dma_start3A_94 = tpu.memref_squeeze %dma_start3A_93 : memref<1x1x40x128xi32, #tpu.memory_space<hbm>> -> memref<40x128xi32, #tpu.memory_space<hbm>>
        tpu.enqueue_dma source(%dma_start3A_94 : memref<40x128xi32, #tpu.memory_space<hbm>>) target(%arg18 : memref<40x128xi32, #tpu.memory_space<vmem>>) target_semaphore(%run_scoped3A_86 : memref<!tpu.dma_semaphore, #tpu.memory_space<semaphore_mem>>)
        %dma_wait3A_95 = arith.constant 0 : i32
        %dma_wait3A_96 = arith.constant 0 : i32
        %dma_wait3A_97 = tpu.memref_slice %arg5[%arg1, %run_scoped3A, %dma_wait3A_95, %dma_wait3A_96] : memref<16x2x40x128xi32, #tpu.memory_space<hbm>> -> memref<1x1x40x128xi32, #tpu.memory_space<hbm>>
        %dma_wait3A_98 = tpu.memref_squeeze %dma_wait3A_97 : memref<1x1x40x128xi32, #tpu.memory_space<hbm>> -> memref<40x128xi32, #tpu.memory_space<hbm>>
        %dma_wait3A_99 = arith.constant 0 : i32
        %dma_wait3A_100 = arith.constant 0 : i32
        %dma_wait3A_101 = tpu.memref_slice %arg5[%arg1, %run_scoped3A, %dma_wait3A_99, %dma_wait3A_100] : memref<16x2x40x128xi32, #tpu.memory_space<hbm>> -> memref<1x1x40x128xi32, #tpu.memory_space<hbm>>
        %dma_wait3A_102 = tpu.memref_squeeze %dma_wait3A_101 : memref<1x1x40x128xi32, #tpu.memory_space<hbm>> -> memref<40x128xi32, #tpu.memory_space<hbm>>
        tpu.wait_dma2 semaphore(%run_scoped3A_86 : memref<!tpu.dma_semaphore, #tpu.memory_space<semaphore_mem>>) src(%dma_wait3A_102 : memref<40x128xi32, #tpu.memory_space<hbm>>) dst(%arg18 : memref<40x128xi32, #tpu.memory_space<vmem>>)
        tpu.yield
      }) : () -> ()
      %run_scoped3A_26 = arith.constant 0 : i32
      "tpu.region"() ({
        %run_scoped3A_86 = tpu.sem_alloc : memref<!tpu.dma_semaphore, #tpu.memory_space<semaphore_mem>>
        %dma_start3A_87 = arith.constant 0 : i32
        %dma_start3A_88 = arith.constant 0 : i32
        %dma_start3A_89 = tpu.memref_slice %arg6[%arg1, %run_scoped3A_26, %dma_start3A_87, %dma_start3A_88] : memref<16x2x40x128xi32, #tpu.memory_space<hbm>> -> memref<1x1x40x128xi32, #tpu.memory_space<hbm>>
        %dma_start3A_90 = tpu.memref_squeeze %dma_start3A_89 : memref<1x1x40x128xi32, #tpu.memory_space<hbm>> -> memref<40x128xi32, #tpu.memory_space<hbm>>
        %dma_start3A_91 = arith.constant 0 : i32
        %dma_start3A_92 = arith.constant 0 : i32
        %dma_start3A_93 = tpu.memref_slice %arg6[%arg1, %run_scoped3A_26, %dma_start3A_91, %dma_start3A_92] : memref<16x2x40x128xi32, #tpu.memory_space<hbm>> -> memref<1x1x40x128xi32, #tpu.memory_space<hbm>>
        %dma_start3A_94 = tpu.memref_squeeze %dma_start3A_93 : memref<1x1x40x128xi32, #tpu.memory_space<hbm>> -> memref<40x128xi32, #tpu.memory_space<hbm>>
        tpu.enqueue_dma source(%dma_start3A_94 : memref<40x128xi32, #tpu.memory_space<hbm>>) target(%arg19 : memref<40x128xi32, #tpu.memory_space<vmem>>) target_semaphore(%run_scoped3A_86 : memref<!tpu.dma_semaphore, #tpu.memory_space<semaphore_mem>>)
        %dma_wait3A_95 = arith.constant 0 : i32
        %dma_wait3A_96 = arith.constant 0 : i32
        %dma_wait3A_97 = tpu.memref_slice %arg6[%arg1, %run_scoped3A_26, %dma_wait3A_95, %dma_wait3A_96] : memref<16x2x40x128xi32, #tpu.memory_space<hbm>> -> memref<1x1x40x128xi32, #tpu.memory_space<hbm>>
        %dma_wait3A_98 = tpu.memref_squeeze %dma_wait3A_97 : memref<1x1x40x128xi32, #tpu.memory_space<hbm>> -> memref<40x128xi32, #tpu.memory_space<hbm>>
        %dma_wait3A_99 = arith.constant 0 : i32
        %dma_wait3A_100 = arith.constant 0 : i32
        %dma_wait3A_101 = tpu.memref_slice %arg6[%arg1, %run_scoped3A_26, %dma_wait3A_99, %dma_wait3A_100] : memref<16x2x40x128xi32, #tpu.memory_space<hbm>> -> memref<1x1x40x128xi32, #tpu.memory_space<hbm>>
        %dma_wait3A_102 = tpu.memref_squeeze %dma_wait3A_101 : memref<1x1x40x128xi32, #tpu.memory_space<hbm>> -> memref<40x128xi32, #tpu.memory_space<hbm>>
        tpu.wait_dma2 semaphore(%run_scoped3A_86 : memref<!tpu.dma_semaphore, #tpu.memory_space<semaphore_mem>>) src(%dma_wait3A_102 : memref<40x128xi32, #tpu.memory_space<hbm>>) dst(%arg19 : memref<40x128xi32, #tpu.memory_space<vmem>>)
        tpu.yield
      }) : () -> ()
      %dma_start3A = arith.constant 0 : i32
      %dma_start3A_27 = arith.constant 0 : i32
      %dma_start3A_28 = arith.constant 0 : i32
      %dma_start3A_29 = arith.constant 0 : i32
      %dma_start3A_30 = tpu.memref_slice %arg20[%dma_start3A_27, %dma_start3A_28, %dma_start3A_29] : memref<2x128x128xf32, #tpu.memory_space<vmem>> -> memref<1x128x128xf32, #tpu.memory_space<vmem>>
      %dma_start3A_31 = tpu.memref_squeeze %dma_start3A_30 : memref<1x128x128xf32, #tpu.memory_space<vmem>> -> memref<128x128xf32, #tpu.memory_space<vmem>>
      %dma_start3A_32 = arith.constant 0 : i32
      %dma_start3A_33 = tpu.memref_slice %arg18[%dma_start3A, %dma_start3A_32] : memref<40x128xi32, #tpu.memory_space<vmem>> -> memref<1x128xi32, #tpu.memory_space<vmem>>
      %dma_start3A_34 = tpu.memref_squeeze %dma_start3A_33 : memref<1x128xi32, #tpu.memory_space<vmem>> -> memref<128xi32, #tpu.memory_space<vmem>>
      %dma_start3A_35 = arith.constant 0 : i32
      %dma_start3A_36 = arith.constant 0 : i32
      %dma_start3A_37 = tpu.memref_slice %arg2[%dma_start3A_35, %dma_start3A_36] : memref<10000x128xf32, #tpu.memory_space<hbm>> -> memref<10000x128xf32, #tpu.memory_space<hbm>>
      tpu.enqueue_indirect_dma source(%dma_start3A_37 : memref<10000x128xf32, #tpu.memory_space<hbm>>) target(%dma_start3A_31 : memref<128x128xf32, #tpu.memory_space<vmem>>) offsets(%dma_start3A_34 : memref<128xi32, #tpu.memory_space<vmem>>) semaphore(%arg24 : memref<!tpu.dma_semaphore, #tpu.memory_space<semaphore_mem>>)
      %scan3A = arith.constant 0 : i32
      %scan3A_38 = arith.constant 0 : i32
      %scan3A_39 = arith.constant 40 : i32
      %scan3A_40 = arith.addi %scan3A_38, %scan3A_39 : i32
      %scan3A_41 = arith.constant 1 : i32
      scf.for %scan3A_86 = %scan3A_38 to %scan3A_40 step %scan3A_41  : i32 {
        %rem3A = arith.constant 2 : i32
        %rem3A_87 = arith.remsi %scan3A_86, %rem3A : i32
        %add3A = arith.constant 1 : i32
        %add3A_88 = arith.addi %scan3A_86, %add3A : i32
        %rem3A_89 = arith.constant 2 : i32
        %rem3A_90 = arith.remsi %add3A_88, %rem3A_89 : i32
        %add3A_91 = arith.constant 0 : i32
        %add3A_92 = arith.addi %add3A_91, %scan3A_86 : i32
        %dma_wait3A_93 = arith.constant 0 : i32
        %dma_wait3A_94 = arith.constant 0 : i32
        %dma_wait3A_95 = tpu.memref_slice %arg20[%rem3A_87, %dma_wait3A_93, %dma_wait3A_94] : memref<2x128x128xf32, #tpu.memory_space<vmem>> -> memref<1x128x128xf32, #tpu.memory_space<vmem>>
        %dma_wait3A_96 = tpu.memref_squeeze %dma_wait3A_95 : memref<1x128x128xf32, #tpu.memory_space<vmem>> -> memref<128x128xf32, #tpu.memory_space<vmem>>
        %dma_wait3A_97 = arith.constant 0 : i32
        %dma_wait3A_98 = tpu.memref_slice %arg18[%add3A_92, %dma_wait3A_97] : memref<40x128xi32, #tpu.memory_space<vmem>> -> memref<1x128xi32, #tpu.memory_space<vmem>>
        %dma_wait3A_99 = tpu.memref_squeeze %dma_wait3A_98 : memref<1x128xi32, #tpu.memory_space<vmem>> -> memref<128xi32, #tpu.memory_space<vmem>>
        %dma_wait3A_100 = arith.constant 0 : i32
        %dma_wait3A_101 = arith.constant 0 : i32
        %dma_wait3A_102 = tpu.memref_slice %arg2[%dma_wait3A_100, %dma_wait3A_101] : memref<10000x128xf32, #tpu.memory_space<hbm>> -> memref<10000x128xf32, #tpu.memory_space<hbm>>
        tpu.wait_indirect_dma semaphore(%arg24 : memref<!tpu.dma_semaphore, #tpu.memory_space<semaphore_mem>>) src(%dma_wait3A_102 : memref<10000x128xf32, #tpu.memory_space<hbm>>) dst(%dma_wait3A_96 : memref<128x128xf32, #tpu.memory_space<vmem>>)
        %gt3A = arith.constant 0 : i32
        %gt3A_103 = arith.cmpi sgt, %scan3A_86, %gt3A : i32
        %convert_element_type3A_104 = arith.extui %gt3A_103 : i1 to i32
        %cond3A_105 = arith.constant 0 : i32
        %cond3A_106 = arith.cmpi ne, %convert_element_type3A_104, %cond3A_105 : i32
        scf.if %cond3A_106 {
          %add3A_123 = arith.constant 0 : i32
          %add3A_124 = arith.addi %add3A_123, %scan3A_86 : i32
          %sub3A = arith.constant 1 : i32
          %sub3A_125 = arith.subi %add3A_124, %sub3A : i32
          %dma_wait3A_126 = arith.constant 0 : i32
          %dma_wait3A_127 = arith.constant 0 : i32
          %dma_wait3A_128 = tpu.memref_slice %arg20[%rem3A_90, %dma_wait3A_126, %dma_wait3A_127] : memref<2x128x128xf32, #tpu.memory_space<vmem>> -> memref<1x128x128xf32, #tpu.memory_space<vmem>>
          %dma_wait3A_129 = tpu.memref_squeeze %dma_wait3A_128 : memref<1x128x128xf32, #tpu.memory_space<vmem>> -> memref<128x128xf32, #tpu.memory_space<vmem>>
          %dma_wait3A_130 = arith.constant 0 : i32
          %dma_wait3A_131 = tpu.memref_slice %arg19[%sub3A_125, %dma_wait3A_130] : memref<40x128xi32, #tpu.memory_space<vmem>> -> memref<1x128xi32, #tpu.memory_space<vmem>>
          %dma_wait3A_132 = tpu.memref_squeeze %dma_wait3A_131 : memref<1x128xi32, #tpu.memory_space<vmem>> -> memref<128xi32, #tpu.memory_space<vmem>>
          %dma_wait3A_133 = arith.constant 0 : i32
          %dma_wait3A_134 = arith.constant 0 : i32
          %dma_wait3A_135 = tpu.memref_slice %arg21[%dma_wait3A_133, %dma_wait3A_134] : memref<10112x128xf32, #tpu.memory_space<vmem_shared>> -> memref<10112x128xf32, #tpu.memory_space<vmem_shared>>
          tpu.wait_indirect_dma semaphore(%arg25 : memref<!tpu.dma_semaphore, #tpu.memory_space<semaphore_mem>>) src(%dma_wait3A_129 : memref<128x128xf32, #tpu.memory_space<vmem>>) dst(%dma_wait3A_135 : memref<10112x128xf32, #tpu.memory_space<vmem_shared>>)
        } else {
        }
        %lt3A = arith.constant 39 : i32
        %lt3A_107 = arith.cmpi slt, %scan3A_86, %lt3A : i32
        %convert_element_type3A_108 = arith.extui %lt3A_107 : i1 to i32
        %cond3A_109 = arith.constant 0 : i32
        %cond3A_110 = arith.cmpi ne, %convert_element_type3A_108, %cond3A_109 : i32
        scf.if %cond3A_110 {
          %add3A_123 = arith.constant 0 : i32
          %add3A_124 = arith.addi %add3A_123, %scan3A_86 : i32
          %add3A_125 = arith.constant 1 : i32
          %add3A_126 = arith.addi %add3A_124, %add3A_125 : i32
          %dma_start3A_127 = arith.constant 0 : i32
          %dma_start3A_128 = arith.constant 0 : i32
          %dma_start3A_129 = tpu.memref_slice %arg20[%rem3A_90, %dma_start3A_127, %dma_start3A_128] : memref<2x128x128xf32, #tpu.memory_space<vmem>> -> memref<1x128x128xf32, #tpu.memory_space<vmem>>
          %dma_start3A_130 = tpu.memref_squeeze %dma_start3A_129 : memref<1x128x128xf32, #tpu.memory_space<vmem>> -> memref<128x128xf32, #tpu.memory_space<vmem>>
          %dma_start3A_131 = arith.constant 0 : i32
          %dma_start3A_132 = tpu.memref_slice %arg18[%add3A_126, %dma_start3A_131] : memref<40x128xi32, #tpu.memory_space<vmem>> -> memref<1x128xi32, #tpu.memory_space<vmem>>
          %dma_start3A_133 = tpu.memref_squeeze %dma_start3A_132 : memref<1x128xi32, #tpu.memory_space<vmem>> -> memref<128xi32, #tpu.memory_space<vmem>>
          %dma_start3A_134 = arith.constant 0 : i32
          %dma_start3A_135 = arith.constant 0 : i32
          %dma_start3A_136 = tpu.memref_slice %arg2[%dma_start3A_134, %dma_start3A_135] : memref<10000x128xf32, #tpu.memory_space<hbm>> -> memref<10000x128xf32, #tpu.memory_space<hbm>>
          tpu.enqueue_indirect_dma source(%dma_start3A_136 : memref<10000x128xf32, #tpu.memory_space<hbm>>) target(%dma_start3A_130 : memref<128x128xf32, #tpu.memory_space<vmem>>) offsets(%dma_start3A_133 : memref<128xi32, #tpu.memory_space<vmem>>) semaphore(%arg24 : memref<!tpu.dma_semaphore, #tpu.memory_space<semaphore_mem>>)
        } else {
        }
        %add3A_111 = arith.constant 0 : i32
        %add3A_112 = arith.addi %add3A_111, %scan3A_86 : i32
        %dma_start3A_113 = arith.constant 0 : i32
        %dma_start3A_114 = arith.constant 0 : i32
        %dma_start3A_115 = tpu.memref_slice %arg20[%rem3A_87, %dma_start3A_113, %dma_start3A_114] : memref<2x128x128xf32, #tpu.memory_space<vmem>> -> memref<1x128x128xf32, #tpu.memory_space<vmem>>
        %dma_start3A_116 = tpu.memref_squeeze %dma_start3A_115 : memref<1x128x128xf32, #tpu.memory_space<vmem>> -> memref<128x128xf32, #tpu.memory_space<vmem>>
        %dma_start3A_117 = arith.constant 0 : i32
        %dma_start3A_118 = tpu.memref_slice %arg19[%add3A_112, %dma_start3A_117] : memref<40x128xi32, #tpu.memory_space<vmem>> -> memref<1x128xi32, #tpu.memory_space<vmem>>
        %dma_start3A_119 = tpu.memref_squeeze %dma_start3A_118 : memref<1x128xi32, #tpu.memory_space<vmem>> -> memref<128xi32, #tpu.memory_space<vmem>>
        %dma_start3A_120 = arith.constant 0 : i32
        %dma_start3A_121 = arith.constant 0 : i32
        %dma_start3A_122 = tpu.memref_slice %arg21[%dma_start3A_120, %dma_start3A_121] : memref<10112x128xf32, #tpu.memory_space<vmem_shared>> -> memref<10112x128xf32, #tpu.memory_space<vmem_shared>>
        tpu.enqueue_indirect_dma source(%dma_start3A_116 : memref<128x128xf32, #tpu.memory_space<vmem>>) target(%dma_start3A_122 : memref<10112x128xf32, #tpu.memory_space<vmem_shared>>) offsets(%dma_start3A_119 : memref<128xi32, #tpu.memory_space<vmem>>) semaphore(%arg25 : memref<!tpu.dma_semaphore, #tpu.memory_space<semaphore_mem>>) {add = true}
      }
      %scan3A_42 = arith.constant 40 : i32
      %dma_wait3A = arith.constant 1 : i32
      %dma_wait3A_43 = arith.constant 39 : i32
      %dma_wait3A_44 = arith.constant 0 : i32
      %dma_wait3A_45 = arith.constant 0 : i32
      %dma_wait3A_46 = tpu.memref_slice %arg20[%dma_wait3A, %dma_wait3A_44, %dma_wait3A_45] : memref<2x128x128xf32, #tpu.memory_space<vmem>> -> memref<1x128x128xf32, #tpu.memory_space<vmem>>
      %dma_wait3A_47 = tpu.memref_squeeze %dma_wait3A_46 : memref<1x128x128xf32, #tpu.memory_space<vmem>> -> memref<128x128xf32, #tpu.memory_space<vmem>>
      %dma_wait3A_48 = arith.constant 0 : i32
      %dma_wait3A_49 = tpu.memref_slice %arg19[%dma_wait3A_43, %dma_wait3A_48] : memref<40x128xi32, #tpu.memory_space<vmem>> -> memref<1x128xi32, #tpu.memory_space<vmem>>
      %dma_wait3A_50 = tpu.memref_squeeze %dma_wait3A_49 : memref<1x128xi32, #tpu.memory_space<vmem>> -> memref<128xi32, #tpu.memory_space<vmem>>
      %dma_wait3A_51 = arith.constant 0 : i32
      %dma_wait3A_52 = arith.constant 0 : i32
      %dma_wait3A_53 = tpu.memref_slice %arg21[%dma_wait3A_51, %dma_wait3A_52] : memref<10112x128xf32, #tpu.memory_space<vmem_shared>> -> memref<10112x128xf32, #tpu.memory_space<vmem_shared>>
      tpu.wait_indirect_dma semaphore(%arg25 : memref<!tpu.dma_semaphore, #tpu.memory_space<semaphore_mem>>) src(%dma_wait3A_47 : memref<128x128xf32, #tpu.memory_space<vmem>>) dst(%dma_wait3A_53 : memref<10112x128xf32, #tpu.memory_space<vmem_shared>>)
      %run_scoped3A_54 = arith.constant 1 : i32
      "tpu.region"() ({
        %run_scoped3A_86 = tpu.sem_alloc : memref<!tpu.dma_semaphore, #tpu.memory_space<semaphore_mem>>
        %dma_start3A_87 = arith.constant 0 : i32
        %dma_start3A_88 = arith.constant 0 : i32
        %dma_start3A_89 = tpu.memref_slice %arg5[%arg1, %run_scoped3A_54, %dma_start3A_87, %dma_start3A_88] : memref<16x2x40x128xi32, #tpu.memory_space<hbm>> -> memref<1x1x40x128xi32, #tpu.memory_space<hbm>>
        %dma_start3A_90 = tpu.memref_squeeze %dma_start3A_89 : memref<1x1x40x128xi32, #tpu.memory_space<hbm>> -> memref<40x128xi32, #tpu.memory_space<hbm>>
        %dma_start3A_91 = arith.constant 0 : i32
        %dma_start3A_92 = arith.constant 0 : i32
        %dma_start3A_93 = tpu.memref_slice %arg5[%arg1, %run_scoped3A_54, %dma_start3A_91, %dma_start3A_92] : memref<16x2x40x128xi32, #tpu.memory_space<hbm>> -> memref<1x1x40x128xi32, #tpu.memory_space<hbm>>
        %dma_start3A_94 = tpu.memref_squeeze %dma_start3A_93 : memref<1x1x40x128xi32, #tpu.memory_space<hbm>> -> memref<40x128xi32, #tpu.memory_space<hbm>>
        tpu.enqueue_dma source(%dma_start3A_94 : memref<40x128xi32, #tpu.memory_space<hbm>>) target(%arg18 : memref<40x128xi32, #tpu.memory_space<vmem>>) target_semaphore(%run_scoped3A_86 : memref<!tpu.dma_semaphore, #tpu.memory_space<semaphore_mem>>)
        %dma_wait3A_95 = arith.constant 0 : i32
        %dma_wait3A_96 = arith.constant 0 : i32
        %dma_wait3A_97 = tpu.memref_slice %arg5[%arg1, %run_scoped3A_54, %dma_wait3A_95, %dma_wait3A_96] : memref<16x2x40x128xi32, #tpu.memory_space<hbm>> -> memref<1x1x40x128xi32, #tpu.memory_space<hbm>>
        %dma_wait3A_98 = tpu.memref_squeeze %dma_wait3A_97 : memref<1x1x40x128xi32, #tpu.memory_space<hbm>> -> memref<40x128xi32, #tpu.memory_space<hbm>>
        %dma_wait3A_99 = arith.constant 0 : i32
        %dma_wait3A_100 = arith.constant 0 : i32
        %dma_wait3A_101 = tpu.memref_slice %arg5[%arg1, %run_scoped3A_54, %dma_wait3A_99, %dma_wait3A_100] : memref<16x2x40x128xi32, #tpu.memory_space<hbm>> -> memref<1x1x40x128xi32, #tpu.memory_space<hbm>>
        %dma_wait3A_102 = tpu.memref_squeeze %dma_wait3A_101 : memref<1x1x40x128xi32, #tpu.memory_space<hbm>> -> memref<40x128xi32, #tpu.memory_space<hbm>>
        tpu.wait_dma2 semaphore(%run_scoped3A_86 : memref<!tpu.dma_semaphore, #tpu.memory_space<semaphore_mem>>) src(%dma_wait3A_102 : memref<40x128xi32, #tpu.memory_space<hbm>>) dst(%arg18 : memref<40x128xi32, #tpu.memory_space<vmem>>)
        tpu.yield
      }) : () -> ()
      %run_scoped3A_55 = arith.constant 1 : i32
      "tpu.region"() ({
        %run_scoped3A_86 = tpu.sem_alloc : memref<!tpu.dma_semaphore, #tpu.memory_space<semaphore_mem>>
        %dma_start3A_87 = arith.constant 0 : i32
        %dma_start3A_88 = arith.constant 0 : i32
        %dma_start3A_89 = tpu.memref_slice %arg6[%arg1, %run_scoped3A_55, %dma_start3A_87, %dma_start3A_88] : memref<16x2x40x128xi32, #tpu.memory_space<hbm>> -> memref<1x1x40x128xi32, #tpu.memory_space<hbm>>
        %dma_start3A_90 = tpu.memref_squeeze %dma_start3A_89 : memref<1x1x40x128xi32, #tpu.memory_space<hbm>> -> memref<40x128xi32, #tpu.memory_space<hbm>>
        %dma_start3A_91 = arith.constant 0 : i32
        %dma_start3A_92 = arith.constant 0 : i32
        %dma_start3A_93 = tpu.memref_slice %arg6[%arg1, %run_scoped3A_55, %dma_start3A_91, %dma_start3A_92] : memref<16x2x40x128xi32, #tpu.memory_space<hbm>> -> memref<1x1x40x128xi32, #tpu.memory_space<hbm>>
        %dma_start3A_94 = tpu.memref_squeeze %dma_start3A_93 : memref<1x1x40x128xi32, #tpu.memory_space<hbm>> -> memref<40x128xi32, #tpu.memory_space<hbm>>
        tpu.enqueue_dma source(%dma_start3A_94 : memref<40x128xi32, #tpu.memory_space<hbm>>) target(%arg19 : memref<40x128xi32, #tpu.memory_space<vmem>>) target_semaphore(%run_scoped3A_86 : memref<!tpu.dma_semaphore, #tpu.memory_space<semaphore_mem>>)
        %dma_wait3A_95 = arith.constant 0 : i32
        %dma_wait3A_96 = arith.constant 0 : i32
        %dma_wait3A_97 = tpu.memref_slice %arg6[%arg1, %run_scoped3A_55, %dma_wait3A_95, %dma_wait3A_96] : memref<16x2x40x128xi32, #tpu.memory_space<hbm>> -> memref<1x1x40x128xi32, #tpu.memory_space<hbm>>
        %dma_wait3A_98 = tpu.memref_squeeze %dma_wait3A_97 : memref<1x1x40x128xi32, #tpu.memory_space<hbm>> -> memref<40x128xi32, #tpu.memory_space<hbm>>
        %dma_wait3A_99 = arith.constant 0 : i32
        %dma_wait3A_100 = arith.constant 0 : i32
        %dma_wait3A_101 = tpu.memref_slice %arg6[%arg1, %run_scoped3A_55, %dma_wait3A_99, %dma_wait3A_100] : memref<16x2x40x128xi32, #tpu.memory_space<hbm>> -> memref<1x1x40x128xi32, #tpu.memory_space<hbm>>
        %dma_wait3A_102 = tpu.memref_squeeze %dma_wait3A_101 : memref<1x1x40x128xi32, #tpu.memory_space<hbm>> -> memref<40x128xi32, #tpu.memory_space<hbm>>
        tpu.wait_dma2 semaphore(%run_scoped3A_86 : memref<!tpu.dma_semaphore, #tpu.memory_space<semaphore_mem>>) src(%dma_wait3A_102 : memref<40x128xi32, #tpu.memory_space<hbm>>) dst(%arg19 : memref<40x128xi32, #tpu.memory_space<vmem>>)
        tpu.yield
      }) : () -> ()
      %dma_start3A_56 = arith.constant 0 : i32
      %dma_start3A_57 = arith.constant 0 : i32
      %dma_start3A_58 = arith.constant 0 : i32
      %dma_start3A_59 = arith.constant 0 : i32
      %dma_start3A_60 = tpu.memref_slice %arg20[%dma_start3A_57, %dma_start3A_58, %dma_start3A_59] : memref<2x128x128xf32, #tpu.memory_space<vmem>> -> memref<1x128x128xf32, #tpu.memory_space<vmem>>
      %dma_start3A_61 = tpu.memref_squeeze %dma_start3A_60 : memref<1x128x128xf32, #tpu.memory_space<vmem>> -> memref<128x128xf32, #tpu.memory_space<vmem>>
      %dma_start3A_62 = arith.constant 0 : i32
      %dma_start3A_63 = tpu.memref_slice %arg18[%dma_start3A_56, %dma_start3A_62] : memref<40x128xi32, #tpu.memory_space<vmem>> -> memref<1x128xi32, #tpu.memory_space<vmem>>
      %dma_start3A_64 = tpu.memref_squeeze %dma_start3A_63 : memref<1x128xi32, #tpu.memory_space<vmem>> -> memref<128xi32, #tpu.memory_space<vmem>>
      %dma_start3A_65 = arith.constant 0 : i32
      %dma_start3A_66 = arith.constant 0 : i32
      %dma_start3A_67 = tpu.memref_slice %arg2[%dma_start3A_65, %dma_start3A_66] : memref<10000x128xf32, #tpu.memory_space<hbm>> -> memref<10000x128xf32, #tpu.memory_space<hbm>>
      tpu.enqueue_indirect_dma source(%dma_start3A_67 : memref<10000x128xf32, #tpu.memory_space<hbm>>) target(%dma_start3A_61 : memref<128x128xf32, #tpu.memory_space<vmem>>) offsets(%dma_start3A_64 : memref<128xi32, #tpu.memory_space<vmem>>) semaphore(%arg24 : memref<!tpu.dma_semaphore, #tpu.memory_space<semaphore_mem>>)
      %scan3A_68 = arith.constant 0 : i32
      %scan3A_69 = arith.constant 0 : i32
      %scan3A_70 = arith.constant 40 : i32
      %scan3A_71 = arith.addi %scan3A_69, %scan3A_70 : i32
      %scan3A_72 = arith.constant 1 : i32
      scf.for %scan3A_86 = %scan3A_69 to %scan3A_71 step %scan3A_72  : i32 {
        %rem3A = arith.constant 2 : i32
        %rem3A_87 = arith.remsi %scan3A_86, %rem3A : i32
        %add3A = arith.constant 1 : i32
        %add3A_88 = arith.addi %scan3A_86, %add3A : i32
        %rem3A_89 = arith.constant 2 : i32
        %rem3A_90 = arith.remsi %add3A_88, %rem3A_89 : i32
        %add3A_91 = arith.constant 0 : i32
        %add3A_92 = arith.addi %add3A_91, %scan3A_86 : i32
        %dma_wait3A_93 = arith.constant 0 : i32
        %dma_wait3A_94 = arith.constant 0 : i32
        %dma_wait3A_95 = tpu.memref_slice %arg20[%rem3A_87, %dma_wait3A_93, %dma_wait3A_94] : memref<2x128x128xf32, #tpu.memory_space<vmem>> -> memref<1x128x128xf32, #tpu.memory_space<vmem>>
        %dma_wait3A_96 = tpu.memref_squeeze %dma_wait3A_95 : memref<1x128x128xf32, #tpu.memory_space<vmem>> -> memref<128x128xf32, #tpu.memory_space<vmem>>
        %dma_wait3A_97 = arith.constant 0 : i32
        %dma_wait3A_98 = tpu.memref_slice %arg18[%add3A_92, %dma_wait3A_97] : memref<40x128xi32, #tpu.memory_space<vmem>> -> memref<1x128xi32, #tpu.memory_space<vmem>>
        %dma_wait3A_99 = tpu.memref_squeeze %dma_wait3A_98 : memref<1x128xi32, #tpu.memory_space<vmem>> -> memref<128xi32, #tpu.memory_space<vmem>>
        %dma_wait3A_100 = arith.constant 0 : i32
        %dma_wait3A_101 = arith.constant 0 : i32
        %dma_wait3A_102 = tpu.memref_slice %arg2[%dma_wait3A_100, %dma_wait3A_101] : memref<10000x128xf32, #tpu.memory_space<hbm>> -> memref<10000x128xf32, #tpu.memory_space<hbm>>
        tpu.wait_indirect_dma semaphore(%arg24 : memref<!tpu.dma_semaphore, #tpu.memory_space<semaphore_mem>>) src(%dma_wait3A_102 : memref<10000x128xf32, #tpu.memory_space<hbm>>) dst(%dma_wait3A_96 : memref<128x128xf32, #tpu.memory_space<vmem>>)
        %gt3A = arith.constant 0 : i32
        %gt3A_103 = arith.cmpi sgt, %scan3A_86, %gt3A : i32
        %convert_element_type3A_104 = arith.extui %gt3A_103 : i1 to i32
        %cond3A_105 = arith.constant 0 : i32
        %cond3A_106 = arith.cmpi ne, %convert_element_type3A_104, %cond3A_105 : i32
        scf.if %cond3A_106 {
          %add3A_123 = arith.constant 0 : i32
          %add3A_124 = arith.addi %add3A_123, %scan3A_86 : i32
          %sub3A = arith.constant 1 : i32
          %sub3A_125 = arith.subi %add3A_124, %sub3A : i32
          %dma_wait3A_126 = arith.constant 0 : i32
          %dma_wait3A_127 = arith.constant 0 : i32
          %dma_wait3A_128 = tpu.memref_slice %arg20[%rem3A_90, %dma_wait3A_126, %dma_wait3A_127] : memref<2x128x128xf32, #tpu.memory_space<vmem>> -> memref<1x128x128xf32, #tpu.memory_space<vmem>>
          %dma_wait3A_129 = tpu.memref_squeeze %dma_wait3A_128 : memref<1x128x128xf32, #tpu.memory_space<vmem>> -> memref<128x128xf32, #tpu.memory_space<vmem>>
          %dma_wait3A_130 = arith.constant 0 : i32
          %dma_wait3A_131 = tpu.memref_slice %arg19[%sub3A_125, %dma_wait3A_130] : memref<40x128xi32, #tpu.memory_space<vmem>> -> memref<1x128xi32, #tpu.memory_space<vmem>>
          %dma_wait3A_132 = tpu.memref_squeeze %dma_wait3A_131 : memref<1x128xi32, #tpu.memory_space<vmem>> -> memref<128xi32, #tpu.memory_space<vmem>>
          %dma_wait3A_133 = arith.constant 0 : i32
          %dma_wait3A_134 = arith.constant 0 : i32
          %dma_wait3A_135 = tpu.memref_slice %arg21[%dma_wait3A_133, %dma_wait3A_134] : memref<10112x128xf32, #tpu.memory_space<vmem_shared>> -> memref<10112x128xf32, #tpu.memory_space<vmem_shared>>
          tpu.wait_indirect_dma semaphore(%arg25 : memref<!tpu.dma_semaphore, #tpu.memory_space<semaphore_mem>>) src(%dma_wait3A_129 : memref<128x128xf32, #tpu.memory_space<vmem>>) dst(%dma_wait3A_135 : memref<10112x128xf32, #tpu.memory_space<vmem_shared>>)
        } else {
        }
        %lt3A = arith.constant 39 : i32
        %lt3A_107 = arith.cmpi slt, %scan3A_86, %lt3A : i32
        %convert_element_type3A_108 = arith.extui %lt3A_107 : i1 to i32
        %cond3A_109 = arith.constant 0 : i32
        %cond3A_110 = arith.cmpi ne, %convert_element_type3A_108, %cond3A_109 : i32
        scf.if %cond3A_110 {
          %add3A_123 = arith.constant 0 : i32
          %add3A_124 = arith.addi %add3A_123, %scan3A_86 : i32
          %add3A_125 = arith.constant 1 : i32
          %add3A_126 = arith.addi %add3A_124, %add3A_125 : i32
          %dma_start3A_127 = arith.constant 0 : i32
          %dma_start3A_128 = arith.constant 0 : i32
          %dma_start3A_129 = tpu.memref_slice %arg20[%rem3A_90, %dma_start3A_127, %dma_start3A_128] : memref<2x128x128xf32, #tpu.memory_space<vmem>> -> memref<1x128x128xf32, #tpu.memory_space<vmem>>
          %dma_start3A_130 = tpu.memref_squeeze %dma_start3A_129 : memref<1x128x128xf32, #tpu.memory_space<vmem>> -> memref<128x128xf32, #tpu.memory_space<vmem>>
          %dma_start3A_131 = arith.constant 0 : i32
          %dma_start3A_132 = tpu.memref_slice %arg18[%add3A_126, %dma_start3A_131] : memref<40x128xi32, #tpu.memory_space<vmem>> -> memref<1x128xi32, #tpu.memory_space<vmem>>
          %dma_start3A_133 = tpu.memref_squeeze %dma_start3A_132 : memref<1x128xi32, #tpu.memory_space<vmem>> -> memref<128xi32, #tpu.memory_space<vmem>>
          %dma_start3A_134 = arith.constant 0 : i32
          %dma_start3A_135 = arith.constant 0 : i32
          %dma_start3A_136 = tpu.memref_slice %arg2[%dma_start3A_134, %dma_start3A_135] : memref<10000x128xf32, #tpu.memory_space<hbm>> -> memref<10000x128xf32, #tpu.memory_space<hbm>>
          tpu.enqueue_indirect_dma source(%dma_start3A_136 : memref<10000x128xf32, #tpu.memory_space<hbm>>) target(%dma_start3A_130 : memref<128x128xf32, #tpu.memory_space<vmem>>) offsets(%dma_start3A_133 : memref<128xi32, #tpu.memory_space<vmem>>) semaphore(%arg24 : memref<!tpu.dma_semaphore, #tpu.memory_space<semaphore_mem>>)
        } else {
        }
        %add3A_111 = arith.constant 0 : i32
        %add3A_112 = arith.addi %add3A_111, %scan3A_86 : i32
        %dma_start3A_113 = arith.constant 0 : i32
        %dma_start3A_114 = arith.constant 0 : i32
        %dma_start3A_115 = tpu.memref_slice %arg20[%rem3A_87, %dma_start3A_113, %dma_start3A_114] : memref<2x128x128xf32, #tpu.memory_space<vmem>> -> memref<1x128x128xf32, #tpu.memory_space<vmem>>
        %dma_start3A_116 = tpu.memref_squeeze %dma_start3A_115 : memref<1x128x128xf32, #tpu.memory_space<vmem>> -> memref<128x128xf32, #tpu.memory_space<vmem>>
        %dma_start3A_117 = arith.constant 0 : i32
        %dma_start3A_118 = tpu.memref_slice %arg19[%add3A_112, %dma_start3A_117] : memref<40x128xi32, #tpu.memory_space<vmem>> -> memref<1x128xi32, #tpu.memory_space<vmem>>
        %dma_start3A_119 = tpu.memref_squeeze %dma_start3A_118 : memref<1x128xi32, #tpu.memory_space<vmem>> -> memref<128xi32, #tpu.memory_space<vmem>>
        %dma_start3A_120 = arith.constant 0 : i32
        %dma_start3A_121 = arith.constant 0 : i32
        %dma_start3A_122 = tpu.memref_slice %arg21[%dma_start3A_120, %dma_start3A_121] : memref<10112x128xf32, #tpu.memory_space<vmem_shared>> -> memref<10112x128xf32, #tpu.memory_space<vmem_shared>>
        tpu.enqueue_indirect_dma source(%dma_start3A_116 : memref<128x128xf32, #tpu.memory_space<vmem>>) target(%dma_start3A_122 : memref<10112x128xf32, #tpu.memory_space<vmem_shared>>) offsets(%dma_start3A_119 : memref<128xi32, #tpu.memory_space<vmem>>) semaphore(%arg25 : memref<!tpu.dma_semaphore, #tpu.memory_space<semaphore_mem>>) {add = true}
      }
      %scan3A_73 = arith.constant 40 : i32
      %dma_wait3A_74 = arith.constant 1 : i32
      %dma_wait3A_75 = arith.constant 39 : i32
      %dma_wait3A_76 = arith.constant 0 : i32
      %dma_wait3A_77 = arith.constant 0 : i32
      %dma_wait3A_78 = tpu.memref_slice %arg20[%dma_wait3A_74, %dma_wait3A_76, %dma_wait3A_77] : memref<2x128x128xf32, #tpu.memory_space<vmem>> -> memref<1x128x128xf32, #tpu.memory_space<vmem>>
      %dma_wait3A_79 = tpu.memref_squeeze %dma_wait3A_78 : memref<1x128x128xf32, #tpu.memory_space<vmem>> -> memref<128x128xf32, #tpu.memory_space<vmem>>
      %dma_wait3A_80 = arith.constant 0 : i32
      %dma_wait3A_81 = tpu.memref_slice %arg19[%dma_wait3A_75, %dma_wait3A_80] : memref<40x128xi32, #tpu.memory_space<vmem>> -> memref<1x128xi32, #tpu.memory_space<vmem>>
      %dma_wait3A_82 = tpu.memref_squeeze %dma_wait3A_81 : memref<1x128xi32, #tpu.memory_space<vmem>> -> memref<128xi32, #tpu.memory_space<vmem>>
      %dma_wait3A_83 = arith.constant 0 : i32
      %dma_wait3A_84 = arith.constant 0 : i32
      %dma_wait3A_85 = tpu.memref_slice %arg21[%dma_wait3A_83, %dma_wait3A_84] : memref<10112x128xf32, #tpu.memory_space<vmem_shared>> -> memref<10112x128xf32, #tpu.memory_space<vmem_shared>>
      tpu.wait_indirect_dma semaphore(%arg25 : memref<!tpu.dma_semaphore, #tpu.memory_space<semaphore_mem>>) src(%dma_wait3A_79 : memref<128x128xf32, #tpu.memory_space<vmem>>) dst(%dma_wait3A_85 : memref<10112x128xf32, #tpu.memory_space<vmem_shared>>)
    } else {
    }
    %eq3A_10 = arith.constant 1 : i32
    %eq3A_11 = arith.cmpi eq, %arg0, %eq3A_10 : i32
    %convert_element_type3A_12 = arith.extui %eq3A_11 : i1 to i32
    %cond3A_13 = arith.constant 0 : i32
    %cond3A_14 = arith.cmpi ne, %convert_element_type3A_12, %cond3A_13 : i32
    scf.if %cond3A_14 {
      "tpu.region"() ({
        %run_scoped3A_108 = tpu.sem_alloc : memref<!tpu.dma_semaphore, #tpu.memory_space<semaphore_mem>>
        %dma_start3A_109 = arith.constant 0 : i32
        %dma_start3A_110 = arith.constant 0 : i32
        %dma_start3A_111 = tpu.memref_slice %arg7[%arg1, %dma_start3A_109, %dma_start3A_110] : memref<16x40x128xi32, #tpu.memory_space<hbm>> -> memref<1x40x128xi32, #tpu.memory_space<hbm>>
        %dma_start3A_112 = tpu.memref_squeeze %dma_start3A_111 : memref<1x40x128xi32, #tpu.memory_space<hbm>> -> memref<40x128xi32, #tpu.memory_space<hbm>>
        %dma_start3A_113 = arith.constant 0 : i32
        %dma_start3A_114 = arith.constant 0 : i32
        %dma_start3A_115 = tpu.memref_slice %arg7[%arg1, %dma_start3A_113, %dma_start3A_114] : memref<16x40x128xi32, #tpu.memory_space<hbm>> -> memref<1x40x128xi32, #tpu.memory_space<hbm>>
        %dma_start3A_116 = tpu.memref_squeeze %dma_start3A_115 : memref<1x40x128xi32, #tpu.memory_space<hbm>> -> memref<40x128xi32, #tpu.memory_space<hbm>>
        tpu.enqueue_dma source(%dma_start3A_116 : memref<40x128xi32, #tpu.memory_space<hbm>>) target(%arg18 : memref<40x128xi32, #tpu.memory_space<vmem>>) target_semaphore(%run_scoped3A_108 : memref<!tpu.dma_semaphore, #tpu.memory_space<semaphore_mem>>)
        %dma_wait3A_117 = arith.constant 0 : i32
        %dma_wait3A_118 = arith.constant 0 : i32
        %dma_wait3A_119 = tpu.memref_slice %arg7[%arg1, %dma_wait3A_117, %dma_wait3A_118] : memref<16x40x128xi32, #tpu.memory_space<hbm>> -> memref<1x40x128xi32, #tpu.memory_space<hbm>>
        %dma_wait3A_120 = tpu.memref_squeeze %dma_wait3A_119 : memref<1x40x128xi32, #tpu.memory_space<hbm>> -> memref<40x128xi32, #tpu.memory_space<hbm>>
        %dma_wait3A_121 = arith.constant 0 : i32
        %dma_wait3A_122 = arith.constant 0 : i32
        %dma_wait3A_123 = tpu.memref_slice %arg7[%arg1, %dma_wait3A_121, %dma_wait3A_122] : memref<16x40x128xi32, #tpu.memory_space<hbm>> -> memref<1x40x128xi32, #tpu.memory_space<hbm>>
        %dma_wait3A_124 = tpu.memref_squeeze %dma_wait3A_123 : memref<1x40x128xi32, #tpu.memory_space<hbm>> -> memref<40x128xi32, #tpu.memory_space<hbm>>
        tpu.wait_dma2 semaphore(%run_scoped3A_108 : memref<!tpu.dma_semaphore, #tpu.memory_space<semaphore_mem>>) src(%dma_wait3A_124 : memref<40x128xi32, #tpu.memory_space<hbm>>) dst(%arg18 : memref<40x128xi32, #tpu.memory_space<vmem>>)
        tpu.yield
      }) : () -> ()
      "tpu.region"() ({
        %run_scoped3A_108 = tpu.sem_alloc : memref<!tpu.dma_semaphore, #tpu.memory_space<semaphore_mem>>
        %dma_start3A_109 = arith.constant 0 : i32
        %dma_start3A_110 = arith.constant 0 : i32
        %dma_start3A_111 = tpu.memref_slice %arg8[%arg1, %dma_start3A_109, %dma_start3A_110] : memref<16x40x128xi32, #tpu.memory_space<hbm>> -> memref<1x40x128xi32, #tpu.memory_space<hbm>>
        %dma_start3A_112 = tpu.memref_squeeze %dma_start3A_111 : memref<1x40x128xi32, #tpu.memory_space<hbm>> -> memref<40x128xi32, #tpu.memory_space<hbm>>
        %dma_start3A_113 = arith.constant 0 : i32
        %dma_start3A_114 = arith.constant 0 : i32
        %dma_start3A_115 = tpu.memref_slice %arg8[%arg1, %dma_start3A_113, %dma_start3A_114] : memref<16x40x128xi32, #tpu.memory_space<hbm>> -> memref<1x40x128xi32, #tpu.memory_space<hbm>>
        %dma_start3A_116 = tpu.memref_squeeze %dma_start3A_115 : memref<1x40x128xi32, #tpu.memory_space<hbm>> -> memref<40x128xi32, #tpu.memory_space<hbm>>
        tpu.enqueue_dma source(%dma_start3A_116 : memref<40x128xi32, #tpu.memory_space<hbm>>) target(%arg19 : memref<40x128xi32, #tpu.memory_space<vmem>>) target_semaphore(%run_scoped3A_108 : memref<!tpu.dma_semaphore, #tpu.memory_space<semaphore_mem>>)
        %dma_wait3A_117 = arith.constant 0 : i32
        %dma_wait3A_118 = arith.constant 0 : i32
        %dma_wait3A_119 = tpu.memref_slice %arg8[%arg1, %dma_wait3A_117, %dma_wait3A_118] : memref<16x40x128xi32, #tpu.memory_space<hbm>> -> memref<1x40x128xi32, #tpu.memory_space<hbm>>
        %dma_wait3A_120 = tpu.memref_squeeze %dma_wait3A_119 : memref<1x40x128xi32, #tpu.memory_space<hbm>> -> memref<40x128xi32, #tpu.memory_space<hbm>>
        %dma_wait3A_121 = arith.constant 0 : i32
        %dma_wait3A_122 = arith.constant 0 : i32
        %dma_wait3A_123 = tpu.memref_slice %arg8[%arg1, %dma_wait3A_121, %dma_wait3A_122] : memref<16x40x128xi32, #tpu.memory_space<hbm>> -> memref<1x40x128xi32, #tpu.memory_space<hbm>>
        %dma_wait3A_124 = tpu.memref_squeeze %dma_wait3A_123 : memref<1x40x128xi32, #tpu.memory_space<hbm>> -> memref<40x128xi32, #tpu.memory_space<hbm>>
        tpu.wait_dma2 semaphore(%run_scoped3A_108 : memref<!tpu.dma_semaphore, #tpu.memory_space<semaphore_mem>>) src(%dma_wait3A_124 : memref<40x128xi32, #tpu.memory_space<hbm>>) dst(%arg19 : memref<40x128xi32, #tpu.memory_space<vmem>>)
        tpu.yield
      }) : () -> ()
      %dma_start3A = arith.constant 0 : i32
      %dma_start3A_26 = arith.constant 0 : i32
      %dma_start3A_27 = arith.constant 0 : i32
      %dma_start3A_28 = arith.constant 0 : i32
      %dma_start3A_29 = tpu.memref_slice %arg20[%dma_start3A_26, %dma_start3A_27, %dma_start3A_28] : memref<2x128x128xf32, #tpu.memory_space<vmem>> -> memref<1x128x128xf32, #tpu.memory_space<vmem>>
      %dma_start3A_30 = tpu.memref_squeeze %dma_start3A_29 : memref<1x128x128xf32, #tpu.memory_space<vmem>> -> memref<128x128xf32, #tpu.memory_space<vmem>>
      %dma_start3A_31 = arith.constant 0 : i32
      %dma_start3A_32 = tpu.memref_slice %arg18[%dma_start3A, %dma_start3A_31] : memref<40x128xi32, #tpu.memory_space<vmem>> -> memref<1x128xi32, #tpu.memory_space<vmem>>
      %dma_start3A_33 = tpu.memref_squeeze %dma_start3A_32 : memref<1x128xi32, #tpu.memory_space<vmem>> -> memref<128xi32, #tpu.memory_space<vmem>>
      %dma_start3A_34 = arith.constant 0 : i32
      %dma_start3A_35 = arith.constant 0 : i32
      %dma_start3A_36 = tpu.memref_slice %arg3[%dma_start3A_34, %dma_start3A_35] : memref<256x128xf32, #tpu.memory_space<hbm>> -> memref<256x128xf32, #tpu.memory_space<hbm>>
      tpu.enqueue_indirect_dma source(%dma_start3A_36 : memref<256x128xf32, #tpu.memory_space<hbm>>) target(%dma_start3A_30 : memref<128x128xf32, #tpu.memory_space<vmem>>) offsets(%dma_start3A_33 : memref<128xi32, #tpu.memory_space<vmem>>) semaphore(%arg24 : memref<!tpu.dma_semaphore, #tpu.memory_space<semaphore_mem>>)
      %scan3A = arith.constant 0 : i32
      %scan3A_37 = arith.constant 0 : i32
      %scan3A_38 = arith.constant 40 : i32
      %scan3A_39 = arith.addi %scan3A_37, %scan3A_38 : i32
      %scan3A_40 = arith.constant 1 : i32
      scf.for %scan3A_108 = %scan3A_37 to %scan3A_39 step %scan3A_40  : i32 {
        %rem3A = arith.constant 2 : i32
        %rem3A_109 = arith.remsi %scan3A_108, %rem3A : i32
        %add3A = arith.constant 1 : i32
        %add3A_110 = arith.addi %scan3A_108, %add3A : i32
        %rem3A_111 = arith.constant 2 : i32
        %rem3A_112 = arith.remsi %add3A_110, %rem3A_111 : i32
        %add3A_113 = arith.constant 0 : i32
        %add3A_114 = arith.addi %add3A_113, %scan3A_108 : i32
        %dma_wait3A_115 = arith.constant 0 : i32
        %dma_wait3A_116 = arith.constant 0 : i32
        %dma_wait3A_117 = tpu.memref_slice %arg20[%rem3A_109, %dma_wait3A_115, %dma_wait3A_116] : memref<2x128x128xf32, #tpu.memory_space<vmem>> -> memref<1x128x128xf32, #tpu.memory_space<vmem>>
        %dma_wait3A_118 = tpu.memref_squeeze %dma_wait3A_117 : memref<1x128x128xf32, #tpu.memory_space<vmem>> -> memref<128x128xf32, #tpu.memory_space<vmem>>
        %dma_wait3A_119 = arith.constant 0 : i32
        %dma_wait3A_120 = tpu.memref_slice %arg18[%add3A_114, %dma_wait3A_119] : memref<40x128xi32, #tpu.memory_space<vmem>> -> memref<1x128xi32, #tpu.memory_space<vmem>>
        %dma_wait3A_121 = tpu.memref_squeeze %dma_wait3A_120 : memref<1x128xi32, #tpu.memory_space<vmem>> -> memref<128xi32, #tpu.memory_space<vmem>>
        %dma_wait3A_122 = arith.constant 0 : i32
        %dma_wait3A_123 = arith.constant 0 : i32
        %dma_wait3A_124 = tpu.memref_slice %arg3[%dma_wait3A_122, %dma_wait3A_123] : memref<256x128xf32, #tpu.memory_space<hbm>> -> memref<256x128xf32, #tpu.memory_space<hbm>>
        tpu.wait_indirect_dma semaphore(%arg24 : memref<!tpu.dma_semaphore, #tpu.memory_space<semaphore_mem>>) src(%dma_wait3A_124 : memref<256x128xf32, #tpu.memory_space<hbm>>) dst(%dma_wait3A_118 : memref<128x128xf32, #tpu.memory_space<vmem>>)
        %gt3A = arith.constant 0 : i32
        %gt3A_125 = arith.cmpi sgt, %scan3A_108, %gt3A : i32
        %convert_element_type3A_126 = arith.extui %gt3A_125 : i1 to i32
        %cond3A_127 = arith.constant 0 : i32
        %cond3A_128 = arith.cmpi ne, %convert_element_type3A_126, %cond3A_127 : i32
        scf.if %cond3A_128 {
          %add3A_145 = arith.constant 0 : i32
          %add3A_146 = arith.addi %add3A_145, %scan3A_108 : i32
          %sub3A = arith.constant 1 : i32
          %sub3A_147 = arith.subi %add3A_146, %sub3A : i32
          %dma_wait3A_148 = arith.constant 0 : i32
          %dma_wait3A_149 = arith.constant 0 : i32
          %dma_wait3A_150 = tpu.memref_slice %arg20[%rem3A_112, %dma_wait3A_148, %dma_wait3A_149] : memref<2x128x128xf32, #tpu.memory_space<vmem>> -> memref<1x128x128xf32, #tpu.memory_space<vmem>>
          %dma_wait3A_151 = tpu.memref_squeeze %dma_wait3A_150 : memref<1x128x128xf32, #tpu.memory_space<vmem>> -> memref<128x128xf32, #tpu.memory_space<vmem>>
          %dma_wait3A_152 = arith.constant 0 : i32
          %dma_wait3A_153 = tpu.memref_slice %arg19[%sub3A_147, %dma_wait3A_152] : memref<40x128xi32, #tpu.memory_space<vmem>> -> memref<1x128xi32, #tpu.memory_space<vmem>>
          %dma_wait3A_154 = tpu.memref_squeeze %dma_wait3A_153 : memref<1x128xi32, #tpu.memory_space<vmem>> -> memref<128xi32, #tpu.memory_space<vmem>>
          %dma_wait3A_155 = arith.constant 0 : i32
          %dma_wait3A_156 = arith.constant 0 : i32
          %dma_wait3A_157 = tpu.memref_slice %arg21[%dma_wait3A_155, %dma_wait3A_156] : memref<10112x128xf32, #tpu.memory_space<vmem_shared>> -> memref<10112x128xf32, #tpu.memory_space<vmem_shared>>
          tpu.wait_indirect_dma semaphore(%arg25 : memref<!tpu.dma_semaphore, #tpu.memory_space<semaphore_mem>>) src(%dma_wait3A_151 : memref<128x128xf32, #tpu.memory_space<vmem>>) dst(%dma_wait3A_157 : memref<10112x128xf32, #tpu.memory_space<vmem_shared>>)
        } else {
        }
        %lt3A = arith.constant 39 : i32
        %lt3A_129 = arith.cmpi slt, %scan3A_108, %lt3A : i32
        %convert_element_type3A_130 = arith.extui %lt3A_129 : i1 to i32
        %cond3A_131 = arith.constant 0 : i32
        %cond3A_132 = arith.cmpi ne, %convert_element_type3A_130, %cond3A_131 : i32
        scf.if %cond3A_132 {
          %add3A_145 = arith.constant 0 : i32
          %add3A_146 = arith.addi %add3A_145, %scan3A_108 : i32
          %add3A_147 = arith.constant 1 : i32
          %add3A_148 = arith.addi %add3A_146, %add3A_147 : i32
          %dma_start3A_149 = arith.constant 0 : i32
          %dma_start3A_150 = arith.constant 0 : i32
          %dma_start3A_151 = tpu.memref_slice %arg20[%rem3A_112, %dma_start3A_149, %dma_start3A_150] : memref<2x128x128xf32, #tpu.memory_space<vmem>> -> memref<1x128x128xf32, #tpu.memory_space<vmem>>
          %dma_start3A_152 = tpu.memref_squeeze %dma_start3A_151 : memref<1x128x128xf32, #tpu.memory_space<vmem>> -> memref<128x128xf32, #tpu.memory_space<vmem>>
          %dma_start3A_153 = arith.constant 0 : i32
          %dma_start3A_154 = tpu.memref_slice %arg18[%add3A_148, %dma_start3A_153] : memref<40x128xi32, #tpu.memory_space<vmem>> -> memref<1x128xi32, #tpu.memory_space<vmem>>
          %dma_start3A_155 = tpu.memref_squeeze %dma_start3A_154 : memref<1x128xi32, #tpu.memory_space<vmem>> -> memref<128xi32, #tpu.memory_space<vmem>>
          %dma_start3A_156 = arith.constant 0 : i32
          %dma_start3A_157 = arith.constant 0 : i32
          %dma_start3A_158 = tpu.memref_slice %arg3[%dma_start3A_156, %dma_start3A_157] : memref<256x128xf32, #tpu.memory_space<hbm>> -> memref<256x128xf32, #tpu.memory_space<hbm>>
          tpu.enqueue_indirect_dma source(%dma_start3A_158 : memref<256x128xf32, #tpu.memory_space<hbm>>) target(%dma_start3A_152 : memref<128x128xf32, #tpu.memory_space<vmem>>) offsets(%dma_start3A_155 : memref<128xi32, #tpu.memory_space<vmem>>) semaphore(%arg24 : memref<!tpu.dma_semaphore, #tpu.memory_space<semaphore_mem>>)
        } else {
        }
        %add3A_133 = arith.constant 0 : i32
        %add3A_134 = arith.addi %add3A_133, %scan3A_108 : i32
        %dma_start3A_135 = arith.constant 0 : i32
        %dma_start3A_136 = arith.constant 0 : i32
        %dma_start3A_137 = tpu.memref_slice %arg20[%rem3A_109, %dma_start3A_135, %dma_start3A_136] : memref<2x128x128xf32, #tpu.memory_space<vmem>> -> memref<1x128x128xf32, #tpu.memory_space<vmem>>
        %dma_start3A_138 = tpu.memref_squeeze %dma_start3A_137 : memref<1x128x128xf32, #tpu.memory_space<vmem>> -> memref<128x128xf32, #tpu.memory_space<vmem>>
        %dma_start3A_139 = arith.constant 0 : i32
        %dma_start3A_140 = tpu.memref_slice %arg19[%add3A_134, %dma_start3A_139] : memref<40x128xi32, #tpu.memory_space<vmem>> -> memref<1x128xi32, #tpu.memory_space<vmem>>
        %dma_start3A_141 = tpu.memref_squeeze %dma_start3A_140 : memref<1x128xi32, #tpu.memory_space<vmem>> -> memref<128xi32, #tpu.memory_space<vmem>>
        %dma_start3A_142 = arith.constant 0 : i32
        %dma_start3A_143 = arith.constant 0 : i32
        %dma_start3A_144 = tpu.memref_slice %arg21[%dma_start3A_142, %dma_start3A_143] : memref<10112x128xf32, #tpu.memory_space<vmem_shared>> -> memref<10112x128xf32, #tpu.memory_space<vmem_shared>>
        tpu.enqueue_indirect_dma source(%dma_start3A_138 : memref<128x128xf32, #tpu.memory_space<vmem>>) target(%dma_start3A_144 : memref<10112x128xf32, #tpu.memory_space<vmem_shared>>) offsets(%dma_start3A_141 : memref<128xi32, #tpu.memory_space<vmem>>) semaphore(%arg25 : memref<!tpu.dma_semaphore, #tpu.memory_space<semaphore_mem>>) {add = true}
      }
      %scan3A_41 = arith.constant 40 : i32
      %dma_wait3A = arith.constant 1 : i32
      %dma_wait3A_42 = arith.constant 39 : i32
      %dma_wait3A_43 = arith.constant 0 : i32
      %dma_wait3A_44 = arith.constant 0 : i32
      %dma_wait3A_45 = tpu.memref_slice %arg20[%dma_wait3A, %dma_wait3A_43, %dma_wait3A_44] : memref<2x128x128xf32, #tpu.memory_space<vmem>> -> memref<1x128x128xf32, #tpu.memory_space<vmem>>
      %dma_wait3A_46 = tpu.memref_squeeze %dma_wait3A_45 : memref<1x128x128xf32, #tpu.memory_space<vmem>> -> memref<128x128xf32, #tpu.memory_space<vmem>>
      %dma_wait3A_47 = arith.constant 0 : i32
      %dma_wait3A_48 = tpu.memref_slice %arg19[%dma_wait3A_42, %dma_wait3A_47] : memref<40x128xi32, #tpu.memory_space<vmem>> -> memref<1x128xi32, #tpu.memory_space<vmem>>
      %dma_wait3A_49 = tpu.memref_squeeze %dma_wait3A_48 : memref<1x128xi32, #tpu.memory_space<vmem>> -> memref<128xi32, #tpu.memory_space<vmem>>
      %dma_wait3A_50 = arith.constant 0 : i32
      %dma_wait3A_51 = arith.constant 0 : i32
      %dma_wait3A_52 = tpu.memref_slice %arg21[%dma_wait3A_50, %dma_wait3A_51] : memref<10112x128xf32, #tpu.memory_space<vmem_shared>> -> memref<10112x128xf32, #tpu.memory_space<vmem_shared>>
      tpu.wait_indirect_dma semaphore(%arg25 : memref<!tpu.dma_semaphore, #tpu.memory_space<semaphore_mem>>) src(%dma_wait3A_46 : memref<128x128xf32, #tpu.memory_space<vmem>>) dst(%dma_wait3A_52 : memref<10112x128xf32, #tpu.memory_space<vmem_shared>>)
      "tpu.region"() ({
        %run_scoped3A_108 = tpu.sem_alloc : memref<!tpu.dma_semaphore, #tpu.memory_space<semaphore_mem>>
        %dma_start3A_109 = arith.constant 0 : i32
        %dma_start3A_110 = arith.constant 0 : i32
        %dma_start3A_111 = tpu.memref_slice %arg9[%arg1, %dma_start3A_109, %dma_start3A_110] : memref<16x40x128xi32, #tpu.memory_space<hbm>> -> memref<1x40x128xi32, #tpu.memory_space<hbm>>
        %dma_start3A_112 = tpu.memref_squeeze %dma_start3A_111 : memref<1x40x128xi32, #tpu.memory_space<hbm>> -> memref<40x128xi32, #tpu.memory_space<hbm>>
        %dma_start3A_113 = arith.constant 0 : i32
        %dma_start3A_114 = arith.constant 0 : i32
        %dma_start3A_115 = tpu.memref_slice %arg9[%arg1, %dma_start3A_113, %dma_start3A_114] : memref<16x40x128xi32, #tpu.memory_space<hbm>> -> memref<1x40x128xi32, #tpu.memory_space<hbm>>
        %dma_start3A_116 = tpu.memref_squeeze %dma_start3A_115 : memref<1x40x128xi32, #tpu.memory_space<hbm>> -> memref<40x128xi32, #tpu.memory_space<hbm>>
        tpu.enqueue_dma source(%dma_start3A_116 : memref<40x128xi32, #tpu.memory_space<hbm>>) target(%arg18 : memref<40x128xi32, #tpu.memory_space<vmem>>) target_semaphore(%run_scoped3A_108 : memref<!tpu.dma_semaphore, #tpu.memory_space<semaphore_mem>>)
        %dma_wait3A_117 = arith.constant 0 : i32
        %dma_wait3A_118 = arith.constant 0 : i32
        %dma_wait3A_119 = tpu.memref_slice %arg9[%arg1, %dma_wait3A_117, %dma_wait3A_118] : memref<16x40x128xi32, #tpu.memory_space<hbm>> -> memref<1x40x128xi32, #tpu.memory_space<hbm>>
        %dma_wait3A_120 = tpu.memref_squeeze %dma_wait3A_119 : memref<1x40x128xi32, #tpu.memory_space<hbm>> -> memref<40x128xi32, #tpu.memory_space<hbm>>
        %dma_wait3A_121 = arith.constant 0 : i32
        %dma_wait3A_122 = arith.constant 0 : i32
        %dma_wait3A_123 = tpu.memref_slice %arg9[%arg1, %dma_wait3A_121, %dma_wait3A_122] : memref<16x40x128xi32, #tpu.memory_space<hbm>> -> memref<1x40x128xi32, #tpu.memory_space<hbm>>
        %dma_wait3A_124 = tpu.memref_squeeze %dma_wait3A_123 : memref<1x40x128xi32, #tpu.memory_space<hbm>> -> memref<40x128xi32, #tpu.memory_space<hbm>>
        tpu.wait_dma2 semaphore(%run_scoped3A_108 : memref<!tpu.dma_semaphore, #tpu.memory_space<semaphore_mem>>) src(%dma_wait3A_124 : memref<40x128xi32, #tpu.memory_space<hbm>>) dst(%arg18 : memref<40x128xi32, #tpu.memory_space<vmem>>)
        tpu.yield
      }) : () -> ()
      "tpu.region"() ({
        %run_scoped3A_108 = tpu.sem_alloc : memref<!tpu.dma_semaphore, #tpu.memory_space<semaphore_mem>>
        %dma_start3A_109 = arith.constant 0 : i32
        %dma_start3A_110 = arith.constant 0 : i32
        %dma_start3A_111 = tpu.memref_slice %arg10[%arg1, %dma_start3A_109, %dma_start3A_110] : memref<16x40x128xi32, #tpu.memory_space<hbm>> -> memref<1x40x128xi32, #tpu.memory_space<hbm>>
        %dma_start3A_112 = tpu.memref_squeeze %dma_start3A_111 : memref<1x40x128xi32, #tpu.memory_space<hbm>> -> memref<40x128xi32, #tpu.memory_space<hbm>>
        %dma_start3A_113 = arith.constant 0 : i32
        %dma_start3A_114 = arith.constant 0 : i32
        %dma_start3A_115 = tpu.memref_slice %arg10[%arg1, %dma_start3A_113, %dma_start3A_114] : memref<16x40x128xi32, #tpu.memory_space<hbm>> -> memref<1x40x128xi32, #tpu.memory_space<hbm>>
        %dma_start3A_116 = tpu.memref_squeeze %dma_start3A_115 : memref<1x40x128xi32, #tpu.memory_space<hbm>> -> memref<40x128xi32, #tpu.memory_space<hbm>>
        tpu.enqueue_dma source(%dma_start3A_116 : memref<40x128xi32, #tpu.memory_space<hbm>>) target(%arg19 : memref<40x128xi32, #tpu.memory_space<vmem>>) target_semaphore(%run_scoped3A_108 : memref<!tpu.dma_semaphore, #tpu.memory_space<semaphore_mem>>)
        %dma_wait3A_117 = arith.constant 0 : i32
        %dma_wait3A_118 = arith.constant 0 : i32
        %dma_wait3A_119 = tpu.memref_slice %arg10[%arg1, %dma_wait3A_117, %dma_wait3A_118] : memref<16x40x128xi32, #tpu.memory_space<hbm>> -> memref<1x40x128xi32, #tpu.memory_space<hbm>>
        %dma_wait3A_120 = tpu.memref_squeeze %dma_wait3A_119 : memref<1x40x128xi32, #tpu.memory_space<hbm>> -> memref<40x128xi32, #tpu.memory_space<hbm>>
        %dma_wait3A_121 = arith.constant 0 : i32
        %dma_wait3A_122 = arith.constant 0 : i32
        %dma_wait3A_123 = tpu.memref_slice %arg10[%arg1, %dma_wait3A_121, %dma_wait3A_122] : memref<16x40x128xi32, #tpu.memory_space<hbm>> -> memref<1x40x128xi32, #tpu.memory_space<hbm>>
        %dma_wait3A_124 = tpu.memref_squeeze %dma_wait3A_123 : memref<1x40x128xi32, #tpu.memory_space<hbm>> -> memref<40x128xi32, #tpu.memory_space<hbm>>
        tpu.wait_dma2 semaphore(%run_scoped3A_108 : memref<!tpu.dma_semaphore, #tpu.memory_space<semaphore_mem>>) src(%dma_wait3A_124 : memref<40x128xi32, #tpu.memory_space<hbm>>) dst(%arg19 : memref<40x128xi32, #tpu.memory_space<vmem>>)
        tpu.yield
      }) : () -> ()
      %dma_start3A_53 = arith.constant 0 : i32
      %dma_start3A_54 = arith.constant 0 : i32
      %dma_start3A_55 = arith.constant 0 : i32
      %dma_start3A_56 = arith.constant 0 : i32
      %dma_start3A_57 = tpu.memref_slice %arg20[%dma_start3A_54, %dma_start3A_55, %dma_start3A_56] : memref<2x128x128xf32, #tpu.memory_space<vmem>> -> memref<1x128x128xf32, #tpu.memory_space<vmem>>
      %dma_start3A_58 = tpu.memref_squeeze %dma_start3A_57 : memref<1x128x128xf32, #tpu.memory_space<vmem>> -> memref<128x128xf32, #tpu.memory_space<vmem>>
      %dma_start3A_59 = arith.constant 0 : i32
      %dma_start3A_60 = tpu.memref_slice %arg18[%dma_start3A_53, %dma_start3A_59] : memref<40x128xi32, #tpu.memory_space<vmem>> -> memref<1x128xi32, #tpu.memory_space<vmem>>
      %dma_start3A_61 = tpu.memref_squeeze %dma_start3A_60 : memref<1x128xi32, #tpu.memory_space<vmem>> -> memref<128xi32, #tpu.memory_space<vmem>>
      %dma_start3A_62 = arith.constant 0 : i32
      %dma_start3A_63 = arith.constant 0 : i32
      %dma_start3A_64 = tpu.memref_slice %arg2[%dma_start3A_62, %dma_start3A_63] : memref<10000x128xf32, #tpu.memory_space<hbm>> -> memref<10000x128xf32, #tpu.memory_space<hbm>>
      tpu.enqueue_indirect_dma source(%dma_start3A_64 : memref<10000x128xf32, #tpu.memory_space<hbm>>) target(%dma_start3A_58 : memref<128x128xf32, #tpu.memory_space<vmem>>) offsets(%dma_start3A_61 : memref<128xi32, #tpu.memory_space<vmem>>) semaphore(%arg24 : memref<!tpu.dma_semaphore, #tpu.memory_space<semaphore_mem>>)
      %scan3A_65 = arith.constant 0 : i32
      %scan3A_66 = arith.constant 0 : i32
      %scan3A_67 = arith.constant 40 : i32
      %scan3A_68 = arith.addi %scan3A_66, %scan3A_67 : i32
      %scan3A_69 = arith.constant 1 : i32
      scf.for %scan3A_108 = %scan3A_66 to %scan3A_68 step %scan3A_69  : i32 {
        %rem3A = arith.constant 2 : i32
        %rem3A_109 = arith.remsi %scan3A_108, %rem3A : i32
        %add3A = arith.constant 1 : i32
        %add3A_110 = arith.addi %scan3A_108, %add3A : i32
        %rem3A_111 = arith.constant 2 : i32
        %rem3A_112 = arith.remsi %add3A_110, %rem3A_111 : i32
        %add3A_113 = arith.constant 0 : i32
        %add3A_114 = arith.addi %add3A_113, %scan3A_108 : i32
        %dma_wait3A_115 = arith.constant 0 : i32
        %dma_wait3A_116 = arith.constant 0 : i32
        %dma_wait3A_117 = tpu.memref_slice %arg20[%rem3A_109, %dma_wait3A_115, %dma_wait3A_116] : memref<2x128x128xf32, #tpu.memory_space<vmem>> -> memref<1x128x128xf32, #tpu.memory_space<vmem>>
        %dma_wait3A_118 = tpu.memref_squeeze %dma_wait3A_117 : memref<1x128x128xf32, #tpu.memory_space<vmem>> -> memref<128x128xf32, #tpu.memory_space<vmem>>
        %dma_wait3A_119 = arith.constant 0 : i32
        %dma_wait3A_120 = tpu.memref_slice %arg18[%add3A_114, %dma_wait3A_119] : memref<40x128xi32, #tpu.memory_space<vmem>> -> memref<1x128xi32, #tpu.memory_space<vmem>>
        %dma_wait3A_121 = tpu.memref_squeeze %dma_wait3A_120 : memref<1x128xi32, #tpu.memory_space<vmem>> -> memref<128xi32, #tpu.memory_space<vmem>>
        %dma_wait3A_122 = arith.constant 0 : i32
        %dma_wait3A_123 = arith.constant 0 : i32
        %dma_wait3A_124 = tpu.memref_slice %arg2[%dma_wait3A_122, %dma_wait3A_123] : memref<10000x128xf32, #tpu.memory_space<hbm>> -> memref<10000x128xf32, #tpu.memory_space<hbm>>
        tpu.wait_indirect_dma semaphore(%arg24 : memref<!tpu.dma_semaphore, #tpu.memory_space<semaphore_mem>>) src(%dma_wait3A_124 : memref<10000x128xf32, #tpu.memory_space<hbm>>) dst(%dma_wait3A_118 : memref<128x128xf32, #tpu.memory_space<vmem>>)
        %gt3A = arith.constant 0 : i32
        %gt3A_125 = arith.cmpi sgt, %scan3A_108, %gt3A : i32
        %convert_element_type3A_126 = arith.extui %gt3A_125 : i1 to i32
        %cond3A_127 = arith.constant 0 : i32
        %cond3A_128 = arith.cmpi ne, %convert_element_type3A_126, %cond3A_127 : i32
        scf.if %cond3A_128 {
          %add3A_145 = arith.constant 0 : i32
          %add3A_146 = arith.addi %add3A_145, %scan3A_108 : i32
          %sub3A = arith.constant 1 : i32
          %sub3A_147 = arith.subi %add3A_146, %sub3A : i32
          %dma_wait3A_148 = arith.constant 0 : i32
          %dma_wait3A_149 = arith.constant 0 : i32
          %dma_wait3A_150 = tpu.memref_slice %arg20[%rem3A_112, %dma_wait3A_148, %dma_wait3A_149] : memref<2x128x128xf32, #tpu.memory_space<vmem>> -> memref<1x128x128xf32, #tpu.memory_space<vmem>>
          %dma_wait3A_151 = tpu.memref_squeeze %dma_wait3A_150 : memref<1x128x128xf32, #tpu.memory_space<vmem>> -> memref<128x128xf32, #tpu.memory_space<vmem>>
          %dma_wait3A_152 = arith.constant 0 : i32
          %dma_wait3A_153 = tpu.memref_slice %arg19[%sub3A_147, %dma_wait3A_152] : memref<40x128xi32, #tpu.memory_space<vmem>> -> memref<1x128xi32, #tpu.memory_space<vmem>>
          %dma_wait3A_154 = tpu.memref_squeeze %dma_wait3A_153 : memref<1x128xi32, #tpu.memory_space<vmem>> -> memref<128xi32, #tpu.memory_space<vmem>>
          %dma_wait3A_155 = arith.constant 0 : i32
          %dma_wait3A_156 = arith.constant 0 : i32
          %dma_wait3A_157 = tpu.memref_slice %arg22[%dma_wait3A_155, %dma_wait3A_156] : memref<384x128xf32, #tpu.memory_space<vmem_shared>> -> memref<384x128xf32, #tpu.memory_space<vmem_shared>>
          tpu.wait_indirect_dma semaphore(%arg25 : memref<!tpu.dma_semaphore, #tpu.memory_space<semaphore_mem>>) src(%dma_wait3A_151 : memref<128x128xf32, #tpu.memory_space<vmem>>) dst(%dma_wait3A_157 : memref<384x128xf32, #tpu.memory_space<vmem_shared>>)
        } else {
        }
        %lt3A = arith.constant 39 : i32
        %lt3A_129 = arith.cmpi slt, %scan3A_108, %lt3A : i32
        %convert_element_type3A_130 = arith.extui %lt3A_129 : i1 to i32
        %cond3A_131 = arith.constant 0 : i32
        %cond3A_132 = arith.cmpi ne, %convert_element_type3A_130, %cond3A_131 : i32
        scf.if %cond3A_132 {
          %add3A_145 = arith.constant 0 : i32
          %add3A_146 = arith.addi %add3A_145, %scan3A_108 : i32
          %add3A_147 = arith.constant 1 : i32
          %add3A_148 = arith.addi %add3A_146, %add3A_147 : i32
          %dma_start3A_149 = arith.constant 0 : i32
          %dma_start3A_150 = arith.constant 0 : i32
          %dma_start3A_151 = tpu.memref_slice %arg20[%rem3A_112, %dma_start3A_149, %dma_start3A_150] : memref<2x128x128xf32, #tpu.memory_space<vmem>> -> memref<1x128x128xf32, #tpu.memory_space<vmem>>
          %dma_start3A_152 = tpu.memref_squeeze %dma_start3A_151 : memref<1x128x128xf32, #tpu.memory_space<vmem>> -> memref<128x128xf32, #tpu.memory_space<vmem>>
          %dma_start3A_153 = arith.constant 0 : i32
          %dma_start3A_154 = tpu.memref_slice %arg18[%add3A_148, %dma_start3A_153] : memref<40x128xi32, #tpu.memory_space<vmem>> -> memref<1x128xi32, #tpu.memory_space<vmem>>
          %dma_start3A_155 = tpu.memref_squeeze %dma_start3A_154 : memref<1x128xi32, #tpu.memory_space<vmem>> -> memref<128xi32, #tpu.memory_space<vmem>>
          %dma_start3A_156 = arith.constant 0 : i32
          %dma_start3A_157 = arith.constant 0 : i32
          %dma_start3A_158 = tpu.memref_slice %arg2[%dma_start3A_156, %dma_start3A_157] : memref<10000x128xf32, #tpu.memory_space<hbm>> -> memref<10000x128xf32, #tpu.memory_space<hbm>>
          tpu.enqueue_indirect_dma source(%dma_start3A_158 : memref<10000x128xf32, #tpu.memory_space<hbm>>) target(%dma_start3A_152 : memref<128x128xf32, #tpu.memory_space<vmem>>) offsets(%dma_start3A_155 : memref<128xi32, #tpu.memory_space<vmem>>) semaphore(%arg24 : memref<!tpu.dma_semaphore, #tpu.memory_space<semaphore_mem>>)
        } else {
        }
        %add3A_133 = arith.constant 0 : i32
        %add3A_134 = arith.addi %add3A_133, %scan3A_108 : i32
        %dma_start3A_135 = arith.constant 0 : i32
        %dma_start3A_136 = arith.constant 0 : i32
        %dma_start3A_137 = tpu.memref_slice %arg20[%rem3A_109, %dma_start3A_135, %dma_start3A_136] : memref<2x128x128xf32, #tpu.memory_space<vmem>> -> memref<1x128x128xf32, #tpu.memory_space<vmem>>
        %dma_start3A_138 = tpu.memref_squeeze %dma_start3A_137 : memref<1x128x128xf32, #tpu.memory_space<vmem>> -> memref<128x128xf32, #tpu.memory_space<vmem>>
        %dma_start3A_139 = arith.constant 0 : i32
        %dma_start3A_140 = tpu.memref_slice %arg19[%add3A_134, %dma_start3A_139] : memref<40x128xi32, #tpu.memory_space<vmem>> -> memref<1x128xi32, #tpu.memory_space<vmem>>
        %dma_start3A_141 = tpu.memref_squeeze %dma_start3A_140 : memref<1x128xi32, #tpu.memory_space<vmem>> -> memref<128xi32, #tpu.memory_space<vmem>>
        %dma_start3A_142 = arith.constant 0 : i32
        %dma_start3A_143 = arith.constant 0 : i32
        %dma_start3A_144 = tpu.memref_slice %arg22[%dma_start3A_142, %dma_start3A_143] : memref<384x128xf32, #tpu.memory_space<vmem_shared>> -> memref<384x128xf32, #tpu.memory_space<vmem_shared>>
        tpu.enqueue_indirect_dma source(%dma_start3A_138 : memref<128x128xf32, #tpu.memory_space<vmem>>) target(%dma_start3A_144 : memref<384x128xf32, #tpu.memory_space<vmem_shared>>) offsets(%dma_start3A_141 : memref<128xi32, #tpu.memory_space<vmem>>) semaphore(%arg25 : memref<!tpu.dma_semaphore, #tpu.memory_space<semaphore_mem>>) {add = true}
      }
      %scan3A_70 = arith.constant 40 : i32
      %dma_wait3A_71 = arith.constant 1 : i32
      %dma_wait3A_72 = arith.constant 39 : i32
      %dma_wait3A_73 = arith.constant 0 : i32
      %dma_wait3A_74 = arith.constant 0 : i32
      %dma_wait3A_75 = tpu.memref_slice %arg20[%dma_wait3A_71, %dma_wait3A_73, %dma_wait3A_74] : memref<2x128x128xf32, #tpu.memory_space<vmem>> -> memref<1x128x128xf32, #tpu.memory_space<vmem>>
      %dma_wait3A_76 = tpu.memref_squeeze %dma_wait3A_75 : memref<1x128x128xf32, #tpu.memory_space<vmem>> -> memref<128x128xf32, #tpu.memory_space<vmem>>
      %dma_wait3A_77 = arith.constant 0 : i32
      %dma_wait3A_78 = tpu.memref_slice %arg19[%dma_wait3A_72, %dma_wait3A_77] : memref<40x128xi32, #tpu.memory_space<vmem>> -> memref<1x128xi32, #tpu.memory_space<vmem>>
      %dma_wait3A_79 = tpu.memref_squeeze %dma_wait3A_78 : memref<1x128xi32, #tpu.memory_space<vmem>> -> memref<128xi32, #tpu.memory_space<vmem>>
      %dma_wait3A_80 = arith.constant 0 : i32
      %dma_wait3A_81 = arith.constant 0 : i32
      %dma_wait3A_82 = tpu.memref_slice %arg22[%dma_wait3A_80, %dma_wait3A_81] : memref<384x128xf32, #tpu.memory_space<vmem_shared>> -> memref<384x128xf32, #tpu.memory_space<vmem_shared>>
      tpu.wait_indirect_dma semaphore(%arg25 : memref<!tpu.dma_semaphore, #tpu.memory_space<semaphore_mem>>) src(%dma_wait3A_76 : memref<128x128xf32, #tpu.memory_space<vmem>>) dst(%dma_wait3A_82 : memref<384x128xf32, #tpu.memory_space<vmem_shared>>)
      "tpu.region"() ({
        %run_scoped3A_108 = tpu.sem_alloc : memref<!tpu.dma_semaphore, #tpu.memory_space<semaphore_mem>>
        %dma_start3A_109 = arith.constant 0 : i32
        %dma_start3A_110 = arith.constant 0 : i32
        %dma_start3A_111 = tpu.memref_slice %arg18[%dma_start3A_109, %dma_start3A_110] : memref<40x128xi32, #tpu.memory_space<vmem>> -> memref<1x128xi32, #tpu.memory_space<vmem>>
        %dma_start3A_112 = arith.constant 0 : i32
        %dma_start3A_113 = arith.constant 0 : i32
        %dma_start3A_114 = tpu.memref_slice %arg11[%arg1, %dma_start3A_112, %dma_start3A_113] : memref<16x1x128xi32, #tpu.memory_space<hbm>> -> memref<1x1x128xi32, #tpu.memory_space<hbm>>
        %dma_start3A_115 = tpu.memref_squeeze %dma_start3A_114 : memref<1x1x128xi32, #tpu.memory_space<hbm>> -> memref<1x128xi32, #tpu.memory_space<hbm>>
        %dma_start3A_116 = arith.constant 0 : i32
        %dma_start3A_117 = arith.constant 0 : i32
        %dma_start3A_118 = tpu.memref_slice %arg18[%dma_start3A_116, %dma_start3A_117] : memref<40x128xi32, #tpu.memory_space<vmem>> -> memref<1x128xi32, #tpu.memory_space<vmem>>
        %dma_start3A_119 = arith.constant 0 : i32
        %dma_start3A_120 = arith.constant 0 : i32
        %dma_start3A_121 = tpu.memref_slice %arg11[%arg1, %dma_start3A_119, %dma_start3A_120] : memref<16x1x128xi32, #tpu.memory_space<hbm>> -> memref<1x1x128xi32, #tpu.memory_space<hbm>>
        %dma_start3A_122 = tpu.memref_squeeze %dma_start3A_121 : memref<1x1x128xi32, #tpu.memory_space<hbm>> -> memref<1x128xi32, #tpu.memory_space<hbm>>
        tpu.enqueue_dma source(%dma_start3A_122 : memref<1x128xi32, #tpu.memory_space<hbm>>) target(%dma_start3A_118 : memref<1x128xi32, #tpu.memory_space<vmem>>) target_semaphore(%run_scoped3A_108 : memref<!tpu.dma_semaphore, #tpu.memory_space<semaphore_mem>>)
        %dma_wait3A_123 = arith.constant 0 : i32
        %dma_wait3A_124 = arith.constant 0 : i32
        %dma_wait3A_125 = tpu.memref_slice %arg18[%dma_wait3A_123, %dma_wait3A_124] : memref<40x128xi32, #tpu.memory_space<vmem>> -> memref<1x128xi32, #tpu.memory_space<vmem>>
        %dma_wait3A_126 = arith.constant 0 : i32
        %dma_wait3A_127 = arith.constant 0 : i32
        %dma_wait3A_128 = tpu.memref_slice %arg11[%arg1, %dma_wait3A_126, %dma_wait3A_127] : memref<16x1x128xi32, #tpu.memory_space<hbm>> -> memref<1x1x128xi32, #tpu.memory_space<hbm>>
        %dma_wait3A_129 = tpu.memref_squeeze %dma_wait3A_128 : memref<1x1x128xi32, #tpu.memory_space<hbm>> -> memref<1x128xi32, #tpu.memory_space<hbm>>
        %dma_wait3A_130 = arith.constant 0 : i32
        %dma_wait3A_131 = arith.constant 0 : i32
        %dma_wait3A_132 = tpu.memref_slice %arg18[%dma_wait3A_130, %dma_wait3A_131] : memref<40x128xi32, #tpu.memory_space<vmem>> -> memref<1x128xi32, #tpu.memory_space<vmem>>
        %dma_wait3A_133 = arith.constant 0 : i32
        %dma_wait3A_134 = arith.constant 0 : i32
        %dma_wait3A_135 = tpu.memref_slice %arg11[%arg1, %dma_wait3A_133, %dma_wait3A_134] : memref<16x1x128xi32, #tpu.memory_space<hbm>> -> memref<1x1x128xi32, #tpu.memory_space<hbm>>
        %dma_wait3A_136 = tpu.memref_squeeze %dma_wait3A_135 : memref<1x1x128xi32, #tpu.memory_space<hbm>> -> memref<1x128xi32, #tpu.memory_space<hbm>>
        tpu.wait_dma2 semaphore(%run_scoped3A_108 : memref<!tpu.dma_semaphore, #tpu.memory_space<semaphore_mem>>) src(%dma_wait3A_136 : memref<1x128xi32, #tpu.memory_space<hbm>>) dst(%dma_wait3A_132 : memref<1x128xi32, #tpu.memory_space<vmem>>)
        tpu.yield
      }) : () -> ()
      "tpu.region"() ({
        %run_scoped3A_108 = tpu.sem_alloc : memref<!tpu.dma_semaphore, #tpu.memory_space<semaphore_mem>>
        %dma_start3A_109 = arith.constant 0 : i32
        %dma_start3A_110 = arith.constant 0 : i32
        %dma_start3A_111 = tpu.memref_slice %arg19[%dma_start3A_109, %dma_start3A_110] : memref<40x128xi32, #tpu.memory_space<vmem>> -> memref<1x128xi32, #tpu.memory_space<vmem>>
        %dma_start3A_112 = arith.constant 0 : i32
        %dma_start3A_113 = arith.constant 0 : i32
        %dma_start3A_114 = tpu.memref_slice %arg12[%arg1, %dma_start3A_112, %dma_start3A_113] : memref<16x1x128xi32, #tpu.memory_space<hbm>> -> memref<1x1x128xi32, #tpu.memory_space<hbm>>
        %dma_start3A_115 = tpu.memref_squeeze %dma_start3A_114 : memref<1x1x128xi32, #tpu.memory_space<hbm>> -> memref<1x128xi32, #tpu.memory_space<hbm>>
        %dma_start3A_116 = arith.constant 0 : i32
        %dma_start3A_117 = arith.constant 0 : i32
        %dma_start3A_118 = tpu.memref_slice %arg19[%dma_start3A_116, %dma_start3A_117] : memref<40x128xi32, #tpu.memory_space<vmem>> -> memref<1x128xi32, #tpu.memory_space<vmem>>
        %dma_start3A_119 = arith.constant 0 : i32
        %dma_start3A_120 = arith.constant 0 : i32
        %dma_start3A_121 = tpu.memref_slice %arg12[%arg1, %dma_start3A_119, %dma_start3A_120] : memref<16x1x128xi32, #tpu.memory_space<hbm>> -> memref<1x1x128xi32, #tpu.memory_space<hbm>>
        %dma_start3A_122 = tpu.memref_squeeze %dma_start3A_121 : memref<1x1x128xi32, #tpu.memory_space<hbm>> -> memref<1x128xi32, #tpu.memory_space<hbm>>
        tpu.enqueue_dma source(%dma_start3A_122 : memref<1x128xi32, #tpu.memory_space<hbm>>) target(%dma_start3A_118 : memref<1x128xi32, #tpu.memory_space<vmem>>) target_semaphore(%run_scoped3A_108 : memref<!tpu.dma_semaphore, #tpu.memory_space<semaphore_mem>>)
        %dma_wait3A_123 = arith.constant 0 : i32
        %dma_wait3A_124 = arith.constant 0 : i32
        %dma_wait3A_125 = tpu.memref_slice %arg19[%dma_wait3A_123, %dma_wait3A_124] : memref<40x128xi32, #tpu.memory_space<vmem>> -> memref<1x128xi32, #tpu.memory_space<vmem>>
        %dma_wait3A_126 = arith.constant 0 : i32
        %dma_wait3A_127 = arith.constant 0 : i32
        %dma_wait3A_128 = tpu.memref_slice %arg12[%arg1, %dma_wait3A_126, %dma_wait3A_127] : memref<16x1x128xi32, #tpu.memory_space<hbm>> -> memref<1x1x128xi32, #tpu.memory_space<hbm>>
        %dma_wait3A_129 = tpu.memref_squeeze %dma_wait3A_128 : memref<1x1x128xi32, #tpu.memory_space<hbm>> -> memref<1x128xi32, #tpu.memory_space<hbm>>
        %dma_wait3A_130 = arith.constant 0 : i32
        %dma_wait3A_131 = arith.constant 0 : i32
        %dma_wait3A_132 = tpu.memref_slice %arg19[%dma_wait3A_130, %dma_wait3A_131] : memref<40x128xi32, #tpu.memory_space<vmem>> -> memref<1x128xi32, #tpu.memory_space<vmem>>
        %dma_wait3A_133 = arith.constant 0 : i32
        %dma_wait3A_134 = arith.constant 0 : i32
        %dma_wait3A_135 = tpu.memref_slice %arg12[%arg1, %dma_wait3A_133, %dma_wait3A_134] : memref<16x1x128xi32, #tpu.memory_space<hbm>> -> memref<1x1x128xi32, #tpu.memory_space<hbm>>
        %dma_wait3A_136 = tpu.memref_squeeze %dma_wait3A_135 : memref<1x1x128xi32, #tpu.memory_space<hbm>> -> memref<1x128xi32, #tpu.memory_space<hbm>>
        tpu.wait_dma2 semaphore(%run_scoped3A_108 : memref<!tpu.dma_semaphore, #tpu.memory_space<semaphore_mem>>) src(%dma_wait3A_136 : memref<1x128xi32, #tpu.memory_space<hbm>>) dst(%dma_wait3A_132 : memref<1x128xi32, #tpu.memory_space<vmem>>)
        tpu.yield
      }) : () -> ()
      %dma_start3A_83 = arith.constant 0 : i32
      %dma_start3A_84 = arith.constant 0 : i32
      %dma_start3A_85 = arith.constant 0 : i32
      %dma_start3A_86 = arith.constant 0 : i32
      %dma_start3A_87 = tpu.memref_slice %arg20[%dma_start3A_84, %dma_start3A_85, %dma_start3A_86] : memref<2x128x128xf32, #tpu.memory_space<vmem>> -> memref<1x128x128xf32, #tpu.memory_space<vmem>>
      %dma_start3A_88 = tpu.memref_squeeze %dma_start3A_87 : memref<1x128x128xf32, #tpu.memory_space<vmem>> -> memref<128x128xf32, #tpu.memory_space<vmem>>
      %dma_start3A_89 = arith.constant 0 : i32
      %dma_start3A_90 = tpu.memref_slice %arg18[%dma_start3A_83, %dma_start3A_89] : memref<40x128xi32, #tpu.memory_space<vmem>> -> memref<1x128xi32, #tpu.memory_space<vmem>>
      %dma_start3A_91 = tpu.memref_squeeze %dma_start3A_90 : memref<1x128xi32, #tpu.memory_space<vmem>> -> memref<128xi32, #tpu.memory_space<vmem>>
      %dma_start3A_92 = arith.constant 0 : i32
      %dma_start3A_93 = arith.constant 0 : i32
      %dma_start3A_94 = tpu.memref_slice %arg4[%dma_start3A_92, %dma_start3A_93] : memref<16x128xf32, #tpu.memory_space<hbm>> -> memref<16x128xf32, #tpu.memory_space<hbm>>
      tpu.enqueue_indirect_dma source(%dma_start3A_94 : memref<16x128xf32, #tpu.memory_space<hbm>>) target(%dma_start3A_88 : memref<128x128xf32, #tpu.memory_space<vmem>>) offsets(%dma_start3A_91 : memref<128xi32, #tpu.memory_space<vmem>>) semaphore(%arg24 : memref<!tpu.dma_semaphore, #tpu.memory_space<semaphore_mem>>)
      %dma_wait3A_95 = arith.constant 0 : i32
      %dma_wait3A_96 = arith.constant 0 : i32
      %dma_wait3A_97 = arith.constant 0 : i32
      %dma_wait3A_98 = arith.constant 0 : i32
      %dma_wait3A_99 = tpu.memref_slice %arg20[%dma_wait3A_96, %dma_wait3A_97, %dma_wait3A_98] : memref<2x128x128xf32, #tpu.memory_space<vmem>> -> memref<1x128x128xf32, #tpu.memory_space<vmem>>
      %dma_wait3A_100 = tpu.memref_squeeze %dma_wait3A_99 : memref<1x128x128xf32, #tpu.memory_space<vmem>> -> memref<128x128xf32, #tpu.memory_space<vmem>>
      %dma_wait3A_101 = arith.constant 0 : i32
      %dma_wait3A_102 = tpu.memref_slice %arg18[%dma_wait3A_95, %dma_wait3A_101] : memref<40x128xi32, #tpu.memory_space<vmem>> -> memref<1x128xi32, #tpu.memory_space<vmem>>
      %dma_wait3A_103 = tpu.memref_squeeze %dma_wait3A_102 : memref<1x128xi32, #tpu.memory_space<vmem>> -> memref<128xi32, #tpu.memory_space<vmem>>
      %dma_wait3A_104 = arith.constant 0 : i32
      %dma_wait3A_105 = arith.constant 0 : i32
      %dma_wait3A_106 = tpu.memref_slice %arg4[%dma_wait3A_104, %dma_wait3A_105] : memref<16x128xf32, #tpu.memory_space<hbm>> -> memref<16x128xf32, #tpu.memory_space<hbm>>
      tpu.wait_indirect_dma semaphore(%arg24 : memref<!tpu.dma_semaphore, #tpu.memory_space<semaphore_mem>>) src(%dma_wait3A_106 : memref<16x128xf32, #tpu.memory_space<hbm>>) dst(%dma_wait3A_100 : memref<128x128xf32, #tpu.memory_space<vmem>>)
      %run_scoped3A = arith.constant 0 : i32
      %run_scoped3A_107 = arith.constant 0 : i32
      "tpu.region"() ({
        %run_scoped3A_108 = tpu.sem_alloc : memref<!tpu.dma_semaphore, #tpu.memory_space<semaphore_mem>>
        %dma_start3A_109 = arith.constant 0 : i32
        %dma_start3A_110 = arith.constant 0 : i32
        %dma_start3A_111 = tpu.memref_slice %arg20[%run_scoped3A, %dma_start3A_109, %dma_start3A_110] : memref<2x128x128xf32, #tpu.memory_space<vmem>> -> memref<1x128x128xf32, #tpu.memory_space<vmem>>
        %dma_start3A_112 = tpu.memref_squeeze %dma_start3A_111 : memref<1x128x128xf32, #tpu.memory_space<vmem>> -> memref<128x128xf32, #tpu.memory_space<vmem>>
        %dma_start3A_113 = arith.constant 0 : i32
        %dma_start3A_114 = tpu.memref_slice %arg19[%run_scoped3A_107, %dma_start3A_113] : memref<40x128xi32, #tpu.memory_space<vmem>> -> memref<1x128xi32, #tpu.memory_space<vmem>>
        %dma_start3A_115 = tpu.memref_squeeze %dma_start3A_114 : memref<1x128xi32, #tpu.memory_space<vmem>> -> memref<128xi32, #tpu.memory_space<vmem>>
        %dma_start3A_116 = arith.constant 0 : i32
        %dma_start3A_117 = arith.constant 0 : i32
        %dma_start3A_118 = tpu.memref_slice %arg23[%dma_start3A_116, %dma_start3A_117] : memref<384x128xf32, #tpu.memory_space<vmem_shared>> -> memref<384x128xf32, #tpu.memory_space<vmem_shared>>
        tpu.enqueue_indirect_dma source(%dma_start3A_112 : memref<128x128xf32, #tpu.memory_space<vmem>>) target(%dma_start3A_118 : memref<384x128xf32, #tpu.memory_space<vmem_shared>>) offsets(%dma_start3A_115 : memref<128xi32, #tpu.memory_space<vmem>>) semaphore(%run_scoped3A_108 : memref<!tpu.dma_semaphore, #tpu.memory_space<semaphore_mem>>) {add = true}
        %dma_wait3A_119 = arith.constant 0 : i32
        %dma_wait3A_120 = arith.constant 0 : i32
        %dma_wait3A_121 = tpu.memref_slice %arg20[%run_scoped3A, %dma_wait3A_119, %dma_wait3A_120] : memref<2x128x128xf32, #tpu.memory_space<vmem>> -> memref<1x128x128xf32, #tpu.memory_space<vmem>>
        %dma_wait3A_122 = tpu.memref_squeeze %dma_wait3A_121 : memref<1x128x128xf32, #tpu.memory_space<vmem>> -> memref<128x128xf32, #tpu.memory_space<vmem>>
        %dma_wait3A_123 = arith.constant 0 : i32
        %dma_wait3A_124 = tpu.memref_slice %arg19[%run_scoped3A_107, %dma_wait3A_123] : memref<40x128xi32, #tpu.memory_space<vmem>> -> memref<1x128xi32, #tpu.memory_space<vmem>>
        %dma_wait3A_125 = tpu.memref_squeeze %dma_wait3A_124 : memref<1x128xi32, #tpu.memory_space<vmem>> -> memref<128xi32, #tpu.memory_space<vmem>>
        %dma_wait3A_126 = arith.constant 0 : i32
        %dma_wait3A_127 = arith.constant 0 : i32
        %dma_wait3A_128 = tpu.memref_slice %arg23[%dma_wait3A_126, %dma_wait3A_127] : memref<384x128xf32, #tpu.memory_space<vmem_shared>> -> memref<384x128xf32, #tpu.memory_space<vmem_shared>>
        tpu.wait_indirect_dma semaphore(%run_scoped3A_108 : memref<!tpu.dma_semaphore, #tpu.memory_space<semaphore_mem>>) src(%dma_wait3A_122 : memref<128x128xf32, #tpu.memory_space<vmem>>) dst(%dma_wait3A_128 : memref<384x128xf32, #tpu.memory_space<vmem_shared>>)
        tpu.yield
      }) : () -> ()
    } else {
    }
    %barrier3A_15 = arith.constant 0 : index
    tpu.barrier barrier_id(%barrier3A_15)
    %eq3A_16 = arith.constant 0 : i32
    %eq3A_17 = arith.cmpi eq, %arg0, %eq3A_16 : i32
    %convert_element_type3A_18 = arith.extui %eq3A_17 : i1 to i32
    %cond3A_19 = arith.constant 0 : i32
    %cond3A_20 = arith.cmpi ne, %convert_element_type3A_18, %cond3A_19 : i32
    scf.if %cond3A_20 {
      "tpu.region"() ({
        %run_scoped3A = tpu.sem_alloc : memref<!tpu.dma_semaphore, #tpu.memory_space<semaphore_mem>>
        %dma_start3A = arith.constant 0 : i32
        %dma_start3A_26 = tpu.memref_slice %arg14[%mul3A_0, %dma_start3A] : memref<10112x128xf32, #tpu.memory_space<hbm>> -> memref<632x128xf32, #tpu.memory_space<hbm>>
        %dma_start3A_27 = arith.constant 0 : i32
        %dma_start3A_28 = tpu.memref_slice %arg21[%mul3A_0, %dma_start3A_27] : memref<10112x128xf32, #tpu.memory_space<vmem_shared>> -> memref<632x128xf32, #tpu.memory_space<vmem_shared>>
        tpu.enqueue_dma source(%dma_start3A_28 : memref<632x128xf32, #tpu.memory_space<vmem_shared>>) target(%dma_start3A_26 : memref<632x128xf32, #tpu.memory_space<hbm>>) target_semaphore(%run_scoped3A : memref<!tpu.dma_semaphore, #tpu.memory_space<semaphore_mem>>)
        %dma_wait3A = arith.constant 0 : i32
        %dma_wait3A_29 = tpu.memref_slice %arg14[%mul3A_0, %dma_wait3A] : memref<10112x128xf32, #tpu.memory_space<hbm>> -> memref<632x128xf32, #tpu.memory_space<hbm>>
        %dma_wait3A_30 = arith.constant 0 : i32
        %dma_wait3A_31 = tpu.memref_slice %arg21[%mul3A_0, %dma_wait3A_30] : memref<10112x128xf32, #tpu.memory_space<vmem_shared>> -> memref<632x128xf32, #tpu.memory_space<vmem_shared>>
        tpu.wait_dma2 semaphore(%run_scoped3A : memref<!tpu.dma_semaphore, #tpu.memory_space<semaphore_mem>>) src(%dma_wait3A_31 : memref<632x128xf32, #tpu.memory_space<vmem_shared>>) dst(%dma_wait3A_29 : memref<632x128xf32, #tpu.memory_space<hbm>>)
        tpu.yield
      }) : () -> ()
    } else {
    }
    %eq3A_21 = arith.constant 1 : i32
    %eq3A_22 = arith.cmpi eq, %arg0, %eq3A_21 : i32
    %convert_element_type3A_23 = arith.extui %eq3A_22 : i1 to i32
    %cond3A_24 = arith.constant 0 : i32
    %cond3A_25 = arith.cmpi ne, %convert_element_type3A_23, %cond3A_24 : i32
    scf.if %cond3A_25 {
      "tpu.region"() ({
        %run_scoped3A = tpu.sem_alloc : memref<!tpu.dma_semaphore, #tpu.memory_space<semaphore_mem>>
        %dma_start3A = arith.constant 0 : i32
        %dma_start3A_26 = tpu.memref_slice %arg15[%mul3A_0, %dma_start3A] : memref<10112x128xf32, #tpu.memory_space<hbm>> -> memref<632x128xf32, #tpu.memory_space<hbm>>
        %dma_start3A_27 = arith.constant 0 : i32
        %dma_start3A_28 = tpu.memref_slice %arg21[%mul3A_0, %dma_start3A_27] : memref<10112x128xf32, #tpu.memory_space<vmem_shared>> -> memref<632x128xf32, #tpu.memory_space<vmem_shared>>
        tpu.enqueue_dma source(%dma_start3A_28 : memref<632x128xf32, #tpu.memory_space<vmem_shared>>) target(%dma_start3A_26 : memref<632x128xf32, #tpu.memory_space<hbm>>) target_semaphore(%run_scoped3A : memref<!tpu.dma_semaphore, #tpu.memory_space<semaphore_mem>>)
        %dma_wait3A = arith.constant 0 : i32
        %dma_wait3A_29 = tpu.memref_slice %arg15[%mul3A_0, %dma_wait3A] : memref<10112x128xf32, #tpu.memory_space<hbm>> -> memref<632x128xf32, #tpu.memory_space<hbm>>
        %dma_wait3A_30 = arith.constant 0 : i32
        %dma_wait3A_31 = tpu.memref_slice %arg21[%mul3A_0, %dma_wait3A_30] : memref<10112x128xf32, #tpu.memory_space<vmem_shared>> -> memref<632x128xf32, #tpu.memory_space<vmem_shared>>
        tpu.wait_dma2 semaphore(%run_scoped3A : memref<!tpu.dma_semaphore, #tpu.memory_space<semaphore_mem>>) src(%dma_wait3A_31 : memref<632x128xf32, #tpu.memory_space<vmem_shared>>) dst(%dma_wait3A_29 : memref<632x128xf32, #tpu.memory_space<hbm>>)
        tpu.yield
      }) : () -> ()
      "tpu.region"() ({
        %run_scoped3A = tpu.sem_alloc : memref<!tpu.dma_semaphore, #tpu.memory_space<semaphore_mem>>
        %dma_start3A = arith.constant 0 : i32
        %dma_start3A_26 = tpu.memref_slice %arg16[%mul3A_2, %dma_start3A] : memref<384x128xf32, #tpu.memory_space<hbm>> -> memref<24x128xf32, #tpu.memory_space<hbm>>
        %dma_start3A_27 = arith.constant 0 : i32
        %dma_start3A_28 = tpu.memref_slice %arg22[%mul3A_2, %dma_start3A_27] : memref<384x128xf32, #tpu.memory_space<vmem_shared>> -> memref<24x128xf32, #tpu.memory_space<vmem_shared>>
        tpu.enqueue_dma source(%dma_start3A_28 : memref<24x128xf32, #tpu.memory_space<vmem_shared>>) target(%dma_start3A_26 : memref<24x128xf32, #tpu.memory_space<hbm>>) target_semaphore(%run_scoped3A : memref<!tpu.dma_semaphore, #tpu.memory_space<semaphore_mem>>)
        %dma_wait3A = arith.constant 0 : i32
        %dma_wait3A_29 = tpu.memref_slice %arg16[%mul3A_2, %dma_wait3A] : memref<384x128xf32, #tpu.memory_space<hbm>> -> memref<24x128xf32, #tpu.memory_space<hbm>>
        %dma_wait3A_30 = arith.constant 0 : i32
        %dma_wait3A_31 = tpu.memref_slice %arg22[%mul3A_2, %dma_wait3A_30] : memref<384x128xf32, #tpu.memory_space<vmem_shared>> -> memref<24x128xf32, #tpu.memory_space<vmem_shared>>
        tpu.wait_dma2 semaphore(%run_scoped3A : memref<!tpu.dma_semaphore, #tpu.memory_space<semaphore_mem>>) src(%dma_wait3A_31 : memref<24x128xf32, #tpu.memory_space<vmem_shared>>) dst(%dma_wait3A_29 : memref<24x128xf32, #tpu.memory_space<hbm>>)
        tpu.yield
      }) : () -> ()
      "tpu.region"() ({
        %run_scoped3A = tpu.sem_alloc : memref<!tpu.dma_semaphore, #tpu.memory_space<semaphore_mem>>
        %dma_start3A = arith.constant 0 : i32
        %dma_start3A_26 = tpu.memref_slice %arg17[%mul3A_2, %dma_start3A] : memref<384x128xf32, #tpu.memory_space<hbm>> -> memref<24x128xf32, #tpu.memory_space<hbm>>
        %dma_start3A_27 = arith.constant 0 : i32
        %dma_start3A_28 = tpu.memref_slice %arg23[%mul3A_2, %dma_start3A_27] : memref<384x128xf32, #tpu.memory_space<vmem_shared>> -> memref<24x128xf32, #tpu.memory_space<vmem_shared>>
        tpu.enqueue_dma source(%dma_start3A_28 : memref<24x128xf32, #tpu.memory_space<vmem_shared>>) target(%dma_start3A_26 : memref<24x128xf32, #tpu.memory_space<hbm>>) target_semaphore(%run_scoped3A : memref<!tpu.dma_semaphore, #tpu.memory_space<semaphore_mem>>)
        %dma_wait3A = arith.constant 0 : i32
        %dma_wait3A_29 = tpu.memref_slice %arg17[%mul3A_2, %dma_wait3A] : memref<384x128xf32, #tpu.memory_space<hbm>> -> memref<24x128xf32, #tpu.memory_space<hbm>>
        %dma_wait3A_30 = arith.constant 0 : i32
        %dma_wait3A_31 = tpu.memref_slice %arg23[%mul3A_2, %dma_wait3A_30] : memref<384x128xf32, #tpu.memory_space<vmem_shared>> -> memref<24x128xf32, #tpu.memory_space<vmem_shared>>
        tpu.wait_dma2 semaphore(%run_scoped3A : memref<!tpu.dma_semaphore, #tpu.memory_space<semaphore_mem>>) src(%dma_wait3A_31 : memref<24x128xf32, #tpu.memory_space<vmem_shared>>) dst(%dma_wait3A_29 : memref<24x128xf32, #tpu.memory_space<hbm>>)
        tpu.yield
      }) : () -> ()
    } else {
    }
    return
  }
}

#map = affine_map<(d0, d1) -> (0, 0)>
#map1 = affine_map<(d0, d1) -> (0, 0, 0, 0)>
#map2 = affine_map<(d0, d1) -> (0, 0, 0)>
module attributes {stable_mosaic.version = 14 : i64} {
  func.func @_round_agg(%arg0: i32, %arg1: i32, %arg2: memref<10000x128xf32, #tpu.memory_space<hbm>>, %arg3: memref<256x128xf32, #tpu.memory_space<hbm>>, %arg4: memref<16x2x40x128xi32, #tpu.memory_space<hbm>>, %arg5: memref<16x2x40x128xi32, #tpu.memory_space<hbm>>, %arg6: memref<16x40x128xi32, #tpu.memory_space<hbm>>, %arg7: memref<16x40x128xi32, #tpu.memory_space<hbm>>, %arg8: memref<16x40x128xi32, #tpu.memory_space<hbm>>, %arg9: memref<16x40x128xi32, #tpu.memory_space<hbm>>, %arg10: memref<632x128xf32, #tpu.memory_space<hbm>>, %arg11: memref<10112x128xf32, #tpu.memory_space<hbm>>, %arg12: memref<10112x128xf32, #tpu.memory_space<hbm>>, %arg13: memref<384x128xf32, #tpu.memory_space<hbm>>, %arg14: memref<40x128xi32, #tpu.memory_space<vmem>>, %arg15: memref<40x128xi32, #tpu.memory_space<vmem>>, %arg16: memref<2x128x128xf32, #tpu.memory_space<vmem>>, %arg17: memref<10112x128xf32, #tpu.memory_space<vmem_shared>>, %arg18: memref<384x128xf32, #tpu.memory_space<vmem_shared>>, %arg19: memref<!tpu.dma_semaphore, #tpu.memory_space<semaphore_mem>>, %arg20: memref<!tpu.dma_semaphore, #tpu.memory_space<semaphore_mem>>) attributes {dimension_semantics = [#tpu.dimension_semantics<core_parallel>, #tpu.dimension_semantics<subcore_parallel>], iteration_bounds = array<i64: 2, 16>, scalar_prefetch = 0 : i64, scratch_operands = 7 : i64, tpu.core_type = #tpu.core_type<sc_vector_subcore>, window_params = [{transform_indices = #map}, {transform_indices = #map}, {transform_indices = #map1}, {transform_indices = #map1}, {transform_indices = #map2}, {transform_indices = #map2}, {transform_indices = #map2}, {transform_indices = #map2}, {transform_indices = #map}, {transform_indices = #map}, {transform_indices = #map}, {transform_indices = #map}]} {
    %mul3A = arith.constant 632 : i32
    %mul3A_0 = arith.muli %arg1, %mul3A : i32
    %mul3A_1 = arith.constant 24 : i32
    %mul3A_2 = arith.muli %arg1, %mul3A_1 : i32
    "tpu.region"() ({
      %run_scoped3A = tpu.sem_alloc : memref<!tpu.dma_semaphore, #tpu.memory_space<semaphore_mem>>
      %dma_start3A = arith.constant 0 : i32
      %dma_start3A_26 = tpu.memref_slice %arg17[%mul3A_0, %dma_start3A] : memref<10112x128xf32, #tpu.memory_space<vmem_shared>> -> memref<632x128xf32, #tpu.memory_space<vmem_shared>>
      tpu.enqueue_dma source(%arg10 : memref<632x128xf32, #tpu.memory_space<hbm>>) target(%dma_start3A_26 : memref<632x128xf32, #tpu.memory_space<vmem_shared>>) target_semaphore(%run_scoped3A : memref<!tpu.dma_semaphore, #tpu.memory_space<semaphore_mem>>)
      %dma_wait3A = arith.constant 0 : i32
      %dma_wait3A_27 = tpu.memref_slice %arg17[%mul3A_0, %dma_wait3A] : memref<10112x128xf32, #tpu.memory_space<vmem_shared>> -> memref<632x128xf32, #tpu.memory_space<vmem_shared>>
      tpu.wait_dma2 semaphore(%run_scoped3A : memref<!tpu.dma_semaphore, #tpu.memory_space<semaphore_mem>>) src(%arg10 : memref<632x128xf32, #tpu.memory_space<hbm>>) dst(%dma_wait3A_27 : memref<632x128xf32, #tpu.memory_space<vmem_shared>>)
      tpu.yield
    }) : () -> ()
    %eq3A = arith.constant 1 : i32
    %eq3A_3 = arith.cmpi eq, %arg0, %eq3A : i32
    %convert_element_type3A = arith.extui %eq3A_3 : i1 to i32
    %cond3A = arith.constant 0 : i32
    %cond3A_4 = arith.cmpi ne, %convert_element_type3A, %cond3A : i32
    scf.if %cond3A_4 {
      "tpu.region"() ({
        %run_scoped3A = tpu.sem_alloc : memref<!tpu.dma_semaphore, #tpu.memory_space<semaphore_mem>>
        %dma_start3A = arith.constant 0 : i32
        %dma_start3A_26 = tpu.memref_slice %arg18[%mul3A_2, %dma_start3A] : memref<384x128xf32, #tpu.memory_space<vmem_shared>> -> memref<24x128xf32, #tpu.memory_space<vmem_shared>>
        %dma_start3A_27 = arith.constant 0 : i32
        %dma_start3A_28 = arith.constant 0 : i32
        %dma_start3A_29 = tpu.memref_slice %arg10[%dma_start3A_27, %dma_start3A_28] : memref<632x128xf32, #tpu.memory_space<hbm>> -> memref<24x128xf32, #tpu.memory_space<hbm>>
        tpu.enqueue_dma source(%dma_start3A_29 : memref<24x128xf32, #tpu.memory_space<hbm>>) target(%dma_start3A_26 : memref<24x128xf32, #tpu.memory_space<vmem_shared>>) target_semaphore(%run_scoped3A : memref<!tpu.dma_semaphore, #tpu.memory_space<semaphore_mem>>)
        %dma_wait3A = arith.constant 0 : i32
        %dma_wait3A_30 = tpu.memref_slice %arg18[%mul3A_2, %dma_wait3A] : memref<384x128xf32, #tpu.memory_space<vmem_shared>> -> memref<24x128xf32, #tpu.memory_space<vmem_shared>>
        %dma_wait3A_31 = arith.constant 0 : i32
        %dma_wait3A_32 = arith.constant 0 : i32
        %dma_wait3A_33 = tpu.memref_slice %arg10[%dma_wait3A_31, %dma_wait3A_32] : memref<632x128xf32, #tpu.memory_space<hbm>> -> memref<24x128xf32, #tpu.memory_space<hbm>>
        tpu.wait_dma2 semaphore(%run_scoped3A : memref<!tpu.dma_semaphore, #tpu.memory_space<semaphore_mem>>) src(%dma_wait3A_33 : memref<24x128xf32, #tpu.memory_space<hbm>>) dst(%dma_wait3A_30 : memref<24x128xf32, #tpu.memory_space<vmem_shared>>)
        tpu.yield
      }) : () -> ()
    } else {
    }
    %barrier3A = arith.constant 0 : index
    tpu.barrier barrier_id(%barrier3A)
    %eq3A_5 = arith.constant 0 : i32
    %eq3A_6 = arith.cmpi eq, %arg0, %eq3A_5 : i32
    %convert_element_type3A_7 = arith.extui %eq3A_6 : i1 to i32
    %cond3A_8 = arith.constant 0 : i32
    %cond3A_9 = arith.cmpi ne, %convert_element_type3A_7, %cond3A_8 : i32
    scf.if %cond3A_9 {
      %run_scoped3A = arith.constant 0 : i32
      "tpu.region"() ({
        %run_scoped3A_86 = tpu.sem_alloc : memref<!tpu.dma_semaphore, #tpu.memory_space<semaphore_mem>>
        %dma_start3A_87 = arith.constant 0 : i32
        %dma_start3A_88 = arith.constant 0 : i32
        %dma_start3A_89 = tpu.memref_slice %arg4[%arg1, %run_scoped3A, %dma_start3A_87, %dma_start3A_88] : memref<16x2x40x128xi32, #tpu.memory_space<hbm>> -> memref<1x1x40x128xi32, #tpu.memory_space<hbm>>
        %dma_start3A_90 = tpu.memref_squeeze %dma_start3A_89 : memref<1x1x40x128xi32, #tpu.memory_space<hbm>> -> memref<40x128xi32, #tpu.memory_space<hbm>>
        %dma_start3A_91 = arith.constant 0 : i32
        %dma_start3A_92 = arith.constant 0 : i32
        %dma_start3A_93 = tpu.memref_slice %arg4[%arg1, %run_scoped3A, %dma_start3A_91, %dma_start3A_92] : memref<16x2x40x128xi32, #tpu.memory_space<hbm>> -> memref<1x1x40x128xi32, #tpu.memory_space<hbm>>
        %dma_start3A_94 = tpu.memref_squeeze %dma_start3A_93 : memref<1x1x40x128xi32, #tpu.memory_space<hbm>> -> memref<40x128xi32, #tpu.memory_space<hbm>>
        tpu.enqueue_dma source(%dma_start3A_94 : memref<40x128xi32, #tpu.memory_space<hbm>>) target(%arg14 : memref<40x128xi32, #tpu.memory_space<vmem>>) target_semaphore(%run_scoped3A_86 : memref<!tpu.dma_semaphore, #tpu.memory_space<semaphore_mem>>)
        %dma_wait3A_95 = arith.constant 0 : i32
        %dma_wait3A_96 = arith.constant 0 : i32
        %dma_wait3A_97 = tpu.memref_slice %arg4[%arg1, %run_scoped3A, %dma_wait3A_95, %dma_wait3A_96] : memref<16x2x40x128xi32, #tpu.memory_space<hbm>> -> memref<1x1x40x128xi32, #tpu.memory_space<hbm>>
        %dma_wait3A_98 = tpu.memref_squeeze %dma_wait3A_97 : memref<1x1x40x128xi32, #tpu.memory_space<hbm>> -> memref<40x128xi32, #tpu.memory_space<hbm>>
        %dma_wait3A_99 = arith.constant 0 : i32
        %dma_wait3A_100 = arith.constant 0 : i32
        %dma_wait3A_101 = tpu.memref_slice %arg4[%arg1, %run_scoped3A, %dma_wait3A_99, %dma_wait3A_100] : memref<16x2x40x128xi32, #tpu.memory_space<hbm>> -> memref<1x1x40x128xi32, #tpu.memory_space<hbm>>
        %dma_wait3A_102 = tpu.memref_squeeze %dma_wait3A_101 : memref<1x1x40x128xi32, #tpu.memory_space<hbm>> -> memref<40x128xi32, #tpu.memory_space<hbm>>
        tpu.wait_dma2 semaphore(%run_scoped3A_86 : memref<!tpu.dma_semaphore, #tpu.memory_space<semaphore_mem>>) src(%dma_wait3A_102 : memref<40x128xi32, #tpu.memory_space<hbm>>) dst(%arg14 : memref<40x128xi32, #tpu.memory_space<vmem>>)
        tpu.yield
      }) : () -> ()
      %run_scoped3A_26 = arith.constant 0 : i32
      "tpu.region"() ({
        %run_scoped3A_86 = tpu.sem_alloc : memref<!tpu.dma_semaphore, #tpu.memory_space<semaphore_mem>>
        %dma_start3A_87 = arith.constant 0 : i32
        %dma_start3A_88 = arith.constant 0 : i32
        %dma_start3A_89 = tpu.memref_slice %arg5[%arg1, %run_scoped3A_26, %dma_start3A_87, %dma_start3A_88] : memref<16x2x40x128xi32, #tpu.memory_space<hbm>> -> memref<1x1x40x128xi32, #tpu.memory_space<hbm>>
        %dma_start3A_90 = tpu.memref_squeeze %dma_start3A_89 : memref<1x1x40x128xi32, #tpu.memory_space<hbm>> -> memref<40x128xi32, #tpu.memory_space<hbm>>
        %dma_start3A_91 = arith.constant 0 : i32
        %dma_start3A_92 = arith.constant 0 : i32
        %dma_start3A_93 = tpu.memref_slice %arg5[%arg1, %run_scoped3A_26, %dma_start3A_91, %dma_start3A_92] : memref<16x2x40x128xi32, #tpu.memory_space<hbm>> -> memref<1x1x40x128xi32, #tpu.memory_space<hbm>>
        %dma_start3A_94 = tpu.memref_squeeze %dma_start3A_93 : memref<1x1x40x128xi32, #tpu.memory_space<hbm>> -> memref<40x128xi32, #tpu.memory_space<hbm>>
        tpu.enqueue_dma source(%dma_start3A_94 : memref<40x128xi32, #tpu.memory_space<hbm>>) target(%arg15 : memref<40x128xi32, #tpu.memory_space<vmem>>) target_semaphore(%run_scoped3A_86 : memref<!tpu.dma_semaphore, #tpu.memory_space<semaphore_mem>>)
        %dma_wait3A_95 = arith.constant 0 : i32
        %dma_wait3A_96 = arith.constant 0 : i32
        %dma_wait3A_97 = tpu.memref_slice %arg5[%arg1, %run_scoped3A_26, %dma_wait3A_95, %dma_wait3A_96] : memref<16x2x40x128xi32, #tpu.memory_space<hbm>> -> memref<1x1x40x128xi32, #tpu.memory_space<hbm>>
        %dma_wait3A_98 = tpu.memref_squeeze %dma_wait3A_97 : memref<1x1x40x128xi32, #tpu.memory_space<hbm>> -> memref<40x128xi32, #tpu.memory_space<hbm>>
        %dma_wait3A_99 = arith.constant 0 : i32
        %dma_wait3A_100 = arith.constant 0 : i32
        %dma_wait3A_101 = tpu.memref_slice %arg5[%arg1, %run_scoped3A_26, %dma_wait3A_99, %dma_wait3A_100] : memref<16x2x40x128xi32, #tpu.memory_space<hbm>> -> memref<1x1x40x128xi32, #tpu.memory_space<hbm>>
        %dma_wait3A_102 = tpu.memref_squeeze %dma_wait3A_101 : memref<1x1x40x128xi32, #tpu.memory_space<hbm>> -> memref<40x128xi32, #tpu.memory_space<hbm>>
        tpu.wait_dma2 semaphore(%run_scoped3A_86 : memref<!tpu.dma_semaphore, #tpu.memory_space<semaphore_mem>>) src(%dma_wait3A_102 : memref<40x128xi32, #tpu.memory_space<hbm>>) dst(%arg15 : memref<40x128xi32, #tpu.memory_space<vmem>>)
        tpu.yield
      }) : () -> ()
      %dma_start3A = arith.constant 0 : i32
      %dma_start3A_27 = arith.constant 0 : i32
      %dma_start3A_28 = arith.constant 0 : i32
      %dma_start3A_29 = arith.constant 0 : i32
      %dma_start3A_30 = tpu.memref_slice %arg16[%dma_start3A_27, %dma_start3A_28, %dma_start3A_29] : memref<2x128x128xf32, #tpu.memory_space<vmem>> -> memref<1x128x128xf32, #tpu.memory_space<vmem>>
      %dma_start3A_31 = tpu.memref_squeeze %dma_start3A_30 : memref<1x128x128xf32, #tpu.memory_space<vmem>> -> memref<128x128xf32, #tpu.memory_space<vmem>>
      %dma_start3A_32 = arith.constant 0 : i32
      %dma_start3A_33 = tpu.memref_slice %arg14[%dma_start3A, %dma_start3A_32] : memref<40x128xi32, #tpu.memory_space<vmem>> -> memref<1x128xi32, #tpu.memory_space<vmem>>
      %dma_start3A_34 = tpu.memref_squeeze %dma_start3A_33 : memref<1x128xi32, #tpu.memory_space<vmem>> -> memref<128xi32, #tpu.memory_space<vmem>>
      %dma_start3A_35 = arith.constant 0 : i32
      %dma_start3A_36 = arith.constant 0 : i32
      %dma_start3A_37 = tpu.memref_slice %arg2[%dma_start3A_35, %dma_start3A_36] : memref<10000x128xf32, #tpu.memory_space<hbm>> -> memref<10000x128xf32, #tpu.memory_space<hbm>>
      tpu.enqueue_indirect_dma source(%dma_start3A_37 : memref<10000x128xf32, #tpu.memory_space<hbm>>) target(%dma_start3A_31 : memref<128x128xf32, #tpu.memory_space<vmem>>) offsets(%dma_start3A_34 : memref<128xi32, #tpu.memory_space<vmem>>) semaphore(%arg19 : memref<!tpu.dma_semaphore, #tpu.memory_space<semaphore_mem>>)
      %scan3A = arith.constant 0 : i32
      %scan3A_38 = arith.constant 0 : i32
      %scan3A_39 = arith.constant 40 : i32
      %scan3A_40 = arith.addi %scan3A_38, %scan3A_39 : i32
      %scan3A_41 = arith.constant 1 : i32
      scf.for %scan3A_86 = %scan3A_38 to %scan3A_40 step %scan3A_41  : i32 {
        %rem3A = arith.constant 2 : i32
        %rem3A_87 = arith.remsi %scan3A_86, %rem3A : i32
        %add3A = arith.constant 1 : i32
        %add3A_88 = arith.addi %scan3A_86, %add3A : i32
        %rem3A_89 = arith.constant 2 : i32
        %rem3A_90 = arith.remsi %add3A_88, %rem3A_89 : i32
        %add3A_91 = arith.constant 0 : i32
        %add3A_92 = arith.addi %add3A_91, %scan3A_86 : i32
        %dma_wait3A_93 = arith.constant 0 : i32
        %dma_wait3A_94 = arith.constant 0 : i32
        %dma_wait3A_95 = tpu.memref_slice %arg16[%rem3A_87, %dma_wait3A_93, %dma_wait3A_94] : memref<2x128x128xf32, #tpu.memory_space<vmem>> -> memref<1x128x128xf32, #tpu.memory_space<vmem>>
        %dma_wait3A_96 = tpu.memref_squeeze %dma_wait3A_95 : memref<1x128x128xf32, #tpu.memory_space<vmem>> -> memref<128x128xf32, #tpu.memory_space<vmem>>
        %dma_wait3A_97 = arith.constant 0 : i32
        %dma_wait3A_98 = tpu.memref_slice %arg14[%add3A_92, %dma_wait3A_97] : memref<40x128xi32, #tpu.memory_space<vmem>> -> memref<1x128xi32, #tpu.memory_space<vmem>>
        %dma_wait3A_99 = tpu.memref_squeeze %dma_wait3A_98 : memref<1x128xi32, #tpu.memory_space<vmem>> -> memref<128xi32, #tpu.memory_space<vmem>>
        %dma_wait3A_100 = arith.constant 0 : i32
        %dma_wait3A_101 = arith.constant 0 : i32
        %dma_wait3A_102 = tpu.memref_slice %arg2[%dma_wait3A_100, %dma_wait3A_101] : memref<10000x128xf32, #tpu.memory_space<hbm>> -> memref<10000x128xf32, #tpu.memory_space<hbm>>
        tpu.wait_indirect_dma semaphore(%arg19 : memref<!tpu.dma_semaphore, #tpu.memory_space<semaphore_mem>>) src(%dma_wait3A_102 : memref<10000x128xf32, #tpu.memory_space<hbm>>) dst(%dma_wait3A_96 : memref<128x128xf32, #tpu.memory_space<vmem>>)
        %gt3A = arith.constant 0 : i32
        %gt3A_103 = arith.cmpi sgt, %scan3A_86, %gt3A : i32
        %convert_element_type3A_104 = arith.extui %gt3A_103 : i1 to i32
        %cond3A_105 = arith.constant 0 : i32
        %cond3A_106 = arith.cmpi ne, %convert_element_type3A_104, %cond3A_105 : i32
        scf.if %cond3A_106 {
          %add3A_123 = arith.constant 0 : i32
          %add3A_124 = arith.addi %add3A_123, %scan3A_86 : i32
          %sub3A = arith.constant 1 : i32
          %sub3A_125 = arith.subi %add3A_124, %sub3A : i32
          %dma_wait3A_126 = arith.constant 0 : i32
          %dma_wait3A_127 = arith.constant 0 : i32
          %dma_wait3A_128 = tpu.memref_slice %arg16[%rem3A_90, %dma_wait3A_126, %dma_wait3A_127] : memref<2x128x128xf32, #tpu.memory_space<vmem>> -> memref<1x128x128xf32, #tpu.memory_space<vmem>>
          %dma_wait3A_129 = tpu.memref_squeeze %dma_wait3A_128 : memref<1x128x128xf32, #tpu.memory_space<vmem>> -> memref<128x128xf32, #tpu.memory_space<vmem>>
          %dma_wait3A_130 = arith.constant 0 : i32
          %dma_wait3A_131 = tpu.memref_slice %arg15[%sub3A_125, %dma_wait3A_130] : memref<40x128xi32, #tpu.memory_space<vmem>> -> memref<1x128xi32, #tpu.memory_space<vmem>>
          %dma_wait3A_132 = tpu.memref_squeeze %dma_wait3A_131 : memref<1x128xi32, #tpu.memory_space<vmem>> -> memref<128xi32, #tpu.memory_space<vmem>>
          %dma_wait3A_133 = arith.constant 0 : i32
          %dma_wait3A_134 = arith.constant 0 : i32
          %dma_wait3A_135 = tpu.memref_slice %arg17[%dma_wait3A_133, %dma_wait3A_134] : memref<10112x128xf32, #tpu.memory_space<vmem_shared>> -> memref<10112x128xf32, #tpu.memory_space<vmem_shared>>
          tpu.wait_indirect_dma semaphore(%arg20 : memref<!tpu.dma_semaphore, #tpu.memory_space<semaphore_mem>>) src(%dma_wait3A_129 : memref<128x128xf32, #tpu.memory_space<vmem>>) dst(%dma_wait3A_135 : memref<10112x128xf32, #tpu.memory_space<vmem_shared>>)
        } else {
        }
        %lt3A = arith.constant 39 : i32
        %lt3A_107 = arith.cmpi slt, %scan3A_86, %lt3A : i32
        %convert_element_type3A_108 = arith.extui %lt3A_107 : i1 to i32
        %cond3A_109 = arith.constant 0 : i32
        %cond3A_110 = arith.cmpi ne, %convert_element_type3A_108, %cond3A_109 : i32
        scf.if %cond3A_110 {
          %add3A_123 = arith.constant 0 : i32
          %add3A_124 = arith.addi %add3A_123, %scan3A_86 : i32
          %add3A_125 = arith.constant 1 : i32
          %add3A_126 = arith.addi %add3A_124, %add3A_125 : i32
          %dma_start3A_127 = arith.constant 0 : i32
          %dma_start3A_128 = arith.constant 0 : i32
          %dma_start3A_129 = tpu.memref_slice %arg16[%rem3A_90, %dma_start3A_127, %dma_start3A_128] : memref<2x128x128xf32, #tpu.memory_space<vmem>> -> memref<1x128x128xf32, #tpu.memory_space<vmem>>
          %dma_start3A_130 = tpu.memref_squeeze %dma_start3A_129 : memref<1x128x128xf32, #tpu.memory_space<vmem>> -> memref<128x128xf32, #tpu.memory_space<vmem>>
          %dma_start3A_131 = arith.constant 0 : i32
          %dma_start3A_132 = tpu.memref_slice %arg14[%add3A_126, %dma_start3A_131] : memref<40x128xi32, #tpu.memory_space<vmem>> -> memref<1x128xi32, #tpu.memory_space<vmem>>
          %dma_start3A_133 = tpu.memref_squeeze %dma_start3A_132 : memref<1x128xi32, #tpu.memory_space<vmem>> -> memref<128xi32, #tpu.memory_space<vmem>>
          %dma_start3A_134 = arith.constant 0 : i32
          %dma_start3A_135 = arith.constant 0 : i32
          %dma_start3A_136 = tpu.memref_slice %arg2[%dma_start3A_134, %dma_start3A_135] : memref<10000x128xf32, #tpu.memory_space<hbm>> -> memref<10000x128xf32, #tpu.memory_space<hbm>>
          tpu.enqueue_indirect_dma source(%dma_start3A_136 : memref<10000x128xf32, #tpu.memory_space<hbm>>) target(%dma_start3A_130 : memref<128x128xf32, #tpu.memory_space<vmem>>) offsets(%dma_start3A_133 : memref<128xi32, #tpu.memory_space<vmem>>) semaphore(%arg19 : memref<!tpu.dma_semaphore, #tpu.memory_space<semaphore_mem>>)
        } else {
        }
        %add3A_111 = arith.constant 0 : i32
        %add3A_112 = arith.addi %add3A_111, %scan3A_86 : i32
        %dma_start3A_113 = arith.constant 0 : i32
        %dma_start3A_114 = arith.constant 0 : i32
        %dma_start3A_115 = tpu.memref_slice %arg16[%rem3A_87, %dma_start3A_113, %dma_start3A_114] : memref<2x128x128xf32, #tpu.memory_space<vmem>> -> memref<1x128x128xf32, #tpu.memory_space<vmem>>
        %dma_start3A_116 = tpu.memref_squeeze %dma_start3A_115 : memref<1x128x128xf32, #tpu.memory_space<vmem>> -> memref<128x128xf32, #tpu.memory_space<vmem>>
        %dma_start3A_117 = arith.constant 0 : i32
        %dma_start3A_118 = tpu.memref_slice %arg15[%add3A_112, %dma_start3A_117] : memref<40x128xi32, #tpu.memory_space<vmem>> -> memref<1x128xi32, #tpu.memory_space<vmem>>
        %dma_start3A_119 = tpu.memref_squeeze %dma_start3A_118 : memref<1x128xi32, #tpu.memory_space<vmem>> -> memref<128xi32, #tpu.memory_space<vmem>>
        %dma_start3A_120 = arith.constant 0 : i32
        %dma_start3A_121 = arith.constant 0 : i32
        %dma_start3A_122 = tpu.memref_slice %arg17[%dma_start3A_120, %dma_start3A_121] : memref<10112x128xf32, #tpu.memory_space<vmem_shared>> -> memref<10112x128xf32, #tpu.memory_space<vmem_shared>>
        tpu.enqueue_indirect_dma source(%dma_start3A_116 : memref<128x128xf32, #tpu.memory_space<vmem>>) target(%dma_start3A_122 : memref<10112x128xf32, #tpu.memory_space<vmem_shared>>) offsets(%dma_start3A_119 : memref<128xi32, #tpu.memory_space<vmem>>) semaphore(%arg20 : memref<!tpu.dma_semaphore, #tpu.memory_space<semaphore_mem>>) {add = true}
      }
      %scan3A_42 = arith.constant 40 : i32
      %dma_wait3A = arith.constant 1 : i32
      %dma_wait3A_43 = arith.constant 39 : i32
      %dma_wait3A_44 = arith.constant 0 : i32
      %dma_wait3A_45 = arith.constant 0 : i32
      %dma_wait3A_46 = tpu.memref_slice %arg16[%dma_wait3A, %dma_wait3A_44, %dma_wait3A_45] : memref<2x128x128xf32, #tpu.memory_space<vmem>> -> memref<1x128x128xf32, #tpu.memory_space<vmem>>
      %dma_wait3A_47 = tpu.memref_squeeze %dma_wait3A_46 : memref<1x128x128xf32, #tpu.memory_space<vmem>> -> memref<128x128xf32, #tpu.memory_space<vmem>>
      %dma_wait3A_48 = arith.constant 0 : i32
      %dma_wait3A_49 = tpu.memref_slice %arg15[%dma_wait3A_43, %dma_wait3A_48] : memref<40x128xi32, #tpu.memory_space<vmem>> -> memref<1x128xi32, #tpu.memory_space<vmem>>
      %dma_wait3A_50 = tpu.memref_squeeze %dma_wait3A_49 : memref<1x128xi32, #tpu.memory_space<vmem>> -> memref<128xi32, #tpu.memory_space<vmem>>
      %dma_wait3A_51 = arith.constant 0 : i32
      %dma_wait3A_52 = arith.constant 0 : i32
      %dma_wait3A_53 = tpu.memref_slice %arg17[%dma_wait3A_51, %dma_wait3A_52] : memref<10112x128xf32, #tpu.memory_space<vmem_shared>> -> memref<10112x128xf32, #tpu.memory_space<vmem_shared>>
      tpu.wait_indirect_dma semaphore(%arg20 : memref<!tpu.dma_semaphore, #tpu.memory_space<semaphore_mem>>) src(%dma_wait3A_47 : memref<128x128xf32, #tpu.memory_space<vmem>>) dst(%dma_wait3A_53 : memref<10112x128xf32, #tpu.memory_space<vmem_shared>>)
      %run_scoped3A_54 = arith.constant 1 : i32
      "tpu.region"() ({
        %run_scoped3A_86 = tpu.sem_alloc : memref<!tpu.dma_semaphore, #tpu.memory_space<semaphore_mem>>
        %dma_start3A_87 = arith.constant 0 : i32
        %dma_start3A_88 = arith.constant 0 : i32
        %dma_start3A_89 = tpu.memref_slice %arg4[%arg1, %run_scoped3A_54, %dma_start3A_87, %dma_start3A_88] : memref<16x2x40x128xi32, #tpu.memory_space<hbm>> -> memref<1x1x40x128xi32, #tpu.memory_space<hbm>>
        %dma_start3A_90 = tpu.memref_squeeze %dma_start3A_89 : memref<1x1x40x128xi32, #tpu.memory_space<hbm>> -> memref<40x128xi32, #tpu.memory_space<hbm>>
        %dma_start3A_91 = arith.constant 0 : i32
        %dma_start3A_92 = arith.constant 0 : i32
        %dma_start3A_93 = tpu.memref_slice %arg4[%arg1, %run_scoped3A_54, %dma_start3A_91, %dma_start3A_92] : memref<16x2x40x128xi32, #tpu.memory_space<hbm>> -> memref<1x1x40x128xi32, #tpu.memory_space<hbm>>
        %dma_start3A_94 = tpu.memref_squeeze %dma_start3A_93 : memref<1x1x40x128xi32, #tpu.memory_space<hbm>> -> memref<40x128xi32, #tpu.memory_space<hbm>>
        tpu.enqueue_dma source(%dma_start3A_94 : memref<40x128xi32, #tpu.memory_space<hbm>>) target(%arg14 : memref<40x128xi32, #tpu.memory_space<vmem>>) target_semaphore(%run_scoped3A_86 : memref<!tpu.dma_semaphore, #tpu.memory_space<semaphore_mem>>)
        %dma_wait3A_95 = arith.constant 0 : i32
        %dma_wait3A_96 = arith.constant 0 : i32
        %dma_wait3A_97 = tpu.memref_slice %arg4[%arg1, %run_scoped3A_54, %dma_wait3A_95, %dma_wait3A_96] : memref<16x2x40x128xi32, #tpu.memory_space<hbm>> -> memref<1x1x40x128xi32, #tpu.memory_space<hbm>>
        %dma_wait3A_98 = tpu.memref_squeeze %dma_wait3A_97 : memref<1x1x40x128xi32, #tpu.memory_space<hbm>> -> memref<40x128xi32, #tpu.memory_space<hbm>>
        %dma_wait3A_99 = arith.constant 0 : i32
        %dma_wait3A_100 = arith.constant 0 : i32
        %dma_wait3A_101 = tpu.memref_slice %arg4[%arg1, %run_scoped3A_54, %dma_wait3A_99, %dma_wait3A_100] : memref<16x2x40x128xi32, #tpu.memory_space<hbm>> -> memref<1x1x40x128xi32, #tpu.memory_space<hbm>>
        %dma_wait3A_102 = tpu.memref_squeeze %dma_wait3A_101 : memref<1x1x40x128xi32, #tpu.memory_space<hbm>> -> memref<40x128xi32, #tpu.memory_space<hbm>>
        tpu.wait_dma2 semaphore(%run_scoped3A_86 : memref<!tpu.dma_semaphore, #tpu.memory_space<semaphore_mem>>) src(%dma_wait3A_102 : memref<40x128xi32, #tpu.memory_space<hbm>>) dst(%arg14 : memref<40x128xi32, #tpu.memory_space<vmem>>)
        tpu.yield
      }) : () -> ()
      %run_scoped3A_55 = arith.constant 1 : i32
      "tpu.region"() ({
        %run_scoped3A_86 = tpu.sem_alloc : memref<!tpu.dma_semaphore, #tpu.memory_space<semaphore_mem>>
        %dma_start3A_87 = arith.constant 0 : i32
        %dma_start3A_88 = arith.constant 0 : i32
        %dma_start3A_89 = tpu.memref_slice %arg5[%arg1, %run_scoped3A_55, %dma_start3A_87, %dma_start3A_88] : memref<16x2x40x128xi32, #tpu.memory_space<hbm>> -> memref<1x1x40x128xi32, #tpu.memory_space<hbm>>
        %dma_start3A_90 = tpu.memref_squeeze %dma_start3A_89 : memref<1x1x40x128xi32, #tpu.memory_space<hbm>> -> memref<40x128xi32, #tpu.memory_space<hbm>>
        %dma_start3A_91 = arith.constant 0 : i32
        %dma_start3A_92 = arith.constant 0 : i32
        %dma_start3A_93 = tpu.memref_slice %arg5[%arg1, %run_scoped3A_55, %dma_start3A_91, %dma_start3A_92] : memref<16x2x40x128xi32, #tpu.memory_space<hbm>> -> memref<1x1x40x128xi32, #tpu.memory_space<hbm>>
        %dma_start3A_94 = tpu.memref_squeeze %dma_start3A_93 : memref<1x1x40x128xi32, #tpu.memory_space<hbm>> -> memref<40x128xi32, #tpu.memory_space<hbm>>
        tpu.enqueue_dma source(%dma_start3A_94 : memref<40x128xi32, #tpu.memory_space<hbm>>) target(%arg15 : memref<40x128xi32, #tpu.memory_space<vmem>>) target_semaphore(%run_scoped3A_86 : memref<!tpu.dma_semaphore, #tpu.memory_space<semaphore_mem>>)
        %dma_wait3A_95 = arith.constant 0 : i32
        %dma_wait3A_96 = arith.constant 0 : i32
        %dma_wait3A_97 = tpu.memref_slice %arg5[%arg1, %run_scoped3A_55, %dma_wait3A_95, %dma_wait3A_96] : memref<16x2x40x128xi32, #tpu.memory_space<hbm>> -> memref<1x1x40x128xi32, #tpu.memory_space<hbm>>
        %dma_wait3A_98 = tpu.memref_squeeze %dma_wait3A_97 : memref<1x1x40x128xi32, #tpu.memory_space<hbm>> -> memref<40x128xi32, #tpu.memory_space<hbm>>
        %dma_wait3A_99 = arith.constant 0 : i32
        %dma_wait3A_100 = arith.constant 0 : i32
        %dma_wait3A_101 = tpu.memref_slice %arg5[%arg1, %run_scoped3A_55, %dma_wait3A_99, %dma_wait3A_100] : memref<16x2x40x128xi32, #tpu.memory_space<hbm>> -> memref<1x1x40x128xi32, #tpu.memory_space<hbm>>
        %dma_wait3A_102 = tpu.memref_squeeze %dma_wait3A_101 : memref<1x1x40x128xi32, #tpu.memory_space<hbm>> -> memref<40x128xi32, #tpu.memory_space<hbm>>
        tpu.wait_dma2 semaphore(%run_scoped3A_86 : memref<!tpu.dma_semaphore, #tpu.memory_space<semaphore_mem>>) src(%dma_wait3A_102 : memref<40x128xi32, #tpu.memory_space<hbm>>) dst(%arg15 : memref<40x128xi32, #tpu.memory_space<vmem>>)
        tpu.yield
      }) : () -> ()
      %dma_start3A_56 = arith.constant 0 : i32
      %dma_start3A_57 = arith.constant 0 : i32
      %dma_start3A_58 = arith.constant 0 : i32
      %dma_start3A_59 = arith.constant 0 : i32
      %dma_start3A_60 = tpu.memref_slice %arg16[%dma_start3A_57, %dma_start3A_58, %dma_start3A_59] : memref<2x128x128xf32, #tpu.memory_space<vmem>> -> memref<1x128x128xf32, #tpu.memory_space<vmem>>
      %dma_start3A_61 = tpu.memref_squeeze %dma_start3A_60 : memref<1x128x128xf32, #tpu.memory_space<vmem>> -> memref<128x128xf32, #tpu.memory_space<vmem>>
      %dma_start3A_62 = arith.constant 0 : i32
      %dma_start3A_63 = tpu.memref_slice %arg14[%dma_start3A_56, %dma_start3A_62] : memref<40x128xi32, #tpu.memory_space<vmem>> -> memref<1x128xi32, #tpu.memory_space<vmem>>
      %dma_start3A_64 = tpu.memref_squeeze %dma_start3A_63 : memref<1x128xi32, #tpu.memory_space<vmem>> -> memref<128xi32, #tpu.memory_space<vmem>>
      %dma_start3A_65 = arith.constant 0 : i32
      %dma_start3A_66 = arith.constant 0 : i32
      %dma_start3A_67 = tpu.memref_slice %arg2[%dma_start3A_65, %dma_start3A_66] : memref<10000x128xf32, #tpu.memory_space<hbm>> -> memref<10000x128xf32, #tpu.memory_space<hbm>>
      tpu.enqueue_indirect_dma source(%dma_start3A_67 : memref<10000x128xf32, #tpu.memory_space<hbm>>) target(%dma_start3A_61 : memref<128x128xf32, #tpu.memory_space<vmem>>) offsets(%dma_start3A_64 : memref<128xi32, #tpu.memory_space<vmem>>) semaphore(%arg19 : memref<!tpu.dma_semaphore, #tpu.memory_space<semaphore_mem>>)
      %scan3A_68 = arith.constant 0 : i32
      %scan3A_69 = arith.constant 0 : i32
      %scan3A_70 = arith.constant 40 : i32
      %scan3A_71 = arith.addi %scan3A_69, %scan3A_70 : i32
      %scan3A_72 = arith.constant 1 : i32
      scf.for %scan3A_86 = %scan3A_69 to %scan3A_71 step %scan3A_72  : i32 {
        %rem3A = arith.constant 2 : i32
        %rem3A_87 = arith.remsi %scan3A_86, %rem3A : i32
        %add3A = arith.constant 1 : i32
        %add3A_88 = arith.addi %scan3A_86, %add3A : i32
        %rem3A_89 = arith.constant 2 : i32
        %rem3A_90 = arith.remsi %add3A_88, %rem3A_89 : i32
        %add3A_91 = arith.constant 0 : i32
        %add3A_92 = arith.addi %add3A_91, %scan3A_86 : i32
        %dma_wait3A_93 = arith.constant 0 : i32
        %dma_wait3A_94 = arith.constant 0 : i32
        %dma_wait3A_95 = tpu.memref_slice %arg16[%rem3A_87, %dma_wait3A_93, %dma_wait3A_94] : memref<2x128x128xf32, #tpu.memory_space<vmem>> -> memref<1x128x128xf32, #tpu.memory_space<vmem>>
        %dma_wait3A_96 = tpu.memref_squeeze %dma_wait3A_95 : memref<1x128x128xf32, #tpu.memory_space<vmem>> -> memref<128x128xf32, #tpu.memory_space<vmem>>
        %dma_wait3A_97 = arith.constant 0 : i32
        %dma_wait3A_98 = tpu.memref_slice %arg14[%add3A_92, %dma_wait3A_97] : memref<40x128xi32, #tpu.memory_space<vmem>> -> memref<1x128xi32, #tpu.memory_space<vmem>>
        %dma_wait3A_99 = tpu.memref_squeeze %dma_wait3A_98 : memref<1x128xi32, #tpu.memory_space<vmem>> -> memref<128xi32, #tpu.memory_space<vmem>>
        %dma_wait3A_100 = arith.constant 0 : i32
        %dma_wait3A_101 = arith.constant 0 : i32
        %dma_wait3A_102 = tpu.memref_slice %arg2[%dma_wait3A_100, %dma_wait3A_101] : memref<10000x128xf32, #tpu.memory_space<hbm>> -> memref<10000x128xf32, #tpu.memory_space<hbm>>
        tpu.wait_indirect_dma semaphore(%arg19 : memref<!tpu.dma_semaphore, #tpu.memory_space<semaphore_mem>>) src(%dma_wait3A_102 : memref<10000x128xf32, #tpu.memory_space<hbm>>) dst(%dma_wait3A_96 : memref<128x128xf32, #tpu.memory_space<vmem>>)
        %gt3A = arith.constant 0 : i32
        %gt3A_103 = arith.cmpi sgt, %scan3A_86, %gt3A : i32
        %convert_element_type3A_104 = arith.extui %gt3A_103 : i1 to i32
        %cond3A_105 = arith.constant 0 : i32
        %cond3A_106 = arith.cmpi ne, %convert_element_type3A_104, %cond3A_105 : i32
        scf.if %cond3A_106 {
          %add3A_123 = arith.constant 0 : i32
          %add3A_124 = arith.addi %add3A_123, %scan3A_86 : i32
          %sub3A = arith.constant 1 : i32
          %sub3A_125 = arith.subi %add3A_124, %sub3A : i32
          %dma_wait3A_126 = arith.constant 0 : i32
          %dma_wait3A_127 = arith.constant 0 : i32
          %dma_wait3A_128 = tpu.memref_slice %arg16[%rem3A_90, %dma_wait3A_126, %dma_wait3A_127] : memref<2x128x128xf32, #tpu.memory_space<vmem>> -> memref<1x128x128xf32, #tpu.memory_space<vmem>>
          %dma_wait3A_129 = tpu.memref_squeeze %dma_wait3A_128 : memref<1x128x128xf32, #tpu.memory_space<vmem>> -> memref<128x128xf32, #tpu.memory_space<vmem>>
          %dma_wait3A_130 = arith.constant 0 : i32
          %dma_wait3A_131 = tpu.memref_slice %arg15[%sub3A_125, %dma_wait3A_130] : memref<40x128xi32, #tpu.memory_space<vmem>> -> memref<1x128xi32, #tpu.memory_space<vmem>>
          %dma_wait3A_132 = tpu.memref_squeeze %dma_wait3A_131 : memref<1x128xi32, #tpu.memory_space<vmem>> -> memref<128xi32, #tpu.memory_space<vmem>>
          %dma_wait3A_133 = arith.constant 0 : i32
          %dma_wait3A_134 = arith.constant 0 : i32
          %dma_wait3A_135 = tpu.memref_slice %arg17[%dma_wait3A_133, %dma_wait3A_134] : memref<10112x128xf32, #tpu.memory_space<vmem_shared>> -> memref<10112x128xf32, #tpu.memory_space<vmem_shared>>
          tpu.wait_indirect_dma semaphore(%arg20 : memref<!tpu.dma_semaphore, #tpu.memory_space<semaphore_mem>>) src(%dma_wait3A_129 : memref<128x128xf32, #tpu.memory_space<vmem>>) dst(%dma_wait3A_135 : memref<10112x128xf32, #tpu.memory_space<vmem_shared>>)
        } else {
        }
        %lt3A = arith.constant 39 : i32
        %lt3A_107 = arith.cmpi slt, %scan3A_86, %lt3A : i32
        %convert_element_type3A_108 = arith.extui %lt3A_107 : i1 to i32
        %cond3A_109 = arith.constant 0 : i32
        %cond3A_110 = arith.cmpi ne, %convert_element_type3A_108, %cond3A_109 : i32
        scf.if %cond3A_110 {
          %add3A_123 = arith.constant 0 : i32
          %add3A_124 = arith.addi %add3A_123, %scan3A_86 : i32
          %add3A_125 = arith.constant 1 : i32
          %add3A_126 = arith.addi %add3A_124, %add3A_125 : i32
          %dma_start3A_127 = arith.constant 0 : i32
          %dma_start3A_128 = arith.constant 0 : i32
          %dma_start3A_129 = tpu.memref_slice %arg16[%rem3A_90, %dma_start3A_127, %dma_start3A_128] : memref<2x128x128xf32, #tpu.memory_space<vmem>> -> memref<1x128x128xf32, #tpu.memory_space<vmem>>
          %dma_start3A_130 = tpu.memref_squeeze %dma_start3A_129 : memref<1x128x128xf32, #tpu.memory_space<vmem>> -> memref<128x128xf32, #tpu.memory_space<vmem>>
          %dma_start3A_131 = arith.constant 0 : i32
          %dma_start3A_132 = tpu.memref_slice %arg14[%add3A_126, %dma_start3A_131] : memref<40x128xi32, #tpu.memory_space<vmem>> -> memref<1x128xi32, #tpu.memory_space<vmem>>
          %dma_start3A_133 = tpu.memref_squeeze %dma_start3A_132 : memref<1x128xi32, #tpu.memory_space<vmem>> -> memref<128xi32, #tpu.memory_space<vmem>>
          %dma_start3A_134 = arith.constant 0 : i32
          %dma_start3A_135 = arith.constant 0 : i32
          %dma_start3A_136 = tpu.memref_slice %arg2[%dma_start3A_134, %dma_start3A_135] : memref<10000x128xf32, #tpu.memory_space<hbm>> -> memref<10000x128xf32, #tpu.memory_space<hbm>>
          tpu.enqueue_indirect_dma source(%dma_start3A_136 : memref<10000x128xf32, #tpu.memory_space<hbm>>) target(%dma_start3A_130 : memref<128x128xf32, #tpu.memory_space<vmem>>) offsets(%dma_start3A_133 : memref<128xi32, #tpu.memory_space<vmem>>) semaphore(%arg19 : memref<!tpu.dma_semaphore, #tpu.memory_space<semaphore_mem>>)
        } else {
        }
        %add3A_111 = arith.constant 0 : i32
        %add3A_112 = arith.addi %add3A_111, %scan3A_86 : i32
        %dma_start3A_113 = arith.constant 0 : i32
        %dma_start3A_114 = arith.constant 0 : i32
        %dma_start3A_115 = tpu.memref_slice %arg16[%rem3A_87, %dma_start3A_113, %dma_start3A_114] : memref<2x128x128xf32, #tpu.memory_space<vmem>> -> memref<1x128x128xf32, #tpu.memory_space<vmem>>
        %dma_start3A_116 = tpu.memref_squeeze %dma_start3A_115 : memref<1x128x128xf32, #tpu.memory_space<vmem>> -> memref<128x128xf32, #tpu.memory_space<vmem>>
        %dma_start3A_117 = arith.constant 0 : i32
        %dma_start3A_118 = tpu.memref_slice %arg15[%add3A_112, %dma_start3A_117] : memref<40x128xi32, #tpu.memory_space<vmem>> -> memref<1x128xi32, #tpu.memory_space<vmem>>
        %dma_start3A_119 = tpu.memref_squeeze %dma_start3A_118 : memref<1x128xi32, #tpu.memory_space<vmem>> -> memref<128xi32, #tpu.memory_space<vmem>>
        %dma_start3A_120 = arith.constant 0 : i32
        %dma_start3A_121 = arith.constant 0 : i32
        %dma_start3A_122 = tpu.memref_slice %arg17[%dma_start3A_120, %dma_start3A_121] : memref<10112x128xf32, #tpu.memory_space<vmem_shared>> -> memref<10112x128xf32, #tpu.memory_space<vmem_shared>>
        tpu.enqueue_indirect_dma source(%dma_start3A_116 : memref<128x128xf32, #tpu.memory_space<vmem>>) target(%dma_start3A_122 : memref<10112x128xf32, #tpu.memory_space<vmem_shared>>) offsets(%dma_start3A_119 : memref<128xi32, #tpu.memory_space<vmem>>) semaphore(%arg20 : memref<!tpu.dma_semaphore, #tpu.memory_space<semaphore_mem>>) {add = true}
      }
      %scan3A_73 = arith.constant 40 : i32
      %dma_wait3A_74 = arith.constant 1 : i32
      %dma_wait3A_75 = arith.constant 39 : i32
      %dma_wait3A_76 = arith.constant 0 : i32
      %dma_wait3A_77 = arith.constant 0 : i32
      %dma_wait3A_78 = tpu.memref_slice %arg16[%dma_wait3A_74, %dma_wait3A_76, %dma_wait3A_77] : memref<2x128x128xf32, #tpu.memory_space<vmem>> -> memref<1x128x128xf32, #tpu.memory_space<vmem>>
      %dma_wait3A_79 = tpu.memref_squeeze %dma_wait3A_78 : memref<1x128x128xf32, #tpu.memory_space<vmem>> -> memref<128x128xf32, #tpu.memory_space<vmem>>
      %dma_wait3A_80 = arith.constant 0 : i32
      %dma_wait3A_81 = tpu.memref_slice %arg15[%dma_wait3A_75, %dma_wait3A_80] : memref<40x128xi32, #tpu.memory_space<vmem>> -> memref<1x128xi32, #tpu.memory_space<vmem>>
      %dma_wait3A_82 = tpu.memref_squeeze %dma_wait3A_81 : memref<1x128xi32, #tpu.memory_space<vmem>> -> memref<128xi32, #tpu.memory_space<vmem>>
      %dma_wait3A_83 = arith.constant 0 : i32
      %dma_wait3A_84 = arith.constant 0 : i32
      %dma_wait3A_85 = tpu.memref_slice %arg17[%dma_wait3A_83, %dma_wait3A_84] : memref<10112x128xf32, #tpu.memory_space<vmem_shared>> -> memref<10112x128xf32, #tpu.memory_space<vmem_shared>>
      tpu.wait_indirect_dma semaphore(%arg20 : memref<!tpu.dma_semaphore, #tpu.memory_space<semaphore_mem>>) src(%dma_wait3A_79 : memref<128x128xf32, #tpu.memory_space<vmem>>) dst(%dma_wait3A_85 : memref<10112x128xf32, #tpu.memory_space<vmem_shared>>)
    } else {
    }
    %eq3A_10 = arith.constant 1 : i32
    %eq3A_11 = arith.cmpi eq, %arg0, %eq3A_10 : i32
    %convert_element_type3A_12 = arith.extui %eq3A_11 : i1 to i32
    %cond3A_13 = arith.constant 0 : i32
    %cond3A_14 = arith.cmpi ne, %convert_element_type3A_12, %cond3A_13 : i32
    scf.if %cond3A_14 {
      "tpu.region"() ({
        %run_scoped3A = tpu.sem_alloc : memref<!tpu.dma_semaphore, #tpu.memory_space<semaphore_mem>>
        %dma_start3A_83 = arith.constant 0 : i32
        %dma_start3A_84 = arith.constant 0 : i32
        %dma_start3A_85 = tpu.memref_slice %arg6[%arg1, %dma_start3A_83, %dma_start3A_84] : memref<16x40x128xi32, #tpu.memory_space<hbm>> -> memref<1x40x128xi32, #tpu.memory_space<hbm>>
        %dma_start3A_86 = tpu.memref_squeeze %dma_start3A_85 : memref<1x40x128xi32, #tpu.memory_space<hbm>> -> memref<40x128xi32, #tpu.memory_space<hbm>>
        %dma_start3A_87 = arith.constant 0 : i32
        %dma_start3A_88 = arith.constant 0 : i32
        %dma_start3A_89 = tpu.memref_slice %arg6[%arg1, %dma_start3A_87, %dma_start3A_88] : memref<16x40x128xi32, #tpu.memory_space<hbm>> -> memref<1x40x128xi32, #tpu.memory_space<hbm>>
        %dma_start3A_90 = tpu.memref_squeeze %dma_start3A_89 : memref<1x40x128xi32, #tpu.memory_space<hbm>> -> memref<40x128xi32, #tpu.memory_space<hbm>>
        tpu.enqueue_dma source(%dma_start3A_90 : memref<40x128xi32, #tpu.memory_space<hbm>>) target(%arg14 : memref<40x128xi32, #tpu.memory_space<vmem>>) target_semaphore(%run_scoped3A : memref<!tpu.dma_semaphore, #tpu.memory_space<semaphore_mem>>)
        %dma_wait3A_91 = arith.constant 0 : i32
        %dma_wait3A_92 = arith.constant 0 : i32
        %dma_wait3A_93 = tpu.memref_slice %arg6[%arg1, %dma_wait3A_91, %dma_wait3A_92] : memref<16x40x128xi32, #tpu.memory_space<hbm>> -> memref<1x40x128xi32, #tpu.memory_space<hbm>>
        %dma_wait3A_94 = tpu.memref_squeeze %dma_wait3A_93 : memref<1x40x128xi32, #tpu.memory_space<hbm>> -> memref<40x128xi32, #tpu.memory_space<hbm>>
        %dma_wait3A_95 = arith.constant 0 : i32
        %dma_wait3A_96 = arith.constant 0 : i32
        %dma_wait3A_97 = tpu.memref_slice %arg6[%arg1, %dma_wait3A_95, %dma_wait3A_96] : memref<16x40x128xi32, #tpu.memory_space<hbm>> -> memref<1x40x128xi32, #tpu.memory_space<hbm>>
        %dma_wait3A_98 = tpu.memref_squeeze %dma_wait3A_97 : memref<1x40x128xi32, #tpu.memory_space<hbm>> -> memref<40x128xi32, #tpu.memory_space<hbm>>
        tpu.wait_dma2 semaphore(%run_scoped3A : memref<!tpu.dma_semaphore, #tpu.memory_space<semaphore_mem>>) src(%dma_wait3A_98 : memref<40x128xi32, #tpu.memory_space<hbm>>) dst(%arg14 : memref<40x128xi32, #tpu.memory_space<vmem>>)
        tpu.yield
      }) : () -> ()
      "tpu.region"() ({
        %run_scoped3A = tpu.sem_alloc : memref<!tpu.dma_semaphore, #tpu.memory_space<semaphore_mem>>
        %dma_start3A_83 = arith.constant 0 : i32
        %dma_start3A_84 = arith.constant 0 : i32
        %dma_start3A_85 = tpu.memref_slice %arg7[%arg1, %dma_start3A_83, %dma_start3A_84] : memref<16x40x128xi32, #tpu.memory_space<hbm>> -> memref<1x40x128xi32, #tpu.memory_space<hbm>>
        %dma_start3A_86 = tpu.memref_squeeze %dma_start3A_85 : memref<1x40x128xi32, #tpu.memory_space<hbm>> -> memref<40x128xi32, #tpu.memory_space<hbm>>
        %dma_start3A_87 = arith.constant 0 : i32
        %dma_start3A_88 = arith.constant 0 : i32
        %dma_start3A_89 = tpu.memref_slice %arg7[%arg1, %dma_start3A_87, %dma_start3A_88] : memref<16x40x128xi32, #tpu.memory_space<hbm>> -> memref<1x40x128xi32, #tpu.memory_space<hbm>>
        %dma_start3A_90 = tpu.memref_squeeze %dma_start3A_89 : memref<1x40x128xi32, #tpu.memory_space<hbm>> -> memref<40x128xi32, #tpu.memory_space<hbm>>
        tpu.enqueue_dma source(%dma_start3A_90 : memref<40x128xi32, #tpu.memory_space<hbm>>) target(%arg15 : memref<40x128xi32, #tpu.memory_space<vmem>>) target_semaphore(%run_scoped3A : memref<!tpu.dma_semaphore, #tpu.memory_space<semaphore_mem>>)
        %dma_wait3A_91 = arith.constant 0 : i32
        %dma_wait3A_92 = arith.constant 0 : i32
        %dma_wait3A_93 = tpu.memref_slice %arg7[%arg1, %dma_wait3A_91, %dma_wait3A_92] : memref<16x40x128xi32, #tpu.memory_space<hbm>> -> memref<1x40x128xi32, #tpu.memory_space<hbm>>
        %dma_wait3A_94 = tpu.memref_squeeze %dma_wait3A_93 : memref<1x40x128xi32, #tpu.memory_space<hbm>> -> memref<40x128xi32, #tpu.memory_space<hbm>>
        %dma_wait3A_95 = arith.constant 0 : i32
        %dma_wait3A_96 = arith.constant 0 : i32
        %dma_wait3A_97 = tpu.memref_slice %arg7[%arg1, %dma_wait3A_95, %dma_wait3A_96] : memref<16x40x128xi32, #tpu.memory_space<hbm>> -> memref<1x40x128xi32, #tpu.memory_space<hbm>>
        %dma_wait3A_98 = tpu.memref_squeeze %dma_wait3A_97 : memref<1x40x128xi32, #tpu.memory_space<hbm>> -> memref<40x128xi32, #tpu.memory_space<hbm>>
        tpu.wait_dma2 semaphore(%run_scoped3A : memref<!tpu.dma_semaphore, #tpu.memory_space<semaphore_mem>>) src(%dma_wait3A_98 : memref<40x128xi32, #tpu.memory_space<hbm>>) dst(%arg15 : memref<40x128xi32, #tpu.memory_space<vmem>>)
        tpu.yield
      }) : () -> ()
      %dma_start3A = arith.constant 0 : i32
      %dma_start3A_26 = arith.constant 0 : i32
      %dma_start3A_27 = arith.constant 0 : i32
      %dma_start3A_28 = arith.constant 0 : i32
      %dma_start3A_29 = tpu.memref_slice %arg16[%dma_start3A_26, %dma_start3A_27, %dma_start3A_28] : memref<2x128x128xf32, #tpu.memory_space<vmem>> -> memref<1x128x128xf32, #tpu.memory_space<vmem>>
      %dma_start3A_30 = tpu.memref_squeeze %dma_start3A_29 : memref<1x128x128xf32, #tpu.memory_space<vmem>> -> memref<128x128xf32, #tpu.memory_space<vmem>>
      %dma_start3A_31 = arith.constant 0 : i32
      %dma_start3A_32 = tpu.memref_slice %arg14[%dma_start3A, %dma_start3A_31] : memref<40x128xi32, #tpu.memory_space<vmem>> -> memref<1x128xi32, #tpu.memory_space<vmem>>
      %dma_start3A_33 = tpu.memref_squeeze %dma_start3A_32 : memref<1x128xi32, #tpu.memory_space<vmem>> -> memref<128xi32, #tpu.memory_space<vmem>>
      %dma_start3A_34 = arith.constant 0 : i32
      %dma_start3A_35 = arith.constant 0 : i32
      %dma_start3A_36 = tpu.memref_slice %arg3[%dma_start3A_34, %dma_start3A_35] : memref<256x128xf32, #tpu.memory_space<hbm>> -> memref<256x128xf32, #tpu.memory_space<hbm>>
      tpu.enqueue_indirect_dma source(%dma_start3A_36 : memref<256x128xf32, #tpu.memory_space<hbm>>) target(%dma_start3A_30 : memref<128x128xf32, #tpu.memory_space<vmem>>) offsets(%dma_start3A_33 : memref<128xi32, #tpu.memory_space<vmem>>) semaphore(%arg19 : memref<!tpu.dma_semaphore, #tpu.memory_space<semaphore_mem>>)
      %scan3A = arith.constant 0 : i32
      %scan3A_37 = arith.constant 0 : i32
      %scan3A_38 = arith.constant 40 : i32
      %scan3A_39 = arith.addi %scan3A_37, %scan3A_38 : i32
      %scan3A_40 = arith.constant 1 : i32
      scf.for %scan3A_83 = %scan3A_37 to %scan3A_39 step %scan3A_40  : i32 {
        %rem3A = arith.constant 2 : i32
        %rem3A_84 = arith.remsi %scan3A_83, %rem3A : i32
        %add3A = arith.constant 1 : i32
        %add3A_85 = arith.addi %scan3A_83, %add3A : i32
        %rem3A_86 = arith.constant 2 : i32
        %rem3A_87 = arith.remsi %add3A_85, %rem3A_86 : i32
        %add3A_88 = arith.constant 0 : i32
        %add3A_89 = arith.addi %add3A_88, %scan3A_83 : i32
        %dma_wait3A_90 = arith.constant 0 : i32
        %dma_wait3A_91 = arith.constant 0 : i32
        %dma_wait3A_92 = tpu.memref_slice %arg16[%rem3A_84, %dma_wait3A_90, %dma_wait3A_91] : memref<2x128x128xf32, #tpu.memory_space<vmem>> -> memref<1x128x128xf32, #tpu.memory_space<vmem>>
        %dma_wait3A_93 = tpu.memref_squeeze %dma_wait3A_92 : memref<1x128x128xf32, #tpu.memory_space<vmem>> -> memref<128x128xf32, #tpu.memory_space<vmem>>
        %dma_wait3A_94 = arith.constant 0 : i32
        %dma_wait3A_95 = tpu.memref_slice %arg14[%add3A_89, %dma_wait3A_94] : memref<40x128xi32, #tpu.memory_space<vmem>> -> memref<1x128xi32, #tpu.memory_space<vmem>>
        %dma_wait3A_96 = tpu.memref_squeeze %dma_wait3A_95 : memref<1x128xi32, #tpu.memory_space<vmem>> -> memref<128xi32, #tpu.memory_space<vmem>>
        %dma_wait3A_97 = arith.constant 0 : i32
        %dma_wait3A_98 = arith.constant 0 : i32
        %dma_wait3A_99 = tpu.memref_slice %arg3[%dma_wait3A_97, %dma_wait3A_98] : memref<256x128xf32, #tpu.memory_space<hbm>> -> memref<256x128xf32, #tpu.memory_space<hbm>>
        tpu.wait_indirect_dma semaphore(%arg19 : memref<!tpu.dma_semaphore, #tpu.memory_space<semaphore_mem>>) src(%dma_wait3A_99 : memref<256x128xf32, #tpu.memory_space<hbm>>) dst(%dma_wait3A_93 : memref<128x128xf32, #tpu.memory_space<vmem>>)
        %gt3A = arith.constant 0 : i32
        %gt3A_100 = arith.cmpi sgt, %scan3A_83, %gt3A : i32
        %convert_element_type3A_101 = arith.extui %gt3A_100 : i1 to i32
        %cond3A_102 = arith.constant 0 : i32
        %cond3A_103 = arith.cmpi ne, %convert_element_type3A_101, %cond3A_102 : i32
        scf.if %cond3A_103 {
          %add3A_120 = arith.constant 0 : i32
          %add3A_121 = arith.addi %add3A_120, %scan3A_83 : i32
          %sub3A = arith.constant 1 : i32
          %sub3A_122 = arith.subi %add3A_121, %sub3A : i32
          %dma_wait3A_123 = arith.constant 0 : i32
          %dma_wait3A_124 = arith.constant 0 : i32
          %dma_wait3A_125 = tpu.memref_slice %arg16[%rem3A_87, %dma_wait3A_123, %dma_wait3A_124] : memref<2x128x128xf32, #tpu.memory_space<vmem>> -> memref<1x128x128xf32, #tpu.memory_space<vmem>>
          %dma_wait3A_126 = tpu.memref_squeeze %dma_wait3A_125 : memref<1x128x128xf32, #tpu.memory_space<vmem>> -> memref<128x128xf32, #tpu.memory_space<vmem>>
          %dma_wait3A_127 = arith.constant 0 : i32
          %dma_wait3A_128 = tpu.memref_slice %arg15[%sub3A_122, %dma_wait3A_127] : memref<40x128xi32, #tpu.memory_space<vmem>> -> memref<1x128xi32, #tpu.memory_space<vmem>>
          %dma_wait3A_129 = tpu.memref_squeeze %dma_wait3A_128 : memref<1x128xi32, #tpu.memory_space<vmem>> -> memref<128xi32, #tpu.memory_space<vmem>>
          %dma_wait3A_130 = arith.constant 0 : i32
          %dma_wait3A_131 = arith.constant 0 : i32
          %dma_wait3A_132 = tpu.memref_slice %arg17[%dma_wait3A_130, %dma_wait3A_131] : memref<10112x128xf32, #tpu.memory_space<vmem_shared>> -> memref<10112x128xf32, #tpu.memory_space<vmem_shared>>
          tpu.wait_indirect_dma semaphore(%arg20 : memref<!tpu.dma_semaphore, #tpu.memory_space<semaphore_mem>>) src(%dma_wait3A_126 : memref<128x128xf32, #tpu.memory_space<vmem>>) dst(%dma_wait3A_132 : memref<10112x128xf32, #tpu.memory_space<vmem_shared>>)
        } else {
        }
        %lt3A = arith.constant 39 : i32
        %lt3A_104 = arith.cmpi slt, %scan3A_83, %lt3A : i32
        %convert_element_type3A_105 = arith.extui %lt3A_104 : i1 to i32
        %cond3A_106 = arith.constant 0 : i32
        %cond3A_107 = arith.cmpi ne, %convert_element_type3A_105, %cond3A_106 : i32
        scf.if %cond3A_107 {
          %add3A_120 = arith.constant 0 : i32
          %add3A_121 = arith.addi %add3A_120, %scan3A_83 : i32
          %add3A_122 = arith.constant 1 : i32
          %add3A_123 = arith.addi %add3A_121, %add3A_122 : i32
          %dma_start3A_124 = arith.constant 0 : i32
          %dma_start3A_125 = arith.constant 0 : i32
          %dma_start3A_126 = tpu.memref_slice %arg16[%rem3A_87, %dma_start3A_124, %dma_start3A_125] : memref<2x128x128xf32, #tpu.memory_space<vmem>> -> memref<1x128x128xf32, #tpu.memory_space<vmem>>
          %dma_start3A_127 = tpu.memref_squeeze %dma_start3A_126 : memref<1x128x128xf32, #tpu.memory_space<vmem>> -> memref<128x128xf32, #tpu.memory_space<vmem>>
          %dma_start3A_128 = arith.constant 0 : i32
          %dma_start3A_129 = tpu.memref_slice %arg14[%add3A_123, %dma_start3A_128] : memref<40x128xi32, #tpu.memory_space<vmem>> -> memref<1x128xi32, #tpu.memory_space<vmem>>
          %dma_start3A_130 = tpu.memref_squeeze %dma_start3A_129 : memref<1x128xi32, #tpu.memory_space<vmem>> -> memref<128xi32, #tpu.memory_space<vmem>>
          %dma_start3A_131 = arith.constant 0 : i32
          %dma_start3A_132 = arith.constant 0 : i32
          %dma_start3A_133 = tpu.memref_slice %arg3[%dma_start3A_131, %dma_start3A_132] : memref<256x128xf32, #tpu.memory_space<hbm>> -> memref<256x128xf32, #tpu.memory_space<hbm>>
          tpu.enqueue_indirect_dma source(%dma_start3A_133 : memref<256x128xf32, #tpu.memory_space<hbm>>) target(%dma_start3A_127 : memref<128x128xf32, #tpu.memory_space<vmem>>) offsets(%dma_start3A_130 : memref<128xi32, #tpu.memory_space<vmem>>) semaphore(%arg19 : memref<!tpu.dma_semaphore, #tpu.memory_space<semaphore_mem>>)
        } else {
        }
        %add3A_108 = arith.constant 0 : i32
        %add3A_109 = arith.addi %add3A_108, %scan3A_83 : i32
        %dma_start3A_110 = arith.constant 0 : i32
        %dma_start3A_111 = arith.constant 0 : i32
        %dma_start3A_112 = tpu.memref_slice %arg16[%rem3A_84, %dma_start3A_110, %dma_start3A_111] : memref<2x128x128xf32, #tpu.memory_space<vmem>> -> memref<1x128x128xf32, #tpu.memory_space<vmem>>
        %dma_start3A_113 = tpu.memref_squeeze %dma_start3A_112 : memref<1x128x128xf32, #tpu.memory_space<vmem>> -> memref<128x128xf32, #tpu.memory_space<vmem>>
        %dma_start3A_114 = arith.constant 0 : i32
        %dma_start3A_115 = tpu.memref_slice %arg15[%add3A_109, %dma_start3A_114] : memref<40x128xi32, #tpu.memory_space<vmem>> -> memref<1x128xi32, #tpu.memory_space<vmem>>
        %dma_start3A_116 = tpu.memref_squeeze %dma_start3A_115 : memref<1x128xi32, #tpu.memory_space<vmem>> -> memref<128xi32, #tpu.memory_space<vmem>>
        %dma_start3A_117 = arith.constant 0 : i32
        %dma_start3A_118 = arith.constant 0 : i32
        %dma_start3A_119 = tpu.memref_slice %arg17[%dma_start3A_117, %dma_start3A_118] : memref<10112x128xf32, #tpu.memory_space<vmem_shared>> -> memref<10112x128xf32, #tpu.memory_space<vmem_shared>>
        tpu.enqueue_indirect_dma source(%dma_start3A_113 : memref<128x128xf32, #tpu.memory_space<vmem>>) target(%dma_start3A_119 : memref<10112x128xf32, #tpu.memory_space<vmem_shared>>) offsets(%dma_start3A_116 : memref<128xi32, #tpu.memory_space<vmem>>) semaphore(%arg20 : memref<!tpu.dma_semaphore, #tpu.memory_space<semaphore_mem>>) {add = true}
      }
      %scan3A_41 = arith.constant 40 : i32
      %dma_wait3A = arith.constant 1 : i32
      %dma_wait3A_42 = arith.constant 39 : i32
      %dma_wait3A_43 = arith.constant 0 : i32
      %dma_wait3A_44 = arith.constant 0 : i32
      %dma_wait3A_45 = tpu.memref_slice %arg16[%dma_wait3A, %dma_wait3A_43, %dma_wait3A_44] : memref<2x128x128xf32, #tpu.memory_space<vmem>> -> memref<1x128x128xf32, #tpu.memory_space<vmem>>
      %dma_wait3A_46 = tpu.memref_squeeze %dma_wait3A_45 : memref<1x128x128xf32, #tpu.memory_space<vmem>> -> memref<128x128xf32, #tpu.memory_space<vmem>>
      %dma_wait3A_47 = arith.constant 0 : i32
      %dma_wait3A_48 = tpu.memref_slice %arg15[%dma_wait3A_42, %dma_wait3A_47] : memref<40x128xi32, #tpu.memory_space<vmem>> -> memref<1x128xi32, #tpu.memory_space<vmem>>
      %dma_wait3A_49 = tpu.memref_squeeze %dma_wait3A_48 : memref<1x128xi32, #tpu.memory_space<vmem>> -> memref<128xi32, #tpu.memory_space<vmem>>
      %dma_wait3A_50 = arith.constant 0 : i32
      %dma_wait3A_51 = arith.constant 0 : i32
      %dma_wait3A_52 = tpu.memref_slice %arg17[%dma_wait3A_50, %dma_wait3A_51] : memref<10112x128xf32, #tpu.memory_space<vmem_shared>> -> memref<10112x128xf32, #tpu.memory_space<vmem_shared>>
      tpu.wait_indirect_dma semaphore(%arg20 : memref<!tpu.dma_semaphore, #tpu.memory_space<semaphore_mem>>) src(%dma_wait3A_46 : memref<128x128xf32, #tpu.memory_space<vmem>>) dst(%dma_wait3A_52 : memref<10112x128xf32, #tpu.memory_space<vmem_shared>>)
      "tpu.region"() ({
        %run_scoped3A = tpu.sem_alloc : memref<!tpu.dma_semaphore, #tpu.memory_space<semaphore_mem>>
        %dma_start3A_83 = arith.constant 0 : i32
        %dma_start3A_84 = arith.constant 0 : i32
        %dma_start3A_85 = tpu.memref_slice %arg8[%arg1, %dma_start3A_83, %dma_start3A_84] : memref<16x40x128xi32, #tpu.memory_space<hbm>> -> memref<1x40x128xi32, #tpu.memory_space<hbm>>
        %dma_start3A_86 = tpu.memref_squeeze %dma_start3A_85 : memref<1x40x128xi32, #tpu.memory_space<hbm>> -> memref<40x128xi32, #tpu.memory_space<hbm>>
        %dma_start3A_87 = arith.constant 0 : i32
        %dma_start3A_88 = arith.constant 0 : i32
        %dma_start3A_89 = tpu.memref_slice %arg8[%arg1, %dma_start3A_87, %dma_start3A_88] : memref<16x40x128xi32, #tpu.memory_space<hbm>> -> memref<1x40x128xi32, #tpu.memory_space<hbm>>
        %dma_start3A_90 = tpu.memref_squeeze %dma_start3A_89 : memref<1x40x128xi32, #tpu.memory_space<hbm>> -> memref<40x128xi32, #tpu.memory_space<hbm>>
        tpu.enqueue_dma source(%dma_start3A_90 : memref<40x128xi32, #tpu.memory_space<hbm>>) target(%arg14 : memref<40x128xi32, #tpu.memory_space<vmem>>) target_semaphore(%run_scoped3A : memref<!tpu.dma_semaphore, #tpu.memory_space<semaphore_mem>>)
        %dma_wait3A_91 = arith.constant 0 : i32
        %dma_wait3A_92 = arith.constant 0 : i32
        %dma_wait3A_93 = tpu.memref_slice %arg8[%arg1, %dma_wait3A_91, %dma_wait3A_92] : memref<16x40x128xi32, #tpu.memory_space<hbm>> -> memref<1x40x128xi32, #tpu.memory_space<hbm>>
        %dma_wait3A_94 = tpu.memref_squeeze %dma_wait3A_93 : memref<1x40x128xi32, #tpu.memory_space<hbm>> -> memref<40x128xi32, #tpu.memory_space<hbm>>
        %dma_wait3A_95 = arith.constant 0 : i32
        %dma_wait3A_96 = arith.constant 0 : i32
        %dma_wait3A_97 = tpu.memref_slice %arg8[%arg1, %dma_wait3A_95, %dma_wait3A_96] : memref<16x40x128xi32, #tpu.memory_space<hbm>> -> memref<1x40x128xi32, #tpu.memory_space<hbm>>
        %dma_wait3A_98 = tpu.memref_squeeze %dma_wait3A_97 : memref<1x40x128xi32, #tpu.memory_space<hbm>> -> memref<40x128xi32, #tpu.memory_space<hbm>>
        tpu.wait_dma2 semaphore(%run_scoped3A : memref<!tpu.dma_semaphore, #tpu.memory_space<semaphore_mem>>) src(%dma_wait3A_98 : memref<40x128xi32, #tpu.memory_space<hbm>>) dst(%arg14 : memref<40x128xi32, #tpu.memory_space<vmem>>)
        tpu.yield
      }) : () -> ()
      "tpu.region"() ({
        %run_scoped3A = tpu.sem_alloc : memref<!tpu.dma_semaphore, #tpu.memory_space<semaphore_mem>>
        %dma_start3A_83 = arith.constant 0 : i32
        %dma_start3A_84 = arith.constant 0 : i32
        %dma_start3A_85 = tpu.memref_slice %arg9[%arg1, %dma_start3A_83, %dma_start3A_84] : memref<16x40x128xi32, #tpu.memory_space<hbm>> -> memref<1x40x128xi32, #tpu.memory_space<hbm>>
        %dma_start3A_86 = tpu.memref_squeeze %dma_start3A_85 : memref<1x40x128xi32, #tpu.memory_space<hbm>> -> memref<40x128xi32, #tpu.memory_space<hbm>>
        %dma_start3A_87 = arith.constant 0 : i32
        %dma_start3A_88 = arith.constant 0 : i32
        %dma_start3A_89 = tpu.memref_slice %arg9[%arg1, %dma_start3A_87, %dma_start3A_88] : memref<16x40x128xi32, #tpu.memory_space<hbm>> -> memref<1x40x128xi32, #tpu.memory_space<hbm>>
        %dma_start3A_90 = tpu.memref_squeeze %dma_start3A_89 : memref<1x40x128xi32, #tpu.memory_space<hbm>> -> memref<40x128xi32, #tpu.memory_space<hbm>>
        tpu.enqueue_dma source(%dma_start3A_90 : memref<40x128xi32, #tpu.memory_space<hbm>>) target(%arg15 : memref<40x128xi32, #tpu.memory_space<vmem>>) target_semaphore(%run_scoped3A : memref<!tpu.dma_semaphore, #tpu.memory_space<semaphore_mem>>)
        %dma_wait3A_91 = arith.constant 0 : i32
        %dma_wait3A_92 = arith.constant 0 : i32
        %dma_wait3A_93 = tpu.memref_slice %arg9[%arg1, %dma_wait3A_91, %dma_wait3A_92] : memref<16x40x128xi32, #tpu.memory_space<hbm>> -> memref<1x40x128xi32, #tpu.memory_space<hbm>>
        %dma_wait3A_94 = tpu.memref_squeeze %dma_wait3A_93 : memref<1x40x128xi32, #tpu.memory_space<hbm>> -> memref<40x128xi32, #tpu.memory_space<hbm>>
        %dma_wait3A_95 = arith.constant 0 : i32
        %dma_wait3A_96 = arith.constant 0 : i32
        %dma_wait3A_97 = tpu.memref_slice %arg9[%arg1, %dma_wait3A_95, %dma_wait3A_96] : memref<16x40x128xi32, #tpu.memory_space<hbm>> -> memref<1x40x128xi32, #tpu.memory_space<hbm>>
        %dma_wait3A_98 = tpu.memref_squeeze %dma_wait3A_97 : memref<1x40x128xi32, #tpu.memory_space<hbm>> -> memref<40x128xi32, #tpu.memory_space<hbm>>
        tpu.wait_dma2 semaphore(%run_scoped3A : memref<!tpu.dma_semaphore, #tpu.memory_space<semaphore_mem>>) src(%dma_wait3A_98 : memref<40x128xi32, #tpu.memory_space<hbm>>) dst(%arg15 : memref<40x128xi32, #tpu.memory_space<vmem>>)
        tpu.yield
      }) : () -> ()
      %dma_start3A_53 = arith.constant 0 : i32
      %dma_start3A_54 = arith.constant 0 : i32
      %dma_start3A_55 = arith.constant 0 : i32
      %dma_start3A_56 = arith.constant 0 : i32
      %dma_start3A_57 = tpu.memref_slice %arg16[%dma_start3A_54, %dma_start3A_55, %dma_start3A_56] : memref<2x128x128xf32, #tpu.memory_space<vmem>> -> memref<1x128x128xf32, #tpu.memory_space<vmem>>
      %dma_start3A_58 = tpu.memref_squeeze %dma_start3A_57 : memref<1x128x128xf32, #tpu.memory_space<vmem>> -> memref<128x128xf32, #tpu.memory_space<vmem>>
      %dma_start3A_59 = arith.constant 0 : i32
      %dma_start3A_60 = tpu.memref_slice %arg14[%dma_start3A_53, %dma_start3A_59] : memref<40x128xi32, #tpu.memory_space<vmem>> -> memref<1x128xi32, #tpu.memory_space<vmem>>
      %dma_start3A_61 = tpu.memref_squeeze %dma_start3A_60 : memref<1x128xi32, #tpu.memory_space<vmem>> -> memref<128xi32, #tpu.memory_space<vmem>>
      %dma_start3A_62 = arith.constant 0 : i32
      %dma_start3A_63 = arith.constant 0 : i32
      %dma_start3A_64 = tpu.memref_slice %arg2[%dma_start3A_62, %dma_start3A_63] : memref<10000x128xf32, #tpu.memory_space<hbm>> -> memref<10000x128xf32, #tpu.memory_space<hbm>>
      tpu.enqueue_indirect_dma source(%dma_start3A_64 : memref<10000x128xf32, #tpu.memory_space<hbm>>) target(%dma_start3A_58 : memref<128x128xf32, #tpu.memory_space<vmem>>) offsets(%dma_start3A_61 : memref<128xi32, #tpu.memory_space<vmem>>) semaphore(%arg19 : memref<!tpu.dma_semaphore, #tpu.memory_space<semaphore_mem>>)
      %scan3A_65 = arith.constant 0 : i32
      %scan3A_66 = arith.constant 0 : i32
      %scan3A_67 = arith.constant 40 : i32
      %scan3A_68 = arith.addi %scan3A_66, %scan3A_67 : i32
      %scan3A_69 = arith.constant 1 : i32
      scf.for %scan3A_83 = %scan3A_66 to %scan3A_68 step %scan3A_69  : i32 {
        %rem3A = arith.constant 2 : i32
        %rem3A_84 = arith.remsi %scan3A_83, %rem3A : i32
        %add3A = arith.constant 1 : i32
        %add3A_85 = arith.addi %scan3A_83, %add3A : i32
        %rem3A_86 = arith.constant 2 : i32
        %rem3A_87 = arith.remsi %add3A_85, %rem3A_86 : i32
        %add3A_88 = arith.constant 0 : i32
        %add3A_89 = arith.addi %add3A_88, %scan3A_83 : i32
        %dma_wait3A_90 = arith.constant 0 : i32
        %dma_wait3A_91 = arith.constant 0 : i32
        %dma_wait3A_92 = tpu.memref_slice %arg16[%rem3A_84, %dma_wait3A_90, %dma_wait3A_91] : memref<2x128x128xf32, #tpu.memory_space<vmem>> -> memref<1x128x128xf32, #tpu.memory_space<vmem>>
        %dma_wait3A_93 = tpu.memref_squeeze %dma_wait3A_92 : memref<1x128x128xf32, #tpu.memory_space<vmem>> -> memref<128x128xf32, #tpu.memory_space<vmem>>
        %dma_wait3A_94 = arith.constant 0 : i32
        %dma_wait3A_95 = tpu.memref_slice %arg14[%add3A_89, %dma_wait3A_94] : memref<40x128xi32, #tpu.memory_space<vmem>> -> memref<1x128xi32, #tpu.memory_space<vmem>>
        %dma_wait3A_96 = tpu.memref_squeeze %dma_wait3A_95 : memref<1x128xi32, #tpu.memory_space<vmem>> -> memref<128xi32, #tpu.memory_space<vmem>>
        %dma_wait3A_97 = arith.constant 0 : i32
        %dma_wait3A_98 = arith.constant 0 : i32
        %dma_wait3A_99 = tpu.memref_slice %arg2[%dma_wait3A_97, %dma_wait3A_98] : memref<10000x128xf32, #tpu.memory_space<hbm>> -> memref<10000x128xf32, #tpu.memory_space<hbm>>
        tpu.wait_indirect_dma semaphore(%arg19 : memref<!tpu.dma_semaphore, #tpu.memory_space<semaphore_mem>>) src(%dma_wait3A_99 : memref<10000x128xf32, #tpu.memory_space<hbm>>) dst(%dma_wait3A_93 : memref<128x128xf32, #tpu.memory_space<vmem>>)
        %gt3A = arith.constant 0 : i32
        %gt3A_100 = arith.cmpi sgt, %scan3A_83, %gt3A : i32
        %convert_element_type3A_101 = arith.extui %gt3A_100 : i1 to i32
        %cond3A_102 = arith.constant 0 : i32
        %cond3A_103 = arith.cmpi ne, %convert_element_type3A_101, %cond3A_102 : i32
        scf.if %cond3A_103 {
          %add3A_120 = arith.constant 0 : i32
          %add3A_121 = arith.addi %add3A_120, %scan3A_83 : i32
          %sub3A = arith.constant 1 : i32
          %sub3A_122 = arith.subi %add3A_121, %sub3A : i32
          %dma_wait3A_123 = arith.constant 0 : i32
          %dma_wait3A_124 = arith.constant 0 : i32
          %dma_wait3A_125 = tpu.memref_slice %arg16[%rem3A_87, %dma_wait3A_123, %dma_wait3A_124] : memref<2x128x128xf32, #tpu.memory_space<vmem>> -> memref<1x128x128xf32, #tpu.memory_space<vmem>>
          %dma_wait3A_126 = tpu.memref_squeeze %dma_wait3A_125 : memref<1x128x128xf32, #tpu.memory_space<vmem>> -> memref<128x128xf32, #tpu.memory_space<vmem>>
          %dma_wait3A_127 = arith.constant 0 : i32
          %dma_wait3A_128 = tpu.memref_slice %arg15[%sub3A_122, %dma_wait3A_127] : memref<40x128xi32, #tpu.memory_space<vmem>> -> memref<1x128xi32, #tpu.memory_space<vmem>>
          %dma_wait3A_129 = tpu.memref_squeeze %dma_wait3A_128 : memref<1x128xi32, #tpu.memory_space<vmem>> -> memref<128xi32, #tpu.memory_space<vmem>>
          %dma_wait3A_130 = arith.constant 0 : i32
          %dma_wait3A_131 = arith.constant 0 : i32
          %dma_wait3A_132 = tpu.memref_slice %arg18[%dma_wait3A_130, %dma_wait3A_131] : memref<384x128xf32, #tpu.memory_space<vmem_shared>> -> memref<384x128xf32, #tpu.memory_space<vmem_shared>>
          tpu.wait_indirect_dma semaphore(%arg20 : memref<!tpu.dma_semaphore, #tpu.memory_space<semaphore_mem>>) src(%dma_wait3A_126 : memref<128x128xf32, #tpu.memory_space<vmem>>) dst(%dma_wait3A_132 : memref<384x128xf32, #tpu.memory_space<vmem_shared>>)
        } else {
        }
        %lt3A = arith.constant 39 : i32
        %lt3A_104 = arith.cmpi slt, %scan3A_83, %lt3A : i32
        %convert_element_type3A_105 = arith.extui %lt3A_104 : i1 to i32
        %cond3A_106 = arith.constant 0 : i32
        %cond3A_107 = arith.cmpi ne, %convert_element_type3A_105, %cond3A_106 : i32
        scf.if %cond3A_107 {
          %add3A_120 = arith.constant 0 : i32
          %add3A_121 = arith.addi %add3A_120, %scan3A_83 : i32
          %add3A_122 = arith.constant 1 : i32
          %add3A_123 = arith.addi %add3A_121, %add3A_122 : i32
          %dma_start3A_124 = arith.constant 0 : i32
          %dma_start3A_125 = arith.constant 0 : i32
          %dma_start3A_126 = tpu.memref_slice %arg16[%rem3A_87, %dma_start3A_124, %dma_start3A_125] : memref<2x128x128xf32, #tpu.memory_space<vmem>> -> memref<1x128x128xf32, #tpu.memory_space<vmem>>
          %dma_start3A_127 = tpu.memref_squeeze %dma_start3A_126 : memref<1x128x128xf32, #tpu.memory_space<vmem>> -> memref<128x128xf32, #tpu.memory_space<vmem>>
          %dma_start3A_128 = arith.constant 0 : i32
          %dma_start3A_129 = tpu.memref_slice %arg14[%add3A_123, %dma_start3A_128] : memref<40x128xi32, #tpu.memory_space<vmem>> -> memref<1x128xi32, #tpu.memory_space<vmem>>
          %dma_start3A_130 = tpu.memref_squeeze %dma_start3A_129 : memref<1x128xi32, #tpu.memory_space<vmem>> -> memref<128xi32, #tpu.memory_space<vmem>>
          %dma_start3A_131 = arith.constant 0 : i32
          %dma_start3A_132 = arith.constant 0 : i32
          %dma_start3A_133 = tpu.memref_slice %arg2[%dma_start3A_131, %dma_start3A_132] : memref<10000x128xf32, #tpu.memory_space<hbm>> -> memref<10000x128xf32, #tpu.memory_space<hbm>>
          tpu.enqueue_indirect_dma source(%dma_start3A_133 : memref<10000x128xf32, #tpu.memory_space<hbm>>) target(%dma_start3A_127 : memref<128x128xf32, #tpu.memory_space<vmem>>) offsets(%dma_start3A_130 : memref<128xi32, #tpu.memory_space<vmem>>) semaphore(%arg19 : memref<!tpu.dma_semaphore, #tpu.memory_space<semaphore_mem>>)
        } else {
        }
        %add3A_108 = arith.constant 0 : i32
        %add3A_109 = arith.addi %add3A_108, %scan3A_83 : i32
        %dma_start3A_110 = arith.constant 0 : i32
        %dma_start3A_111 = arith.constant 0 : i32
        %dma_start3A_112 = tpu.memref_slice %arg16[%rem3A_84, %dma_start3A_110, %dma_start3A_111] : memref<2x128x128xf32, #tpu.memory_space<vmem>> -> memref<1x128x128xf32, #tpu.memory_space<vmem>>
        %dma_start3A_113 = tpu.memref_squeeze %dma_start3A_112 : memref<1x128x128xf32, #tpu.memory_space<vmem>> -> memref<128x128xf32, #tpu.memory_space<vmem>>
        %dma_start3A_114 = arith.constant 0 : i32
        %dma_start3A_115 = tpu.memref_slice %arg15[%add3A_109, %dma_start3A_114] : memref<40x128xi32, #tpu.memory_space<vmem>> -> memref<1x128xi32, #tpu.memory_space<vmem>>
        %dma_start3A_116 = tpu.memref_squeeze %dma_start3A_115 : memref<1x128xi32, #tpu.memory_space<vmem>> -> memref<128xi32, #tpu.memory_space<vmem>>
        %dma_start3A_117 = arith.constant 0 : i32
        %dma_start3A_118 = arith.constant 0 : i32
        %dma_start3A_119 = tpu.memref_slice %arg18[%dma_start3A_117, %dma_start3A_118] : memref<384x128xf32, #tpu.memory_space<vmem_shared>> -> memref<384x128xf32, #tpu.memory_space<vmem_shared>>
        tpu.enqueue_indirect_dma source(%dma_start3A_113 : memref<128x128xf32, #tpu.memory_space<vmem>>) target(%dma_start3A_119 : memref<384x128xf32, #tpu.memory_space<vmem_shared>>) offsets(%dma_start3A_116 : memref<128xi32, #tpu.memory_space<vmem>>) semaphore(%arg20 : memref<!tpu.dma_semaphore, #tpu.memory_space<semaphore_mem>>) {add = true}
      }
      %scan3A_70 = arith.constant 40 : i32
      %dma_wait3A_71 = arith.constant 1 : i32
      %dma_wait3A_72 = arith.constant 39 : i32
      %dma_wait3A_73 = arith.constant 0 : i32
      %dma_wait3A_74 = arith.constant 0 : i32
      %dma_wait3A_75 = tpu.memref_slice %arg16[%dma_wait3A_71, %dma_wait3A_73, %dma_wait3A_74] : memref<2x128x128xf32, #tpu.memory_space<vmem>> -> memref<1x128x128xf32, #tpu.memory_space<vmem>>
      %dma_wait3A_76 = tpu.memref_squeeze %dma_wait3A_75 : memref<1x128x128xf32, #tpu.memory_space<vmem>> -> memref<128x128xf32, #tpu.memory_space<vmem>>
      %dma_wait3A_77 = arith.constant 0 : i32
      %dma_wait3A_78 = tpu.memref_slice %arg15[%dma_wait3A_72, %dma_wait3A_77] : memref<40x128xi32, #tpu.memory_space<vmem>> -> memref<1x128xi32, #tpu.memory_space<vmem>>
      %dma_wait3A_79 = tpu.memref_squeeze %dma_wait3A_78 : memref<1x128xi32, #tpu.memory_space<vmem>> -> memref<128xi32, #tpu.memory_space<vmem>>
      %dma_wait3A_80 = arith.constant 0 : i32
      %dma_wait3A_81 = arith.constant 0 : i32
      %dma_wait3A_82 = tpu.memref_slice %arg18[%dma_wait3A_80, %dma_wait3A_81] : memref<384x128xf32, #tpu.memory_space<vmem_shared>> -> memref<384x128xf32, #tpu.memory_space<vmem_shared>>
      tpu.wait_indirect_dma semaphore(%arg20 : memref<!tpu.dma_semaphore, #tpu.memory_space<semaphore_mem>>) src(%dma_wait3A_76 : memref<128x128xf32, #tpu.memory_space<vmem>>) dst(%dma_wait3A_82 : memref<384x128xf32, #tpu.memory_space<vmem_shared>>)
    } else {
    }
    %barrier3A_15 = arith.constant 0 : index
    tpu.barrier barrier_id(%barrier3A_15)
    %eq3A_16 = arith.constant 0 : i32
    %eq3A_17 = arith.cmpi eq, %arg0, %eq3A_16 : i32
    %convert_element_type3A_18 = arith.extui %eq3A_17 : i1 to i32
    %cond3A_19 = arith.constant 0 : i32
    %cond3A_20 = arith.cmpi ne, %convert_element_type3A_18, %cond3A_19 : i32
    scf.if %cond3A_20 {
      "tpu.region"() ({
        %run_scoped3A = tpu.sem_alloc : memref<!tpu.dma_semaphore, #tpu.memory_space<semaphore_mem>>
        %dma_start3A = arith.constant 0 : i32
        %dma_start3A_26 = tpu.memref_slice %arg11[%mul3A_0, %dma_start3A] : memref<10112x128xf32, #tpu.memory_space<hbm>> -> memref<632x128xf32, #tpu.memory_space<hbm>>
        %dma_start3A_27 = arith.constant 0 : i32
        %dma_start3A_28 = tpu.memref_slice %arg17[%mul3A_0, %dma_start3A_27] : memref<10112x128xf32, #tpu.memory_space<vmem_shared>> -> memref<632x128xf32, #tpu.memory_space<vmem_shared>>
        tpu.enqueue_dma source(%dma_start3A_28 : memref<632x128xf32, #tpu.memory_space<vmem_shared>>) target(%dma_start3A_26 : memref<632x128xf32, #tpu.memory_space<hbm>>) target_semaphore(%run_scoped3A : memref<!tpu.dma_semaphore, #tpu.memory_space<semaphore_mem>>)
        %dma_wait3A = arith.constant 0 : i32
        %dma_wait3A_29 = tpu.memref_slice %arg11[%mul3A_0, %dma_wait3A] : memref<10112x128xf32, #tpu.memory_space<hbm>> -> memref<632x128xf32, #tpu.memory_space<hbm>>
        %dma_wait3A_30 = arith.constant 0 : i32
        %dma_wait3A_31 = tpu.memref_slice %arg17[%mul3A_0, %dma_wait3A_30] : memref<10112x128xf32, #tpu.memory_space<vmem_shared>> -> memref<632x128xf32, #tpu.memory_space<vmem_shared>>
        tpu.wait_dma2 semaphore(%run_scoped3A : memref<!tpu.dma_semaphore, #tpu.memory_space<semaphore_mem>>) src(%dma_wait3A_31 : memref<632x128xf32, #tpu.memory_space<vmem_shared>>) dst(%dma_wait3A_29 : memref<632x128xf32, #tpu.memory_space<hbm>>)
        tpu.yield
      }) : () -> ()
    } else {
    }
    %eq3A_21 = arith.constant 1 : i32
    %eq3A_22 = arith.cmpi eq, %arg0, %eq3A_21 : i32
    %convert_element_type3A_23 = arith.extui %eq3A_22 : i1 to i32
    %cond3A_24 = arith.constant 0 : i32
    %cond3A_25 = arith.cmpi ne, %convert_element_type3A_23, %cond3A_24 : i32
    scf.if %cond3A_25 {
      "tpu.region"() ({
        %run_scoped3A = tpu.sem_alloc : memref<!tpu.dma_semaphore, #tpu.memory_space<semaphore_mem>>
        %dma_start3A = arith.constant 0 : i32
        %dma_start3A_26 = tpu.memref_slice %arg12[%mul3A_0, %dma_start3A] : memref<10112x128xf32, #tpu.memory_space<hbm>> -> memref<632x128xf32, #tpu.memory_space<hbm>>
        %dma_start3A_27 = arith.constant 0 : i32
        %dma_start3A_28 = tpu.memref_slice %arg17[%mul3A_0, %dma_start3A_27] : memref<10112x128xf32, #tpu.memory_space<vmem_shared>> -> memref<632x128xf32, #tpu.memory_space<vmem_shared>>
        tpu.enqueue_dma source(%dma_start3A_28 : memref<632x128xf32, #tpu.memory_space<vmem_shared>>) target(%dma_start3A_26 : memref<632x128xf32, #tpu.memory_space<hbm>>) target_semaphore(%run_scoped3A : memref<!tpu.dma_semaphore, #tpu.memory_space<semaphore_mem>>)
        %dma_wait3A = arith.constant 0 : i32
        %dma_wait3A_29 = tpu.memref_slice %arg12[%mul3A_0, %dma_wait3A] : memref<10112x128xf32, #tpu.memory_space<hbm>> -> memref<632x128xf32, #tpu.memory_space<hbm>>
        %dma_wait3A_30 = arith.constant 0 : i32
        %dma_wait3A_31 = tpu.memref_slice %arg17[%mul3A_0, %dma_wait3A_30] : memref<10112x128xf32, #tpu.memory_space<vmem_shared>> -> memref<632x128xf32, #tpu.memory_space<vmem_shared>>
        tpu.wait_dma2 semaphore(%run_scoped3A : memref<!tpu.dma_semaphore, #tpu.memory_space<semaphore_mem>>) src(%dma_wait3A_31 : memref<632x128xf32, #tpu.memory_space<vmem_shared>>) dst(%dma_wait3A_29 : memref<632x128xf32, #tpu.memory_space<hbm>>)
        tpu.yield
      }) : () -> ()
      "tpu.region"() ({
        %run_scoped3A = tpu.sem_alloc : memref<!tpu.dma_semaphore, #tpu.memory_space<semaphore_mem>>
        %dma_start3A = arith.constant 0 : i32
        %dma_start3A_26 = tpu.memref_slice %arg13[%mul3A_2, %dma_start3A] : memref<384x128xf32, #tpu.memory_space<hbm>> -> memref<24x128xf32, #tpu.memory_space<hbm>>
        %dma_start3A_27 = arith.constant 0 : i32
        %dma_start3A_28 = tpu.memref_slice %arg18[%mul3A_2, %dma_start3A_27] : memref<384x128xf32, #tpu.memory_space<vmem_shared>> -> memref<24x128xf32, #tpu.memory_space<vmem_shared>>
        tpu.enqueue_dma source(%dma_start3A_28 : memref<24x128xf32, #tpu.memory_space<vmem_shared>>) target(%dma_start3A_26 : memref<24x128xf32, #tpu.memory_space<hbm>>) target_semaphore(%run_scoped3A : memref<!tpu.dma_semaphore, #tpu.memory_space<semaphore_mem>>)
        %dma_wait3A = arith.constant 0 : i32
        %dma_wait3A_29 = tpu.memref_slice %arg13[%mul3A_2, %dma_wait3A] : memref<384x128xf32, #tpu.memory_space<hbm>> -> memref<24x128xf32, #tpu.memory_space<hbm>>
        %dma_wait3A_30 = arith.constant 0 : i32
        %dma_wait3A_31 = tpu.memref_slice %arg18[%mul3A_2, %dma_wait3A_30] : memref<384x128xf32, #tpu.memory_space<vmem_shared>> -> memref<24x128xf32, #tpu.memory_space<vmem_shared>>
        tpu.wait_dma2 semaphore(%run_scoped3A : memref<!tpu.dma_semaphore, #tpu.memory_space<semaphore_mem>>) src(%dma_wait3A_31 : memref<24x128xf32, #tpu.memory_space<vmem_shared>>) dst(%dma_wait3A_29 : memref<24x128xf32, #tpu.memory_space<hbm>>)
        tpu.yield
      }) : () -> ()
    } else {
    }
    return
  }
}

#map = affine_map<(d0, d1) -> (0, 0)>
#map1 = affine_map<(d0, d1) -> (0, 0, 0, 0)>
#map2 = affine_map<(d0, d1) -> (0, 0, 0)>
module attributes {stable_mosaic.version = 14 : i64} {
  func.func @_round_agg(%arg0: i32, %arg1: i32, %arg2: memref<10000x128xf32, #tpu.memory_space<hbm>>, %arg3: memref<256x128xf32, #tpu.memory_space<hbm>>, %arg4: memref<16x2x40x128xi32, #tpu.memory_space<hbm>>, %arg5: memref<16x2x40x128xi32, #tpu.memory_space<hbm>>, %arg6: memref<16x40x128xi32, #tpu.memory_space<hbm>>, %arg7: memref<16x40x128xi32, #tpu.memory_space<hbm>>, %arg8: memref<16x40x128xi32, #tpu.memory_space<hbm>>, %arg9: memref<16x40x128xi32, #tpu.memory_space<hbm>>, %arg10: memref<632x128xf32, #tpu.memory_space<hbm>>, %arg11: memref<10112x128xf32, #tpu.memory_space<hbm>>, %arg12: memref<10112x128xf32, #tpu.memory_space<hbm>>, %arg13: memref<384x128xf32, #tpu.memory_space<hbm>>, %arg14: memref<40x128xi32, #tpu.memory_space<vmem>>, %arg15: memref<40x128xi32, #tpu.memory_space<vmem>>, %arg16: memref<2x128x128xf32, #tpu.memory_space<vmem>>, %arg17: memref<10112x128xf32, #tpu.memory_space<vmem_shared>>, %arg18: memref<384x128xf32, #tpu.memory_space<vmem_shared>>, %arg19: memref<!tpu.dma_semaphore, #tpu.memory_space<semaphore_mem>>, %arg20: memref<!tpu.dma_semaphore, #tpu.memory_space<semaphore_mem>>) attributes {dimension_semantics = [#tpu.dimension_semantics<core_parallel>, #tpu.dimension_semantics<subcore_parallel>], iteration_bounds = array<i64: 2, 16>, scalar_prefetch = 0 : i64, scratch_operands = 7 : i64, tpu.core_type = #tpu.core_type<sc_vector_subcore>, window_params = [{transform_indices = #map}, {transform_indices = #map}, {transform_indices = #map1}, {transform_indices = #map1}, {transform_indices = #map2}, {transform_indices = #map2}, {transform_indices = #map2}, {transform_indices = #map2}, {transform_indices = #map}, {transform_indices = #map}, {transform_indices = #map}, {transform_indices = #map}]} {
    %mul3A = arith.constant 632 : i32
    %mul3A_0 = arith.muli %arg1, %mul3A : i32
    %mul3A_1 = arith.constant 24 : i32
    %mul3A_2 = arith.muli %arg1, %mul3A_1 : i32
    "tpu.region"() ({
      %run_scoped3A = tpu.sem_alloc : memref<!tpu.dma_semaphore, #tpu.memory_space<semaphore_mem>>
      %dma_start3A = arith.constant 0 : i32
      %dma_start3A_26 = tpu.memref_slice %arg17[%mul3A_0, %dma_start3A] : memref<10112x128xf32, #tpu.memory_space<vmem_shared>> -> memref<632x128xf32, #tpu.memory_space<vmem_shared>>
      tpu.enqueue_dma source(%arg10 : memref<632x128xf32, #tpu.memory_space<hbm>>) target(%dma_start3A_26 : memref<632x128xf32, #tpu.memory_space<vmem_shared>>) target_semaphore(%run_scoped3A : memref<!tpu.dma_semaphore, #tpu.memory_space<semaphore_mem>>)
      %dma_wait3A = arith.constant 0 : i32
      %dma_wait3A_27 = tpu.memref_slice %arg17[%mul3A_0, %dma_wait3A] : memref<10112x128xf32, #tpu.memory_space<vmem_shared>> -> memref<632x128xf32, #tpu.memory_space<vmem_shared>>
      tpu.wait_dma2 semaphore(%run_scoped3A : memref<!tpu.dma_semaphore, #tpu.memory_space<semaphore_mem>>) src(%arg10 : memref<632x128xf32, #tpu.memory_space<hbm>>) dst(%dma_wait3A_27 : memref<632x128xf32, #tpu.memory_space<vmem_shared>>)
      tpu.yield
    }) : () -> ()
    %eq3A = arith.constant 1 : i32
    %eq3A_3 = arith.cmpi eq, %arg0, %eq3A : i32
    %convert_element_type3A = arith.extui %eq3A_3 : i1 to i32
    %cond3A = arith.constant 0 : i32
    %cond3A_4 = arith.cmpi ne, %convert_element_type3A, %cond3A : i32
    scf.if %cond3A_4 {
      "tpu.region"() ({
        %run_scoped3A = tpu.sem_alloc : memref<!tpu.dma_semaphore, #tpu.memory_space<semaphore_mem>>
        %dma_start3A = arith.constant 0 : i32
        %dma_start3A_26 = tpu.memref_slice %arg18[%mul3A_2, %dma_start3A] : memref<384x128xf32, #tpu.memory_space<vmem_shared>> -> memref<24x128xf32, #tpu.memory_space<vmem_shared>>
        %dma_start3A_27 = arith.constant 0 : i32
        %dma_start3A_28 = arith.constant 0 : i32
        %dma_start3A_29 = tpu.memref_slice %arg10[%dma_start3A_27, %dma_start3A_28] : memref<632x128xf32, #tpu.memory_space<hbm>> -> memref<24x128xf32, #tpu.memory_space<hbm>>
        tpu.enqueue_dma source(%dma_start3A_29 : memref<24x128xf32, #tpu.memory_space<hbm>>) target(%dma_start3A_26 : memref<24x128xf32, #tpu.memory_space<vmem_shared>>) target_semaphore(%run_scoped3A : memref<!tpu.dma_semaphore, #tpu.memory_space<semaphore_mem>>)
        %dma_wait3A = arith.constant 0 : i32
        %dma_wait3A_30 = tpu.memref_slice %arg18[%mul3A_2, %dma_wait3A] : memref<384x128xf32, #tpu.memory_space<vmem_shared>> -> memref<24x128xf32, #tpu.memory_space<vmem_shared>>
        %dma_wait3A_31 = arith.constant 0 : i32
        %dma_wait3A_32 = arith.constant 0 : i32
        %dma_wait3A_33 = tpu.memref_slice %arg10[%dma_wait3A_31, %dma_wait3A_32] : memref<632x128xf32, #tpu.memory_space<hbm>> -> memref<24x128xf32, #tpu.memory_space<hbm>>
        tpu.wait_dma2 semaphore(%run_scoped3A : memref<!tpu.dma_semaphore, #tpu.memory_space<semaphore_mem>>) src(%dma_wait3A_33 : memref<24x128xf32, #tpu.memory_space<hbm>>) dst(%dma_wait3A_30 : memref<24x128xf32, #tpu.memory_space<vmem_shared>>)
        tpu.yield
      }) : () -> ()
    } else {
    }
    %barrier3A = arith.constant 0 : index
    tpu.barrier barrier_id(%barrier3A)
    %eq3A_5 = arith.constant 0 : i32
    %eq3A_6 = arith.cmpi eq, %arg0, %eq3A_5 : i32
    %convert_element_type3A_7 = arith.extui %eq3A_6 : i1 to i32
    %cond3A_8 = arith.constant 0 : i32
    %cond3A_9 = arith.cmpi ne, %convert_element_type3A_7, %cond3A_8 : i32
    scf.if %cond3A_9 {
      %run_scoped3A = arith.constant 0 : i32
      "tpu.region"() ({
        %run_scoped3A_86 = tpu.sem_alloc : memref<!tpu.dma_semaphore, #tpu.memory_space<semaphore_mem>>
        %dma_start3A_87 = arith.constant 0 : i32
        %dma_start3A_88 = arith.constant 0 : i32
        %dma_start3A_89 = tpu.memref_slice %arg4[%arg1, %run_scoped3A, %dma_start3A_87, %dma_start3A_88] : memref<16x2x40x128xi32, #tpu.memory_space<hbm>> -> memref<1x1x40x128xi32, #tpu.memory_space<hbm>>
        %dma_start3A_90 = tpu.memref_squeeze %dma_start3A_89 : memref<1x1x40x128xi32, #tpu.memory_space<hbm>> -> memref<40x128xi32, #tpu.memory_space<hbm>>
        %dma_start3A_91 = arith.constant 0 : i32
        %dma_start3A_92 = arith.constant 0 : i32
        %dma_start3A_93 = tpu.memref_slice %arg4[%arg1, %run_scoped3A, %dma_start3A_91, %dma_start3A_92] : memref<16x2x40x128xi32, #tpu.memory_space<hbm>> -> memref<1x1x40x128xi32, #tpu.memory_space<hbm>>
        %dma_start3A_94 = tpu.memref_squeeze %dma_start3A_93 : memref<1x1x40x128xi32, #tpu.memory_space<hbm>> -> memref<40x128xi32, #tpu.memory_space<hbm>>
        tpu.enqueue_dma source(%dma_start3A_94 : memref<40x128xi32, #tpu.memory_space<hbm>>) target(%arg14 : memref<40x128xi32, #tpu.memory_space<vmem>>) target_semaphore(%run_scoped3A_86 : memref<!tpu.dma_semaphore, #tpu.memory_space<semaphore_mem>>)
        %dma_wait3A_95 = arith.constant 0 : i32
        %dma_wait3A_96 = arith.constant 0 : i32
        %dma_wait3A_97 = tpu.memref_slice %arg4[%arg1, %run_scoped3A, %dma_wait3A_95, %dma_wait3A_96] : memref<16x2x40x128xi32, #tpu.memory_space<hbm>> -> memref<1x1x40x128xi32, #tpu.memory_space<hbm>>
        %dma_wait3A_98 = tpu.memref_squeeze %dma_wait3A_97 : memref<1x1x40x128xi32, #tpu.memory_space<hbm>> -> memref<40x128xi32, #tpu.memory_space<hbm>>
        %dma_wait3A_99 = arith.constant 0 : i32
        %dma_wait3A_100 = arith.constant 0 : i32
        %dma_wait3A_101 = tpu.memref_slice %arg4[%arg1, %run_scoped3A, %dma_wait3A_99, %dma_wait3A_100] : memref<16x2x40x128xi32, #tpu.memory_space<hbm>> -> memref<1x1x40x128xi32, #tpu.memory_space<hbm>>
        %dma_wait3A_102 = tpu.memref_squeeze %dma_wait3A_101 : memref<1x1x40x128xi32, #tpu.memory_space<hbm>> -> memref<40x128xi32, #tpu.memory_space<hbm>>
        tpu.wait_dma2 semaphore(%run_scoped3A_86 : memref<!tpu.dma_semaphore, #tpu.memory_space<semaphore_mem>>) src(%dma_wait3A_102 : memref<40x128xi32, #tpu.memory_space<hbm>>) dst(%arg14 : memref<40x128xi32, #tpu.memory_space<vmem>>)
        tpu.yield
      }) : () -> ()
      %run_scoped3A_26 = arith.constant 0 : i32
      "tpu.region"() ({
        %run_scoped3A_86 = tpu.sem_alloc : memref<!tpu.dma_semaphore, #tpu.memory_space<semaphore_mem>>
        %dma_start3A_87 = arith.constant 0 : i32
        %dma_start3A_88 = arith.constant 0 : i32
        %dma_start3A_89 = tpu.memref_slice %arg5[%arg1, %run_scoped3A_26, %dma_start3A_87, %dma_start3A_88] : memref<16x2x40x128xi32, #tpu.memory_space<hbm>> -> memref<1x1x40x128xi32, #tpu.memory_space<hbm>>
        %dma_start3A_90 = tpu.memref_squeeze %dma_start3A_89 : memref<1x1x40x128xi32, #tpu.memory_space<hbm>> -> memref<40x128xi32, #tpu.memory_space<hbm>>
        %dma_start3A_91 = arith.constant 0 : i32
        %dma_start3A_92 = arith.constant 0 : i32
        %dma_start3A_93 = tpu.memref_slice %arg5[%arg1, %run_scoped3A_26, %dma_start3A_91, %dma_start3A_92] : memref<16x2x40x128xi32, #tpu.memory_space<hbm>> -> memref<1x1x40x128xi32, #tpu.memory_space<hbm>>
        %dma_start3A_94 = tpu.memref_squeeze %dma_start3A_93 : memref<1x1x40x128xi32, #tpu.memory_space<hbm>> -> memref<40x128xi32, #tpu.memory_space<hbm>>
        tpu.enqueue_dma source(%dma_start3A_94 : memref<40x128xi32, #tpu.memory_space<hbm>>) target(%arg15 : memref<40x128xi32, #tpu.memory_space<vmem>>) target_semaphore(%run_scoped3A_86 : memref<!tpu.dma_semaphore, #tpu.memory_space<semaphore_mem>>)
        %dma_wait3A_95 = arith.constant 0 : i32
        %dma_wait3A_96 = arith.constant 0 : i32
        %dma_wait3A_97 = tpu.memref_slice %arg5[%arg1, %run_scoped3A_26, %dma_wait3A_95, %dma_wait3A_96] : memref<16x2x40x128xi32, #tpu.memory_space<hbm>> -> memref<1x1x40x128xi32, #tpu.memory_space<hbm>>
        %dma_wait3A_98 = tpu.memref_squeeze %dma_wait3A_97 : memref<1x1x40x128xi32, #tpu.memory_space<hbm>> -> memref<40x128xi32, #tpu.memory_space<hbm>>
        %dma_wait3A_99 = arith.constant 0 : i32
        %dma_wait3A_100 = arith.constant 0 : i32
        %dma_wait3A_101 = tpu.memref_slice %arg5[%arg1, %run_scoped3A_26, %dma_wait3A_99, %dma_wait3A_100] : memref<16x2x40x128xi32, #tpu.memory_space<hbm>> -> memref<1x1x40x128xi32, #tpu.memory_space<hbm>>
        %dma_wait3A_102 = tpu.memref_squeeze %dma_wait3A_101 : memref<1x1x40x128xi32, #tpu.memory_space<hbm>> -> memref<40x128xi32, #tpu.memory_space<hbm>>
        tpu.wait_dma2 semaphore(%run_scoped3A_86 : memref<!tpu.dma_semaphore, #tpu.memory_space<semaphore_mem>>) src(%dma_wait3A_102 : memref<40x128xi32, #tpu.memory_space<hbm>>) dst(%arg15 : memref<40x128xi32, #tpu.memory_space<vmem>>)
        tpu.yield
      }) : () -> ()
      %dma_start3A = arith.constant 0 : i32
      %dma_start3A_27 = arith.constant 0 : i32
      %dma_start3A_28 = arith.constant 0 : i32
      %dma_start3A_29 = arith.constant 0 : i32
      %dma_start3A_30 = tpu.memref_slice %arg16[%dma_start3A_27, %dma_start3A_28, %dma_start3A_29] : memref<2x128x128xf32, #tpu.memory_space<vmem>> -> memref<1x128x128xf32, #tpu.memory_space<vmem>>
      %dma_start3A_31 = tpu.memref_squeeze %dma_start3A_30 : memref<1x128x128xf32, #tpu.memory_space<vmem>> -> memref<128x128xf32, #tpu.memory_space<vmem>>
      %dma_start3A_32 = arith.constant 0 : i32
      %dma_start3A_33 = tpu.memref_slice %arg14[%dma_start3A, %dma_start3A_32] : memref<40x128xi32, #tpu.memory_space<vmem>> -> memref<1x128xi32, #tpu.memory_space<vmem>>
      %dma_start3A_34 = tpu.memref_squeeze %dma_start3A_33 : memref<1x128xi32, #tpu.memory_space<vmem>> -> memref<128xi32, #tpu.memory_space<vmem>>
      %dma_start3A_35 = arith.constant 0 : i32
      %dma_start3A_36 = arith.constant 0 : i32
      %dma_start3A_37 = tpu.memref_slice %arg2[%dma_start3A_35, %dma_start3A_36] : memref<10000x128xf32, #tpu.memory_space<hbm>> -> memref<10000x128xf32, #tpu.memory_space<hbm>>
      tpu.enqueue_indirect_dma source(%dma_start3A_37 : memref<10000x128xf32, #tpu.memory_space<hbm>>) target(%dma_start3A_31 : memref<128x128xf32, #tpu.memory_space<vmem>>) offsets(%dma_start3A_34 : memref<128xi32, #tpu.memory_space<vmem>>) semaphore(%arg19 : memref<!tpu.dma_semaphore, #tpu.memory_space<semaphore_mem>>)
      %scan3A = arith.constant 0 : i32
      %scan3A_38 = arith.constant 0 : i32
      %scan3A_39 = arith.constant 40 : i32
      %scan3A_40 = arith.addi %scan3A_38, %scan3A_39 : i32
      %scan3A_41 = arith.constant 1 : i32
      scf.for %scan3A_86 = %scan3A_38 to %scan3A_40 step %scan3A_41  : i32 {
        %rem3A = arith.constant 2 : i32
        %rem3A_87 = arith.remsi %scan3A_86, %rem3A : i32
        %add3A = arith.constant 1 : i32
        %add3A_88 = arith.addi %scan3A_86, %add3A : i32
        %rem3A_89 = arith.constant 2 : i32
        %rem3A_90 = arith.remsi %add3A_88, %rem3A_89 : i32
        %add3A_91 = arith.constant 0 : i32
        %add3A_92 = arith.addi %add3A_91, %scan3A_86 : i32
        %dma_wait3A_93 = arith.constant 0 : i32
        %dma_wait3A_94 = arith.constant 0 : i32
        %dma_wait3A_95 = tpu.memref_slice %arg16[%rem3A_87, %dma_wait3A_93, %dma_wait3A_94] : memref<2x128x128xf32, #tpu.memory_space<vmem>> -> memref<1x128x128xf32, #tpu.memory_space<vmem>>
        %dma_wait3A_96 = tpu.memref_squeeze %dma_wait3A_95 : memref<1x128x128xf32, #tpu.memory_space<vmem>> -> memref<128x128xf32, #tpu.memory_space<vmem>>
        %dma_wait3A_97 = arith.constant 0 : i32
        %dma_wait3A_98 = tpu.memref_slice %arg14[%add3A_92, %dma_wait3A_97] : memref<40x128xi32, #tpu.memory_space<vmem>> -> memref<1x128xi32, #tpu.memory_space<vmem>>
        %dma_wait3A_99 = tpu.memref_squeeze %dma_wait3A_98 : memref<1x128xi32, #tpu.memory_space<vmem>> -> memref<128xi32, #tpu.memory_space<vmem>>
        %dma_wait3A_100 = arith.constant 0 : i32
        %dma_wait3A_101 = arith.constant 0 : i32
        %dma_wait3A_102 = tpu.memref_slice %arg2[%dma_wait3A_100, %dma_wait3A_101] : memref<10000x128xf32, #tpu.memory_space<hbm>> -> memref<10000x128xf32, #tpu.memory_space<hbm>>
        tpu.wait_indirect_dma semaphore(%arg19 : memref<!tpu.dma_semaphore, #tpu.memory_space<semaphore_mem>>) src(%dma_wait3A_102 : memref<10000x128xf32, #tpu.memory_space<hbm>>) dst(%dma_wait3A_96 : memref<128x128xf32, #tpu.memory_space<vmem>>)
        %gt3A = arith.constant 0 : i32
        %gt3A_103 = arith.cmpi sgt, %scan3A_86, %gt3A : i32
        %convert_element_type3A_104 = arith.extui %gt3A_103 : i1 to i32
        %cond3A_105 = arith.constant 0 : i32
        %cond3A_106 = arith.cmpi ne, %convert_element_type3A_104, %cond3A_105 : i32
        scf.if %cond3A_106 {
          %add3A_123 = arith.constant 0 : i32
          %add3A_124 = arith.addi %add3A_123, %scan3A_86 : i32
          %sub3A = arith.constant 1 : i32
          %sub3A_125 = arith.subi %add3A_124, %sub3A : i32
          %dma_wait3A_126 = arith.constant 0 : i32
          %dma_wait3A_127 = arith.constant 0 : i32
          %dma_wait3A_128 = tpu.memref_slice %arg16[%rem3A_90, %dma_wait3A_126, %dma_wait3A_127] : memref<2x128x128xf32, #tpu.memory_space<vmem>> -> memref<1x128x128xf32, #tpu.memory_space<vmem>>
          %dma_wait3A_129 = tpu.memref_squeeze %dma_wait3A_128 : memref<1x128x128xf32, #tpu.memory_space<vmem>> -> memref<128x128xf32, #tpu.memory_space<vmem>>
          %dma_wait3A_130 = arith.constant 0 : i32
          %dma_wait3A_131 = tpu.memref_slice %arg15[%sub3A_125, %dma_wait3A_130] : memref<40x128xi32, #tpu.memory_space<vmem>> -> memref<1x128xi32, #tpu.memory_space<vmem>>
          %dma_wait3A_132 = tpu.memref_squeeze %dma_wait3A_131 : memref<1x128xi32, #tpu.memory_space<vmem>> -> memref<128xi32, #tpu.memory_space<vmem>>
          %dma_wait3A_133 = arith.constant 0 : i32
          %dma_wait3A_134 = arith.constant 0 : i32
          %dma_wait3A_135 = tpu.memref_slice %arg17[%dma_wait3A_133, %dma_wait3A_134] : memref<10112x128xf32, #tpu.memory_space<vmem_shared>> -> memref<10112x128xf32, #tpu.memory_space<vmem_shared>>
          tpu.wait_indirect_dma semaphore(%arg20 : memref<!tpu.dma_semaphore, #tpu.memory_space<semaphore_mem>>) src(%dma_wait3A_129 : memref<128x128xf32, #tpu.memory_space<vmem>>) dst(%dma_wait3A_135 : memref<10112x128xf32, #tpu.memory_space<vmem_shared>>)
        } else {
        }
        %lt3A = arith.constant 39 : i32
        %lt3A_107 = arith.cmpi slt, %scan3A_86, %lt3A : i32
        %convert_element_type3A_108 = arith.extui %lt3A_107 : i1 to i32
        %cond3A_109 = arith.constant 0 : i32
        %cond3A_110 = arith.cmpi ne, %convert_element_type3A_108, %cond3A_109 : i32
        scf.if %cond3A_110 {
          %add3A_123 = arith.constant 0 : i32
          %add3A_124 = arith.addi %add3A_123, %scan3A_86 : i32
          %add3A_125 = arith.constant 1 : i32
          %add3A_126 = arith.addi %add3A_124, %add3A_125 : i32
          %dma_start3A_127 = arith.constant 0 : i32
          %dma_start3A_128 = arith.constant 0 : i32
          %dma_start3A_129 = tpu.memref_slice %arg16[%rem3A_90, %dma_start3A_127, %dma_start3A_128] : memref<2x128x128xf32, #tpu.memory_space<vmem>> -> memref<1x128x128xf32, #tpu.memory_space<vmem>>
          %dma_start3A_130 = tpu.memref_squeeze %dma_start3A_129 : memref<1x128x128xf32, #tpu.memory_space<vmem>> -> memref<128x128xf32, #tpu.memory_space<vmem>>
          %dma_start3A_131 = arith.constant 0 : i32
          %dma_start3A_132 = tpu.memref_slice %arg14[%add3A_126, %dma_start3A_131] : memref<40x128xi32, #tpu.memory_space<vmem>> -> memref<1x128xi32, #tpu.memory_space<vmem>>
          %dma_start3A_133 = tpu.memref_squeeze %dma_start3A_132 : memref<1x128xi32, #tpu.memory_space<vmem>> -> memref<128xi32, #tpu.memory_space<vmem>>
          %dma_start3A_134 = arith.constant 0 : i32
          %dma_start3A_135 = arith.constant 0 : i32
          %dma_start3A_136 = tpu.memref_slice %arg2[%dma_start3A_134, %dma_start3A_135] : memref<10000x128xf32, #tpu.memory_space<hbm>> -> memref<10000x128xf32, #tpu.memory_space<hbm>>
          tpu.enqueue_indirect_dma source(%dma_start3A_136 : memref<10000x128xf32, #tpu.memory_space<hbm>>) target(%dma_start3A_130 : memref<128x128xf32, #tpu.memory_space<vmem>>) offsets(%dma_start3A_133 : memref<128xi32, #tpu.memory_space<vmem>>) semaphore(%arg19 : memref<!tpu.dma_semaphore, #tpu.memory_space<semaphore_mem>>)
        } else {
        }
        %add3A_111 = arith.constant 0 : i32
        %add3A_112 = arith.addi %add3A_111, %scan3A_86 : i32
        %dma_start3A_113 = arith.constant 0 : i32
        %dma_start3A_114 = arith.constant 0 : i32
        %dma_start3A_115 = tpu.memref_slice %arg16[%rem3A_87, %dma_start3A_113, %dma_start3A_114] : memref<2x128x128xf32, #tpu.memory_space<vmem>> -> memref<1x128x128xf32, #tpu.memory_space<vmem>>
        %dma_start3A_116 = tpu.memref_squeeze %dma_start3A_115 : memref<1x128x128xf32, #tpu.memory_space<vmem>> -> memref<128x128xf32, #tpu.memory_space<vmem>>
        %dma_start3A_117 = arith.constant 0 : i32
        %dma_start3A_118 = tpu.memref_slice %arg15[%add3A_112, %dma_start3A_117] : memref<40x128xi32, #tpu.memory_space<vmem>> -> memref<1x128xi32, #tpu.memory_space<vmem>>
        %dma_start3A_119 = tpu.memref_squeeze %dma_start3A_118 : memref<1x128xi32, #tpu.memory_space<vmem>> -> memref<128xi32, #tpu.memory_space<vmem>>
        %dma_start3A_120 = arith.constant 0 : i32
        %dma_start3A_121 = arith.constant 0 : i32
        %dma_start3A_122 = tpu.memref_slice %arg17[%dma_start3A_120, %dma_start3A_121] : memref<10112x128xf32, #tpu.memory_space<vmem_shared>> -> memref<10112x128xf32, #tpu.memory_space<vmem_shared>>
        tpu.enqueue_indirect_dma source(%dma_start3A_116 : memref<128x128xf32, #tpu.memory_space<vmem>>) target(%dma_start3A_122 : memref<10112x128xf32, #tpu.memory_space<vmem_shared>>) offsets(%dma_start3A_119 : memref<128xi32, #tpu.memory_space<vmem>>) semaphore(%arg20 : memref<!tpu.dma_semaphore, #tpu.memory_space<semaphore_mem>>) {add = true}
      }
      %scan3A_42 = arith.constant 40 : i32
      %dma_wait3A = arith.constant 1 : i32
      %dma_wait3A_43 = arith.constant 39 : i32
      %dma_wait3A_44 = arith.constant 0 : i32
      %dma_wait3A_45 = arith.constant 0 : i32
      %dma_wait3A_46 = tpu.memref_slice %arg16[%dma_wait3A, %dma_wait3A_44, %dma_wait3A_45] : memref<2x128x128xf32, #tpu.memory_space<vmem>> -> memref<1x128x128xf32, #tpu.memory_space<vmem>>
      %dma_wait3A_47 = tpu.memref_squeeze %dma_wait3A_46 : memref<1x128x128xf32, #tpu.memory_space<vmem>> -> memref<128x128xf32, #tpu.memory_space<vmem>>
      %dma_wait3A_48 = arith.constant 0 : i32
      %dma_wait3A_49 = tpu.memref_slice %arg15[%dma_wait3A_43, %dma_wait3A_48] : memref<40x128xi32, #tpu.memory_space<vmem>> -> memref<1x128xi32, #tpu.memory_space<vmem>>
      %dma_wait3A_50 = tpu.memref_squeeze %dma_wait3A_49 : memref<1x128xi32, #tpu.memory_space<vmem>> -> memref<128xi32, #tpu.memory_space<vmem>>
      %dma_wait3A_51 = arith.constant 0 : i32
      %dma_wait3A_52 = arith.constant 0 : i32
      %dma_wait3A_53 = tpu.memref_slice %arg17[%dma_wait3A_51, %dma_wait3A_52] : memref<10112x128xf32, #tpu.memory_space<vmem_shared>> -> memref<10112x128xf32, #tpu.memory_space<vmem_shared>>
      tpu.wait_indirect_dma semaphore(%arg20 : memref<!tpu.dma_semaphore, #tpu.memory_space<semaphore_mem>>) src(%dma_wait3A_47 : memref<128x128xf32, #tpu.memory_space<vmem>>) dst(%dma_wait3A_53 : memref<10112x128xf32, #tpu.memory_space<vmem_shared>>)
      %run_scoped3A_54 = arith.constant 1 : i32
      "tpu.region"() ({
        %run_scoped3A_86 = tpu.sem_alloc : memref<!tpu.dma_semaphore, #tpu.memory_space<semaphore_mem>>
        %dma_start3A_87 = arith.constant 0 : i32
        %dma_start3A_88 = arith.constant 0 : i32
        %dma_start3A_89 = tpu.memref_slice %arg4[%arg1, %run_scoped3A_54, %dma_start3A_87, %dma_start3A_88] : memref<16x2x40x128xi32, #tpu.memory_space<hbm>> -> memref<1x1x40x128xi32, #tpu.memory_space<hbm>>
        %dma_start3A_90 = tpu.memref_squeeze %dma_start3A_89 : memref<1x1x40x128xi32, #tpu.memory_space<hbm>> -> memref<40x128xi32, #tpu.memory_space<hbm>>
        %dma_start3A_91 = arith.constant 0 : i32
        %dma_start3A_92 = arith.constant 0 : i32
        %dma_start3A_93 = tpu.memref_slice %arg4[%arg1, %run_scoped3A_54, %dma_start3A_91, %dma_start3A_92] : memref<16x2x40x128xi32, #tpu.memory_space<hbm>> -> memref<1x1x40x128xi32, #tpu.memory_space<hbm>>
        %dma_start3A_94 = tpu.memref_squeeze %dma_start3A_93 : memref<1x1x40x128xi32, #tpu.memory_space<hbm>> -> memref<40x128xi32, #tpu.memory_space<hbm>>
        tpu.enqueue_dma source(%dma_start3A_94 : memref<40x128xi32, #tpu.memory_space<hbm>>) target(%arg14 : memref<40x128xi32, #tpu.memory_space<vmem>>) target_semaphore(%run_scoped3A_86 : memref<!tpu.dma_semaphore, #tpu.memory_space<semaphore_mem>>)
        %dma_wait3A_95 = arith.constant 0 : i32
        %dma_wait3A_96 = arith.constant 0 : i32
        %dma_wait3A_97 = tpu.memref_slice %arg4[%arg1, %run_scoped3A_54, %dma_wait3A_95, %dma_wait3A_96] : memref<16x2x40x128xi32, #tpu.memory_space<hbm>> -> memref<1x1x40x128xi32, #tpu.memory_space<hbm>>
        %dma_wait3A_98 = tpu.memref_squeeze %dma_wait3A_97 : memref<1x1x40x128xi32, #tpu.memory_space<hbm>> -> memref<40x128xi32, #tpu.memory_space<hbm>>
        %dma_wait3A_99 = arith.constant 0 : i32
        %dma_wait3A_100 = arith.constant 0 : i32
        %dma_wait3A_101 = tpu.memref_slice %arg4[%arg1, %run_scoped3A_54, %dma_wait3A_99, %dma_wait3A_100] : memref<16x2x40x128xi32, #tpu.memory_space<hbm>> -> memref<1x1x40x128xi32, #tpu.memory_space<hbm>>
        %dma_wait3A_102 = tpu.memref_squeeze %dma_wait3A_101 : memref<1x1x40x128xi32, #tpu.memory_space<hbm>> -> memref<40x128xi32, #tpu.memory_space<hbm>>
        tpu.wait_dma2 semaphore(%run_scoped3A_86 : memref<!tpu.dma_semaphore, #tpu.memory_space<semaphore_mem>>) src(%dma_wait3A_102 : memref<40x128xi32, #tpu.memory_space<hbm>>) dst(%arg14 : memref<40x128xi32, #tpu.memory_space<vmem>>)
        tpu.yield
      }) : () -> ()
      %run_scoped3A_55 = arith.constant 1 : i32
      "tpu.region"() ({
        %run_scoped3A_86 = tpu.sem_alloc : memref<!tpu.dma_semaphore, #tpu.memory_space<semaphore_mem>>
        %dma_start3A_87 = arith.constant 0 : i32
        %dma_start3A_88 = arith.constant 0 : i32
        %dma_start3A_89 = tpu.memref_slice %arg5[%arg1, %run_scoped3A_55, %dma_start3A_87, %dma_start3A_88] : memref<16x2x40x128xi32, #tpu.memory_space<hbm>> -> memref<1x1x40x128xi32, #tpu.memory_space<hbm>>
        %dma_start3A_90 = tpu.memref_squeeze %dma_start3A_89 : memref<1x1x40x128xi32, #tpu.memory_space<hbm>> -> memref<40x128xi32, #tpu.memory_space<hbm>>
        %dma_start3A_91 = arith.constant 0 : i32
        %dma_start3A_92 = arith.constant 0 : i32
        %dma_start3A_93 = tpu.memref_slice %arg5[%arg1, %run_scoped3A_55, %dma_start3A_91, %dma_start3A_92] : memref<16x2x40x128xi32, #tpu.memory_space<hbm>> -> memref<1x1x40x128xi32, #tpu.memory_space<hbm>>
        %dma_start3A_94 = tpu.memref_squeeze %dma_start3A_93 : memref<1x1x40x128xi32, #tpu.memory_space<hbm>> -> memref<40x128xi32, #tpu.memory_space<hbm>>
        tpu.enqueue_dma source(%dma_start3A_94 : memref<40x128xi32, #tpu.memory_space<hbm>>) target(%arg15 : memref<40x128xi32, #tpu.memory_space<vmem>>) target_semaphore(%run_scoped3A_86 : memref<!tpu.dma_semaphore, #tpu.memory_space<semaphore_mem>>)
        %dma_wait3A_95 = arith.constant 0 : i32
        %dma_wait3A_96 = arith.constant 0 : i32
        %dma_wait3A_97 = tpu.memref_slice %arg5[%arg1, %run_scoped3A_55, %dma_wait3A_95, %dma_wait3A_96] : memref<16x2x40x128xi32, #tpu.memory_space<hbm>> -> memref<1x1x40x128xi32, #tpu.memory_space<hbm>>
        %dma_wait3A_98 = tpu.memref_squeeze %dma_wait3A_97 : memref<1x1x40x128xi32, #tpu.memory_space<hbm>> -> memref<40x128xi32, #tpu.memory_space<hbm>>
        %dma_wait3A_99 = arith.constant 0 : i32
        %dma_wait3A_100 = arith.constant 0 : i32
        %dma_wait3A_101 = tpu.memref_slice %arg5[%arg1, %run_scoped3A_55, %dma_wait3A_99, %dma_wait3A_100] : memref<16x2x40x128xi32, #tpu.memory_space<hbm>> -> memref<1x1x40x128xi32, #tpu.memory_space<hbm>>
        %dma_wait3A_102 = tpu.memref_squeeze %dma_wait3A_101 : memref<1x1x40x128xi32, #tpu.memory_space<hbm>> -> memref<40x128xi32, #tpu.memory_space<hbm>>
        tpu.wait_dma2 semaphore(%run_scoped3A_86 : memref<!tpu.dma_semaphore, #tpu.memory_space<semaphore_mem>>) src(%dma_wait3A_102 : memref<40x128xi32, #tpu.memory_space<hbm>>) dst(%arg15 : memref<40x128xi32, #tpu.memory_space<vmem>>)
        tpu.yield
      }) : () -> ()
      %dma_start3A_56 = arith.constant 0 : i32
      %dma_start3A_57 = arith.constant 0 : i32
      %dma_start3A_58 = arith.constant 0 : i32
      %dma_start3A_59 = arith.constant 0 : i32
      %dma_start3A_60 = tpu.memref_slice %arg16[%dma_start3A_57, %dma_start3A_58, %dma_start3A_59] : memref<2x128x128xf32, #tpu.memory_space<vmem>> -> memref<1x128x128xf32, #tpu.memory_space<vmem>>
      %dma_start3A_61 = tpu.memref_squeeze %dma_start3A_60 : memref<1x128x128xf32, #tpu.memory_space<vmem>> -> memref<128x128xf32, #tpu.memory_space<vmem>>
      %dma_start3A_62 = arith.constant 0 : i32
      %dma_start3A_63 = tpu.memref_slice %arg14[%dma_start3A_56, %dma_start3A_62] : memref<40x128xi32, #tpu.memory_space<vmem>> -> memref<1x128xi32, #tpu.memory_space<vmem>>
      %dma_start3A_64 = tpu.memref_squeeze %dma_start3A_63 : memref<1x128xi32, #tpu.memory_space<vmem>> -> memref<128xi32, #tpu.memory_space<vmem>>
      %dma_start3A_65 = arith.constant 0 : i32
      %dma_start3A_66 = arith.constant 0 : i32
      %dma_start3A_67 = tpu.memref_slice %arg2[%dma_start3A_65, %dma_start3A_66] : memref<10000x128xf32, #tpu.memory_space<hbm>> -> memref<10000x128xf32, #tpu.memory_space<hbm>>
      tpu.enqueue_indirect_dma source(%dma_start3A_67 : memref<10000x128xf32, #tpu.memory_space<hbm>>) target(%dma_start3A_61 : memref<128x128xf32, #tpu.memory_space<vmem>>) offsets(%dma_start3A_64 : memref<128xi32, #tpu.memory_space<vmem>>) semaphore(%arg19 : memref<!tpu.dma_semaphore, #tpu.memory_space<semaphore_mem>>)
      %scan3A_68 = arith.constant 0 : i32
      %scan3A_69 = arith.constant 0 : i32
      %scan3A_70 = arith.constant 40 : i32
      %scan3A_71 = arith.addi %scan3A_69, %scan3A_70 : i32
      %scan3A_72 = arith.constant 1 : i32
      scf.for %scan3A_86 = %scan3A_69 to %scan3A_71 step %scan3A_72  : i32 {
        %rem3A = arith.constant 2 : i32
        %rem3A_87 = arith.remsi %scan3A_86, %rem3A : i32
        %add3A = arith.constant 1 : i32
        %add3A_88 = arith.addi %scan3A_86, %add3A : i32
        %rem3A_89 = arith.constant 2 : i32
        %rem3A_90 = arith.remsi %add3A_88, %rem3A_89 : i32
        %add3A_91 = arith.constant 0 : i32
        %add3A_92 = arith.addi %add3A_91, %scan3A_86 : i32
        %dma_wait3A_93 = arith.constant 0 : i32
        %dma_wait3A_94 = arith.constant 0 : i32
        %dma_wait3A_95 = tpu.memref_slice %arg16[%rem3A_87, %dma_wait3A_93, %dma_wait3A_94] : memref<2x128x128xf32, #tpu.memory_space<vmem>> -> memref<1x128x128xf32, #tpu.memory_space<vmem>>
        %dma_wait3A_96 = tpu.memref_squeeze %dma_wait3A_95 : memref<1x128x128xf32, #tpu.memory_space<vmem>> -> memref<128x128xf32, #tpu.memory_space<vmem>>
        %dma_wait3A_97 = arith.constant 0 : i32
        %dma_wait3A_98 = tpu.memref_slice %arg14[%add3A_92, %dma_wait3A_97] : memref<40x128xi32, #tpu.memory_space<vmem>> -> memref<1x128xi32, #tpu.memory_space<vmem>>
        %dma_wait3A_99 = tpu.memref_squeeze %dma_wait3A_98 : memref<1x128xi32, #tpu.memory_space<vmem>> -> memref<128xi32, #tpu.memory_space<vmem>>
        %dma_wait3A_100 = arith.constant 0 : i32
        %dma_wait3A_101 = arith.constant 0 : i32
        %dma_wait3A_102 = tpu.memref_slice %arg2[%dma_wait3A_100, %dma_wait3A_101] : memref<10000x128xf32, #tpu.memory_space<hbm>> -> memref<10000x128xf32, #tpu.memory_space<hbm>>
        tpu.wait_indirect_dma semaphore(%arg19 : memref<!tpu.dma_semaphore, #tpu.memory_space<semaphore_mem>>) src(%dma_wait3A_102 : memref<10000x128xf32, #tpu.memory_space<hbm>>) dst(%dma_wait3A_96 : memref<128x128xf32, #tpu.memory_space<vmem>>)
        %gt3A = arith.constant 0 : i32
        %gt3A_103 = arith.cmpi sgt, %scan3A_86, %gt3A : i32
        %convert_element_type3A_104 = arith.extui %gt3A_103 : i1 to i32
        %cond3A_105 = arith.constant 0 : i32
        %cond3A_106 = arith.cmpi ne, %convert_element_type3A_104, %cond3A_105 : i32
        scf.if %cond3A_106 {
          %add3A_123 = arith.constant 0 : i32
          %add3A_124 = arith.addi %add3A_123, %scan3A_86 : i32
          %sub3A = arith.constant 1 : i32
          %sub3A_125 = arith.subi %add3A_124, %sub3A : i32
          %dma_wait3A_126 = arith.constant 0 : i32
          %dma_wait3A_127 = arith.constant 0 : i32
          %dma_wait3A_128 = tpu.memref_slice %arg16[%rem3A_90, %dma_wait3A_126, %dma_wait3A_127] : memref<2x128x128xf32, #tpu.memory_space<vmem>> -> memref<1x128x128xf32, #tpu.memory_space<vmem>>
          %dma_wait3A_129 = tpu.memref_squeeze %dma_wait3A_128 : memref<1x128x128xf32, #tpu.memory_space<vmem>> -> memref<128x128xf32, #tpu.memory_space<vmem>>
          %dma_wait3A_130 = arith.constant 0 : i32
          %dma_wait3A_131 = tpu.memref_slice %arg15[%sub3A_125, %dma_wait3A_130] : memref<40x128xi32, #tpu.memory_space<vmem>> -> memref<1x128xi32, #tpu.memory_space<vmem>>
          %dma_wait3A_132 = tpu.memref_squeeze %dma_wait3A_131 : memref<1x128xi32, #tpu.memory_space<vmem>> -> memref<128xi32, #tpu.memory_space<vmem>>
          %dma_wait3A_133 = arith.constant 0 : i32
          %dma_wait3A_134 = arith.constant 0 : i32
          %dma_wait3A_135 = tpu.memref_slice %arg17[%dma_wait3A_133, %dma_wait3A_134] : memref<10112x128xf32, #tpu.memory_space<vmem_shared>> -> memref<10112x128xf32, #tpu.memory_space<vmem_shared>>
          tpu.wait_indirect_dma semaphore(%arg20 : memref<!tpu.dma_semaphore, #tpu.memory_space<semaphore_mem>>) src(%dma_wait3A_129 : memref<128x128xf32, #tpu.memory_space<vmem>>) dst(%dma_wait3A_135 : memref<10112x128xf32, #tpu.memory_space<vmem_shared>>)
        } else {
        }
        %lt3A = arith.constant 39 : i32
        %lt3A_107 = arith.cmpi slt, %scan3A_86, %lt3A : i32
        %convert_element_type3A_108 = arith.extui %lt3A_107 : i1 to i32
        %cond3A_109 = arith.constant 0 : i32
        %cond3A_110 = arith.cmpi ne, %convert_element_type3A_108, %cond3A_109 : i32
        scf.if %cond3A_110 {
          %add3A_123 = arith.constant 0 : i32
          %add3A_124 = arith.addi %add3A_123, %scan3A_86 : i32
          %add3A_125 = arith.constant 1 : i32
          %add3A_126 = arith.addi %add3A_124, %add3A_125 : i32
          %dma_start3A_127 = arith.constant 0 : i32
          %dma_start3A_128 = arith.constant 0 : i32
          %dma_start3A_129 = tpu.memref_slice %arg16[%rem3A_90, %dma_start3A_127, %dma_start3A_128] : memref<2x128x128xf32, #tpu.memory_space<vmem>> -> memref<1x128x128xf32, #tpu.memory_space<vmem>>
          %dma_start3A_130 = tpu.memref_squeeze %dma_start3A_129 : memref<1x128x128xf32, #tpu.memory_space<vmem>> -> memref<128x128xf32, #tpu.memory_space<vmem>>
          %dma_start3A_131 = arith.constant 0 : i32
          %dma_start3A_132 = tpu.memref_slice %arg14[%add3A_126, %dma_start3A_131] : memref<40x128xi32, #tpu.memory_space<vmem>> -> memref<1x128xi32, #tpu.memory_space<vmem>>
          %dma_start3A_133 = tpu.memref_squeeze %dma_start3A_132 : memref<1x128xi32, #tpu.memory_space<vmem>> -> memref<128xi32, #tpu.memory_space<vmem>>
          %dma_start3A_134 = arith.constant 0 : i32
          %dma_start3A_135 = arith.constant 0 : i32
          %dma_start3A_136 = tpu.memref_slice %arg2[%dma_start3A_134, %dma_start3A_135] : memref<10000x128xf32, #tpu.memory_space<hbm>> -> memref<10000x128xf32, #tpu.memory_space<hbm>>
          tpu.enqueue_indirect_dma source(%dma_start3A_136 : memref<10000x128xf32, #tpu.memory_space<hbm>>) target(%dma_start3A_130 : memref<128x128xf32, #tpu.memory_space<vmem>>) offsets(%dma_start3A_133 : memref<128xi32, #tpu.memory_space<vmem>>) semaphore(%arg19 : memref<!tpu.dma_semaphore, #tpu.memory_space<semaphore_mem>>)
        } else {
        }
        %add3A_111 = arith.constant 0 : i32
        %add3A_112 = arith.addi %add3A_111, %scan3A_86 : i32
        %dma_start3A_113 = arith.constant 0 : i32
        %dma_start3A_114 = arith.constant 0 : i32
        %dma_start3A_115 = tpu.memref_slice %arg16[%rem3A_87, %dma_start3A_113, %dma_start3A_114] : memref<2x128x128xf32, #tpu.memory_space<vmem>> -> memref<1x128x128xf32, #tpu.memory_space<vmem>>
        %dma_start3A_116 = tpu.memref_squeeze %dma_start3A_115 : memref<1x128x128xf32, #tpu.memory_space<vmem>> -> memref<128x128xf32, #tpu.memory_space<vmem>>
        %dma_start3A_117 = arith.constant 0 : i32
        %dma_start3A_118 = tpu.memref_slice %arg15[%add3A_112, %dma_start3A_117] : memref<40x128xi32, #tpu.memory_space<vmem>> -> memref<1x128xi32, #tpu.memory_space<vmem>>
        %dma_start3A_119 = tpu.memref_squeeze %dma_start3A_118 : memref<1x128xi32, #tpu.memory_space<vmem>> -> memref<128xi32, #tpu.memory_space<vmem>>
        %dma_start3A_120 = arith.constant 0 : i32
        %dma_start3A_121 = arith.constant 0 : i32
        %dma_start3A_122 = tpu.memref_slice %arg17[%dma_start3A_120, %dma_start3A_121] : memref<10112x128xf32, #tpu.memory_space<vmem_shared>> -> memref<10112x128xf32, #tpu.memory_space<vmem_shared>>
        tpu.enqueue_indirect_dma source(%dma_start3A_116 : memref<128x128xf32, #tpu.memory_space<vmem>>) target(%dma_start3A_122 : memref<10112x128xf32, #tpu.memory_space<vmem_shared>>) offsets(%dma_start3A_119 : memref<128xi32, #tpu.memory_space<vmem>>) semaphore(%arg20 : memref<!tpu.dma_semaphore, #tpu.memory_space<semaphore_mem>>) {add = true}
      }
      %scan3A_73 = arith.constant 40 : i32
      %dma_wait3A_74 = arith.constant 1 : i32
      %dma_wait3A_75 = arith.constant 39 : i32
      %dma_wait3A_76 = arith.constant 0 : i32
      %dma_wait3A_77 = arith.constant 0 : i32
      %dma_wait3A_78 = tpu.memref_slice %arg16[%dma_wait3A_74, %dma_wait3A_76, %dma_wait3A_77] : memref<2x128x128xf32, #tpu.memory_space<vmem>> -> memref<1x128x128xf32, #tpu.memory_space<vmem>>
      %dma_wait3A_79 = tpu.memref_squeeze %dma_wait3A_78 : memref<1x128x128xf32, #tpu.memory_space<vmem>> -> memref<128x128xf32, #tpu.memory_space<vmem>>
      %dma_wait3A_80 = arith.constant 0 : i32
      %dma_wait3A_81 = tpu.memref_slice %arg15[%dma_wait3A_75, %dma_wait3A_80] : memref<40x128xi32, #tpu.memory_space<vmem>> -> memref<1x128xi32, #tpu.memory_space<vmem>>
      %dma_wait3A_82 = tpu.memref_squeeze %dma_wait3A_81 : memref<1x128xi32, #tpu.memory_space<vmem>> -> memref<128xi32, #tpu.memory_space<vmem>>
      %dma_wait3A_83 = arith.constant 0 : i32
      %dma_wait3A_84 = arith.constant 0 : i32
      %dma_wait3A_85 = tpu.memref_slice %arg17[%dma_wait3A_83, %dma_wait3A_84] : memref<10112x128xf32, #tpu.memory_space<vmem_shared>> -> memref<10112x128xf32, #tpu.memory_space<vmem_shared>>
      tpu.wait_indirect_dma semaphore(%arg20 : memref<!tpu.dma_semaphore, #tpu.memory_space<semaphore_mem>>) src(%dma_wait3A_79 : memref<128x128xf32, #tpu.memory_space<vmem>>) dst(%dma_wait3A_85 : memref<10112x128xf32, #tpu.memory_space<vmem_shared>>)
    } else {
    }
    %eq3A_10 = arith.constant 1 : i32
    %eq3A_11 = arith.cmpi eq, %arg0, %eq3A_10 : i32
    %convert_element_type3A_12 = arith.extui %eq3A_11 : i1 to i32
    %cond3A_13 = arith.constant 0 : i32
    %cond3A_14 = arith.cmpi ne, %convert_element_type3A_12, %cond3A_13 : i32
    scf.if %cond3A_14 {
      "tpu.region"() ({
        %run_scoped3A = tpu.sem_alloc : memref<!tpu.dma_semaphore, #tpu.memory_space<semaphore_mem>>
        %dma_start3A_83 = arith.constant 0 : i32
        %dma_start3A_84 = arith.constant 0 : i32
        %dma_start3A_85 = tpu.memref_slice %arg6[%arg1, %dma_start3A_83, %dma_start3A_84] : memref<16x40x128xi32, #tpu.memory_space<hbm>> -> memref<1x40x128xi32, #tpu.memory_space<hbm>>
        %dma_start3A_86 = tpu.memref_squeeze %dma_start3A_85 : memref<1x40x128xi32, #tpu.memory_space<hbm>> -> memref<40x128xi32, #tpu.memory_space<hbm>>
        %dma_start3A_87 = arith.constant 0 : i32
        %dma_start3A_88 = arith.constant 0 : i32
        %dma_start3A_89 = tpu.memref_slice %arg6[%arg1, %dma_start3A_87, %dma_start3A_88] : memref<16x40x128xi32, #tpu.memory_space<hbm>> -> memref<1x40x128xi32, #tpu.memory_space<hbm>>
        %dma_start3A_90 = tpu.memref_squeeze %dma_start3A_89 : memref<1x40x128xi32, #tpu.memory_space<hbm>> -> memref<40x128xi32, #tpu.memory_space<hbm>>
        tpu.enqueue_dma source(%dma_start3A_90 : memref<40x128xi32, #tpu.memory_space<hbm>>) target(%arg14 : memref<40x128xi32, #tpu.memory_space<vmem>>) target_semaphore(%run_scoped3A : memref<!tpu.dma_semaphore, #tpu.memory_space<semaphore_mem>>)
        %dma_wait3A_91 = arith.constant 0 : i32
        %dma_wait3A_92 = arith.constant 0 : i32
        %dma_wait3A_93 = tpu.memref_slice %arg6[%arg1, %dma_wait3A_91, %dma_wait3A_92] : memref<16x40x128xi32, #tpu.memory_space<hbm>> -> memref<1x40x128xi32, #tpu.memory_space<hbm>>
        %dma_wait3A_94 = tpu.memref_squeeze %dma_wait3A_93 : memref<1x40x128xi32, #tpu.memory_space<hbm>> -> memref<40x128xi32, #tpu.memory_space<hbm>>
        %dma_wait3A_95 = arith.constant 0 : i32
        %dma_wait3A_96 = arith.constant 0 : i32
        %dma_wait3A_97 = tpu.memref_slice %arg6[%arg1, %dma_wait3A_95, %dma_wait3A_96] : memref<16x40x128xi32, #tpu.memory_space<hbm>> -> memref<1x40x128xi32, #tpu.memory_space<hbm>>
        %dma_wait3A_98 = tpu.memref_squeeze %dma_wait3A_97 : memref<1x40x128xi32, #tpu.memory_space<hbm>> -> memref<40x128xi32, #tpu.memory_space<hbm>>
        tpu.wait_dma2 semaphore(%run_scoped3A : memref<!tpu.dma_semaphore, #tpu.memory_space<semaphore_mem>>) src(%dma_wait3A_98 : memref<40x128xi32, #tpu.memory_space<hbm>>) dst(%arg14 : memref<40x128xi32, #tpu.memory_space<vmem>>)
        tpu.yield
      }) : () -> ()
      "tpu.region"() ({
        %run_scoped3A = tpu.sem_alloc : memref<!tpu.dma_semaphore, #tpu.memory_space<semaphore_mem>>
        %dma_start3A_83 = arith.constant 0 : i32
        %dma_start3A_84 = arith.constant 0 : i32
        %dma_start3A_85 = tpu.memref_slice %arg7[%arg1, %dma_start3A_83, %dma_start3A_84] : memref<16x40x128xi32, #tpu.memory_space<hbm>> -> memref<1x40x128xi32, #tpu.memory_space<hbm>>
        %dma_start3A_86 = tpu.memref_squeeze %dma_start3A_85 : memref<1x40x128xi32, #tpu.memory_space<hbm>> -> memref<40x128xi32, #tpu.memory_space<hbm>>
        %dma_start3A_87 = arith.constant 0 : i32
        %dma_start3A_88 = arith.constant 0 : i32
        %dma_start3A_89 = tpu.memref_slice %arg7[%arg1, %dma_start3A_87, %dma_start3A_88] : memref<16x40x128xi32, #tpu.memory_space<hbm>> -> memref<1x40x128xi32, #tpu.memory_space<hbm>>
        %dma_start3A_90 = tpu.memref_squeeze %dma_start3A_89 : memref<1x40x128xi32, #tpu.memory_space<hbm>> -> memref<40x128xi32, #tpu.memory_space<hbm>>
        tpu.enqueue_dma source(%dma_start3A_90 : memref<40x128xi32, #tpu.memory_space<hbm>>) target(%arg15 : memref<40x128xi32, #tpu.memory_space<vmem>>) target_semaphore(%run_scoped3A : memref<!tpu.dma_semaphore, #tpu.memory_space<semaphore_mem>>)
        %dma_wait3A_91 = arith.constant 0 : i32
        %dma_wait3A_92 = arith.constant 0 : i32
        %dma_wait3A_93 = tpu.memref_slice %arg7[%arg1, %dma_wait3A_91, %dma_wait3A_92] : memref<16x40x128xi32, #tpu.memory_space<hbm>> -> memref<1x40x128xi32, #tpu.memory_space<hbm>>
        %dma_wait3A_94 = tpu.memref_squeeze %dma_wait3A_93 : memref<1x40x128xi32, #tpu.memory_space<hbm>> -> memref<40x128xi32, #tpu.memory_space<hbm>>
        %dma_wait3A_95 = arith.constant 0 : i32
        %dma_wait3A_96 = arith.constant 0 : i32
        %dma_wait3A_97 = tpu.memref_slice %arg7[%arg1, %dma_wait3A_95, %dma_wait3A_96] : memref<16x40x128xi32, #tpu.memory_space<hbm>> -> memref<1x40x128xi32, #tpu.memory_space<hbm>>
        %dma_wait3A_98 = tpu.memref_squeeze %dma_wait3A_97 : memref<1x40x128xi32, #tpu.memory_space<hbm>> -> memref<40x128xi32, #tpu.memory_space<hbm>>
        tpu.wait_dma2 semaphore(%run_scoped3A : memref<!tpu.dma_semaphore, #tpu.memory_space<semaphore_mem>>) src(%dma_wait3A_98 : memref<40x128xi32, #tpu.memory_space<hbm>>) dst(%arg15 : memref<40x128xi32, #tpu.memory_space<vmem>>)
        tpu.yield
      }) : () -> ()
      %dma_start3A = arith.constant 0 : i32
      %dma_start3A_26 = arith.constant 0 : i32
      %dma_start3A_27 = arith.constant 0 : i32
      %dma_start3A_28 = arith.constant 0 : i32
      %dma_start3A_29 = tpu.memref_slice %arg16[%dma_start3A_26, %dma_start3A_27, %dma_start3A_28] : memref<2x128x128xf32, #tpu.memory_space<vmem>> -> memref<1x128x128xf32, #tpu.memory_space<vmem>>
      %dma_start3A_30 = tpu.memref_squeeze %dma_start3A_29 : memref<1x128x128xf32, #tpu.memory_space<vmem>> -> memref<128x128xf32, #tpu.memory_space<vmem>>
      %dma_start3A_31 = arith.constant 0 : i32
      %dma_start3A_32 = tpu.memref_slice %arg14[%dma_start3A, %dma_start3A_31] : memref<40x128xi32, #tpu.memory_space<vmem>> -> memref<1x128xi32, #tpu.memory_space<vmem>>
      %dma_start3A_33 = tpu.memref_squeeze %dma_start3A_32 : memref<1x128xi32, #tpu.memory_space<vmem>> -> memref<128xi32, #tpu.memory_space<vmem>>
      %dma_start3A_34 = arith.constant 0 : i32
      %dma_start3A_35 = arith.constant 0 : i32
      %dma_start3A_36 = tpu.memref_slice %arg3[%dma_start3A_34, %dma_start3A_35] : memref<256x128xf32, #tpu.memory_space<hbm>> -> memref<256x128xf32, #tpu.memory_space<hbm>>
      tpu.enqueue_indirect_dma source(%dma_start3A_36 : memref<256x128xf32, #tpu.memory_space<hbm>>) target(%dma_start3A_30 : memref<128x128xf32, #tpu.memory_space<vmem>>) offsets(%dma_start3A_33 : memref<128xi32, #tpu.memory_space<vmem>>) semaphore(%arg19 : memref<!tpu.dma_semaphore, #tpu.memory_space<semaphore_mem>>)
      %scan3A = arith.constant 0 : i32
      %scan3A_37 = arith.constant 0 : i32
      %scan3A_38 = arith.constant 40 : i32
      %scan3A_39 = arith.addi %scan3A_37, %scan3A_38 : i32
      %scan3A_40 = arith.constant 1 : i32
      scf.for %scan3A_83 = %scan3A_37 to %scan3A_39 step %scan3A_40  : i32 {
        %rem3A = arith.constant 2 : i32
        %rem3A_84 = arith.remsi %scan3A_83, %rem3A : i32
        %add3A = arith.constant 1 : i32
        %add3A_85 = arith.addi %scan3A_83, %add3A : i32
        %rem3A_86 = arith.constant 2 : i32
        %rem3A_87 = arith.remsi %add3A_85, %rem3A_86 : i32
        %add3A_88 = arith.constant 0 : i32
        %add3A_89 = arith.addi %add3A_88, %scan3A_83 : i32
        %dma_wait3A_90 = arith.constant 0 : i32
        %dma_wait3A_91 = arith.constant 0 : i32
        %dma_wait3A_92 = tpu.memref_slice %arg16[%rem3A_84, %dma_wait3A_90, %dma_wait3A_91] : memref<2x128x128xf32, #tpu.memory_space<vmem>> -> memref<1x128x128xf32, #tpu.memory_space<vmem>>
        %dma_wait3A_93 = tpu.memref_squeeze %dma_wait3A_92 : memref<1x128x128xf32, #tpu.memory_space<vmem>> -> memref<128x128xf32, #tpu.memory_space<vmem>>
        %dma_wait3A_94 = arith.constant 0 : i32
        %dma_wait3A_95 = tpu.memref_slice %arg14[%add3A_89, %dma_wait3A_94] : memref<40x128xi32, #tpu.memory_space<vmem>> -> memref<1x128xi32, #tpu.memory_space<vmem>>
        %dma_wait3A_96 = tpu.memref_squeeze %dma_wait3A_95 : memref<1x128xi32, #tpu.memory_space<vmem>> -> memref<128xi32, #tpu.memory_space<vmem>>
        %dma_wait3A_97 = arith.constant 0 : i32
        %dma_wait3A_98 = arith.constant 0 : i32
        %dma_wait3A_99 = tpu.memref_slice %arg3[%dma_wait3A_97, %dma_wait3A_98] : memref<256x128xf32, #tpu.memory_space<hbm>> -> memref<256x128xf32, #tpu.memory_space<hbm>>
        tpu.wait_indirect_dma semaphore(%arg19 : memref<!tpu.dma_semaphore, #tpu.memory_space<semaphore_mem>>) src(%dma_wait3A_99 : memref<256x128xf32, #tpu.memory_space<hbm>>) dst(%dma_wait3A_93 : memref<128x128xf32, #tpu.memory_space<vmem>>)
        %gt3A = arith.constant 0 : i32
        %gt3A_100 = arith.cmpi sgt, %scan3A_83, %gt3A : i32
        %convert_element_type3A_101 = arith.extui %gt3A_100 : i1 to i32
        %cond3A_102 = arith.constant 0 : i32
        %cond3A_103 = arith.cmpi ne, %convert_element_type3A_101, %cond3A_102 : i32
        scf.if %cond3A_103 {
          %add3A_120 = arith.constant 0 : i32
          %add3A_121 = arith.addi %add3A_120, %scan3A_83 : i32
          %sub3A = arith.constant 1 : i32
          %sub3A_122 = arith.subi %add3A_121, %sub3A : i32
          %dma_wait3A_123 = arith.constant 0 : i32
          %dma_wait3A_124 = arith.constant 0 : i32
          %dma_wait3A_125 = tpu.memref_slice %arg16[%rem3A_87, %dma_wait3A_123, %dma_wait3A_124] : memref<2x128x128xf32, #tpu.memory_space<vmem>> -> memref<1x128x128xf32, #tpu.memory_space<vmem>>
          %dma_wait3A_126 = tpu.memref_squeeze %dma_wait3A_125 : memref<1x128x128xf32, #tpu.memory_space<vmem>> -> memref<128x128xf32, #tpu.memory_space<vmem>>
          %dma_wait3A_127 = arith.constant 0 : i32
          %dma_wait3A_128 = tpu.memref_slice %arg15[%sub3A_122, %dma_wait3A_127] : memref<40x128xi32, #tpu.memory_space<vmem>> -> memref<1x128xi32, #tpu.memory_space<vmem>>
          %dma_wait3A_129 = tpu.memref_squeeze %dma_wait3A_128 : memref<1x128xi32, #tpu.memory_space<vmem>> -> memref<128xi32, #tpu.memory_space<vmem>>
          %dma_wait3A_130 = arith.constant 0 : i32
          %dma_wait3A_131 = arith.constant 0 : i32
          %dma_wait3A_132 = tpu.memref_slice %arg17[%dma_wait3A_130, %dma_wait3A_131] : memref<10112x128xf32, #tpu.memory_space<vmem_shared>> -> memref<10112x128xf32, #tpu.memory_space<vmem_shared>>
          tpu.wait_indirect_dma semaphore(%arg20 : memref<!tpu.dma_semaphore, #tpu.memory_space<semaphore_mem>>) src(%dma_wait3A_126 : memref<128x128xf32, #tpu.memory_space<vmem>>) dst(%dma_wait3A_132 : memref<10112x128xf32, #tpu.memory_space<vmem_shared>>)
        } else {
        }
        %lt3A = arith.constant 39 : i32
        %lt3A_104 = arith.cmpi slt, %scan3A_83, %lt3A : i32
        %convert_element_type3A_105 = arith.extui %lt3A_104 : i1 to i32
        %cond3A_106 = arith.constant 0 : i32
        %cond3A_107 = arith.cmpi ne, %convert_element_type3A_105, %cond3A_106 : i32
        scf.if %cond3A_107 {
          %add3A_120 = arith.constant 0 : i32
          %add3A_121 = arith.addi %add3A_120, %scan3A_83 : i32
          %add3A_122 = arith.constant 1 : i32
          %add3A_123 = arith.addi %add3A_121, %add3A_122 : i32
          %dma_start3A_124 = arith.constant 0 : i32
          %dma_start3A_125 = arith.constant 0 : i32
          %dma_start3A_126 = tpu.memref_slice %arg16[%rem3A_87, %dma_start3A_124, %dma_start3A_125] : memref<2x128x128xf32, #tpu.memory_space<vmem>> -> memref<1x128x128xf32, #tpu.memory_space<vmem>>
          %dma_start3A_127 = tpu.memref_squeeze %dma_start3A_126 : memref<1x128x128xf32, #tpu.memory_space<vmem>> -> memref<128x128xf32, #tpu.memory_space<vmem>>
          %dma_start3A_128 = arith.constant 0 : i32
          %dma_start3A_129 = tpu.memref_slice %arg14[%add3A_123, %dma_start3A_128] : memref<40x128xi32, #tpu.memory_space<vmem>> -> memref<1x128xi32, #tpu.memory_space<vmem>>
          %dma_start3A_130 = tpu.memref_squeeze %dma_start3A_129 : memref<1x128xi32, #tpu.memory_space<vmem>> -> memref<128xi32, #tpu.memory_space<vmem>>
          %dma_start3A_131 = arith.constant 0 : i32
          %dma_start3A_132 = arith.constant 0 : i32
          %dma_start3A_133 = tpu.memref_slice %arg3[%dma_start3A_131, %dma_start3A_132] : memref<256x128xf32, #tpu.memory_space<hbm>> -> memref<256x128xf32, #tpu.memory_space<hbm>>
          tpu.enqueue_indirect_dma source(%dma_start3A_133 : memref<256x128xf32, #tpu.memory_space<hbm>>) target(%dma_start3A_127 : memref<128x128xf32, #tpu.memory_space<vmem>>) offsets(%dma_start3A_130 : memref<128xi32, #tpu.memory_space<vmem>>) semaphore(%arg19 : memref<!tpu.dma_semaphore, #tpu.memory_space<semaphore_mem>>)
        } else {
        }
        %add3A_108 = arith.constant 0 : i32
        %add3A_109 = arith.addi %add3A_108, %scan3A_83 : i32
        %dma_start3A_110 = arith.constant 0 : i32
        %dma_start3A_111 = arith.constant 0 : i32
        %dma_start3A_112 = tpu.memref_slice %arg16[%rem3A_84, %dma_start3A_110, %dma_start3A_111] : memref<2x128x128xf32, #tpu.memory_space<vmem>> -> memref<1x128x128xf32, #tpu.memory_space<vmem>>
        %dma_start3A_113 = tpu.memref_squeeze %dma_start3A_112 : memref<1x128x128xf32, #tpu.memory_space<vmem>> -> memref<128x128xf32, #tpu.memory_space<vmem>>
        %dma_start3A_114 = arith.constant 0 : i32
        %dma_start3A_115 = tpu.memref_slice %arg15[%add3A_109, %dma_start3A_114] : memref<40x128xi32, #tpu.memory_space<vmem>> -> memref<1x128xi32, #tpu.memory_space<vmem>>
        %dma_start3A_116 = tpu.memref_squeeze %dma_start3A_115 : memref<1x128xi32, #tpu.memory_space<vmem>> -> memref<128xi32, #tpu.memory_space<vmem>>
        %dma_start3A_117 = arith.constant 0 : i32
        %dma_start3A_118 = arith.constant 0 : i32
        %dma_start3A_119 = tpu.memref_slice %arg17[%dma_start3A_117, %dma_start3A_118] : memref<10112x128xf32, #tpu.memory_space<vmem_shared>> -> memref<10112x128xf32, #tpu.memory_space<vmem_shared>>
        tpu.enqueue_indirect_dma source(%dma_start3A_113 : memref<128x128xf32, #tpu.memory_space<vmem>>) target(%dma_start3A_119 : memref<10112x128xf32, #tpu.memory_space<vmem_shared>>) offsets(%dma_start3A_116 : memref<128xi32, #tpu.memory_space<vmem>>) semaphore(%arg20 : memref<!tpu.dma_semaphore, #tpu.memory_space<semaphore_mem>>) {add = true}
      }
      %scan3A_41 = arith.constant 40 : i32
      %dma_wait3A = arith.constant 1 : i32
      %dma_wait3A_42 = arith.constant 39 : i32
      %dma_wait3A_43 = arith.constant 0 : i32
      %dma_wait3A_44 = arith.constant 0 : i32
      %dma_wait3A_45 = tpu.memref_slice %arg16[%dma_wait3A, %dma_wait3A_43, %dma_wait3A_44] : memref<2x128x128xf32, #tpu.memory_space<vmem>> -> memref<1x128x128xf32, #tpu.memory_space<vmem>>
      %dma_wait3A_46 = tpu.memref_squeeze %dma_wait3A_45 : memref<1x128x128xf32, #tpu.memory_space<vmem>> -> memref<128x128xf32, #tpu.memory_space<vmem>>
      %dma_wait3A_47 = arith.constant 0 : i32
      %dma_wait3A_48 = tpu.memref_slice %arg15[%dma_wait3A_42, %dma_wait3A_47] : memref<40x128xi32, #tpu.memory_space<vmem>> -> memref<1x128xi32, #tpu.memory_space<vmem>>
      %dma_wait3A_49 = tpu.memref_squeeze %dma_wait3A_48 : memref<1x128xi32, #tpu.memory_space<vmem>> -> memref<128xi32, #tpu.memory_space<vmem>>
      %dma_wait3A_50 = arith.constant 0 : i32
      %dma_wait3A_51 = arith.constant 0 : i32
      %dma_wait3A_52 = tpu.memref_slice %arg17[%dma_wait3A_50, %dma_wait3A_51] : memref<10112x128xf32, #tpu.memory_space<vmem_shared>> -> memref<10112x128xf32, #tpu.memory_space<vmem_shared>>
      tpu.wait_indirect_dma semaphore(%arg20 : memref<!tpu.dma_semaphore, #tpu.memory_space<semaphore_mem>>) src(%dma_wait3A_46 : memref<128x128xf32, #tpu.memory_space<vmem>>) dst(%dma_wait3A_52 : memref<10112x128xf32, #tpu.memory_space<vmem_shared>>)
      "tpu.region"() ({
        %run_scoped3A = tpu.sem_alloc : memref<!tpu.dma_semaphore, #tpu.memory_space<semaphore_mem>>
        %dma_start3A_83 = arith.constant 0 : i32
        %dma_start3A_84 = arith.constant 0 : i32
        %dma_start3A_85 = tpu.memref_slice %arg8[%arg1, %dma_start3A_83, %dma_start3A_84] : memref<16x40x128xi32, #tpu.memory_space<hbm>> -> memref<1x40x128xi32, #tpu.memory_space<hbm>>
        %dma_start3A_86 = tpu.memref_squeeze %dma_start3A_85 : memref<1x40x128xi32, #tpu.memory_space<hbm>> -> memref<40x128xi32, #tpu.memory_space<hbm>>
        %dma_start3A_87 = arith.constant 0 : i32
        %dma_start3A_88 = arith.constant 0 : i32
        %dma_start3A_89 = tpu.memref_slice %arg8[%arg1, %dma_start3A_87, %dma_start3A_88] : memref<16x40x128xi32, #tpu.memory_space<hbm>> -> memref<1x40x128xi32, #tpu.memory_space<hbm>>
        %dma_start3A_90 = tpu.memref_squeeze %dma_start3A_89 : memref<1x40x128xi32, #tpu.memory_space<hbm>> -> memref<40x128xi32, #tpu.memory_space<hbm>>
        tpu.enqueue_dma source(%dma_start3A_90 : memref<40x128xi32, #tpu.memory_space<hbm>>) target(%arg14 : memref<40x128xi32, #tpu.memory_space<vmem>>) target_semaphore(%run_scoped3A : memref<!tpu.dma_semaphore, #tpu.memory_space<semaphore_mem>>)
        %dma_wait3A_91 = arith.constant 0 : i32
        %dma_wait3A_92 = arith.constant 0 : i32
        %dma_wait3A_93 = tpu.memref_slice %arg8[%arg1, %dma_wait3A_91, %dma_wait3A_92] : memref<16x40x128xi32, #tpu.memory_space<hbm>> -> memref<1x40x128xi32, #tpu.memory_space<hbm>>
        %dma_wait3A_94 = tpu.memref_squeeze %dma_wait3A_93 : memref<1x40x128xi32, #tpu.memory_space<hbm>> -> memref<40x128xi32, #tpu.memory_space<hbm>>
        %dma_wait3A_95 = arith.constant 0 : i32
        %dma_wait3A_96 = arith.constant 0 : i32
        %dma_wait3A_97 = tpu.memref_slice %arg8[%arg1, %dma_wait3A_95, %dma_wait3A_96] : memref<16x40x128xi32, #tpu.memory_space<hbm>> -> memref<1x40x128xi32, #tpu.memory_space<hbm>>
        %dma_wait3A_98 = tpu.memref_squeeze %dma_wait3A_97 : memref<1x40x128xi32, #tpu.memory_space<hbm>> -> memref<40x128xi32, #tpu.memory_space<hbm>>
        tpu.wait_dma2 semaphore(%run_scoped3A : memref<!tpu.dma_semaphore, #tpu.memory_space<semaphore_mem>>) src(%dma_wait3A_98 : memref<40x128xi32, #tpu.memory_space<hbm>>) dst(%arg14 : memref<40x128xi32, #tpu.memory_space<vmem>>)
        tpu.yield
      }) : () -> ()
      "tpu.region"() ({
        %run_scoped3A = tpu.sem_alloc : memref<!tpu.dma_semaphore, #tpu.memory_space<semaphore_mem>>
        %dma_start3A_83 = arith.constant 0 : i32
        %dma_start3A_84 = arith.constant 0 : i32
        %dma_start3A_85 = tpu.memref_slice %arg9[%arg1, %dma_start3A_83, %dma_start3A_84] : memref<16x40x128xi32, #tpu.memory_space<hbm>> -> memref<1x40x128xi32, #tpu.memory_space<hbm>>
        %dma_start3A_86 = tpu.memref_squeeze %dma_start3A_85 : memref<1x40x128xi32, #tpu.memory_space<hbm>> -> memref<40x128xi32, #tpu.memory_space<hbm>>
        %dma_start3A_87 = arith.constant 0 : i32
        %dma_start3A_88 = arith.constant 0 : i32
        %dma_start3A_89 = tpu.memref_slice %arg9[%arg1, %dma_start3A_87, %dma_start3A_88] : memref<16x40x128xi32, #tpu.memory_space<hbm>> -> memref<1x40x128xi32, #tpu.memory_space<hbm>>
        %dma_start3A_90 = tpu.memref_squeeze %dma_start3A_89 : memref<1x40x128xi32, #tpu.memory_space<hbm>> -> memref<40x128xi32, #tpu.memory_space<hbm>>
        tpu.enqueue_dma source(%dma_start3A_90 : memref<40x128xi32, #tpu.memory_space<hbm>>) target(%arg15 : memref<40x128xi32, #tpu.memory_space<vmem>>) target_semaphore(%run_scoped3A : memref<!tpu.dma_semaphore, #tpu.memory_space<semaphore_mem>>)
        %dma_wait3A_91 = arith.constant 0 : i32
        %dma_wait3A_92 = arith.constant 0 : i32
        %dma_wait3A_93 = tpu.memref_slice %arg9[%arg1, %dma_wait3A_91, %dma_wait3A_92] : memref<16x40x128xi32, #tpu.memory_space<hbm>> -> memref<1x40x128xi32, #tpu.memory_space<hbm>>
        %dma_wait3A_94 = tpu.memref_squeeze %dma_wait3A_93 : memref<1x40x128xi32, #tpu.memory_space<hbm>> -> memref<40x128xi32, #tpu.memory_space<hbm>>
        %dma_wait3A_95 = arith.constant 0 : i32
        %dma_wait3A_96 = arith.constant 0 : i32
        %dma_wait3A_97 = tpu.memref_slice %arg9[%arg1, %dma_wait3A_95, %dma_wait3A_96] : memref<16x40x128xi32, #tpu.memory_space<hbm>> -> memref<1x40x128xi32, #tpu.memory_space<hbm>>
        %dma_wait3A_98 = tpu.memref_squeeze %dma_wait3A_97 : memref<1x40x128xi32, #tpu.memory_space<hbm>> -> memref<40x128xi32, #tpu.memory_space<hbm>>
        tpu.wait_dma2 semaphore(%run_scoped3A : memref<!tpu.dma_semaphore, #tpu.memory_space<semaphore_mem>>) src(%dma_wait3A_98 : memref<40x128xi32, #tpu.memory_space<hbm>>) dst(%arg15 : memref<40x128xi32, #tpu.memory_space<vmem>>)
        tpu.yield
      }) : () -> ()
      %dma_start3A_53 = arith.constant 0 : i32
      %dma_start3A_54 = arith.constant 0 : i32
      %dma_start3A_55 = arith.constant 0 : i32
      %dma_start3A_56 = arith.constant 0 : i32
      %dma_start3A_57 = tpu.memref_slice %arg16[%dma_start3A_54, %dma_start3A_55, %dma_start3A_56] : memref<2x128x128xf32, #tpu.memory_space<vmem>> -> memref<1x128x128xf32, #tpu.memory_space<vmem>>
      %dma_start3A_58 = tpu.memref_squeeze %dma_start3A_57 : memref<1x128x128xf32, #tpu.memory_space<vmem>> -> memref<128x128xf32, #tpu.memory_space<vmem>>
      %dma_start3A_59 = arith.constant 0 : i32
      %dma_start3A_60 = tpu.memref_slice %arg14[%dma_start3A_53, %dma_start3A_59] : memref<40x128xi32, #tpu.memory_space<vmem>> -> memref<1x128xi32, #tpu.memory_space<vmem>>
      %dma_start3A_61 = tpu.memref_squeeze %dma_start3A_60 : memref<1x128xi32, #tpu.memory_space<vmem>> -> memref<128xi32, #tpu.memory_space<vmem>>
      %dma_start3A_62 = arith.constant 0 : i32
      %dma_start3A_63 = arith.constant 0 : i32
      %dma_start3A_64 = tpu.memref_slice %arg2[%dma_start3A_62, %dma_start3A_63] : memref<10000x128xf32, #tpu.memory_space<hbm>> -> memref<10000x128xf32, #tpu.memory_space<hbm>>
      tpu.enqueue_indirect_dma source(%dma_start3A_64 : memref<10000x128xf32, #tpu.memory_space<hbm>>) target(%dma_start3A_58 : memref<128x128xf32, #tpu.memory_space<vmem>>) offsets(%dma_start3A_61 : memref<128xi32, #tpu.memory_space<vmem>>) semaphore(%arg19 : memref<!tpu.dma_semaphore, #tpu.memory_space<semaphore_mem>>)
      %scan3A_65 = arith.constant 0 : i32
      %scan3A_66 = arith.constant 0 : i32
      %scan3A_67 = arith.constant 40 : i32
      %scan3A_68 = arith.addi %scan3A_66, %scan3A_67 : i32
      %scan3A_69 = arith.constant 1 : i32
      scf.for %scan3A_83 = %scan3A_66 to %scan3A_68 step %scan3A_69  : i32 {
        %rem3A = arith.constant 2 : i32
        %rem3A_84 = arith.remsi %scan3A_83, %rem3A : i32
        %add3A = arith.constant 1 : i32
        %add3A_85 = arith.addi %scan3A_83, %add3A : i32
        %rem3A_86 = arith.constant 2 : i32
        %rem3A_87 = arith.remsi %add3A_85, %rem3A_86 : i32
        %add3A_88 = arith.constant 0 : i32
        %add3A_89 = arith.addi %add3A_88, %scan3A_83 : i32
        %dma_wait3A_90 = arith.constant 0 : i32
        %dma_wait3A_91 = arith.constant 0 : i32
        %dma_wait3A_92 = tpu.memref_slice %arg16[%rem3A_84, %dma_wait3A_90, %dma_wait3A_91] : memref<2x128x128xf32, #tpu.memory_space<vmem>> -> memref<1x128x128xf32, #tpu.memory_space<vmem>>
        %dma_wait3A_93 = tpu.memref_squeeze %dma_wait3A_92 : memref<1x128x128xf32, #tpu.memory_space<vmem>> -> memref<128x128xf32, #tpu.memory_space<vmem>>
        %dma_wait3A_94 = arith.constant 0 : i32
        %dma_wait3A_95 = tpu.memref_slice %arg14[%add3A_89, %dma_wait3A_94] : memref<40x128xi32, #tpu.memory_space<vmem>> -> memref<1x128xi32, #tpu.memory_space<vmem>>
        %dma_wait3A_96 = tpu.memref_squeeze %dma_wait3A_95 : memref<1x128xi32, #tpu.memory_space<vmem>> -> memref<128xi32, #tpu.memory_space<vmem>>
        %dma_wait3A_97 = arith.constant 0 : i32
        %dma_wait3A_98 = arith.constant 0 : i32
        %dma_wait3A_99 = tpu.memref_slice %arg2[%dma_wait3A_97, %dma_wait3A_98] : memref<10000x128xf32, #tpu.memory_space<hbm>> -> memref<10000x128xf32, #tpu.memory_space<hbm>>
        tpu.wait_indirect_dma semaphore(%arg19 : memref<!tpu.dma_semaphore, #tpu.memory_space<semaphore_mem>>) src(%dma_wait3A_99 : memref<10000x128xf32, #tpu.memory_space<hbm>>) dst(%dma_wait3A_93 : memref<128x128xf32, #tpu.memory_space<vmem>>)
        %gt3A = arith.constant 0 : i32
        %gt3A_100 = arith.cmpi sgt, %scan3A_83, %gt3A : i32
        %convert_element_type3A_101 = arith.extui %gt3A_100 : i1 to i32
        %cond3A_102 = arith.constant 0 : i32
        %cond3A_103 = arith.cmpi ne, %convert_element_type3A_101, %cond3A_102 : i32
        scf.if %cond3A_103 {
          %add3A_120 = arith.constant 0 : i32
          %add3A_121 = arith.addi %add3A_120, %scan3A_83 : i32
          %sub3A = arith.constant 1 : i32
          %sub3A_122 = arith.subi %add3A_121, %sub3A : i32
          %dma_wait3A_123 = arith.constant 0 : i32
          %dma_wait3A_124 = arith.constant 0 : i32
          %dma_wait3A_125 = tpu.memref_slice %arg16[%rem3A_87, %dma_wait3A_123, %dma_wait3A_124] : memref<2x128x128xf32, #tpu.memory_space<vmem>> -> memref<1x128x128xf32, #tpu.memory_space<vmem>>
          %dma_wait3A_126 = tpu.memref_squeeze %dma_wait3A_125 : memref<1x128x128xf32, #tpu.memory_space<vmem>> -> memref<128x128xf32, #tpu.memory_space<vmem>>
          %dma_wait3A_127 = arith.constant 0 : i32
          %dma_wait3A_128 = tpu.memref_slice %arg15[%sub3A_122, %dma_wait3A_127] : memref<40x128xi32, #tpu.memory_space<vmem>> -> memref<1x128xi32, #tpu.memory_space<vmem>>
          %dma_wait3A_129 = tpu.memref_squeeze %dma_wait3A_128 : memref<1x128xi32, #tpu.memory_space<vmem>> -> memref<128xi32, #tpu.memory_space<vmem>>
          %dma_wait3A_130 = arith.constant 0 : i32
          %dma_wait3A_131 = arith.constant 0 : i32
          %dma_wait3A_132 = tpu.memref_slice %arg18[%dma_wait3A_130, %dma_wait3A_131] : memref<384x128xf32, #tpu.memory_space<vmem_shared>> -> memref<384x128xf32, #tpu.memory_space<vmem_shared>>
          tpu.wait_indirect_dma semaphore(%arg20 : memref<!tpu.dma_semaphore, #tpu.memory_space<semaphore_mem>>) src(%dma_wait3A_126 : memref<128x128xf32, #tpu.memory_space<vmem>>) dst(%dma_wait3A_132 : memref<384x128xf32, #tpu.memory_space<vmem_shared>>)
        } else {
        }
        %lt3A = arith.constant 39 : i32
        %lt3A_104 = arith.cmpi slt, %scan3A_83, %lt3A : i32
        %convert_element_type3A_105 = arith.extui %lt3A_104 : i1 to i32
        %cond3A_106 = arith.constant 0 : i32
        %cond3A_107 = arith.cmpi ne, %convert_element_type3A_105, %cond3A_106 : i32
        scf.if %cond3A_107 {
          %add3A_120 = arith.constant 0 : i32
          %add3A_121 = arith.addi %add3A_120, %scan3A_83 : i32
          %add3A_122 = arith.constant 1 : i32
          %add3A_123 = arith.addi %add3A_121, %add3A_122 : i32
          %dma_start3A_124 = arith.constant 0 : i32
          %dma_start3A_125 = arith.constant 0 : i32
          %dma_start3A_126 = tpu.memref_slice %arg16[%rem3A_87, %dma_start3A_124, %dma_start3A_125] : memref<2x128x128xf32, #tpu.memory_space<vmem>> -> memref<1x128x128xf32, #tpu.memory_space<vmem>>
          %dma_start3A_127 = tpu.memref_squeeze %dma_start3A_126 : memref<1x128x128xf32, #tpu.memory_space<vmem>> -> memref<128x128xf32, #tpu.memory_space<vmem>>
          %dma_start3A_128 = arith.constant 0 : i32
          %dma_start3A_129 = tpu.memref_slice %arg14[%add3A_123, %dma_start3A_128] : memref<40x128xi32, #tpu.memory_space<vmem>> -> memref<1x128xi32, #tpu.memory_space<vmem>>
          %dma_start3A_130 = tpu.memref_squeeze %dma_start3A_129 : memref<1x128xi32, #tpu.memory_space<vmem>> -> memref<128xi32, #tpu.memory_space<vmem>>
          %dma_start3A_131 = arith.constant 0 : i32
          %dma_start3A_132 = arith.constant 0 : i32
          %dma_start3A_133 = tpu.memref_slice %arg2[%dma_start3A_131, %dma_start3A_132] : memref<10000x128xf32, #tpu.memory_space<hbm>> -> memref<10000x128xf32, #tpu.memory_space<hbm>>
          tpu.enqueue_indirect_dma source(%dma_start3A_133 : memref<10000x128xf32, #tpu.memory_space<hbm>>) target(%dma_start3A_127 : memref<128x128xf32, #tpu.memory_space<vmem>>) offsets(%dma_start3A_130 : memref<128xi32, #tpu.memory_space<vmem>>) semaphore(%arg19 : memref<!tpu.dma_semaphore, #tpu.memory_space<semaphore_mem>>)
        } else {
        }
        %add3A_108 = arith.constant 0 : i32
        %add3A_109 = arith.addi %add3A_108, %scan3A_83 : i32
        %dma_start3A_110 = arith.constant 0 : i32
        %dma_start3A_111 = arith.constant 0 : i32
        %dma_start3A_112 = tpu.memref_slice %arg16[%rem3A_84, %dma_start3A_110, %dma_start3A_111] : memref<2x128x128xf32, #tpu.memory_space<vmem>> -> memref<1x128x128xf32, #tpu.memory_space<vmem>>
        %dma_start3A_113 = tpu.memref_squeeze %dma_start3A_112 : memref<1x128x128xf32, #tpu.memory_space<vmem>> -> memref<128x128xf32, #tpu.memory_space<vmem>>
        %dma_start3A_114 = arith.constant 0 : i32
        %dma_start3A_115 = tpu.memref_slice %arg15[%add3A_109, %dma_start3A_114] : memref<40x128xi32, #tpu.memory_space<vmem>> -> memref<1x128xi32, #tpu.memory_space<vmem>>
        %dma_start3A_116 = tpu.memref_squeeze %dma_start3A_115 : memref<1x128xi32, #tpu.memory_space<vmem>> -> memref<128xi32, #tpu.memory_space<vmem>>
        %dma_start3A_117 = arith.constant 0 : i32
        %dma_start3A_118 = arith.constant 0 : i32
        %dma_start3A_119 = tpu.memref_slice %arg18[%dma_start3A_117, %dma_start3A_118] : memref<384x128xf32, #tpu.memory_space<vmem_shared>> -> memref<384x128xf32, #tpu.memory_space<vmem_shared>>
        tpu.enqueue_indirect_dma source(%dma_start3A_113 : memref<128x128xf32, #tpu.memory_space<vmem>>) target(%dma_start3A_119 : memref<384x128xf32, #tpu.memory_space<vmem_shared>>) offsets(%dma_start3A_116 : memref<128xi32, #tpu.memory_space<vmem>>) semaphore(%arg20 : memref<!tpu.dma_semaphore, #tpu.memory_space<semaphore_mem>>) {add = true}
      }
      %scan3A_70 = arith.constant 40 : i32
      %dma_wait3A_71 = arith.constant 1 : i32
      %dma_wait3A_72 = arith.constant 39 : i32
      %dma_wait3A_73 = arith.constant 0 : i32
      %dma_wait3A_74 = arith.constant 0 : i32
      %dma_wait3A_75 = tpu.memref_slice %arg16[%dma_wait3A_71, %dma_wait3A_73, %dma_wait3A_74] : memref<2x128x128xf32, #tpu.memory_space<vmem>> -> memref<1x128x128xf32, #tpu.memory_space<vmem>>
      %dma_wait3A_76 = tpu.memref_squeeze %dma_wait3A_75 : memref<1x128x128xf32, #tpu.memory_space<vmem>> -> memref<128x128xf32, #tpu.memory_space<vmem>>
      %dma_wait3A_77 = arith.constant 0 : i32
      %dma_wait3A_78 = tpu.memref_slice %arg15[%dma_wait3A_72, %dma_wait3A_77] : memref<40x128xi32, #tpu.memory_space<vmem>> -> memref<1x128xi32, #tpu.memory_space<vmem>>
      %dma_wait3A_79 = tpu.memref_squeeze %dma_wait3A_78 : memref<1x128xi32, #tpu.memory_space<vmem>> -> memref<128xi32, #tpu.memory_space<vmem>>
      %dma_wait3A_80 = arith.constant 0 : i32
      %dma_wait3A_81 = arith.constant 0 : i32
      %dma_wait3A_82 = tpu.memref_slice %arg18[%dma_wait3A_80, %dma_wait3A_81] : memref<384x128xf32, #tpu.memory_space<vmem_shared>> -> memref<384x128xf32, #tpu.memory_space<vmem_shared>>
      tpu.wait_indirect_dma semaphore(%arg20 : memref<!tpu.dma_semaphore, #tpu.memory_space<semaphore_mem>>) src(%dma_wait3A_76 : memref<128x128xf32, #tpu.memory_space<vmem>>) dst(%dma_wait3A_82 : memref<384x128xf32, #tpu.memory_space<vmem_shared>>)
    } else {
    }
    %barrier3A_15 = arith.constant 0 : index
    tpu.barrier barrier_id(%barrier3A_15)
    %eq3A_16 = arith.constant 0 : i32
    %eq3A_17 = arith.cmpi eq, %arg0, %eq3A_16 : i32
    %convert_element_type3A_18 = arith.extui %eq3A_17 : i1 to i32
    %cond3A_19 = arith.constant 0 : i32
    %cond3A_20 = arith.cmpi ne, %convert_element_type3A_18, %cond3A_19 : i32
    scf.if %cond3A_20 {
      "tpu.region"() ({
        %run_scoped3A = tpu.sem_alloc : memref<!tpu.dma_semaphore, #tpu.memory_space<semaphore_mem>>
        %dma_start3A = arith.constant 0 : i32
        %dma_start3A_26 = tpu.memref_slice %arg11[%mul3A_0, %dma_start3A] : memref<10112x128xf32, #tpu.memory_space<hbm>> -> memref<632x128xf32, #tpu.memory_space<hbm>>
        %dma_start3A_27 = arith.constant 0 : i32
        %dma_start3A_28 = tpu.memref_slice %arg17[%mul3A_0, %dma_start3A_27] : memref<10112x128xf32, #tpu.memory_space<vmem_shared>> -> memref<632x128xf32, #tpu.memory_space<vmem_shared>>
        tpu.enqueue_dma source(%dma_start3A_28 : memref<632x128xf32, #tpu.memory_space<vmem_shared>>) target(%dma_start3A_26 : memref<632x128xf32, #tpu.memory_space<hbm>>) target_semaphore(%run_scoped3A : memref<!tpu.dma_semaphore, #tpu.memory_space<semaphore_mem>>)
        %dma_wait3A = arith.constant 0 : i32
        %dma_wait3A_29 = tpu.memref_slice %arg11[%mul3A_0, %dma_wait3A] : memref<10112x128xf32, #tpu.memory_space<hbm>> -> memref<632x128xf32, #tpu.memory_space<hbm>>
        %dma_wait3A_30 = arith.constant 0 : i32
        %dma_wait3A_31 = tpu.memref_slice %arg17[%mul3A_0, %dma_wait3A_30] : memref<10112x128xf32, #tpu.memory_space<vmem_shared>> -> memref<632x128xf32, #tpu.memory_space<vmem_shared>>
        tpu.wait_dma2 semaphore(%run_scoped3A : memref<!tpu.dma_semaphore, #tpu.memory_space<semaphore_mem>>) src(%dma_wait3A_31 : memref<632x128xf32, #tpu.memory_space<vmem_shared>>) dst(%dma_wait3A_29 : memref<632x128xf32, #tpu.memory_space<hbm>>)
        tpu.yield
      }) : () -> ()
    } else {
    }
    %eq3A_21 = arith.constant 1 : i32
    %eq3A_22 = arith.cmpi eq, %arg0, %eq3A_21 : i32
    %convert_element_type3A_23 = arith.extui %eq3A_22 : i1 to i32
    %cond3A_24 = arith.constant 0 : i32
    %cond3A_25 = arith.cmpi ne, %convert_element_type3A_23, %cond3A_24 : i32
    scf.if %cond3A_25 {
      "tpu.region"() ({
        %run_scoped3A = tpu.sem_alloc : memref<!tpu.dma_semaphore, #tpu.memory_space<semaphore_mem>>
        %dma_start3A = arith.constant 0 : i32
        %dma_start3A_26 = tpu.memref_slice %arg12[%mul3A_0, %dma_start3A] : memref<10112x128xf32, #tpu.memory_space<hbm>> -> memref<632x128xf32, #tpu.memory_space<hbm>>
        %dma_start3A_27 = arith.constant 0 : i32
        %dma_start3A_28 = tpu.memref_slice %arg17[%mul3A_0, %dma_start3A_27] : memref<10112x128xf32, #tpu.memory_space<vmem_shared>> -> memref<632x128xf32, #tpu.memory_space<vmem_shared>>
        tpu.enqueue_dma source(%dma_start3A_28 : memref<632x128xf32, #tpu.memory_space<vmem_shared>>) target(%dma_start3A_26 : memref<632x128xf32, #tpu.memory_space<hbm>>) target_semaphore(%run_scoped3A : memref<!tpu.dma_semaphore, #tpu.memory_space<semaphore_mem>>)
        %dma_wait3A = arith.constant 0 : i32
        %dma_wait3A_29 = tpu.memref_slice %arg12[%mul3A_0, %dma_wait3A] : memref<10112x128xf32, #tpu.memory_space<hbm>> -> memref<632x128xf32, #tpu.memory_space<hbm>>
        %dma_wait3A_30 = arith.constant 0 : i32
        %dma_wait3A_31 = tpu.memref_slice %arg17[%mul3A_0, %dma_wait3A_30] : memref<10112x128xf32, #tpu.memory_space<vmem_shared>> -> memref<632x128xf32, #tpu.memory_space<vmem_shared>>
        tpu.wait_dma2 semaphore(%run_scoped3A : memref<!tpu.dma_semaphore, #tpu.memory_space<semaphore_mem>>) src(%dma_wait3A_31 : memref<632x128xf32, #tpu.memory_space<vmem_shared>>) dst(%dma_wait3A_29 : memref<632x128xf32, #tpu.memory_space<hbm>>)
        tpu.yield
      }) : () -> ()
      "tpu.region"() ({
        %run_scoped3A = tpu.sem_alloc : memref<!tpu.dma_semaphore, #tpu.memory_space<semaphore_mem>>
        %dma_start3A = arith.constant 0 : i32
        %dma_start3A_26 = tpu.memref_slice %arg13[%mul3A_2, %dma_start3A] : memref<384x128xf32, #tpu.memory_space<hbm>> -> memref<24x128xf32, #tpu.memory_space<hbm>>
        %dma_start3A_27 = arith.constant 0 : i32
        %dma_start3A_28 = tpu.memref_slice %arg18[%mul3A_2, %dma_start3A_27] : memref<384x128xf32, #tpu.memory_space<vmem_shared>> -> memref<24x128xf32, #tpu.memory_space<vmem_shared>>
        tpu.enqueue_dma source(%dma_start3A_28 : memref<24x128xf32, #tpu.memory_space<vmem_shared>>) target(%dma_start3A_26 : memref<24x128xf32, #tpu.memory_space<hbm>>) target_semaphore(%run_scoped3A : memref<!tpu.dma_semaphore, #tpu.memory_space<semaphore_mem>>)
        %dma_wait3A = arith.constant 0 : i32
        %dma_wait3A_29 = tpu.memref_slice %arg13[%mul3A_2, %dma_wait3A] : memref<384x128xf32, #tpu.memory_space<hbm>> -> memref<24x128xf32, #tpu.memory_space<hbm>>
        %dma_wait3A_30 = arith.constant 0 : i32
        %dma_wait3A_31 = tpu.memref_slice %arg18[%mul3A_2, %dma_wait3A_30] : memref<384x128xf32, #tpu.memory_space<vmem_shared>> -> memref<24x128xf32, #tpu.memory_space<vmem_shared>>
        tpu.wait_dma2 semaphore(%run_scoped3A : memref<!tpu.dma_semaphore, #tpu.memory_space<semaphore_mem>>) src(%dma_wait3A_31 : memref<24x128xf32, #tpu.memory_space<vmem_shared>>) dst(%dma_wait3A_29 : memref<24x128xf32, #tpu.memory_space<hbm>>)
        tpu.yield
      }) : () -> ()
    } else {
    }
    return
  }
}

module attributes {stable_mosaic.version = 14 : i64} {
  func.func @_init_dense_body(%arg0: i32, %arg1: memref<2000x32xf32, #tpu.memory_space<vmem>>, %arg2: memref<2000x32xf32, #tpu.memory_space<vmem>>, %arg3: memref<2000x1xf32, #tpu.memory_space<vmem>>, %arg4: memref<2000x16xf32, #tpu.memory_space<vmem>>, %arg5: memref<2000x1xf32, #tpu.memory_space<vmem>>, %arg6: memref<2000x256xf32, #tpu.memory_space<vmem>>, %arg7: memref<32x128xf32, #tpu.memory_space<vmem>>, %arg8: memref<16x128xf32, #tpu.memory_space<vmem>>, %arg9: memref<32x128xf32, #tpu.memory_space<vmem>>, %arg10: memref<32x128xf32, #tpu.memory_space<vmem>>, %arg11: memref<1x128xf32, #tpu.memory_space<vmem>>, %arg12: memref<1x128xf32, #tpu.memory_space<vmem>>, %arg13: memref<128x16xf32, #tpu.memory_space<vmem>>, %arg14: memref<1x16xf32, #tpu.memory_space<vmem>>, %arg15: memref<128x256xf32, #tpu.memory_space<vmem>>, %arg16: memref<1x256xf32, #tpu.memory_space<vmem>>, %arg17: memref<1x256xf32, #tpu.memory_space<vmem>>, %arg18: memref<256x16xf32, #tpu.memory_space<vmem>>, %arg19: memref<256x1xf32, #tpu.memory_space<vmem>>, %arg20: memref<256x32xf32, #tpu.memory_space<vmem>>, %arg21: memref<256x1xf32, #tpu.memory_space<vmem>>, %arg22: memref<256x8xf32, #tpu.memory_space<vmem>>, %arg23: memref<16x128xf32, #tpu.memory_space<vmem>>, %arg24: memref<32x128xf32, #tpu.memory_space<vmem>>, %arg25: memref<8x128xf32, #tpu.memory_space<vmem>>, %arg26: memref<8x128xf32, #tpu.memory_space<vmem>>, %arg27: memref<1x128xf32, #tpu.memory_space<vmem>>, %arg28: memref<1x128xf32, #tpu.memory_space<vmem>>, %arg29: memref<2000x128xf32, #tpu.memory_space<vmem>>, %arg30: memref<2000x16xf32, #tpu.memory_space<vmem>>, %arg31: memref<2000x256xf32, #tpu.memory_space<vmem>>, %arg32: memref<2000x1xf32, #tpu.memory_space<vmem>>, %arg33: memref<256x128xf32, #tpu.memory_space<vmem>>) attributes {dimension_semantics = [#tpu.dimension_semantics<arbitrary>], iteration_bounds = array<i64: 5>, scalar_prefetch = 0 : i64, scratch_operands = 0 : i64, tpu.core_type = #tpu.core_type<tc>, window_params = [{transform_indices = @transform_0, window_bounds = array<i64: 2000, 32>}, {transform_indices = @transform_1, window_bounds = array<i64: 2000, 32>}, {transform_indices = @transform_2, window_bounds = array<i64: 2000, 1>}, {transform_indices = @transform_3, window_bounds = array<i64: 2000, 16>}, {transform_indices = @transform_4, window_bounds = array<i64: 2000, 1>}, {transform_indices = @transform_5, window_bounds = array<i64: 2000, 256>}, {pipeline_mode = #tpu.pipeline_mode<synchronous>, transform_indices = @transform_6, window_bounds = array<i64: 32, 128>}, {pipeline_mode = #tpu.pipeline_mode<synchronous>, transform_indices = @transform_7, window_bounds = array<i64: 16, 128>}, {pipeline_mode = #tpu.pipeline_mode<synchronous>, transform_indices = @transform_8, window_bounds = array<i64: 32, 128>}, {pipeline_mode = #tpu.pipeline_mode<synchronous>, transform_indices = @transform_9, window_bounds = array<i64: 32, 128>}, {pipeline_mode = #tpu.pipeline_mode<synchronous>, transform_indices = @transform_10, window_bounds = array<i64: 1, 128>}, {pipeline_mode = #tpu.pipeline_mode<synchronous>, transform_indices = @transform_11, window_bounds = array<i64: 1, 128>}, {pipeline_mode = #tpu.pipeline_mode<synchronous>, transform_indices = @transform_12, window_bounds = array<i64: 128, 16>}, {pipeline_mode = #tpu.pipeline_mode<synchronous>, transform_indices = @transform_13, window_bounds = array<i64: 1, 16>}, {pipeline_mode = #tpu.pipeline_mode<synchronous>, transform_indices = @transform_14, window_bounds = array<i64: 128, 256>}, {pipeline_mode = #tpu.pipeline_mode<synchronous>, transform_indices = @transform_15, window_bounds = array<i64: 1, 256>}, {pipeline_mode = #tpu.pipeline_mode<synchronous>, transform_indices = @transform_16, window_bounds = array<i64: 1, 256>}, {pipeline_mode = #tpu.pipeline_mode<synchronous>, transform_indices = @transform_17, window_bounds = array<i64: 256, 16>}, {pipeline_mode = #tpu.pipeline_mode<synchronous>, transform_indices = @transform_18, window_bounds = array<i64: 256, 1>}, {pipeline_mode = #tpu.pipeline_mode<synchronous>, transform_indices = @transform_19, window_bounds = array<i64: 256, 32>}, {pipeline_mode = #tpu.pipeline_mode<synchronous>, transform_indices = @transform_20, window_bounds = array<i64: 256, 1>}, {pipeline_mode = #tpu.pipeline_mode<synchronous>, transform_indices = @transform_21, window_bounds = array<i64: 256, 8>}, {pipeline_mode = #tpu.pipeline_mode<synchronous>, transform_indices = @transform_22, window_bounds = array<i64: 16, 128>}, {pipeline_mode = #tpu.pipeline_mode<synchronous>, transform_indices = @transform_23, window_bounds = array<i64: 32, 128>}, {pipeline_mode = #tpu.pipeline_mode<synchronous>, transform_indices = @transform_24, window_bounds = array<i64: 8, 128>}, {pipeline_mode = #tpu.pipeline_mode<synchronous>, transform_indices = @transform_25, window_bounds = array<i64: 8, 128>}, {pipeline_mode = #tpu.pipeline_mode<synchronous>, transform_indices = @transform_26, window_bounds = array<i64: 1, 128>}, {pipeline_mode = #tpu.pipeline_mode<synchronous>, transform_indices = @transform_27, window_bounds = array<i64: 1, 128>}, {transform_indices = @transform_28, window_bounds = array<i64: 2000, 128>}, {transform_indices = @transform_29, window_bounds = array<i64: 2000, 16>}, {transform_indices = @transform_30, window_bounds = array<i64: 2000, 256>}, {transform_indices = @transform_31, window_bounds = array<i64: 2000, 1>}, {pipeline_mode = #tpu.pipeline_mode<synchronous>, transform_indices = @transform_32, window_bounds = array<i64: 256, 128>}]} {
    %get3A = arith.constant 0 : index
    %get3A_0 = arith.constant 0 : index
    %get3A_1 = vector.load %arg3[%get3A, %get3A_0] : memref<2000x1xf32, #tpu.memory_space<vmem>>, vector<2000x1xf32>
    %get3A_2 = arith.constant 0 : index
    %get3A_3 = arith.constant 0 : index
    %get3A_4 = vector.load %arg5[%get3A_2, %get3A_3] : memref<2000x1xf32, #tpu.memory_space<vmem>>, vector<2000x1xf32>
    %get3A_5 = arith.constant 0 : index
    %get3A_6 = arith.constant 0 : index
    %get3A_7 = vector.load %arg2[%get3A_5, %get3A_6] : memref<2000x32xf32, #tpu.memory_space<vmem>>, vector<2000x32xf32>
    %max3A = arith.constant 1.000000e+00 : f32
    %max3A_8 = vector.broadcast %max3A : f32 to vector<2000x1xf32>
    %max3A_9 = arith.maximumf %get3A_1, %max3A_8 : vector<2000x1xf32>
    %div3A = arith.constant 1.000000e+00 : f32
    %div3A_10 = vector.broadcast %div3A : f32 to vector<2000x1xf32>
    %div3A_11 = arith.divf %div3A_10, %max3A_9 : vector<2000x1xf32>
    %mul3A = vector.broadcast %div3A_11 : vector<2000x1xf32> to vector<2000x32xf32>
    %mul3A_12 = arith.mulf %get3A_7, %mul3A : vector<2000x32xf32>
    %get3A_13 = arith.constant 0 : index
    %get3A_14 = arith.constant 0 : index
    %get3A_15 = vector.load %arg4[%get3A_13, %get3A_14] : memref<2000x16xf32, #tpu.memory_space<vmem>>, vector<2000x16xf32>
    %max3A_16 = arith.constant 1.000000e+00 : f32
    %max3A_17 = vector.broadcast %max3A_16 : f32 to vector<2000x1xf32>
    %max3A_18 = arith.maximumf %get3A_4, %max3A_17 : vector<2000x1xf32>
    %div3A_19 = arith.constant 1.000000e+00 : f32
    %div3A_20 = vector.broadcast %div3A_19 : f32 to vector<2000x1xf32>
    %div3A_21 = arith.divf %div3A_20, %max3A_18 : vector<2000x1xf32>
    %mul3A_22 = vector.broadcast %div3A_21 : vector<2000x1xf32> to vector<2000x16xf32>
    %mul3A_23 = arith.mulf %get3A_15, %mul3A_22 : vector<2000x16xf32>
    %get3A_24 = arith.constant 0 : index
    %get3A_25 = arith.constant 0 : index
    %get3A_26 = vector.load %arg7[%get3A_24, %get3A_25] : memref<32x128xf32, #tpu.memory_space<vmem>>, vector<32x128xf32>
    %dot_general3A = arith.constant dense<0.000000e+00> : vector<2000x128xf32>
    %dot_general3A_27 = tpu.matmul %mul3A_12, %get3A_26, %dot_general3A {dimension_numbers = #tpu.dot_dimension_numbers<[1], [0], [0], [1], [0, 0, 1, 1], [], []>, transpose_lhs_hint = false} : vector<2000x32xf32>, vector<32x128xf32>, vector<2000x128xf32> -> vector<2000x128xf32>
    %get3A_28 = arith.constant 0 : index
    %get3A_29 = arith.constant 0 : index
    %get3A_30 = vector.load %arg8[%get3A_28, %get3A_29] : memref<16x128xf32, #tpu.memory_space<vmem>>, vector<16x128xf32>
    %dot_general3A_31 = arith.constant dense<0.000000e+00> : vector<2000x128xf32>
    %dot_general3A_32 = tpu.matmul %mul3A_23, %get3A_30, %dot_general3A_31 {dimension_numbers = #tpu.dot_dimension_numbers<[1], [0], [0], [1], [0, 0, 1, 1], [], []>, transpose_lhs_hint = false} : vector<2000x16xf32>, vector<16x128xf32>, vector<2000x128xf32> -> vector<2000x128xf32>
    %add3A = arith.addf %dot_general3A_27, %dot_general3A_32 : vector<2000x128xf32>
    %get3A_33 = arith.constant 0 : index
    %get3A_34 = arith.constant 0 : index
    %get3A_35 = vector.load %arg1[%get3A_33, %get3A_34] : memref<2000x32xf32, #tpu.memory_space<vmem>>, vector<2000x32xf32>
    %get3A_36 = arith.constant 0 : index
    %get3A_37 = arith.constant 0 : index
    %get3A_38 = vector.load %arg9[%get3A_36, %get3A_37] : memref<32x128xf32, #tpu.memory_space<vmem>>, vector<32x128xf32>
    %get3A_39 = arith.constant 0 : index
    %get3A_40 = arith.constant 0 : index
    %get3A_41 = vector.load %arg10[%get3A_39, %get3A_40] : memref<32x128xf32, #tpu.memory_space<vmem>>, vector<32x128xf32>
    %add3A_42 = arith.addf %get3A_38, %get3A_41 : vector<32x128xf32>
    %dot_general3A_43 = arith.constant dense<0.000000e+00> : vector<2000x128xf32>
    %dot_general3A_44 = tpu.matmul %get3A_35, %add3A_42, %dot_general3A_43 {dimension_numbers = #tpu.dot_dimension_numbers<[1], [0], [0], [1], [0, 0, 1, 1], [], []>, transpose_lhs_hint = false} : vector<2000x32xf32>, vector<32x128xf32>, vector<2000x128xf32> -> vector<2000x128xf32>
    %add3A_45 = arith.addf %add3A, %dot_general3A_44 : vector<2000x128xf32>
    %get3A_46 = arith.constant 0 : index
    %get3A_47 = arith.constant 0 : index
    %get3A_48 = vector.load %arg11[%get3A_46, %get3A_47] : memref<1x128xf32, #tpu.memory_space<vmem>>, vector<1x128xf32>
    %add3A_49 = vector.broadcast %get3A_48 : vector<1x128xf32> to vector<2000x128xf32>
    %add3A_50 = arith.addf %add3A_45, %add3A_49 : vector<2000x128xf32>
    %get3A_51 = arith.constant 0 : index
    %get3A_52 = arith.constant 0 : index
    %get3A_53 = vector.load %arg12[%get3A_51, %get3A_52] : memref<1x128xf32, #tpu.memory_space<vmem>>, vector<1x128xf32>
    %add3A_54 = vector.broadcast %get3A_53 : vector<1x128xf32> to vector<2000x128xf32>
    %add3A_55 = arith.addf %add3A_50, %add3A_54 : vector<2000x128xf32>
    %max3A_56 = arith.constant 0.000000e+00 : f32
    %max3A_57 = vector.broadcast %max3A_56 : f32 to vector<2000x128xf32>
    %max3A_58 = arith.maximumf %add3A_55, %max3A_57 : vector<2000x128xf32>
    %swap3A = arith.constant 0 : index
    %swap3A_59 = arith.constant 0 : index
    %swap3A_60 = vector.load %arg29[%swap3A, %swap3A_59] : memref<2000x128xf32, #tpu.memory_space<vmem>>, vector<2000x128xf32>
    tpu.vector_store %arg29[%swap3A, %swap3A_59], %max3A_58 {strides = array<i32>} : memref<2000x128xf32, #tpu.memory_space<vmem>>, vector<2000x128xf32>,
    %get3A_61 = arith.constant 0 : index
    %get3A_62 = arith.constant 0 : index
    %get3A_63 = vector.load %arg13[%get3A_61, %get3A_62] : memref<128x16xf32, #tpu.memory_space<vmem>>, vector<128x16xf32>
    %dot_general3A_64 = arith.constant dense<0.000000e+00> : vector<2000x16xf32>
    %dot_general3A_65 = tpu.matmul %max3A_58, %get3A_63, %dot_general3A_64 {dimension_numbers = #tpu.dot_dimension_numbers<[1], [0], [0], [1], [0, 0, 1, 1], [], []>, transpose_lhs_hint = false} : vector<2000x128xf32>, vector<128x16xf32>, vector<2000x16xf32> -> vector<2000x16xf32>
    %get3A_66 = arith.constant 0 : index
    %get3A_67 = arith.constant 0 : index
    %get3A_68 = vector.load %arg14[%get3A_66, %get3A_67] : memref<1x16xf32, #tpu.memory_space<vmem>>, vector<1x16xf32>
    %add3A_69 = vector.broadcast %get3A_68 : vector<1x16xf32> to vector<2000x16xf32>
    %add3A_70 = arith.addf %dot_general3A_65, %add3A_69 : vector<2000x16xf32>
    %swap3A_71 = arith.constant 0 : index
    %swap3A_72 = arith.constant 0 : index
    %swap3A_73 = vector.load %arg30[%swap3A_71, %swap3A_72] : memref<2000x16xf32, #tpu.memory_space<vmem>>, vector<2000x16xf32>
    tpu.vector_store %arg30[%swap3A_71, %swap3A_72], %add3A_70 {strides = array<i32>} : memref<2000x16xf32, #tpu.memory_space<vmem>>, vector<2000x16xf32>,
    %get3A_74 = arith.constant 0 : index
    %get3A_75 = arith.constant 0 : index
    %get3A_76 = vector.load %arg15[%get3A_74, %get3A_75] : memref<128x256xf32, #tpu.memory_space<vmem>>, vector<128x256xf32>
    %dot_general3A_77 = arith.constant dense<0.000000e+00> : vector<2000x256xf32>
    %dot_general3A_78 = tpu.matmul %max3A_58, %get3A_76, %dot_general3A_77 {dimension_numbers = #tpu.dot_dimension_numbers<[1], [0], [0], [1], [0, 0, 1, 1], [], []>, transpose_lhs_hint = false} : vector<2000x128xf32>, vector<128x256xf32>, vector<2000x256xf32> -> vector<2000x256xf32>
    %get3A_79 = arith.constant 0 : index
    %get3A_80 = arith.constant 0 : index
    %get3A_81 = vector.load %arg16[%get3A_79, %get3A_80] : memref<1x256xf32, #tpu.memory_space<vmem>>, vector<1x256xf32>
    %add3A_82 = vector.broadcast %get3A_81 : vector<1x256xf32> to vector<2000x256xf32>
    %add3A_83 = arith.addf %dot_general3A_78, %add3A_82 : vector<2000x256xf32>
    %swap3A_84 = arith.constant 0 : index
    %swap3A_85 = arith.constant 0 : index
    %swap3A_86 = vector.load %arg31[%swap3A_84, %swap3A_85] : memref<2000x256xf32, #tpu.memory_space<vmem>>, vector<2000x256xf32>
    tpu.vector_store %arg31[%swap3A_84, %swap3A_85], %add3A_83 {strides = array<i32>} : memref<2000x256xf32, #tpu.memory_space<vmem>>, vector<2000x256xf32>,
    %neg3A = arith.constant 0.000000e+00 : f32
    %neg3A_87 = vector.broadcast %neg3A : f32 to vector<2000x256xf32>
    %neg3A_88 = arith.subf %neg3A_87, %add3A_83 : vector<2000x256xf32>
    %exp3A = math.exp %neg3A_88 : vector<2000x256xf32>
    %add3A_89 = arith.constant 1.000000e+00 : f32
    %add3A_90 = vector.broadcast %add3A_89 : f32 to vector<2000x256xf32>
    %add3A_91 = arith.addf %add3A_90, %exp3A : vector<2000x256xf32>
    %div3A_92 = arith.constant 1.000000e+00 : f32
    %div3A_93 = vector.broadcast %div3A_92 : f32 to vector<2000x256xf32>
    %div3A_94 = arith.divf %div3A_93, %add3A_91 : vector<2000x256xf32>
    %get3A_95 = arith.constant 0 : index
    %get3A_96 = arith.constant 0 : index
    %get3A_97 = vector.load %arg6[%get3A_95, %get3A_96] : memref<2000x256xf32, #tpu.memory_space<vmem>>, vector<2000x256xf32>
    %mul3A_98 = arith.mulf %div3A_94, %get3A_97 : vector<2000x256xf32>
    %get3A_99 = arith.constant 0 : index
    %get3A_100 = arith.constant 0 : index
    %get3A_101 = vector.load %arg17[%get3A_99, %get3A_100] : memref<1x256xf32, #tpu.memory_space<vmem>>, vector<1x256xf32>
    %mul3A_102 = vector.broadcast %get3A_101 : vector<1x256xf32> to vector<2000x256xf32>
    %mul3A_103 = arith.mulf %mul3A_98, %mul3A_102 : vector<2000x256xf32>
    %reduce_sum3A = arith.constant dense<0.000000e+00> : vector<2000xf32>
    %reduce_sum3A_104 = vector.multi_reduction <add>, %mul3A_103, %reduce_sum3A [1] : vector<2000x256xf32> to vector<2000xf32>
    %broadcast_in_dim3A = vector.shape_cast %reduce_sum3A_104 : vector<2000xf32> to vector<2000x1xf32>
    %swap3A_105 = arith.constant 0 : index
    %swap3A_106 = arith.constant 0 : index
    %swap3A_107 = vector.load %arg32[%swap3A_105, %swap3A_106] : memref<2000x1xf32, #tpu.memory_space<vmem>>, vector<2000x1xf32>
    tpu.vector_store %arg32[%swap3A_105, %swap3A_106], %broadcast_in_dim3A {strides = array<i32>} : memref<2000x1xf32, #tpu.memory_space<vmem>>, vector<2000x1xf32>,
    %eq3A = arith.constant 0 : i32
    %eq3A_108 = arith.cmpi eq, %arg0, %eq3A : i32
    %convert_element_type3A = arith.extui %eq3A_108 : i1 to i32
    %cond3A = arith.constant 0 : i32
    %cond3A_109 = arith.cmpi ne, %convert_element_type3A, %cond3A : i32
    scf.if %cond3A_109 {
      %get3A_110 = arith.constant 0 : index
      %get3A_111 = arith.constant 0 : index
      %get3A_112 = vector.load %arg19[%get3A_110, %get3A_111] : memref<256x1xf32, #tpu.memory_space<vmem>>, vector<256x1xf32>
      %get3A_113 = arith.constant 0 : index
      %get3A_114 = arith.constant 0 : index
      %get3A_115 = vector.load %arg21[%get3A_113, %get3A_114] : memref<256x1xf32, #tpu.memory_space<vmem>>, vector<256x1xf32>
      %get3A_116 = arith.constant 0 : index
      %get3A_117 = arith.constant 0 : index
      %get3A_118 = vector.load %arg18[%get3A_116, %get3A_117] : memref<256x16xf32, #tpu.memory_space<vmem>>, vector<256x16xf32>
      %max3A_119 = arith.constant 1.000000e+00 : f32
      %max3A_120 = vector.broadcast %max3A_119 : f32 to vector<256x1xf32>
      %max3A_121 = arith.maximumf %get3A_112, %max3A_120 : vector<256x1xf32>
      %div3A_122 = arith.constant 1.000000e+00 : f32
      %div3A_123 = vector.broadcast %div3A_122 : f32 to vector<256x1xf32>
      %div3A_124 = arith.divf %div3A_123, %max3A_121 : vector<256x1xf32>
      %mul3A_125 = vector.broadcast %div3A_124 : vector<256x1xf32> to vector<256x16xf32>
      %mul3A_126 = arith.mulf %get3A_118, %mul3A_125 : vector<256x16xf32>
      %get3A_127 = arith.constant 0 : index
      %get3A_128 = arith.constant 0 : index
      %get3A_129 = vector.load %arg20[%get3A_127, %get3A_128] : memref<256x32xf32, #tpu.memory_space<vmem>>, vector<256x32xf32>
      %max3A_130 = arith.constant 1.000000e+00 : f32
      %max3A_131 = vector.broadcast %max3A_130 : f32 to vector<256x1xf32>
      %max3A_132 = arith.maximumf %get3A_115, %max3A_131 : vector<256x1xf32>
      %div3A_133 = arith.constant 1.000000e+00 : f32
      %div3A_134 = vector.broadcast %div3A_133 : f32 to vector<256x1xf32>
      %div3A_135 = arith.divf %div3A_134, %max3A_132 : vector<256x1xf32>
      %mul3A_136 = vector.broadcast %div3A_135 : vector<256x1xf32> to vector<256x32xf32>
      %mul3A_137 = arith.mulf %get3A_129, %mul3A_136 : vector<256x32xf32>
      %get3A_138 = arith.constant 0 : index
      %get3A_139 = arith.constant 0 : index
      %get3A_140 = vector.load %arg23[%get3A_138, %get3A_139] : memref<16x128xf32, #tpu.memory_space<vmem>>, vector<16x128xf32>
      %dot_general3A_141 = arith.constant dense<0.000000e+00> : vector<256x128xf32>
      %dot_general3A_142 = tpu.matmul %mul3A_126, %get3A_140, %dot_general3A_141 {dimension_numbers = #tpu.dot_dimension_numbers<[1], [0], [0], [1], [0, 0, 1, 1], [], []>, transpose_lhs_hint = false} : vector<256x16xf32>, vector<16x128xf32>, vector<256x128xf32> -> vector<256x128xf32>
      %get3A_143 = arith.constant 0 : index
      %get3A_144 = arith.constant 0 : index
      %get3A_145 = vector.load %arg24[%get3A_143, %get3A_144] : memref<32x128xf32, #tpu.memory_space<vmem>>, vector<32x128xf32>
      %dot_general3A_146 = arith.constant dense<0.000000e+00> : vector<256x128xf32>
      %dot_general3A_147 = tpu.matmul %mul3A_137, %get3A_145, %dot_general3A_146 {dimension_numbers = #tpu.dot_dimension_numbers<[1], [0], [0], [1], [0, 0, 1, 1], [], []>, transpose_lhs_hint = false} : vector<256x32xf32>, vector<32x128xf32>, vector<256x128xf32> -> vector<256x128xf32>
      %add3A_148 = arith.addf %dot_general3A_142, %dot_general3A_147 : vector<256x128xf32>
      %get3A_149 = arith.constant 0 : index
      %get3A_150 = arith.constant 0 : index
      %get3A_151 = vector.load %arg22[%get3A_149, %get3A_150] : memref<256x8xf32, #tpu.memory_space<vmem>>, vector<256x8xf32>
      %get3A_152 = arith.constant 0 : index
      %get3A_153 = arith.constant 0 : index
      %get3A_154 = vector.load %arg25[%get3A_152, %get3A_153] : memref<8x128xf32, #tpu.memory_space<vmem>>, vector<8x128xf32>
      %get3A_155 = arith.constant 0 : index
      %get3A_156 = arith.constant 0 : index
      %get3A_157 = vector.load %arg26[%get3A_155, %get3A_156] : memref<8x128xf32, #tpu.memory_space<vmem>>, vector<8x128xf32>
      %add3A_158 = arith.addf %get3A_154, %get3A_157 : vector<8x128xf32>
      %dot_general3A_159 = arith.constant dense<0.000000e+00> : vector<256x128xf32>
      %dot_general3A_160 = tpu.matmul %get3A_151, %add3A_158, %dot_general3A_159 {dimension_numbers = #tpu.dot_dimension_numbers<[1], [0], [0], [1], [0, 0, 1, 1], [], []>, transpose_lhs_hint = false} : vector<256x8xf32>, vector<8x128xf32>, vector<256x128xf32> -> vector<256x128xf32>
      %add3A_161 = arith.addf %add3A_148, %dot_general3A_160 : vector<256x128xf32>
      %get3A_162 = arith.constant 0 : index
      %get3A_163 = arith.constant 0 : index
      %get3A_164 = vector.load %arg27[%get3A_162, %get3A_163] : memref<1x128xf32, #tpu.memory_space<vmem>>, vector<1x128xf32>
      %add3A_165 = vector.broadcast %get3A_164 : vector<1x128xf32> to vector<256x128xf32>
      %add3A_166 = arith.addf %add3A_161, %add3A_165 : vector<256x128xf32>
      %get3A_167 = arith.constant 0 : index
      %get3A_168 = arith.constant 0 : index
      %get3A_169 = vector.load %arg28[%get3A_167, %get3A_168] : memref<1x128xf32, #tpu.memory_space<vmem>>, vector<1x128xf32>
      %add3A_170 = vector.broadcast %get3A_169 : vector<1x128xf32> to vector<256x128xf32>
      %add3A_171 = arith.addf %add3A_166, %add3A_170 : vector<256x128xf32>
      %max3A_172 = arith.constant 0.000000e+00 : f32
      %max3A_173 = vector.broadcast %max3A_172 : f32 to vector<256x128xf32>
      %max3A_174 = arith.maximumf %add3A_171, %max3A_173 : vector<256x128xf32>
      %swap3A_175 = arith.constant 0 : index
      %swap3A_176 = arith.constant 0 : index
      %swap3A_177 = vector.load %arg33[%swap3A_175, %swap3A_176] : memref<256x128xf32, #tpu.memory_space<vmem>>, vector<256x128xf32>
      tpu.vector_store %arg33[%swap3A_175, %swap3A_176], %max3A_174 {strides = array<i32>} : memref<256x128xf32, #tpu.memory_space<vmem>>, vector<256x128xf32>,
    } else {
    }
    return
  }
  func.func @transform_0(%arg0: i32) -> (i32, i32) {
    %c0_i32 = arith.constant 0 : i32
    %c0_i32_0 = arith.constant 0 : i32
    return %arg0, %c0_i32 : i32, i32
  }
  func.func @transform_1(%arg0: i32) -> (i32, i32) {
    %c0_i32 = arith.constant 0 : i32
    %c0_i32_0 = arith.constant 0 : i32
    return %arg0, %c0_i32 : i32, i32
  }
  func.func @transform_2(%arg0: i32) -> (i32, i32) {
    %c0_i32 = arith.constant 0 : i32
    %c0_i32_0 = arith.constant 0 : i32
    return %arg0, %c0_i32 : i32, i32
  }
  func.func @transform_3(%arg0: i32) -> (i32, i32) {
    %c0_i32 = arith.constant 0 : i32
    %c0_i32_0 = arith.constant 0 : i32
    return %arg0, %c0_i32 : i32, i32
  }
  func.func @transform_4(%arg0: i32) -> (i32, i32) {
    %c0_i32 = arith.constant 0 : i32
    %c0_i32_0 = arith.constant 0 : i32
    return %arg0, %c0_i32 : i32, i32
  }
  func.func @transform_5(%arg0: i32) -> (i32, i32) {
    %c0_i32 = arith.constant 0 : i32
    %c0_i32_0 = arith.constant 0 : i32
    return %arg0, %c0_i32 : i32, i32
  }
  func.func @transform_6(%arg0: i32) -> (i32, i32) {
    %c0_i32 = arith.constant 0 : i32
    %c0_i32_0 = arith.constant 0 : i32
    %c0_i32_1 = arith.constant 0 : i32
    return %c0_i32, %c0_i32_0 : i32, i32
  }
  func.func @transform_7(%arg0: i32) -> (i32, i32) {
    %c0_i32 = arith.constant 0 : i32
    %c0_i32_0 = arith.constant 0 : i32
    %c0_i32_1 = arith.constant 0 : i32
    return %c0_i32, %c0_i32_0 : i32, i32
  }
  func.func @transform_8(%arg0: i32) -> (i32, i32) {
    %c0_i32 = arith.constant 0 : i32
    %c0_i32_0 = arith.constant 0 : i32
    %c0_i32_1 = arith.constant 0 : i32
    return %c0_i32, %c0_i32_0 : i32, i32
  }
  func.func @transform_9(%arg0: i32) -> (i32, i32) {
    %c0_i32 = arith.constant 0 : i32
    %c0_i32_0 = arith.constant 0 : i32
    %c0_i32_1 = arith.constant 0 : i32
    return %c0_i32, %c0_i32_0 : i32, i32
  }
  func.func @transform_10(%arg0: i32) -> (i32, i32) {
    %c0_i32 = arith.constant 0 : i32
    %c0_i32_0 = arith.constant 0 : i32
    %c0_i32_1 = arith.constant 0 : i32
    return %c0_i32, %c0_i32_0 : i32, i32
  }
  func.func @transform_11(%arg0: i32) -> (i32, i32) {
    %c0_i32 = arith.constant 0 : i32
    %c0_i32_0 = arith.constant 0 : i32
    %c0_i32_1 = arith.constant 0 : i32
    return %c0_i32, %c0_i32_0 : i32, i32
  }
  func.func @transform_12(%arg0: i32) -> (i32, i32) {
    %c0_i32 = arith.constant 0 : i32
    %c0_i32_0 = arith.constant 0 : i32
    %c0_i32_1 = arith.constant 0 : i32
    return %c0_i32, %c0_i32_0 : i32, i32
  }
  func.func @transform_13(%arg0: i32) -> (i32, i32) {
    %c0_i32 = arith.constant 0 : i32
    %c0_i32_0 = arith.constant 0 : i32
    %c0_i32_1 = arith.constant 0 : i32
    return %c0_i32, %c0_i32_0 : i32, i32
  }
  func.func @transform_14(%arg0: i32) -> (i32, i32) {
    %c0_i32 = arith.constant 0 : i32
    %c0_i32_0 = arith.constant 0 : i32
    %c0_i32_1 = arith.constant 0 : i32
    return %c0_i32, %c0_i32_0 : i32, i32
  }
  func.func @transform_15(%arg0: i32) -> (i32, i32) {
    %c0_i32 = arith.constant 0 : i32
    %c0_i32_0 = arith.constant 0 : i32
    %c0_i32_1 = arith.constant 0 : i32
    return %c0_i32, %c0_i32_0 : i32, i32
  }
  func.func @transform_16(%arg0: i32) -> (i32, i32) {
    %c0_i32 = arith.constant 0 : i32
    %c0_i32_0 = arith.constant 0 : i32
    %c0_i32_1 = arith.constant 0 : i32
    return %c0_i32, %c0_i32_0 : i32, i32
  }
  func.func @transform_17(%arg0: i32) -> (i32, i32) {
    %c0_i32 = arith.constant 0 : i32
    %c0_i32_0 = arith.constant 0 : i32
    %c0_i32_1 = arith.constant 0 : i32
    return %c0_i32, %c0_i32_0 : i32, i32
  }
  func.func @transform_18(%arg0: i32) -> (i32, i32) {
    %c0_i32 = arith.constant 0 : i32
    %c0_i32_0 = arith.constant 0 : i32
    %c0_i32_1 = arith.constant 0 : i32
    return %c0_i32, %c0_i32_0 : i32, i32
  }
  func.func @transform_19(%arg0: i32) -> (i32, i32) {
    %c0_i32 = arith.constant 0 : i32
    %c0_i32_0 = arith.constant 0 : i32
    %c0_i32_1 = arith.constant 0 : i32
    return %c0_i32, %c0_i32_0 : i32, i32
  }
  func.func @transform_20(%arg0: i32) -> (i32, i32) {
    %c0_i32 = arith.constant 0 : i32
    %c0_i32_0 = arith.constant 0 : i32
    %c0_i32_1 = arith.constant 0 : i32
    return %c0_i32, %c0_i32_0 : i32, i32
  }
  func.func @transform_21(%arg0: i32) -> (i32, i32) {
    %c0_i32 = arith.constant 0 : i32
    %c0_i32_0 = arith.constant 0 : i32
    %c0_i32_1 = arith.constant 0 : i32
    return %c0_i32, %c0_i32_0 : i32, i32
  }
  func.func @transform_22(%arg0: i32) -> (i32, i32) {
    %c0_i32 = arith.constant 0 : i32
    %c0_i32_0 = arith.constant 0 : i32
    %c0_i32_1 = arith.constant 0 : i32
    return %c0_i32, %c0_i32_0 : i32, i32
  }
  func.func @transform_23(%arg0: i32) -> (i32, i32) {
    %c0_i32 = arith.constant 0 : i32
    %c0_i32_0 = arith.constant 0 : i32
    %c0_i32_1 = arith.constant 0 : i32
    return %c0_i32, %c0_i32_0 : i32, i32
  }
  func.func @transform_24(%arg0: i32) -> (i32, i32) {
    %c0_i32 = arith.constant 0 : i32
    %c0_i32_0 = arith.constant 0 : i32
    %c0_i32_1 = arith.constant 0 : i32
    return %c0_i32, %c0_i32_0 : i32, i32
  }
  func.func @transform_25(%arg0: i32) -> (i32, i32) {
    %c0_i32 = arith.constant 0 : i32
    %c0_i32_0 = arith.constant 0 : i32
    %c0_i32_1 = arith.constant 0 : i32
    return %c0_i32, %c0_i32_0 : i32, i32
  }
  func.func @transform_26(%arg0: i32) -> (i32, i32) {
    %c0_i32 = arith.constant 0 : i32
    %c0_i32_0 = arith.constant 0 : i32
    %c0_i32_1 = arith.constant 0 : i32
    return %c0_i32, %c0_i32_0 : i32, i32
  }
  func.func @transform_27(%arg0: i32) -> (i32, i32) {
    %c0_i32 = arith.constant 0 : i32
    %c0_i32_0 = arith.constant 0 : i32
    %c0_i32_1 = arith.constant 0 : i32
    return %c0_i32, %c0_i32_0 : i32, i32
  }
  func.func @transform_28(%arg0: i32) -> (i32, i32) {
    %c0_i32 = arith.constant 0 : i32
    %c0_i32_0 = arith.constant 0 : i32
    return %arg0, %c0_i32 : i32, i32
  }
  func.func @transform_29(%arg0: i32) -> (i32, i32) {
    %c0_i32 = arith.constant 0 : i32
    %c0_i32_0 = arith.constant 0 : i32
    return %arg0, %c0_i32 : i32, i32
  }
  func.func @transform_30(%arg0: i32) -> (i32, i32) {
    %c0_i32 = arith.constant 0 : i32
    %c0_i32_0 = arith.constant 0 : i32
    return %arg0, %c0_i32 : i32, i32
  }
  func.func @transform_31(%arg0: i32) -> (i32, i32) {
    %c0_i32 = arith.constant 0 : i32
    %c0_i32_0 = arith.constant 0 : i32
    return %arg0, %c0_i32 : i32, i32
  }
  func.func @transform_32(%arg0: i32) -> (i32, i32) {
    %c0_i32 = arith.constant 0 : i32
    %c0_i32_0 = arith.constant 0 : i32
    %c0_i32_1 = arith.constant 0 : i32
    return %c0_i32, %c0_i32_0 : i32, i32
  }
}

module attributes {stable_mosaic.version = 14 : i64} {
  func.func @_round_dense_body(%arg0: i32, %arg1: memref<2000x128xf32, #tpu.memory_space<vmem>>, %arg2: memref<2000x128xf32, #tpu.memory_space<vmem>>, %arg3: memref<2000x1xf32, #tpu.memory_space<vmem>>, %arg4: memref<2000x128xf32, #tpu.memory_space<vmem>>, %arg5: memref<2000x1xf32, #tpu.memory_space<vmem>>, %arg6: memref<2000x256xf32, #tpu.memory_space<vmem>>, %arg7: memref<400x128xf32, #tpu.memory_space<vmem>>, %arg8: memref<400x128xf32, #tpu.memory_space<vmem>>, %arg9: memref<400x128xf32, #tpu.memory_space<vmem>>, %arg10: memref<128x128xf32, #tpu.memory_space<vmem>>, %arg11: memref<400x128xf32, #tpu.memory_space<vmem>>, %arg12: memref<128x128xf32, #tpu.memory_space<vmem>>, %arg13: memref<1x128xf32, #tpu.memory_space<vmem>>, %arg14: memref<1x128xf32, #tpu.memory_space<vmem>>, %arg15: memref<1x128xf32, #tpu.memory_space<vmem>>, %arg16: memref<128x16xf32, #tpu.memory_space<vmem>>, %arg17: memref<1x16xf32, #tpu.memory_space<vmem>>, %arg18: memref<128x256xf32, #tpu.memory_space<vmem>>, %arg19: memref<1x256xf32, #tpu.memory_space<vmem>>, %arg20: memref<128x16xf32, #tpu.memory_space<vmem>>, %arg21: memref<1x16xf32, #tpu.memory_space<vmem>>, %arg22: memref<128x256xf32, #tpu.memory_space<vmem>>, %arg23: memref<1x256xf32, #tpu.memory_space<vmem>>, %arg24: memref<1x256xf32, #tpu.memory_space<vmem>>, %arg25: memref<256x128xf32, #tpu.memory_space<vmem>>, %arg26: memref<256x1xf32, #tpu.memory_space<vmem>>, %arg27: memref<256x128xf32, #tpu.memory_space<vmem>>, %arg28: memref<2000x128xf32, #tpu.memory_space<vmem>>, %arg29: memref<2000x16xf32, #tpu.memory_space<vmem>>, %arg30: memref<2000x256xf32, #tpu.memory_space<vmem>>, %arg31: memref<2000x1xf32, #tpu.memory_space<vmem>>, %arg32: memref<256x128xf32, #tpu.memory_space<vmem>>) attributes {dimension_semantics = [#tpu.dimension_semantics<arbitrary>], iteration_bounds = array<i64: 5>, scalar_prefetch = 0 : i64, scratch_operands = 0 : i64, tpu.core_type = #tpu.core_type<tc>, window_params = [{transform_indices = @transform_0, window_bounds = array<i64: 2000, 128>}, {transform_indices = @transform_1, window_bounds = array<i64: 2000, 128>}, {transform_indices = @transform_2, window_bounds = array<i64: 2000, 1>}, {transform_indices = @transform_3, window_bounds = array<i64: 2000, 128>}, {transform_indices = @transform_4, window_bounds = array<i64: 2000, 1>}, {transform_indices = @transform_5, window_bounds = array<i64: 2000, 256>}, {pipeline_mode = #tpu.pipeline_mode<synchronous>, transform_indices = @transform_6, window_bounds = array<i64: 400, 128>}, {pipeline_mode = #tpu.pipeline_mode<synchronous>, transform_indices = @transform_7, window_bounds = array<i64: 400, 128>}, {pipeline_mode = #tpu.pipeline_mode<synchronous>, transform_indices = @transform_8, window_bounds = array<i64: 400, 128>}, {pipeline_mode = #tpu.pipeline_mode<synchronous>, transform_indices = @transform_9, window_bounds = array<i64: 128, 128>}, {pipeline_mode = #tpu.pipeline_mode<synchronous>, transform_indices = @transform_10, window_bounds = array<i64: 400, 128>}, {pipeline_mode = #tpu.pipeline_mode<synchronous>, transform_indices = @transform_11, window_bounds = array<i64: 128, 128>}, {pipeline_mode = #tpu.pipeline_mode<synchronous>, transform_indices = @transform_12, window_bounds = array<i64: 1, 128>}, {pipeline_mode = #tpu.pipeline_mode<synchronous>, transform_indices = @transform_13, window_bounds = array<i64: 1, 128>}, {pipeline_mode = #tpu.pipeline_mode<synchronous>, transform_indices = @transform_14, window_bounds = array<i64: 1, 128>}, {pipeline_mode = #tpu.pipeline_mode<synchronous>, transform_indices = @transform_15, window_bounds = array<i64: 128, 16>}, {pipeline_mode = #tpu.pipeline_mode<synchronous>, transform_indices = @transform_16, window_bounds = array<i64: 1, 16>}, {pipeline_mode = #tpu.pipeline_mode<synchronous>, transform_indices = @transform_17, window_bounds = array<i64: 128, 256>}, {pipeline_mode = #tpu.pipeline_mode<synchronous>, transform_indices = @transform_18, window_bounds = array<i64: 1, 256>}, {pipeline_mode = #tpu.pipeline_mode<synchronous>, transform_indices = @transform_19, window_bounds = array<i64: 128, 16>}, {pipeline_mode = #tpu.pipeline_mode<synchronous>, transform_indices = @transform_20, window_bounds = array<i64: 1, 16>}, {pipeline_mode = #tpu.pipeline_mode<synchronous>, transform_indices = @transform_21, window_bounds = array<i64: 128, 256>}, {pipeline_mode = #tpu.pipeline_mode<synchronous>, transform_indices = @transform_22, window_bounds = array<i64: 1, 256>}, {pipeline_mode = #tpu.pipeline_mode<synchronous>, transform_indices = @transform_23, window_bounds = array<i64: 1, 256>}, {pipeline_mode = #tpu.pipeline_mode<synchronous>, transform_indices = @transform_24, window_bounds = array<i64: 256, 128>}, {pipeline_mode = #tpu.pipeline_mode<synchronous>, transform_indices = @transform_25, window_bounds = array<i64: 256, 1>}, {pipeline_mode = #tpu.pipeline_mode<synchronous>, transform_indices = @transform_26, window_bounds = array<i64: 256, 128>}, {transform_indices = @transform_27, window_bounds = array<i64: 2000, 128>}, {transform_indices = @transform_28, window_bounds = array<i64: 2000, 16>}, {transform_indices = @transform_29, window_bounds = array<i64: 2000, 256>}, {transform_indices = @transform_30, window_bounds = array<i64: 2000, 1>}, {pipeline_mode = #tpu.pipeline_mode<synchronous>, transform_indices = @transform_31, window_bounds = array<i64: 256, 128>}]} {
    %get3A = arith.constant 0 : index
    %get3A_0 = arith.constant 0 : index
    %get3A_1 = vector.load %arg16[%get3A, %get3A_0] : memref<128x16xf32, #tpu.memory_space<vmem>>, vector<128x16xf32>
    %get3A_2 = arith.constant 0 : index
    %get3A_3 = arith.constant 0 : index
    %get3A_4 = vector.load %arg18[%get3A_2, %get3A_3] : memref<128x256xf32, #tpu.memory_space<vmem>>, vector<128x256xf32>
    %get3A_5 = arith.constant 0 : index
    %get3A_6 = arith.constant 0 : index
    %get3A_7 = vector.load %arg17[%get3A_5, %get3A_6] : memref<1x16xf32, #tpu.memory_space<vmem>>, vector<1x16xf32>
    %get3A_8 = arith.constant 0 : index
    %get3A_9 = arith.constant 0 : index
    %get3A_10 = vector.load %arg19[%get3A_8, %get3A_9] : memref<1x256xf32, #tpu.memory_space<vmem>>, vector<1x256xf32>
    %get3A_11 = arith.constant 0 : index
    %get3A_12 = arith.constant 0 : index
    %get3A_13 = vector.load %arg7[%get3A_11, %get3A_12] : memref<400x128xf32, #tpu.memory_space<vmem>>, vector<400x128xf32>
    %get3A_14 = arith.constant 0 : index
    %get3A_15 = arith.constant 0 : index
    %get3A_16 = vector.load %arg8[%get3A_14, %get3A_15] : memref<400x128xf32, #tpu.memory_space<vmem>>, vector<400x128xf32>
    %get3A_17 = arith.constant 0 : index
    %get3A_18 = arith.constant 0 : index
    %get3A_19 = vector.load %arg9[%get3A_17, %get3A_18] : memref<400x128xf32, #tpu.memory_space<vmem>>, vector<400x128xf32>
    %add3A = arith.addf %get3A_16, %get3A_19 : vector<400x128xf32>
    %slice3A = vector.extract_strided_slice %get3A_13 {offsets = [0, 0], sizes = [128, 128], strides = [1, 1]} : vector<400x128xf32> to vector<128x128xf32>
    %slice3A_20 = vector.extract_strided_slice %get3A_13 {offsets = [128, 0], sizes = [16, 128], strides = [1, 1]} : vector<400x128xf32> to vector<16x128xf32>
    %dot_general3A = arith.constant dense<0.000000e+00> : vector<128x128xf32>
    %dot_general3A_21 = tpu.matmul %get3A_1, %slice3A_20, %dot_general3A {dimension_numbers = #tpu.dot_dimension_numbers<[1], [0], [0], [1], [0, 0, 1, 1], [], []>, transpose_lhs_hint = false} : vector<128x16xf32>, vector<16x128xf32>, vector<128x128xf32> -> vector<128x128xf32>
    %add3A_22 = arith.addf %slice3A, %dot_general3A_21 : vector<128x128xf32>
    %slice3A_23 = vector.extract_strided_slice %get3A_13 {offsets = [144, 0], sizes = [256, 128], strides = [1, 1]} : vector<400x128xf32> to vector<256x128xf32>
    %dot_general3A_24 = arith.constant dense<0.000000e+00> : vector<128x128xf32>
    %dot_general3A_25 = tpu.matmul %get3A_4, %slice3A_23, %dot_general3A_24 {dimension_numbers = #tpu.dot_dimension_numbers<[1], [0], [0], [1], [0, 0, 1, 1], [], []>, transpose_lhs_hint = false} : vector<128x256xf32>, vector<256x128xf32>, vector<128x128xf32> -> vector<128x128xf32>
    %add3A_26 = arith.addf %add3A_22, %dot_general3A_25 : vector<128x128xf32>
    %slice3A_27 = vector.extract_strided_slice %add3A {offsets = [0, 0], sizes = [128, 128], strides = [1, 1]} : vector<400x128xf32> to vector<128x128xf32>
    %slice3A_28 = vector.extract_strided_slice %add3A {offsets = [128, 0], sizes = [16, 128], strides = [1, 1]} : vector<400x128xf32> to vector<16x128xf32>
    %dot_general3A_29 = arith.constant dense<0.000000e+00> : vector<128x128xf32>
    %dot_general3A_30 = tpu.matmul %get3A_1, %slice3A_28, %dot_general3A_29 {dimension_numbers = #tpu.dot_dimension_numbers<[1], [0], [0], [1], [0, 0, 1, 1], [], []>, transpose_lhs_hint = false} : vector<128x16xf32>, vector<16x128xf32>, vector<128x128xf32> -> vector<128x128xf32>
    %add3A_31 = arith.addf %slice3A_27, %dot_general3A_30 : vector<128x128xf32>
    %slice3A_32 = vector.extract_strided_slice %add3A {offsets = [144, 0], sizes = [256, 128], strides = [1, 1]} : vector<400x128xf32> to vector<256x128xf32>
    %dot_general3A_33 = arith.constant dense<0.000000e+00> : vector<128x128xf32>
    %dot_general3A_34 = tpu.matmul %get3A_4, %slice3A_32, %dot_general3A_33 {dimension_numbers = #tpu.dot_dimension_numbers<[1], [0], [0], [1], [0, 0, 1, 1], [], []>, transpose_lhs_hint = false} : vector<128x256xf32>, vector<256x128xf32>, vector<128x128xf32> -> vector<128x128xf32>
    %add3A_35 = arith.addf %add3A_31, %dot_general3A_34 : vector<128x128xf32>
    %slice3A_36 = vector.extract_strided_slice %get3A_13 {offsets = [128, 0], sizes = [16, 128], strides = [1, 1]} : vector<400x128xf32> to vector<16x128xf32>
    %dot_general3A_37 = arith.constant dense<0.000000e+00> : vector<1x128xf32>
    %dot_general3A_38 = tpu.matmul %get3A_7, %slice3A_36, %dot_general3A_37 {dimension_numbers = #tpu.dot_dimension_numbers<[1], [0], [0], [1], [0, 0, 1, 1], [], []>, transpose_lhs_hint = false} : vector<1x16xf32>, vector<16x128xf32>, vector<1x128xf32> -> vector<1x128xf32>
    %slice3A_39 = vector.extract_strided_slice %get3A_13 {offsets = [144, 0], sizes = [256, 128], strides = [1, 1]} : vector<400x128xf32> to vector<256x128xf32>
    %dot_general3A_40 = arith.constant dense<0.000000e+00> : vector<1x128xf32>
    %dot_general3A_41 = tpu.matmul %get3A_10, %slice3A_39, %dot_general3A_40 {dimension_numbers = #tpu.dot_dimension_numbers<[1], [0], [0], [1], [0, 0, 1, 1], [], []>, transpose_lhs_hint = false} : vector<1x256xf32>, vector<256x128xf32>, vector<1x128xf32> -> vector<1x128xf32>
    %add3A_42 = arith.addf %dot_general3A_38, %dot_general3A_41 : vector<1x128xf32>
    %get3A_43 = arith.constant 0 : index
    %get3A_44 = arith.constant 0 : index
    %get3A_45 = vector.load %arg13[%get3A_43, %get3A_44] : memref<1x128xf32, #tpu.memory_space<vmem>>, vector<1x128xf32>
    %get3A_46 = arith.constant 0 : index
    %get3A_47 = arith.constant 0 : index
    %get3A_48 = vector.load %arg14[%get3A_46, %get3A_47] : memref<1x128xf32, #tpu.memory_space<vmem>>, vector<1x128xf32>
    %add3A_49 = arith.addf %get3A_45, %get3A_48 : vector<1x128xf32>
    %slice3A_50 = vector.extract_strided_slice %add3A {offsets = [128, 0], sizes = [16, 128], strides = [1, 1]} : vector<400x128xf32> to vector<16x128xf32>
    %dot_general3A_51 = arith.constant dense<0.000000e+00> : vector<1x128xf32>
    %dot_general3A_52 = tpu.matmul %get3A_7, %slice3A_50, %dot_general3A_51 {dimension_numbers = #tpu.dot_dimension_numbers<[1], [0], [0], [1], [0, 0, 1, 1], [], []>, transpose_lhs_hint = false} : vector<1x16xf32>, vector<16x128xf32>, vector<1x128xf32> -> vector<1x128xf32>
    %slice3A_53 = vector.extract_strided_slice %add3A {offsets = [144, 0], sizes = [256, 128], strides = [1, 1]} : vector<400x128xf32> to vector<256x128xf32>
    %dot_general3A_54 = arith.constant dense<0.000000e+00> : vector<1x128xf32>
    %dot_general3A_55 = tpu.matmul %get3A_10, %slice3A_53, %dot_general3A_54 {dimension_numbers = #tpu.dot_dimension_numbers<[1], [0], [0], [1], [0, 0, 1, 1], [], []>, transpose_lhs_hint = false} : vector<1x256xf32>, vector<256x128xf32>, vector<1x128xf32> -> vector<1x128xf32>
    %add3A_56 = arith.addf %dot_general3A_52, %dot_general3A_55 : vector<1x128xf32>
    %add3A_57 = arith.addf %add3A_49, %add3A_56 : vector<1x128xf32>
    %get3A_58 = arith.constant 0 : index
    %get3A_59 = arith.constant 0 : index
    %get3A_60 = vector.load %arg3[%get3A_58, %get3A_59] : memref<2000x1xf32, #tpu.memory_space<vmem>>, vector<2000x1xf32>
    %get3A_61 = arith.constant 0 : index
    %get3A_62 = arith.constant 0 : index
    %get3A_63 = vector.load %arg5[%get3A_61, %get3A_62] : memref<2000x1xf32, #tpu.memory_space<vmem>>, vector<2000x1xf32>
    %get3A_64 = arith.constant 0 : index
    %get3A_65 = arith.constant 0 : index
    %get3A_66 = vector.load %arg2[%get3A_64, %get3A_65] : memref<2000x128xf32, #tpu.memory_space<vmem>>, vector<2000x128xf32>
    %max3A = arith.constant 1.000000e+00 : f32
    %max3A_67 = vector.broadcast %max3A : f32 to vector<2000x1xf32>
    %max3A_68 = arith.maximumf %get3A_60, %max3A_67 : vector<2000x1xf32>
    %div3A = arith.constant 1.000000e+00 : f32
    %div3A_69 = vector.broadcast %div3A : f32 to vector<2000x1xf32>
    %div3A_70 = arith.divf %div3A_69, %max3A_68 : vector<2000x1xf32>
    %mul3A = vector.broadcast %div3A_70 : vector<2000x1xf32> to vector<2000x128xf32>
    %mul3A_71 = arith.mulf %get3A_66, %mul3A : vector<2000x128xf32>
    %get3A_72 = arith.constant 0 : index
    %get3A_73 = arith.constant 0 : index
    %get3A_74 = vector.load %arg4[%get3A_72, %get3A_73] : memref<2000x128xf32, #tpu.memory_space<vmem>>, vector<2000x128xf32>
    %max3A_75 = arith.constant 1.000000e+00 : f32
    %max3A_76 = vector.broadcast %max3A_75 : f32 to vector<2000x1xf32>
    %max3A_77 = arith.maximumf %get3A_63, %max3A_76 : vector<2000x1xf32>
    %div3A_78 = arith.constant 1.000000e+00 : f32
    %div3A_79 = vector.broadcast %div3A_78 : f32 to vector<2000x1xf32>
    %div3A_80 = arith.divf %div3A_79, %max3A_77 : vector<2000x1xf32>
    %mul3A_81 = vector.broadcast %div3A_80 : vector<2000x1xf32> to vector<2000x128xf32>
    %mul3A_82 = arith.mulf %get3A_74, %mul3A_81 : vector<2000x128xf32>
    %gt3A = arith.constant 0.000000e+00 : f32
    %gt3A_83 = vector.broadcast %gt3A : f32 to vector<2000x1xf32>
    %gt3A_84 = arith.cmpf ogt, %get3A_60, %gt3A_83 : vector<2000x1xf32>
    %convert_element_type3A = arith.extui %gt3A_84 : vector<2000x1xi1> to vector<2000x1xi32>
    %convert_element_type3A_85 = arith.sitofp %convert_element_type3A : vector<2000x1xi32> to vector<2000x1xf32>
    %dot_general3A_86 = arith.constant dense<0.000000e+00> : vector<2000x128xf32>
    %dot_general3A_87 = tpu.matmul %mul3A_71, %add3A_26, %dot_general3A_86 {dimension_numbers = #tpu.dot_dimension_numbers<[1], [0], [0], [1], [0, 0, 1, 1], [], []>, transpose_lhs_hint = false} : vector<2000x128xf32>, vector<128x128xf32>, vector<2000x128xf32> -> vector<2000x128xf32>
    %get3A_88 = arith.constant 0 : index
    %get3A_89 = arith.constant 0 : index
    %get3A_90 = vector.load %arg10[%get3A_88, %get3A_89] : memref<128x128xf32, #tpu.memory_space<vmem>>, vector<128x128xf32>
    %dot_general3A_91 = arith.constant dense<0.000000e+00> : vector<2000x128xf32>
    %dot_general3A_92 = tpu.matmul %mul3A_82, %get3A_90, %dot_general3A_91 {dimension_numbers = #tpu.dot_dimension_numbers<[1], [0], [0], [1], [0, 0, 1, 1], [], []>, transpose_lhs_hint = false} : vector<2000x128xf32>, vector<128x128xf32>, vector<2000x128xf32> -> vector<2000x128xf32>
    %add3A_93 = arith.addf %dot_general3A_87, %dot_general3A_92 : vector<2000x128xf32>
    %get3A_94 = arith.constant 0 : index
    %get3A_95 = arith.constant 0 : index
    %get3A_96 = vector.load %arg1[%get3A_94, %get3A_95] : memref<2000x128xf32, #tpu.memory_space<vmem>>, vector<2000x128xf32>
    %dot_general3A_97 = arith.constant dense<0.000000e+00> : vector<2000x128xf32>
    %dot_general3A_98 = tpu.matmul %get3A_96, %add3A_35, %dot_general3A_97 {dimension_numbers = #tpu.dot_dimension_numbers<[1], [0], [0], [1], [0, 0, 1, 1], [], []>, transpose_lhs_hint = false} : vector<2000x128xf32>, vector<128x128xf32>, vector<2000x128xf32> -> vector<2000x128xf32>
    %add3A_99 = arith.addf %add3A_93, %dot_general3A_98 : vector<2000x128xf32>
    %mul3A_100 = vector.broadcast %convert_element_type3A_85 : vector<2000x1xf32> to vector<2000x128xf32>
    %mul3A_101 = vector.broadcast %add3A_42 : vector<1x128xf32> to vector<2000x128xf32>
    %mul3A_102 = arith.mulf %mul3A_100, %mul3A_101 : vector<2000x128xf32>
    %add3A_103 = arith.addf %add3A_99, %mul3A_102 : vector<2000x128xf32>
    %add3A_104 = vector.broadcast %add3A_57 : vector<1x128xf32> to vector<2000x128xf32>
    %add3A_105 = arith.addf %add3A_103, %add3A_104 : vector<2000x128xf32>
    %max3A_106 = arith.constant 0.000000e+00 : f32
    %max3A_107 = vector.broadcast %max3A_106 : f32 to vector<2000x128xf32>
    %max3A_108 = arith.maximumf %add3A_105, %max3A_107 : vector<2000x128xf32>
    %swap3A = arith.constant 0 : index
    %swap3A_109 = arith.constant 0 : index
    %swap3A_110 = vector.load %arg28[%swap3A, %swap3A_109] : memref<2000x128xf32, #tpu.memory_space<vmem>>, vector<2000x128xf32>
    tpu.vector_store %arg28[%swap3A, %swap3A_109], %max3A_108 {strides = array<i32>} : memref<2000x128xf32, #tpu.memory_space<vmem>>, vector<2000x128xf32>,
    %get3A_111 = arith.constant 0 : index
    %get3A_112 = arith.constant 0 : index
    %get3A_113 = vector.load %arg20[%get3A_111, %get3A_112] : memref<128x16xf32, #tpu.memory_space<vmem>>, vector<128x16xf32>
    %dot_general3A_114 = arith.constant dense<0.000000e+00> : vector<2000x16xf32>
    %dot_general3A_115 = tpu.matmul %max3A_108, %get3A_113, %dot_general3A_114 {dimension_numbers = #tpu.dot_dimension_numbers<[1], [0], [0], [1], [0, 0, 1, 1], [], []>, transpose_lhs_hint = false} : vector<2000x128xf32>, vector<128x16xf32>, vector<2000x16xf32> -> vector<2000x16xf32>
    %get3A_116 = arith.constant 0 : index
    %get3A_117 = arith.constant 0 : index
    %get3A_118 = vector.load %arg21[%get3A_116, %get3A_117] : memref<1x16xf32, #tpu.memory_space<vmem>>, vector<1x16xf32>
    %add3A_119 = vector.broadcast %get3A_118 : vector<1x16xf32> to vector<2000x16xf32>
    %add3A_120 = arith.addf %dot_general3A_115, %add3A_119 : vector<2000x16xf32>
    %swap3A_121 = arith.constant 0 : index
    %swap3A_122 = arith.constant 0 : index
    %swap3A_123 = vector.load %arg29[%swap3A_121, %swap3A_122] : memref<2000x16xf32, #tpu.memory_space<vmem>>, vector<2000x16xf32>
    tpu.vector_store %arg29[%swap3A_121, %swap3A_122], %add3A_120 {strides = array<i32>} : memref<2000x16xf32, #tpu.memory_space<vmem>>, vector<2000x16xf32>,
    %get3A_124 = arith.constant 0 : index
    %get3A_125 = arith.constant 0 : index
    %get3A_126 = vector.load %arg22[%get3A_124, %get3A_125] : memref<128x256xf32, #tpu.memory_space<vmem>>, vector<128x256xf32>
    %dot_general3A_127 = arith.constant dense<0.000000e+00> : vector<2000x256xf32>
    %dot_general3A_128 = tpu.matmul %max3A_108, %get3A_126, %dot_general3A_127 {dimension_numbers = #tpu.dot_dimension_numbers<[1], [0], [0], [1], [0, 0, 1, 1], [], []>, transpose_lhs_hint = false} : vector<2000x128xf32>, vector<128x256xf32>, vector<2000x256xf32> -> vector<2000x256xf32>
    %get3A_129 = arith.constant 0 : index
    %get3A_130 = arith.constant 0 : index
    %get3A_131 = vector.load %arg23[%get3A_129, %get3A_130] : memref<1x256xf32, #tpu.memory_space<vmem>>, vector<1x256xf32>
    %add3A_132 = vector.broadcast %get3A_131 : vector<1x256xf32> to vector<2000x256xf32>
    %add3A_133 = arith.addf %dot_general3A_128, %add3A_132 : vector<2000x256xf32>
    %swap3A_134 = arith.constant 0 : index
    %swap3A_135 = arith.constant 0 : index
    %swap3A_136 = vector.load %arg30[%swap3A_134, %swap3A_135] : memref<2000x256xf32, #tpu.memory_space<vmem>>, vector<2000x256xf32>
    tpu.vector_store %arg30[%swap3A_134, %swap3A_135], %add3A_133 {strides = array<i32>} : memref<2000x256xf32, #tpu.memory_space<vmem>>, vector<2000x256xf32>,
    %neg3A = arith.constant 0.000000e+00 : f32
    %neg3A_137 = vector.broadcast %neg3A : f32 to vector<2000x256xf32>
    %neg3A_138 = arith.subf %neg3A_137, %add3A_133 : vector<2000x256xf32>
    %exp3A = math.exp %neg3A_138 : vector<2000x256xf32>
    %add3A_139 = arith.constant 1.000000e+00 : f32
    %add3A_140 = vector.broadcast %add3A_139 : f32 to vector<2000x256xf32>
    %add3A_141 = arith.addf %add3A_140, %exp3A : vector<2000x256xf32>
    %div3A_142 = arith.constant 1.000000e+00 : f32
    %div3A_143 = vector.broadcast %div3A_142 : f32 to vector<2000x256xf32>
    %div3A_144 = arith.divf %div3A_143, %add3A_141 : vector<2000x256xf32>
    %get3A_145 = arith.constant 0 : index
    %get3A_146 = arith.constant 0 : index
    %get3A_147 = vector.load %arg6[%get3A_145, %get3A_146] : memref<2000x256xf32, #tpu.memory_space<vmem>>, vector<2000x256xf32>
    %mul3A_148 = arith.mulf %div3A_144, %get3A_147 : vector<2000x256xf32>
    %get3A_149 = arith.constant 0 : index
    %get3A_150 = arith.constant 0 : index
    %get3A_151 = vector.load %arg24[%get3A_149, %get3A_150] : memref<1x256xf32, #tpu.memory_space<vmem>>, vector<1x256xf32>
    %mul3A_152 = vector.broadcast %get3A_151 : vector<1x256xf32> to vector<2000x256xf32>
    %mul3A_153 = arith.mulf %mul3A_148, %mul3A_152 : vector<2000x256xf32>
    %reduce_sum3A = arith.constant dense<0.000000e+00> : vector<2000xf32>
    %reduce_sum3A_154 = vector.multi_reduction <add>, %mul3A_153, %reduce_sum3A [1] : vector<2000x256xf32> to vector<2000xf32>
    %broadcast_in_dim3A = vector.shape_cast %reduce_sum3A_154 : vector<2000xf32> to vector<2000x1xf32>
    %swap3A_155 = arith.constant 0 : index
    %swap3A_156 = arith.constant 0 : index
    %swap3A_157 = vector.load %arg31[%swap3A_155, %swap3A_156] : memref<2000x1xf32, #tpu.memory_space<vmem>>, vector<2000x1xf32>
    tpu.vector_store %arg31[%swap3A_155, %swap3A_156], %broadcast_in_dim3A {strides = array<i32>} : memref<2000x1xf32, #tpu.memory_space<vmem>>, vector<2000x1xf32>,
    %eq3A = arith.constant 0 : i32
    %eq3A_158 = arith.cmpi eq, %arg0, %eq3A : i32
    %convert_element_type3A_159 = arith.extui %eq3A_158 : i1 to i32
    %cond3A = arith.constant 0 : i32
    %cond3A_160 = arith.cmpi ne, %convert_element_type3A_159, %cond3A : i32
    scf.if %cond3A_160 {
      %get3A_161 = arith.constant 0 : index
      %get3A_162 = arith.constant 0 : index
      %get3A_163 = vector.load %arg11[%get3A_161, %get3A_162] : memref<400x128xf32, #tpu.memory_space<vmem>>, vector<400x128xf32>
      %slice3A_164 = vector.extract_strided_slice %get3A_163 {offsets = [0, 0], sizes = [128, 128], strides = [1, 1]} : vector<400x128xf32> to vector<128x128xf32>
      %slice3A_165 = vector.extract_strided_slice %get3A_163 {offsets = [128, 0], sizes = [16, 128], strides = [1, 1]} : vector<400x128xf32> to vector<16x128xf32>
      %dot_general3A_166 = arith.constant dense<0.000000e+00> : vector<128x128xf32>
      %dot_general3A_167 = tpu.matmul %get3A_1, %slice3A_165, %dot_general3A_166 {dimension_numbers = #tpu.dot_dimension_numbers<[1], [0], [0], [1], [0, 0, 1, 1], [], []>, transpose_lhs_hint = false} : vector<128x16xf32>, vector<16x128xf32>, vector<128x128xf32> -> vector<128x128xf32>
      %add3A_168 = arith.addf %slice3A_164, %dot_general3A_167 : vector<128x128xf32>
      %slice3A_169 = vector.extract_strided_slice %get3A_163 {offsets = [144, 0], sizes = [256, 128], strides = [1, 1]} : vector<400x128xf32> to vector<256x128xf32>
      %dot_general3A_170 = arith.constant dense<0.000000e+00> : vector<128x128xf32>
      %dot_general3A_171 = tpu.matmul %get3A_4, %slice3A_169, %dot_general3A_170 {dimension_numbers = #tpu.dot_dimension_numbers<[1], [0], [0], [1], [0, 0, 1, 1], [], []>, transpose_lhs_hint = false} : vector<128x256xf32>, vector<256x128xf32>, vector<128x128xf32> -> vector<128x128xf32>
      %add3A_172 = arith.addf %add3A_168, %dot_general3A_171 : vector<128x128xf32>
      %slice3A_173 = vector.extract_strided_slice %get3A_163 {offsets = [128, 0], sizes = [16, 128], strides = [1, 1]} : vector<400x128xf32> to vector<16x128xf32>
      %dot_general3A_174 = arith.constant dense<0.000000e+00> : vector<1x128xf32>
      %dot_general3A_175 = tpu.matmul %get3A_7, %slice3A_173, %dot_general3A_174 {dimension_numbers = #tpu.dot_dimension_numbers<[1], [0], [0], [1], [0, 0, 1, 1], [], []>, transpose_lhs_hint = false} : vector<1x16xf32>, vector<16x128xf32>, vector<1x128xf32> -> vector<1x128xf32>
      %slice3A_176 = vector.extract_strided_slice %get3A_163 {offsets = [144, 0], sizes = [256, 128], strides = [1, 1]} : vector<400x128xf32> to vector<256x128xf32>
      %dot_general3A_177 = arith.constant dense<0.000000e+00> : vector<1x128xf32>
      %dot_general3A_178 = tpu.matmul %get3A_10, %slice3A_176, %dot_general3A_177 {dimension_numbers = #tpu.dot_dimension_numbers<[1], [0], [0], [1], [0, 0, 1, 1], [], []>, transpose_lhs_hint = false} : vector<1x256xf32>, vector<256x128xf32>, vector<1x128xf32> -> vector<1x128xf32>
      %add3A_179 = arith.addf %dot_general3A_175, %dot_general3A_178 : vector<1x128xf32>
      %get3A_180 = arith.constant 0 : index
      %get3A_181 = arith.constant 0 : index
      %get3A_182 = vector.load %arg15[%get3A_180, %get3A_181] : memref<1x128xf32, #tpu.memory_space<vmem>>, vector<1x128xf32>
      %add3A_183 = arith.addf %add3A_179, %get3A_182 : vector<1x128xf32>
      %get3A_184 = arith.constant 0 : index
      %get3A_185 = arith.constant 0 : index
      %get3A_186 = vector.load %arg26[%get3A_184, %get3A_185] : memref<256x1xf32, #tpu.memory_space<vmem>>, vector<256x1xf32>
      %get3A_187 = arith.constant 0 : index
      %get3A_188 = arith.constant 0 : index
      %get3A_189 = vector.load %arg25[%get3A_187, %get3A_188] : memref<256x128xf32, #tpu.memory_space<vmem>>, vector<256x128xf32>
      %max3A_190 = arith.constant 1.000000e+00 : f32
      %max3A_191 = vector.broadcast %max3A_190 : f32 to vector<256x1xf32>
      %max3A_192 = arith.maximumf %get3A_186, %max3A_191 : vector<256x1xf32>
      %div3A_193 = arith.constant 1.000000e+00 : f32
      %div3A_194 = vector.broadcast %div3A_193 : f32 to vector<256x1xf32>
      %div3A_195 = arith.divf %div3A_194, %max3A_192 : vector<256x1xf32>
      %mul3A_196 = vector.broadcast %div3A_195 : vector<256x1xf32> to vector<256x128xf32>
      %mul3A_197 = arith.mulf %get3A_189, %mul3A_196 : vector<256x128xf32>
      %gt3A_198 = arith.constant 0.000000e+00 : f32
      %gt3A_199 = vector.broadcast %gt3A_198 : f32 to vector<256x1xf32>
      %gt3A_200 = arith.cmpf ogt, %get3A_186, %gt3A_199 : vector<256x1xf32>
      %convert_element_type3A_201 = arith.extui %gt3A_200 : vector<256x1xi1> to vector<256x1xi32>
      %convert_element_type3A_202 = arith.sitofp %convert_element_type3A_201 : vector<256x1xi32> to vector<256x1xf32>
      %dot_general3A_203 = arith.constant dense<0.000000e+00> : vector<256x128xf32>
      %dot_general3A_204 = tpu.matmul %mul3A_197, %add3A_172, %dot_general3A_203 {dimension_numbers = #tpu.dot_dimension_numbers<[1], [0], [0], [1], [0, 0, 1, 1], [], []>, transpose_lhs_hint = false} : vector<256x128xf32>, vector<128x128xf32>, vector<256x128xf32> -> vector<256x128xf32>
      %mul3A_205 = vector.broadcast %convert_element_type3A_202 : vector<256x1xf32> to vector<256x128xf32>
      %mul3A_206 = vector.broadcast %add3A_183 : vector<1x128xf32> to vector<256x128xf32>
      %mul3A_207 = arith.mulf %mul3A_205, %mul3A_206 : vector<256x128xf32>
      %add3A_208 = arith.addf %dot_general3A_204, %mul3A_207 : vector<256x128xf32>
      %get3A_209 = arith.constant 0 : index
      %get3A_210 = arith.constant 0 : index
      %get3A_211 = vector.load %arg27[%get3A_209, %get3A_210] : memref<256x128xf32, #tpu.memory_space<vmem>>, vector<256x128xf32>
      %get3A_212 = arith.constant 0 : index
      %get3A_213 = arith.constant 0 : index
      %get3A_214 = vector.load %arg12[%get3A_212, %get3A_213] : memref<128x128xf32, #tpu.memory_space<vmem>>, vector<128x128xf32>
      %dot_general3A_215 = arith.constant dense<0.000000e+00> : vector<256x128xf32>
      %dot_general3A_216 = tpu.matmul %get3A_211, %get3A_214, %dot_general3A_215 {dimension_numbers = #tpu.dot_dimension_numbers<[1], [0], [0], [1], [0, 0, 1, 1], [], []>, transpose_lhs_hint = false} : vector<256x128xf32>, vector<128x128xf32>, vector<256x128xf32> -> vector<256x128xf32>
      %add3A_217 = arith.addf %add3A_208, %dot_general3A_216 : vector<256x128xf32>
      %max3A_218 = arith.constant 0.000000e+00 : f32
      %max3A_219 = vector.broadcast %max3A_218 : f32 to vector<256x128xf32>
      %max3A_220 = arith.maximumf %add3A_217, %max3A_219 : vector<256x128xf32>
      %swap3A_221 = arith.constant 0 : index
      %swap3A_222 = arith.constant 0 : index
      %swap3A_223 = vector.load %arg32[%swap3A_221, %swap3A_222] : memref<256x128xf32, #tpu.memory_space<vmem>>, vector<256x128xf32>
      tpu.vector_store %arg32[%swap3A_221, %swap3A_222], %max3A_220 {strides = array<i32>} : memref<256x128xf32, #tpu.memory_space<vmem>>, vector<256x128xf32>,
    } else {
    }
    return
  }
  func.func @transform_0(%arg0: i32) -> (i32, i32) {
    %c0_i32 = arith.constant 0 : i32
    %c0_i32_0 = arith.constant 0 : i32
    return %arg0, %c0_i32 : i32, i32
  }
  func.func @transform_1(%arg0: i32) -> (i32, i32) {
    %c0_i32 = arith.constant 0 : i32
    %c0_i32_0 = arith.constant 0 : i32
    return %arg0, %c0_i32 : i32, i32
  }
  func.func @transform_2(%arg0: i32) -> (i32, i32) {
    %c0_i32 = arith.constant 0 : i32
    %c0_i32_0 = arith.constant 0 : i32
    return %arg0, %c0_i32 : i32, i32
  }
  func.func @transform_3(%arg0: i32) -> (i32, i32) {
    %c0_i32 = arith.constant 0 : i32
    %c0_i32_0 = arith.constant 0 : i32
    return %arg0, %c0_i32 : i32, i32
  }
  func.func @transform_4(%arg0: i32) -> (i32, i32) {
    %c0_i32 = arith.constant 0 : i32
    %c0_i32_0 = arith.constant 0 : i32
    return %arg0, %c0_i32 : i32, i32
  }
  func.func @transform_5(%arg0: i32) -> (i32, i32) {
    %c0_i32 = arith.constant 0 : i32
    %c0_i32_0 = arith.constant 0 : i32
    return %arg0, %c0_i32 : i32, i32
  }
  func.func @transform_6(%arg0: i32) -> (i32, i32) {
    %c0_i32 = arith.constant 0 : i32
    %c0_i32_0 = arith.constant 0 : i32
    %c0_i32_1 = arith.constant 0 : i32
    return %c0_i32, %c0_i32_0 : i32, i32
  }
  func.func @transform_7(%arg0: i32) -> (i32, i32) {
    %c0_i32 = arith.constant 0 : i32
    %c0_i32_0 = arith.constant 0 : i32
    %c0_i32_1 = arith.constant 0 : i32
    return %c0_i32, %c0_i32_0 : i32, i32
  }
  func.func @transform_8(%arg0: i32) -> (i32, i32) {
    %c0_i32 = arith.constant 0 : i32
    %c0_i32_0 = arith.constant 0 : i32
    %c0_i32_1 = arith.constant 0 : i32
    return %c0_i32, %c0_i32_0 : i32, i32
  }
  func.func @transform_9(%arg0: i32) -> (i32, i32) {
    %c0_i32 = arith.constant 0 : i32
    %c0_i32_0 = arith.constant 0 : i32
    %c0_i32_1 = arith.constant 0 : i32
    return %c0_i32, %c0_i32_0 : i32, i32
  }
  func.func @transform_10(%arg0: i32) -> (i32, i32) {
    %c0_i32 = arith.constant 0 : i32
    %c0_i32_0 = arith.constant 0 : i32
    %c0_i32_1 = arith.constant 0 : i32
    return %c0_i32, %c0_i32_0 : i32, i32
  }
  func.func @transform_11(%arg0: i32) -> (i32, i32) {
    %c0_i32 = arith.constant 0 : i32
    %c0_i32_0 = arith.constant 0 : i32
    %c0_i32_1 = arith.constant 0 : i32
    return %c0_i32, %c0_i32_0 : i32, i32
  }
  func.func @transform_12(%arg0: i32) -> (i32, i32) {
    %c0_i32 = arith.constant 0 : i32
    %c0_i32_0 = arith.constant 0 : i32
    %c0_i32_1 = arith.constant 0 : i32
    return %c0_i32, %c0_i32_0 : i32, i32
  }
  func.func @transform_13(%arg0: i32) -> (i32, i32) {
    %c0_i32 = arith.constant 0 : i32
    %c0_i32_0 = arith.constant 0 : i32
    %c0_i32_1 = arith.constant 0 : i32
    return %c0_i32, %c0_i32_0 : i32, i32
  }
  func.func @transform_14(%arg0: i32) -> (i32, i32) {
    %c0_i32 = arith.constant 0 : i32
    %c0_i32_0 = arith.constant 0 : i32
    %c0_i32_1 = arith.constant 0 : i32
    return %c0_i32, %c0_i32_0 : i32, i32
  }
  func.func @transform_15(%arg0: i32) -> (i32, i32) {
    %c0_i32 = arith.constant 0 : i32
    %c0_i32_0 = arith.constant 0 : i32
    %c0_i32_1 = arith.constant 0 : i32
    return %c0_i32, %c0_i32_0 : i32, i32
  }
  func.func @transform_16(%arg0: i32) -> (i32, i32) {
    %c0_i32 = arith.constant 0 : i32
    %c0_i32_0 = arith.constant 0 : i32
    %c0_i32_1 = arith.constant 0 : i32
    return %c0_i32, %c0_i32_0 : i32, i32
  }
  func.func @transform_17(%arg0: i32) -> (i32, i32) {
    %c0_i32 = arith.constant 0 : i32
    %c0_i32_0 = arith.constant 0 : i32
    %c0_i32_1 = arith.constant 0 : i32
    return %c0_i32, %c0_i32_0 : i32, i32
  }
  func.func @transform_18(%arg0: i32) -> (i32, i32) {
    %c0_i32 = arith.constant 0 : i32
    %c0_i32_0 = arith.constant 0 : i32
    %c0_i32_1 = arith.constant 0 : i32
    return %c0_i32, %c0_i32_0 : i32, i32
  }
  func.func @transform_19(%arg0: i32) -> (i32, i32) {
    %c0_i32 = arith.constant 0 : i32
    %c0_i32_0 = arith.constant 0 : i32
    %c0_i32_1 = arith.constant 0 : i32
    return %c0_i32, %c0_i32_0 : i32, i32
  }
  func.func @transform_20(%arg0: i32) -> (i32, i32) {
    %c0_i32 = arith.constant 0 : i32
    %c0_i32_0 = arith.constant 0 : i32
    %c0_i32_1 = arith.constant 0 : i32
    return %c0_i32, %c0_i32_0 : i32, i32
  }
  func.func @transform_21(%arg0: i32) -> (i32, i32) {
    %c0_i32 = arith.constant 0 : i32
    %c0_i32_0 = arith.constant 0 : i32
    %c0_i32_1 = arith.constant 0 : i32
    return %c0_i32, %c0_i32_0 : i32, i32
  }
  func.func @transform_22(%arg0: i32) -> (i32, i32) {
    %c0_i32 = arith.constant 0 : i32
    %c0_i32_0 = arith.constant 0 : i32
    %c0_i32_1 = arith.constant 0 : i32
    return %c0_i32, %c0_i32_0 : i32, i32
  }
  func.func @transform_23(%arg0: i32) -> (i32, i32) {
    %c0_i32 = arith.constant 0 : i32
    %c0_i32_0 = arith.constant 0 : i32
    %c0_i32_1 = arith.constant 0 : i32
    return %c0_i32, %c0_i32_0 : i32, i32
  }
  func.func @transform_24(%arg0: i32) -> (i32, i32) {
    %c0_i32 = arith.constant 0 : i32
    %c0_i32_0 = arith.constant 0 : i32
    %c0_i32_1 = arith.constant 0 : i32
    return %c0_i32, %c0_i32_0 : i32, i32
  }
  func.func @transform_25(%arg0: i32) -> (i32, i32) {
    %c0_i32 = arith.constant 0 : i32
    %c0_i32_0 = arith.constant 0 : i32
    %c0_i32_1 = arith.constant 0 : i32
    return %c0_i32, %c0_i32_0 : i32, i32
  }
  func.func @transform_26(%arg0: i32) -> (i32, i32) {
    %c0_i32 = arith.constant 0 : i32
    %c0_i32_0 = arith.constant 0 : i32
    %c0_i32_1 = arith.constant 0 : i32
    return %c0_i32, %c0_i32_0 : i32, i32
  }
  func.func @transform_27(%arg0: i32) -> (i32, i32) {
    %c0_i32 = arith.constant 0 : i32
    %c0_i32_0 = arith.constant 0 : i32
    return %arg0, %c0_i32 : i32, i32
  }
  func.func @transform_28(%arg0: i32) -> (i32, i32) {
    %c0_i32 = arith.constant 0 : i32
    %c0_i32_0 = arith.constant 0 : i32
    return %arg0, %c0_i32 : i32, i32
  }
  func.func @transform_29(%arg0: i32) -> (i32, i32) {
    %c0_i32 = arith.constant 0 : i32
    %c0_i32_0 = arith.constant 0 : i32
    return %arg0, %c0_i32 : i32, i32
  }
  func.func @transform_30(%arg0: i32) -> (i32, i32) {
    %c0_i32 = arith.constant 0 : i32
    %c0_i32_0 = arith.constant 0 : i32
    return %arg0, %c0_i32 : i32, i32
  }
  func.func @transform_31(%arg0: i32) -> (i32, i32) {
    %c0_i32 = arith.constant 0 : i32
    %c0_i32_0 = arith.constant 0 : i32
    %c0_i32_1 = arith.constant 0 : i32
    return %c0_i32, %c0_i32_0 : i32, i32
  }
}

module attributes {stable_mosaic.version = 14 : i64} {
  func.func @_round_dense_body(%arg0: i32, %arg1: memref<2000x128xf32, #tpu.memory_space<vmem>>, %arg2: memref<2000x128xf32, #tpu.memory_space<vmem>>, %arg3: memref<2000x1xf32, #tpu.memory_space<vmem>>, %arg4: memref<2000x128xf32, #tpu.memory_space<vmem>>, %arg5: memref<2000x1xf32, #tpu.memory_space<vmem>>, %arg6: memref<2000x256xf32, #tpu.memory_space<vmem>>, %arg7: memref<400x128xf32, #tpu.memory_space<vmem>>, %arg8: memref<400x128xf32, #tpu.memory_space<vmem>>, %arg9: memref<400x128xf32, #tpu.memory_space<vmem>>, %arg10: memref<128x128xf32, #tpu.memory_space<vmem>>, %arg11: memref<400x128xf32, #tpu.memory_space<vmem>>, %arg12: memref<128x128xf32, #tpu.memory_space<vmem>>, %arg13: memref<1x128xf32, #tpu.memory_space<vmem>>, %arg14: memref<1x128xf32, #tpu.memory_space<vmem>>, %arg15: memref<1x128xf32, #tpu.memory_space<vmem>>, %arg16: memref<128x16xf32, #tpu.memory_space<vmem>>, %arg17: memref<1x16xf32, #tpu.memory_space<vmem>>, %arg18: memref<128x256xf32, #tpu.memory_space<vmem>>, %arg19: memref<1x256xf32, #tpu.memory_space<vmem>>, %arg20: memref<128x16xf32, #tpu.memory_space<vmem>>, %arg21: memref<1x16xf32, #tpu.memory_space<vmem>>, %arg22: memref<128x256xf32, #tpu.memory_space<vmem>>, %arg23: memref<1x256xf32, #tpu.memory_space<vmem>>, %arg24: memref<1x256xf32, #tpu.memory_space<vmem>>, %arg25: memref<256x128xf32, #tpu.memory_space<vmem>>, %arg26: memref<256x1xf32, #tpu.memory_space<vmem>>, %arg27: memref<256x128xf32, #tpu.memory_space<vmem>>, %arg28: memref<2000x128xf32, #tpu.memory_space<vmem>>, %arg29: memref<2000x16xf32, #tpu.memory_space<vmem>>, %arg30: memref<2000x256xf32, #tpu.memory_space<vmem>>, %arg31: memref<2000x1xf32, #tpu.memory_space<vmem>>, %arg32: memref<256x128xf32, #tpu.memory_space<vmem>>) attributes {dimension_semantics = [#tpu.dimension_semantics<arbitrary>], iteration_bounds = array<i64: 5>, scalar_prefetch = 0 : i64, scratch_operands = 0 : i64, tpu.core_type = #tpu.core_type<tc>, window_params = [{transform_indices = @transform_0, window_bounds = array<i64: 2000, 128>}, {transform_indices = @transform_1, window_bounds = array<i64: 2000, 128>}, {transform_indices = @transform_2, window_bounds = array<i64: 2000, 1>}, {transform_indices = @transform_3, window_bounds = array<i64: 2000, 128>}, {transform_indices = @transform_4, window_bounds = array<i64: 2000, 1>}, {transform_indices = @transform_5, window_bounds = array<i64: 2000, 256>}, {pipeline_mode = #tpu.pipeline_mode<synchronous>, transform_indices = @transform_6, window_bounds = array<i64: 400, 128>}, {pipeline_mode = #tpu.pipeline_mode<synchronous>, transform_indices = @transform_7, window_bounds = array<i64: 400, 128>}, {pipeline_mode = #tpu.pipeline_mode<synchronous>, transform_indices = @transform_8, window_bounds = array<i64: 400, 128>}, {pipeline_mode = #tpu.pipeline_mode<synchronous>, transform_indices = @transform_9, window_bounds = array<i64: 128, 128>}, {pipeline_mode = #tpu.pipeline_mode<synchronous>, transform_indices = @transform_10, window_bounds = array<i64: 400, 128>}, {pipeline_mode = #tpu.pipeline_mode<synchronous>, transform_indices = @transform_11, window_bounds = array<i64: 128, 128>}, {pipeline_mode = #tpu.pipeline_mode<synchronous>, transform_indices = @transform_12, window_bounds = array<i64: 1, 128>}, {pipeline_mode = #tpu.pipeline_mode<synchronous>, transform_indices = @transform_13, window_bounds = array<i64: 1, 128>}, {pipeline_mode = #tpu.pipeline_mode<synchronous>, transform_indices = @transform_14, window_bounds = array<i64: 1, 128>}, {pipeline_mode = #tpu.pipeline_mode<synchronous>, transform_indices = @transform_15, window_bounds = array<i64: 128, 16>}, {pipeline_mode = #tpu.pipeline_mode<synchronous>, transform_indices = @transform_16, window_bounds = array<i64: 1, 16>}, {pipeline_mode = #tpu.pipeline_mode<synchronous>, transform_indices = @transform_17, window_bounds = array<i64: 128, 256>}, {pipeline_mode = #tpu.pipeline_mode<synchronous>, transform_indices = @transform_18, window_bounds = array<i64: 1, 256>}, {pipeline_mode = #tpu.pipeline_mode<synchronous>, transform_indices = @transform_19, window_bounds = array<i64: 128, 16>}, {pipeline_mode = #tpu.pipeline_mode<synchronous>, transform_indices = @transform_20, window_bounds = array<i64: 1, 16>}, {pipeline_mode = #tpu.pipeline_mode<synchronous>, transform_indices = @transform_21, window_bounds = array<i64: 128, 256>}, {pipeline_mode = #tpu.pipeline_mode<synchronous>, transform_indices = @transform_22, window_bounds = array<i64: 1, 256>}, {pipeline_mode = #tpu.pipeline_mode<synchronous>, transform_indices = @transform_23, window_bounds = array<i64: 1, 256>}, {pipeline_mode = #tpu.pipeline_mode<synchronous>, transform_indices = @transform_24, window_bounds = array<i64: 256, 128>}, {pipeline_mode = #tpu.pipeline_mode<synchronous>, transform_indices = @transform_25, window_bounds = array<i64: 256, 1>}, {pipeline_mode = #tpu.pipeline_mode<synchronous>, transform_indices = @transform_26, window_bounds = array<i64: 256, 128>}, {transform_indices = @transform_27, window_bounds = array<i64: 2000, 128>}, {transform_indices = @transform_28, window_bounds = array<i64: 2000, 16>}, {transform_indices = @transform_29, window_bounds = array<i64: 2000, 256>}, {transform_indices = @transform_30, window_bounds = array<i64: 2000, 1>}, {pipeline_mode = #tpu.pipeline_mode<synchronous>, transform_indices = @transform_31, window_bounds = array<i64: 256, 128>}]} {
    %get3A = arith.constant 0 : index
    %get3A_0 = arith.constant 0 : index
    %get3A_1 = vector.load %arg16[%get3A, %get3A_0] : memref<128x16xf32, #tpu.memory_space<vmem>>, vector<128x16xf32>
    %get3A_2 = arith.constant 0 : index
    %get3A_3 = arith.constant 0 : index
    %get3A_4 = vector.load %arg18[%get3A_2, %get3A_3] : memref<128x256xf32, #tpu.memory_space<vmem>>, vector<128x256xf32>
    %get3A_5 = arith.constant 0 : index
    %get3A_6 = arith.constant 0 : index
    %get3A_7 = vector.load %arg17[%get3A_5, %get3A_6] : memref<1x16xf32, #tpu.memory_space<vmem>>, vector<1x16xf32>
    %get3A_8 = arith.constant 0 : index
    %get3A_9 = arith.constant 0 : index
    %get3A_10 = vector.load %arg19[%get3A_8, %get3A_9] : memref<1x256xf32, #tpu.memory_space<vmem>>, vector<1x256xf32>
    %get3A_11 = arith.constant 0 : index
    %get3A_12 = arith.constant 0 : index
    %get3A_13 = vector.load %arg7[%get3A_11, %get3A_12] : memref<400x128xf32, #tpu.memory_space<vmem>>, vector<400x128xf32>
    %get3A_14 = arith.constant 0 : index
    %get3A_15 = arith.constant 0 : index
    %get3A_16 = vector.load %arg8[%get3A_14, %get3A_15] : memref<400x128xf32, #tpu.memory_space<vmem>>, vector<400x128xf32>
    %get3A_17 = arith.constant 0 : index
    %get3A_18 = arith.constant 0 : index
    %get3A_19 = vector.load %arg9[%get3A_17, %get3A_18] : memref<400x128xf32, #tpu.memory_space<vmem>>, vector<400x128xf32>
    %add3A = arith.addf %get3A_16, %get3A_19 : vector<400x128xf32>
    %slice3A = vector.extract_strided_slice %get3A_13 {offsets = [0, 0], sizes = [128, 128], strides = [1, 1]} : vector<400x128xf32> to vector<128x128xf32>
    %slice3A_20 = vector.extract_strided_slice %get3A_13 {offsets = [128, 0], sizes = [16, 128], strides = [1, 1]} : vector<400x128xf32> to vector<16x128xf32>
    %dot_general3A = arith.constant dense<0.000000e+00> : vector<128x128xf32>
    %dot_general3A_21 = tpu.matmul %get3A_1, %slice3A_20, %dot_general3A {dimension_numbers = #tpu.dot_dimension_numbers<[1], [0], [0], [1], [0, 0, 1, 1], [], []>, transpose_lhs_hint = false} : vector<128x16xf32>, vector<16x128xf32>, vector<128x128xf32> -> vector<128x128xf32>
    %add3A_22 = arith.addf %slice3A, %dot_general3A_21 : vector<128x128xf32>
    %slice3A_23 = vector.extract_strided_slice %get3A_13 {offsets = [144, 0], sizes = [256, 128], strides = [1, 1]} : vector<400x128xf32> to vector<256x128xf32>
    %dot_general3A_24 = arith.constant dense<0.000000e+00> : vector<128x128xf32>
    %dot_general3A_25 = tpu.matmul %get3A_4, %slice3A_23, %dot_general3A_24 {dimension_numbers = #tpu.dot_dimension_numbers<[1], [0], [0], [1], [0, 0, 1, 1], [], []>, transpose_lhs_hint = false} : vector<128x256xf32>, vector<256x128xf32>, vector<128x128xf32> -> vector<128x128xf32>
    %add3A_26 = arith.addf %add3A_22, %dot_general3A_25 : vector<128x128xf32>
    %slice3A_27 = vector.extract_strided_slice %add3A {offsets = [0, 0], sizes = [128, 128], strides = [1, 1]} : vector<400x128xf32> to vector<128x128xf32>
    %slice3A_28 = vector.extract_strided_slice %add3A {offsets = [128, 0], sizes = [16, 128], strides = [1, 1]} : vector<400x128xf32> to vector<16x128xf32>
    %dot_general3A_29 = arith.constant dense<0.000000e+00> : vector<128x128xf32>
    %dot_general3A_30 = tpu.matmul %get3A_1, %slice3A_28, %dot_general3A_29 {dimension_numbers = #tpu.dot_dimension_numbers<[1], [0], [0], [1], [0, 0, 1, 1], [], []>, transpose_lhs_hint = false} : vector<128x16xf32>, vector<16x128xf32>, vector<128x128xf32> -> vector<128x128xf32>
    %add3A_31 = arith.addf %slice3A_27, %dot_general3A_30 : vector<128x128xf32>
    %slice3A_32 = vector.extract_strided_slice %add3A {offsets = [144, 0], sizes = [256, 128], strides = [1, 1]} : vector<400x128xf32> to vector<256x128xf32>
    %dot_general3A_33 = arith.constant dense<0.000000e+00> : vector<128x128xf32>
    %dot_general3A_34 = tpu.matmul %get3A_4, %slice3A_32, %dot_general3A_33 {dimension_numbers = #tpu.dot_dimension_numbers<[1], [0], [0], [1], [0, 0, 1, 1], [], []>, transpose_lhs_hint = false} : vector<128x256xf32>, vector<256x128xf32>, vector<128x128xf32> -> vector<128x128xf32>
    %add3A_35 = arith.addf %add3A_31, %dot_general3A_34 : vector<128x128xf32>
    %slice3A_36 = vector.extract_strided_slice %get3A_13 {offsets = [128, 0], sizes = [16, 128], strides = [1, 1]} : vector<400x128xf32> to vector<16x128xf32>
    %dot_general3A_37 = arith.constant dense<0.000000e+00> : vector<1x128xf32>
    %dot_general3A_38 = tpu.matmul %get3A_7, %slice3A_36, %dot_general3A_37 {dimension_numbers = #tpu.dot_dimension_numbers<[1], [0], [0], [1], [0, 0, 1, 1], [], []>, transpose_lhs_hint = false} : vector<1x16xf32>, vector<16x128xf32>, vector<1x128xf32> -> vector<1x128xf32>
    %slice3A_39 = vector.extract_strided_slice %get3A_13 {offsets = [144, 0], sizes = [256, 128], strides = [1, 1]} : vector<400x128xf32> to vector<256x128xf32>
    %dot_general3A_40 = arith.constant dense<0.000000e+00> : vector<1x128xf32>
    %dot_general3A_41 = tpu.matmul %get3A_10, %slice3A_39, %dot_general3A_40 {dimension_numbers = #tpu.dot_dimension_numbers<[1], [0], [0], [1], [0, 0, 1, 1], [], []>, transpose_lhs_hint = false} : vector<1x256xf32>, vector<256x128xf32>, vector<1x128xf32> -> vector<1x128xf32>
    %add3A_42 = arith.addf %dot_general3A_38, %dot_general3A_41 : vector<1x128xf32>
    %get3A_43 = arith.constant 0 : index
    %get3A_44 = arith.constant 0 : index
    %get3A_45 = vector.load %arg13[%get3A_43, %get3A_44] : memref<1x128xf32, #tpu.memory_space<vmem>>, vector<1x128xf32>
    %get3A_46 = arith.constant 0 : index
    %get3A_47 = arith.constant 0 : index
    %get3A_48 = vector.load %arg14[%get3A_46, %get3A_47] : memref<1x128xf32, #tpu.memory_space<vmem>>, vector<1x128xf32>
    %add3A_49 = arith.addf %get3A_45, %get3A_48 : vector<1x128xf32>
    %slice3A_50 = vector.extract_strided_slice %add3A {offsets = [128, 0], sizes = [16, 128], strides = [1, 1]} : vector<400x128xf32> to vector<16x128xf32>
    %dot_general3A_51 = arith.constant dense<0.000000e+00> : vector<1x128xf32>
    %dot_general3A_52 = tpu.matmul %get3A_7, %slice3A_50, %dot_general3A_51 {dimension_numbers = #tpu.dot_dimension_numbers<[1], [0], [0], [1], [0, 0, 1, 1], [], []>, transpose_lhs_hint = false} : vector<1x16xf32>, vector<16x128xf32>, vector<1x128xf32> -> vector<1x128xf32>
    %slice3A_53 = vector.extract_strided_slice %add3A {offsets = [144, 0], sizes = [256, 128], strides = [1, 1]} : vector<400x128xf32> to vector<256x128xf32>
    %dot_general3A_54 = arith.constant dense<0.000000e+00> : vector<1x128xf32>
    %dot_general3A_55 = tpu.matmul %get3A_10, %slice3A_53, %dot_general3A_54 {dimension_numbers = #tpu.dot_dimension_numbers<[1], [0], [0], [1], [0, 0, 1, 1], [], []>, transpose_lhs_hint = false} : vector<1x256xf32>, vector<256x128xf32>, vector<1x128xf32> -> vector<1x128xf32>
    %add3A_56 = arith.addf %dot_general3A_52, %dot_general3A_55 : vector<1x128xf32>
    %add3A_57 = arith.addf %add3A_49, %add3A_56 : vector<1x128xf32>
    %get3A_58 = arith.constant 0 : index
    %get3A_59 = arith.constant 0 : index
    %get3A_60 = vector.load %arg3[%get3A_58, %get3A_59] : memref<2000x1xf32, #tpu.memory_space<vmem>>, vector<2000x1xf32>
    %get3A_61 = arith.constant 0 : index
    %get3A_62 = arith.constant 0 : index
    %get3A_63 = vector.load %arg5[%get3A_61, %get3A_62] : memref<2000x1xf32, #tpu.memory_space<vmem>>, vector<2000x1xf32>
    %get3A_64 = arith.constant 0 : index
    %get3A_65 = arith.constant 0 : index
    %get3A_66 = vector.load %arg2[%get3A_64, %get3A_65] : memref<2000x128xf32, #tpu.memory_space<vmem>>, vector<2000x128xf32>
    %max3A = arith.constant 1.000000e+00 : f32
    %max3A_67 = vector.broadcast %max3A : f32 to vector<2000x1xf32>
    %max3A_68 = arith.maximumf %get3A_60, %max3A_67 : vector<2000x1xf32>
    %div3A = arith.constant 1.000000e+00 : f32
    %div3A_69 = vector.broadcast %div3A : f32 to vector<2000x1xf32>
    %div3A_70 = arith.divf %div3A_69, %max3A_68 : vector<2000x1xf32>
    %mul3A = vector.broadcast %div3A_70 : vector<2000x1xf32> to vector<2000x128xf32>
    %mul3A_71 = arith.mulf %get3A_66, %mul3A : vector<2000x128xf32>
    %get3A_72 = arith.constant 0 : index
    %get3A_73 = arith.constant 0 : index
    %get3A_74 = vector.load %arg4[%get3A_72, %get3A_73] : memref<2000x128xf32, #tpu.memory_space<vmem>>, vector<2000x128xf32>
    %max3A_75 = arith.constant 1.000000e+00 : f32
    %max3A_76 = vector.broadcast %max3A_75 : f32 to vector<2000x1xf32>
    %max3A_77 = arith.maximumf %get3A_63, %max3A_76 : vector<2000x1xf32>
    %div3A_78 = arith.constant 1.000000e+00 : f32
    %div3A_79 = vector.broadcast %div3A_78 : f32 to vector<2000x1xf32>
    %div3A_80 = arith.divf %div3A_79, %max3A_77 : vector<2000x1xf32>
    %mul3A_81 = vector.broadcast %div3A_80 : vector<2000x1xf32> to vector<2000x128xf32>
    %mul3A_82 = arith.mulf %get3A_74, %mul3A_81 : vector<2000x128xf32>
    %gt3A = arith.constant 0.000000e+00 : f32
    %gt3A_83 = vector.broadcast %gt3A : f32 to vector<2000x1xf32>
    %gt3A_84 = arith.cmpf ogt, %get3A_60, %gt3A_83 : vector<2000x1xf32>
    %convert_element_type3A = arith.extui %gt3A_84 : vector<2000x1xi1> to vector<2000x1xi32>
    %convert_element_type3A_85 = arith.sitofp %convert_element_type3A : vector<2000x1xi32> to vector<2000x1xf32>
    %dot_general3A_86 = arith.constant dense<0.000000e+00> : vector<2000x128xf32>
    %dot_general3A_87 = tpu.matmul %mul3A_71, %add3A_26, %dot_general3A_86 {dimension_numbers = #tpu.dot_dimension_numbers<[1], [0], [0], [1], [0, 0, 1, 1], [], []>, transpose_lhs_hint = false} : vector<2000x128xf32>, vector<128x128xf32>, vector<2000x128xf32> -> vector<2000x128xf32>
    %get3A_88 = arith.constant 0 : index
    %get3A_89 = arith.constant 0 : index
    %get3A_90 = vector.load %arg10[%get3A_88, %get3A_89] : memref<128x128xf32, #tpu.memory_space<vmem>>, vector<128x128xf32>
    %dot_general3A_91 = arith.constant dense<0.000000e+00> : vector<2000x128xf32>
    %dot_general3A_92 = tpu.matmul %mul3A_82, %get3A_90, %dot_general3A_91 {dimension_numbers = #tpu.dot_dimension_numbers<[1], [0], [0], [1], [0, 0, 1, 1], [], []>, transpose_lhs_hint = false} : vector<2000x128xf32>, vector<128x128xf32>, vector<2000x128xf32> -> vector<2000x128xf32>
    %add3A_93 = arith.addf %dot_general3A_87, %dot_general3A_92 : vector<2000x128xf32>
    %get3A_94 = arith.constant 0 : index
    %get3A_95 = arith.constant 0 : index
    %get3A_96 = vector.load %arg1[%get3A_94, %get3A_95] : memref<2000x128xf32, #tpu.memory_space<vmem>>, vector<2000x128xf32>
    %dot_general3A_97 = arith.constant dense<0.000000e+00> : vector<2000x128xf32>
    %dot_general3A_98 = tpu.matmul %get3A_96, %add3A_35, %dot_general3A_97 {dimension_numbers = #tpu.dot_dimension_numbers<[1], [0], [0], [1], [0, 0, 1, 1], [], []>, transpose_lhs_hint = false} : vector<2000x128xf32>, vector<128x128xf32>, vector<2000x128xf32> -> vector<2000x128xf32>
    %add3A_99 = arith.addf %add3A_93, %dot_general3A_98 : vector<2000x128xf32>
    %mul3A_100 = vector.broadcast %convert_element_type3A_85 : vector<2000x1xf32> to vector<2000x128xf32>
    %mul3A_101 = vector.broadcast %add3A_42 : vector<1x128xf32> to vector<2000x128xf32>
    %mul3A_102 = arith.mulf %mul3A_100, %mul3A_101 : vector<2000x128xf32>
    %add3A_103 = arith.addf %add3A_99, %mul3A_102 : vector<2000x128xf32>
    %add3A_104 = vector.broadcast %add3A_57 : vector<1x128xf32> to vector<2000x128xf32>
    %add3A_105 = arith.addf %add3A_103, %add3A_104 : vector<2000x128xf32>
    %max3A_106 = arith.constant 0.000000e+00 : f32
    %max3A_107 = vector.broadcast %max3A_106 : f32 to vector<2000x128xf32>
    %max3A_108 = arith.maximumf %add3A_105, %max3A_107 : vector<2000x128xf32>
    %swap3A = arith.constant 0 : index
    %swap3A_109 = arith.constant 0 : index
    %swap3A_110 = vector.load %arg28[%swap3A, %swap3A_109] : memref<2000x128xf32, #tpu.memory_space<vmem>>, vector<2000x128xf32>
    tpu.vector_store %arg28[%swap3A, %swap3A_109], %max3A_108 {strides = array<i32>} : memref<2000x128xf32, #tpu.memory_space<vmem>>, vector<2000x128xf32>,
    %get3A_111 = arith.constant 0 : index
    %get3A_112 = arith.constant 0 : index
    %get3A_113 = vector.load %arg20[%get3A_111, %get3A_112] : memref<128x16xf32, #tpu.memory_space<vmem>>, vector<128x16xf32>
    %dot_general3A_114 = arith.constant dense<0.000000e+00> : vector<2000x16xf32>
    %dot_general3A_115 = tpu.matmul %max3A_108, %get3A_113, %dot_general3A_114 {dimension_numbers = #tpu.dot_dimension_numbers<[1], [0], [0], [1], [0, 0, 1, 1], [], []>, transpose_lhs_hint = false} : vector<2000x128xf32>, vector<128x16xf32>, vector<2000x16xf32> -> vector<2000x16xf32>
    %get3A_116 = arith.constant 0 : index
    %get3A_117 = arith.constant 0 : index
    %get3A_118 = vector.load %arg21[%get3A_116, %get3A_117] : memref<1x16xf32, #tpu.memory_space<vmem>>, vector<1x16xf32>
    %add3A_119 = vector.broadcast %get3A_118 : vector<1x16xf32> to vector<2000x16xf32>
    %add3A_120 = arith.addf %dot_general3A_115, %add3A_119 : vector<2000x16xf32>
    %swap3A_121 = arith.constant 0 : index
    %swap3A_122 = arith.constant 0 : index
    %swap3A_123 = vector.load %arg29[%swap3A_121, %swap3A_122] : memref<2000x16xf32, #tpu.memory_space<vmem>>, vector<2000x16xf32>
    tpu.vector_store %arg29[%swap3A_121, %swap3A_122], %add3A_120 {strides = array<i32>} : memref<2000x16xf32, #tpu.memory_space<vmem>>, vector<2000x16xf32>,
    %get3A_124 = arith.constant 0 : index
    %get3A_125 = arith.constant 0 : index
    %get3A_126 = vector.load %arg22[%get3A_124, %get3A_125] : memref<128x256xf32, #tpu.memory_space<vmem>>, vector<128x256xf32>
    %dot_general3A_127 = arith.constant dense<0.000000e+00> : vector<2000x256xf32>
    %dot_general3A_128 = tpu.matmul %max3A_108, %get3A_126, %dot_general3A_127 {dimension_numbers = #tpu.dot_dimension_numbers<[1], [0], [0], [1], [0, 0, 1, 1], [], []>, transpose_lhs_hint = false} : vector<2000x128xf32>, vector<128x256xf32>, vector<2000x256xf32> -> vector<2000x256xf32>
    %get3A_129 = arith.constant 0 : index
    %get3A_130 = arith.constant 0 : index
    %get3A_131 = vector.load %arg23[%get3A_129, %get3A_130] : memref<1x256xf32, #tpu.memory_space<vmem>>, vector<1x256xf32>
    %add3A_132 = vector.broadcast %get3A_131 : vector<1x256xf32> to vector<2000x256xf32>
    %add3A_133 = arith.addf %dot_general3A_128, %add3A_132 : vector<2000x256xf32>
    %swap3A_134 = arith.constant 0 : index
    %swap3A_135 = arith.constant 0 : index
    %swap3A_136 = vector.load %arg30[%swap3A_134, %swap3A_135] : memref<2000x256xf32, #tpu.memory_space<vmem>>, vector<2000x256xf32>
    tpu.vector_store %arg30[%swap3A_134, %swap3A_135], %add3A_133 {strides = array<i32>} : memref<2000x256xf32, #tpu.memory_space<vmem>>, vector<2000x256xf32>,
    %neg3A = arith.constant 0.000000e+00 : f32
    %neg3A_137 = vector.broadcast %neg3A : f32 to vector<2000x256xf32>
    %neg3A_138 = arith.subf %neg3A_137, %add3A_133 : vector<2000x256xf32>
    %exp3A = math.exp %neg3A_138 : vector<2000x256xf32>
    %add3A_139 = arith.constant 1.000000e+00 : f32
    %add3A_140 = vector.broadcast %add3A_139 : f32 to vector<2000x256xf32>
    %add3A_141 = arith.addf %add3A_140, %exp3A : vector<2000x256xf32>
    %div3A_142 = arith.constant 1.000000e+00 : f32
    %div3A_143 = vector.broadcast %div3A_142 : f32 to vector<2000x256xf32>
    %div3A_144 = arith.divf %div3A_143, %add3A_141 : vector<2000x256xf32>
    %get3A_145 = arith.constant 0 : index
    %get3A_146 = arith.constant 0 : index
    %get3A_147 = vector.load %arg6[%get3A_145, %get3A_146] : memref<2000x256xf32, #tpu.memory_space<vmem>>, vector<2000x256xf32>
    %mul3A_148 = arith.mulf %div3A_144, %get3A_147 : vector<2000x256xf32>
    %get3A_149 = arith.constant 0 : index
    %get3A_150 = arith.constant 0 : index
    %get3A_151 = vector.load %arg24[%get3A_149, %get3A_150] : memref<1x256xf32, #tpu.memory_space<vmem>>, vector<1x256xf32>
    %mul3A_152 = vector.broadcast %get3A_151 : vector<1x256xf32> to vector<2000x256xf32>
    %mul3A_153 = arith.mulf %mul3A_148, %mul3A_152 : vector<2000x256xf32>
    %reduce_sum3A = arith.constant dense<0.000000e+00> : vector<2000xf32>
    %reduce_sum3A_154 = vector.multi_reduction <add>, %mul3A_153, %reduce_sum3A [1] : vector<2000x256xf32> to vector<2000xf32>
    %broadcast_in_dim3A = vector.shape_cast %reduce_sum3A_154 : vector<2000xf32> to vector<2000x1xf32>
    %swap3A_155 = arith.constant 0 : index
    %swap3A_156 = arith.constant 0 : index
    %swap3A_157 = vector.load %arg31[%swap3A_155, %swap3A_156] : memref<2000x1xf32, #tpu.memory_space<vmem>>, vector<2000x1xf32>
    tpu.vector_store %arg31[%swap3A_155, %swap3A_156], %broadcast_in_dim3A {strides = array<i32>} : memref<2000x1xf32, #tpu.memory_space<vmem>>, vector<2000x1xf32>,
    %eq3A = arith.constant 0 : i32
    %eq3A_158 = arith.cmpi eq, %arg0, %eq3A : i32
    %convert_element_type3A_159 = arith.extui %eq3A_158 : i1 to i32
    %cond3A = arith.constant 0 : i32
    %cond3A_160 = arith.cmpi ne, %convert_element_type3A_159, %cond3A : i32
    scf.if %cond3A_160 {
      %get3A_161 = arith.constant 0 : index
      %get3A_162 = arith.constant 0 : index
      %get3A_163 = vector.load %arg11[%get3A_161, %get3A_162] : memref<400x128xf32, #tpu.memory_space<vmem>>, vector<400x128xf32>
      %slice3A_164 = vector.extract_strided_slice %get3A_163 {offsets = [0, 0], sizes = [128, 128], strides = [1, 1]} : vector<400x128xf32> to vector<128x128xf32>
      %slice3A_165 = vector.extract_strided_slice %get3A_163 {offsets = [128, 0], sizes = [16, 128], strides = [1, 1]} : vector<400x128xf32> to vector<16x128xf32>
      %dot_general3A_166 = arith.constant dense<0.000000e+00> : vector<128x128xf32>
      %dot_general3A_167 = tpu.matmul %get3A_1, %slice3A_165, %dot_general3A_166 {dimension_numbers = #tpu.dot_dimension_numbers<[1], [0], [0], [1], [0, 0, 1, 1], [], []>, transpose_lhs_hint = false} : vector<128x16xf32>, vector<16x128xf32>, vector<128x128xf32> -> vector<128x128xf32>
      %add3A_168 = arith.addf %slice3A_164, %dot_general3A_167 : vector<128x128xf32>
      %slice3A_169 = vector.extract_strided_slice %get3A_163 {offsets = [144, 0], sizes = [256, 128], strides = [1, 1]} : vector<400x128xf32> to vector<256x128xf32>
      %dot_general3A_170 = arith.constant dense<0.000000e+00> : vector<128x128xf32>
      %dot_general3A_171 = tpu.matmul %get3A_4, %slice3A_169, %dot_general3A_170 {dimension_numbers = #tpu.dot_dimension_numbers<[1], [0], [0], [1], [0, 0, 1, 1], [], []>, transpose_lhs_hint = false} : vector<128x256xf32>, vector<256x128xf32>, vector<128x128xf32> -> vector<128x128xf32>
      %add3A_172 = arith.addf %add3A_168, %dot_general3A_171 : vector<128x128xf32>
      %slice3A_173 = vector.extract_strided_slice %get3A_163 {offsets = [128, 0], sizes = [16, 128], strides = [1, 1]} : vector<400x128xf32> to vector<16x128xf32>
      %dot_general3A_174 = arith.constant dense<0.000000e+00> : vector<1x128xf32>
      %dot_general3A_175 = tpu.matmul %get3A_7, %slice3A_173, %dot_general3A_174 {dimension_numbers = #tpu.dot_dimension_numbers<[1], [0], [0], [1], [0, 0, 1, 1], [], []>, transpose_lhs_hint = false} : vector<1x16xf32>, vector<16x128xf32>, vector<1x128xf32> -> vector<1x128xf32>
      %slice3A_176 = vector.extract_strided_slice %get3A_163 {offsets = [144, 0], sizes = [256, 128], strides = [1, 1]} : vector<400x128xf32> to vector<256x128xf32>
      %dot_general3A_177 = arith.constant dense<0.000000e+00> : vector<1x128xf32>
      %dot_general3A_178 = tpu.matmul %get3A_10, %slice3A_176, %dot_general3A_177 {dimension_numbers = #tpu.dot_dimension_numbers<[1], [0], [0], [1], [0, 0, 1, 1], [], []>, transpose_lhs_hint = false} : vector<1x256xf32>, vector<256x128xf32>, vector<1x128xf32> -> vector<1x128xf32>
      %add3A_179 = arith.addf %dot_general3A_175, %dot_general3A_178 : vector<1x128xf32>
      %get3A_180 = arith.constant 0 : index
      %get3A_181 = arith.constant 0 : index
      %get3A_182 = vector.load %arg15[%get3A_180, %get3A_181] : memref<1x128xf32, #tpu.memory_space<vmem>>, vector<1x128xf32>
      %add3A_183 = arith.addf %add3A_179, %get3A_182 : vector<1x128xf32>
      %get3A_184 = arith.constant 0 : index
      %get3A_185 = arith.constant 0 : index
      %get3A_186 = vector.load %arg26[%get3A_184, %get3A_185] : memref<256x1xf32, #tpu.memory_space<vmem>>, vector<256x1xf32>
      %get3A_187 = arith.constant 0 : index
      %get3A_188 = arith.constant 0 : index
      %get3A_189 = vector.load %arg25[%get3A_187, %get3A_188] : memref<256x128xf32, #tpu.memory_space<vmem>>, vector<256x128xf32>
      %max3A_190 = arith.constant 1.000000e+00 : f32
      %max3A_191 = vector.broadcast %max3A_190 : f32 to vector<256x1xf32>
      %max3A_192 = arith.maximumf %get3A_186, %max3A_191 : vector<256x1xf32>
      %div3A_193 = arith.constant 1.000000e+00 : f32
      %div3A_194 = vector.broadcast %div3A_193 : f32 to vector<256x1xf32>
      %div3A_195 = arith.divf %div3A_194, %max3A_192 : vector<256x1xf32>
      %mul3A_196 = vector.broadcast %div3A_195 : vector<256x1xf32> to vector<256x128xf32>
      %mul3A_197 = arith.mulf %get3A_189, %mul3A_196 : vector<256x128xf32>
      %gt3A_198 = arith.constant 0.000000e+00 : f32
      %gt3A_199 = vector.broadcast %gt3A_198 : f32 to vector<256x1xf32>
      %gt3A_200 = arith.cmpf ogt, %get3A_186, %gt3A_199 : vector<256x1xf32>
      %convert_element_type3A_201 = arith.extui %gt3A_200 : vector<256x1xi1> to vector<256x1xi32>
      %convert_element_type3A_202 = arith.sitofp %convert_element_type3A_201 : vector<256x1xi32> to vector<256x1xf32>
      %dot_general3A_203 = arith.constant dense<0.000000e+00> : vector<256x128xf32>
      %dot_general3A_204 = tpu.matmul %mul3A_197, %add3A_172, %dot_general3A_203 {dimension_numbers = #tpu.dot_dimension_numbers<[1], [0], [0], [1], [0, 0, 1, 1], [], []>, transpose_lhs_hint = false} : vector<256x128xf32>, vector<128x128xf32>, vector<256x128xf32> -> vector<256x128xf32>
      %mul3A_205 = vector.broadcast %convert_element_type3A_202 : vector<256x1xf32> to vector<256x128xf32>
      %mul3A_206 = vector.broadcast %add3A_183 : vector<1x128xf32> to vector<256x128xf32>
      %mul3A_207 = arith.mulf %mul3A_205, %mul3A_206 : vector<256x128xf32>
      %add3A_208 = arith.addf %dot_general3A_204, %mul3A_207 : vector<256x128xf32>
      %get3A_209 = arith.constant 0 : index
      %get3A_210 = arith.constant 0 : index
      %get3A_211 = vector.load %arg27[%get3A_209, %get3A_210] : memref<256x128xf32, #tpu.memory_space<vmem>>, vector<256x128xf32>
      %get3A_212 = arith.constant 0 : index
      %get3A_213 = arith.constant 0 : index
      %get3A_214 = vector.load %arg12[%get3A_212, %get3A_213] : memref<128x128xf32, #tpu.memory_space<vmem>>, vector<128x128xf32>
      %dot_general3A_215 = arith.constant dense<0.000000e+00> : vector<256x128xf32>
      %dot_general3A_216 = tpu.matmul %get3A_211, %get3A_214, %dot_general3A_215 {dimension_numbers = #tpu.dot_dimension_numbers<[1], [0], [0], [1], [0, 0, 1, 1], [], []>, transpose_lhs_hint = false} : vector<256x128xf32>, vector<128x128xf32>, vector<256x128xf32> -> vector<256x128xf32>
      %add3A_217 = arith.addf %add3A_208, %dot_general3A_216 : vector<256x128xf32>
      %max3A_218 = arith.constant 0.000000e+00 : f32
      %max3A_219 = vector.broadcast %max3A_218 : f32 to vector<256x128xf32>
      %max3A_220 = arith.maximumf %add3A_217, %max3A_219 : vector<256x128xf32>
      %swap3A_221 = arith.constant 0 : index
      %swap3A_222 = arith.constant 0 : index
      %swap3A_223 = vector.load %arg32[%swap3A_221, %swap3A_222] : memref<256x128xf32, #tpu.memory_space<vmem>>, vector<256x128xf32>
      tpu.vector_store %arg32[%swap3A_221, %swap3A_222], %max3A_220 {strides = array<i32>} : memref<256x128xf32, #tpu.memory_space<vmem>>, vector<256x128xf32>,
    } else {
    }
    return
  }
  func.func @transform_0(%arg0: i32) -> (i32, i32) {
    %c0_i32 = arith.constant 0 : i32
    %c0_i32_0 = arith.constant 0 : i32
    return %arg0, %c0_i32 : i32, i32
  }
  func.func @transform_1(%arg0: i32) -> (i32, i32) {
    %c0_i32 = arith.constant 0 : i32
    %c0_i32_0 = arith.constant 0 : i32
    return %arg0, %c0_i32 : i32, i32
  }
  func.func @transform_2(%arg0: i32) -> (i32, i32) {
    %c0_i32 = arith.constant 0 : i32
    %c0_i32_0 = arith.constant 0 : i32
    return %arg0, %c0_i32 : i32, i32
  }
  func.func @transform_3(%arg0: i32) -> (i32, i32) {
    %c0_i32 = arith.constant 0 : i32
    %c0_i32_0 = arith.constant 0 : i32
    return %arg0, %c0_i32 : i32, i32
  }
  func.func @transform_4(%arg0: i32) -> (i32, i32) {
    %c0_i32 = arith.constant 0 : i32
    %c0_i32_0 = arith.constant 0 : i32
    return %arg0, %c0_i32 : i32, i32
  }
  func.func @transform_5(%arg0: i32) -> (i32, i32) {
    %c0_i32 = arith.constant 0 : i32
    %c0_i32_0 = arith.constant 0 : i32
    return %arg0, %c0_i32 : i32, i32
  }
  func.func @transform_6(%arg0: i32) -> (i32, i32) {
    %c0_i32 = arith.constant 0 : i32
    %c0_i32_0 = arith.constant 0 : i32
    %c0_i32_1 = arith.constant 0 : i32
    return %c0_i32, %c0_i32_0 : i32, i32
  }
  func.func @transform_7(%arg0: i32) -> (i32, i32) {
    %c0_i32 = arith.constant 0 : i32
    %c0_i32_0 = arith.constant 0 : i32
    %c0_i32_1 = arith.constant 0 : i32
    return %c0_i32, %c0_i32_0 : i32, i32
  }
  func.func @transform_8(%arg0: i32) -> (i32, i32) {
    %c0_i32 = arith.constant 0 : i32
    %c0_i32_0 = arith.constant 0 : i32
    %c0_i32_1 = arith.constant 0 : i32
    return %c0_i32, %c0_i32_0 : i32, i32
  }
  func.func @transform_9(%arg0: i32) -> (i32, i32) {
    %c0_i32 = arith.constant 0 : i32
    %c0_i32_0 = arith.constant 0 : i32
    %c0_i32_1 = arith.constant 0 : i32
    return %c0_i32, %c0_i32_0 : i32, i32
  }
  func.func @transform_10(%arg0: i32) -> (i32, i32) {
    %c0_i32 = arith.constant 0 : i32
    %c0_i32_0 = arith.constant 0 : i32
    %c0_i32_1 = arith.constant 0 : i32
    return %c0_i32, %c0_i32_0 : i32, i32
  }
  func.func @transform_11(%arg0: i32) -> (i32, i32) {
    %c0_i32 = arith.constant 0 : i32
    %c0_i32_0 = arith.constant 0 : i32
    %c0_i32_1 = arith.constant 0 : i32
    return %c0_i32, %c0_i32_0 : i32, i32
  }
  func.func @transform_12(%arg0: i32) -> (i32, i32) {
    %c0_i32 = arith.constant 0 : i32
    %c0_i32_0 = arith.constant 0 : i32
    %c0_i32_1 = arith.constant 0 : i32
    return %c0_i32, %c0_i32_0 : i32, i32
  }
  func.func @transform_13(%arg0: i32) -> (i32, i32) {
    %c0_i32 = arith.constant 0 : i32
    %c0_i32_0 = arith.constant 0 : i32
    %c0_i32_1 = arith.constant 0 : i32
    return %c0_i32, %c0_i32_0 : i32, i32
  }
  func.func @transform_14(%arg0: i32) -> (i32, i32) {
    %c0_i32 = arith.constant 0 : i32
    %c0_i32_0 = arith.constant 0 : i32
    %c0_i32_1 = arith.constant 0 : i32
    return %c0_i32, %c0_i32_0 : i32, i32
  }
  func.func @transform_15(%arg0: i32) -> (i32, i32) {
    %c0_i32 = arith.constant 0 : i32
    %c0_i32_0 = arith.constant 0 : i32
    %c0_i32_1 = arith.constant 0 : i32
    return %c0_i32, %c0_i32_0 : i32, i32
  }
  func.func @transform_16(%arg0: i32) -> (i32, i32) {
    %c0_i32 = arith.constant 0 : i32
    %c0_i32_0 = arith.constant 0 : i32
    %c0_i32_1 = arith.constant 0 : i32
    return %c0_i32, %c0_i32_0 : i32, i32
  }
  func.func @transform_17(%arg0: i32) -> (i32, i32) {
    %c0_i32 = arith.constant 0 : i32
    %c0_i32_0 = arith.constant 0 : i32
    %c0_i32_1 = arith.constant 0 : i32
    return %c0_i32, %c0_i32_0 : i32, i32
  }
  func.func @transform_18(%arg0: i32) -> (i32, i32) {
    %c0_i32 = arith.constant 0 : i32
    %c0_i32_0 = arith.constant 0 : i32
    %c0_i32_1 = arith.constant 0 : i32
    return %c0_i32, %c0_i32_0 : i32, i32
  }
  func.func @transform_19(%arg0: i32) -> (i32, i32) {
    %c0_i32 = arith.constant 0 : i32
    %c0_i32_0 = arith.constant 0 : i32
    %c0_i32_1 = arith.constant 0 : i32
    return %c0_i32, %c0_i32_0 : i32, i32
  }
  func.func @transform_20(%arg0: i32) -> (i32, i32) {
    %c0_i32 = arith.constant 0 : i32
    %c0_i32_0 = arith.constant 0 : i32
    %c0_i32_1 = arith.constant 0 : i32
    return %c0_i32, %c0_i32_0 : i32, i32
  }
  func.func @transform_21(%arg0: i32) -> (i32, i32) {
    %c0_i32 = arith.constant 0 : i32
    %c0_i32_0 = arith.constant 0 : i32
    %c0_i32_1 = arith.constant 0 : i32
    return %c0_i32, %c0_i32_0 : i32, i32
  }
  func.func @transform_22(%arg0: i32) -> (i32, i32) {
    %c0_i32 = arith.constant 0 : i32
    %c0_i32_0 = arith.constant 0 : i32
    %c0_i32_1 = arith.constant 0 : i32
    return %c0_i32, %c0_i32_0 : i32, i32
  }
  func.func @transform_23(%arg0: i32) -> (i32, i32) {
    %c0_i32 = arith.constant 0 : i32
    %c0_i32_0 = arith.constant 0 : i32
    %c0_i32_1 = arith.constant 0 : i32
    return %c0_i32, %c0_i32_0 : i32, i32
  }
  func.func @transform_24(%arg0: i32) -> (i32, i32) {
    %c0_i32 = arith.constant 0 : i32
    %c0_i32_0 = arith.constant 0 : i32
    %c0_i32_1 = arith.constant 0 : i32
    return %c0_i32, %c0_i32_0 : i32, i32
  }
  func.func @transform_25(%arg0: i32) -> (i32, i32) {
    %c0_i32 = arith.constant 0 : i32
    %c0_i32_0 = arith.constant 0 : i32
    %c0_i32_1 = arith.constant 0 : i32
    return %c0_i32, %c0_i32_0 : i32, i32
  }
  func.func @transform_26(%arg0: i32) -> (i32, i32) {
    %c0_i32 = arith.constant 0 : i32
    %c0_i32_0 = arith.constant 0 : i32
    %c0_i32_1 = arith.constant 0 : i32
    return %c0_i32, %c0_i32_0 : i32, i32
  }
  func.func @transform_27(%arg0: i32) -> (i32, i32) {
    %c0_i32 = arith.constant 0 : i32
    %c0_i32_0 = arith.constant 0 : i32
    return %arg0, %c0_i32 : i32, i32
  }
  func.func @transform_28(%arg0: i32) -> (i32, i32) {
    %c0_i32 = arith.constant 0 : i32
    %c0_i32_0 = arith.constant 0 : i32
    return %arg0, %c0_i32 : i32, i32
  }
  func.func @transform_29(%arg0: i32) -> (i32, i32) {
    %c0_i32 = arith.constant 0 : i32
    %c0_i32_0 = arith.constant 0 : i32
    return %arg0, %c0_i32 : i32, i32
  }
  func.func @transform_30(%arg0: i32) -> (i32, i32) {
    %c0_i32 = arith.constant 0 : i32
    %c0_i32_0 = arith.constant 0 : i32
    return %arg0, %c0_i32 : i32, i32
  }
  func.func @transform_31(%arg0: i32) -> (i32, i32) {
    %c0_i32 = arith.constant 0 : i32
    %c0_i32_0 = arith.constant 0 : i32
    %c0_i32_1 = arith.constant 0 : i32
    return %c0_i32, %c0_i32_0 : i32, i32
  }
}

</mosaic_0001>

<sc_bundles>
// kernel: kernel.10.cloned.1.call-start
scs
__scs_entry_jumppad:
0x0: {  	(pc) =	sbr.rel $0x88, $3  }
0x1: {  	(tag) =	ssettag $0x0;
	lr =	simm.s32 $0x1  }
0x2: {  	[smem:$0x3F5E] =	sst lr;
	_ =	strace $0xD0000000  }
0x3: {  	_ = 	snop  }
0x4: {  	_ = 	snop  }
0x5: {  	_ = 	snop  }
0x6: {  	_ = 	snop  }
0x7: {  	_ = 	snop  }
__scs_overlays_trampoline_lowered:
0x8: {  	[smem:$0x3F6D] =	sst s0  }
0x9: {  	[smem:$0x3F6E] =	sst s1  }
0xa: {  	[smem:$0x3F6F] =	sst s2  }
0xb: {  	[smem:$0x3F70] =	sst s3  }
0xc: {  	[smem:$0x3F71] =	sst s4  }
0xd: {  	[smem:$0x3F72] =	sst s5  }
0xe: {  	[smem:$0x3F73] =	sst s6  }
0xf: {  	[smem:$0x3F74] =	sst s7  }
0x10: {  	[smem:$0x3F75] =	sst s8  }
0x11: {  	[smem:$0x3F76] =	sst s9;
	s0 =	simm.s32 @!p0 $0x0  }
0x12: {  	s1 =	sld [smem:$0x3F5C];
	s0 =	simm.s32 @p0 $0x1  }
0x13: {  	[smem:$0x3F77] =	sst s0;
	s0 =	simm.s32 @!p1 $0x0  }
0x14: {  	s2 =	sld [smem:$0x3F5B];
	s0 =	simm.s32 @p1 $0x1  }
0x15: {  	[smem:$0x3F78] =	sst s0;
	s0 =	simm.s32 @!p2 $0x0  }
0x16: {  	s3 =	sld [smem:$0x3FDB];
	s0 =	simm.s32 @p2 $0x1  }
0x17: {  	s4 =	simm.s32 $0x1BF5;
	[smem:$0x3F7A] =	sst s0  }
0x18: {  	s0 =	sld [smem:$0x3F5D];
	_ =	swait.ge [sflag:s4], $0x0  }
0x19: {  	s7 =	sld [smem:$0x3F5E]  }
0x1a: {  	s8 =	sadd.s32 $0xFFFFE003, lr  }
0x1b: {  	s9 =	sadd.s32 $0xFFFFFEF7, lr;
	s5 =	simm.s32 $0xFFFFFFFF;
	p2 =	slt.u32 s8, $0xFFFFF086  }
0x1c: {  	p1 =	slt.u32 s9, $0xF7A;
	s5 =	simm.s32 @!p2 $0x0  }
0x1d: {  	s5 =	simm.s32 @p1 $0x1;
	p0 =	seq.s32 s7, s2  }
0x1e: {  	s7 =	smul.u32 @!p0 $0xF7A, s2;
	p2 =	seq.s32 @!p0 s5, $0x0  }
0x1f: {  	s9 =	smul.u32 $0xF7A, s1;
	s8 =	simm.s32 @!p0 $0x1BF5;
	p2 =	por !p2, p0  }
0x20: {  	[sflag:s8] =	ssyncset.s32 @!p0 $0xFFFFF086;
	s6 =	sadd.s32 @!p0 s3, s7;
	s7 =	simm.s32 @!p0 $0x108  }
0x21: {  	s3 =	sadd.s32 s3, s9;
	s6 =	sadd.s32 @!p0 $0x88, s6;
	s7 =	simm.s32 @p2 $0x1082  }
0x22: {  	[simem:s7], [sflag:s8] =	dma.local @!p0 [hbm:s6], $0xF7A  }
0x23: {  	s9 =	sor.u32 $0xD0000000, s2;
	s6 =	simm.s32 $0x108;
	_ =	swait.ge @!p0 [sflag:s8], $0x0  }
0x24: {  	s3 =	sadd.s32 $0x88, s3;
	s6 =	simm.s32 @!p1 $0x1082;
	[sflag:s4] =	ssyncset.s32 $0xFFFFF086  }
0x25: {  	[simem:s6], [sflag:s4] =	dma.local [hbm:s3], $0xF7A  }
0x26: {  	[smem:$0x3F5E] =	sst s1;
	(tag) =	ssettag s2;
	_ =	strace s9  }
0x27: {  	s1 =	sld [smem:$0x3F6E]  }
0x28: {  	s2 =	sld [smem:$0x3F6F]  }
0x29: {  	s4 =	sld [smem:$0x3F71]  }
0x2a: {  	p0 =	seq.s32 s5, $0x0;
	s5 =	sld [smem:$0x3F72]  }
0x2b: {  	s6 =	sld [smem:$0x3F73]  }
0x2c: {  	s7 =	sld [smem:$0x3F74]  }
0x2d: {  	s3 =	simm.s32 $0x108;
	s8 =	sld [smem:$0x3F75]  }
0x2e: {  	s3 =	simm.s32 @!p0 $0x1082;
	s9 =	sld [smem:$0x3F76]  }
0x2f: {  	lr =	sadd.s32 s0, s3;
	s0 =	sld [smem:$0x3F6D]  }
0x30: {  	s3 =	sld [smem:$0x3F70]  }
0x31: {  	[smem:$0x3F79] =	sst s10  }
0x32: {  	s10 =	sld [smem:$0x3F77];
	_ =	sdelay $0x3  }
0x33: {  	p0 =	seq.s32 s10, $0x1;
	s10 =	sld [smem:$0x3F79];
	_ =	sdelay $0x3  }
0x34: {  	[smem:$0x3F79] =	sst s10  }
0x35: {  	s10 =	sld [smem:$0x3F78];
	_ =	sdelay $0x3  }
0x36: {  	p1 =	seq.s32 s10, $0x1;
	s10 =	sld [smem:$0x3F79];
	_ =	sdelay $0x3  }
0x37: {  	[smem:$0x3F79] =	sst s10  }
0x38: {  	s10 =	sld [smem:$0x3F7A]  }
0x39: {  	_ = 	snop;
	(pc) =	sbr.ind lr, $3  }
0x3a: {  	_ = 	snop  }
0x3b: {  	_ = 	snop  }
0x3c: {  	p2 =	seq.s32 s10, $0x1;
	s10 =	sld [smem:$0x3F79]  }
0x3d: {  	_ =	shalt  }
0x3e: {  	_ =	shalt  }
0x3f: {  	_ =	shalt  }
0x40: {  	_ =	shalt  }
0x41: {  	_ =	shalt  }
0x42: {  	_ =	shalt  }
0x43: {  	_ =	shalt  }
0x44: {  	_ =	shalt  }
0x45: {  	_ =	shalt  }
0x46: {  	_ =	shalt  }
0x47: {  	_ =	shalt  }
0x48: {  	_ =	shalt  }
0x49: {  	_ =	shalt  }
0x4a: {  	_ =	shalt  }
0x4b: {  	_ =	shalt  }
0x4c: {  	_ =	shalt  }
0x4d: {  	_ =	shalt  }
0x4e: {  	_ =	shalt  }
0x4f: {  	_ =	shalt  }
0x50: {  	_ =	shalt  }
0x51: {  	_ =	shalt  }
0x52: {  	_ =	shalt  }
0x53: {  	_ =	shalt  }
0x54: {  	_ =	shalt  }
0x55: {  	_ =	shalt  }
0x56: {  	_ =	shalt  }
0x57: {  	_ =	shalt  }
0x58: {  	_ =	shalt  }
0x59: {  	_ =	shalt  }
0x5a: {  	_ =	shalt  }
0x5b: {  	_ =	shalt  }
0x5c: {  	_ =	shalt  }
0x5d: {  	_ =	shalt  }
0x5e: {  	_ =	shalt  }
0x5f: {  	_ =	shalt  }
0x60: {  	_ =	shalt  }
0x61: {  	_ =	shalt  }
0x62: {  	_ =	shalt  }
0x63: {  	_ =	shalt  }
0x64: {  	_ =	shalt  }
0x65: {  	_ =	shalt  }
0x66: {  	_ =	shalt  }
0x67: {  	_ =	shalt  }
0x68: {  	_ =	shalt  }
0x69: {  	_ =	shalt  }
0x6a: {  	_ =	shalt  }
0x6b: {  	_ =	shalt  }
0x6c: {  	_ =	shalt  }
0x6d: {  	_ =	shalt  }
0x6e: {  	_ =	shalt  }
0x6f: {  	_ =	shalt  }
0x70: {  	_ =	shalt  }
0x71: {  	_ =	shalt  }
0x72: {  	_ =	shalt  }
0x73: {  	_ =	shalt  }
0x74: {  	_ =	shalt  }
0x75: {  	_ =	shalt  }
0x76: {  	_ =	shalt  }
0x77: {  	_ =	shalt  }
0x78: {  	_ =	shalt  }
0x79: {  	_ =	shalt  }
0x7a: {  	_ =	shalt  }
0x7b: {  	_ =	shalt  }
0x7c: {  	_ =	shalt  }
0x7d: {  	_ =	shalt  }
0x7e: {  	_ =	shalt  }
0x7f: {  	_ =	shalt  }
0x80: {  	_ =	shalt  }
0x81: {  	_ =	shalt  }
0x82: {  	_ =	shalt  }
0x83: {  	_ =	shalt  }
0x84: {  	_ =	shalt  }
0x85: {  	_ =	shalt  }
0x86: {  	_ =	shalt  }
0x87: {  	_ =	shalt  }
.Lfunc_end0:
.L_simem_size_0:
called_computation_lowered:
.L_overlay_start_0:
0x88: {  	s2 =	sld [smem:$0x3FD9]  }
0x89: {  	s3 =	sld [smem:$0x3FFE];
	_ =	sdelay $0x1  }
0x8a: {  	s1 =	srdreg.scid  }
0x8b: {  	s0 =	sand.u32 $0x1, s1  }
0x8c: {  	s14 =	sshll.u32 s0, $0xA;
	s2 =	sadd.s32 s3, s2  }
0x8d: {  	s2 =	sadd.s32 s2, s14  }
0x8e: {  	[smem:$0x3F85] =	sst s2  }
0x8f: {  	_ = 	snop  }
0x90: {  	s2 =	sld [smem:$0x3FD0];
	_ =	sdelay $0x1  }
0x91: {  	s15 =	sld [smem:$0x3FC3]  }
0x92: {  	s5 =	simm.s32 $0xA;
	s6 =	simm.s32 $0x10;
	s4 =	sld [smem:$0x3FC2]  }
0x93: {  	[smem:s6], [sflag:s5] =	dma.local [hbm:s2], $0x1  }
0x94: {  	_ =	swait.eq [sflag:s5], $0x1  }
0x95: {  	s16 =	sld [smem:$0x10];
	[sflag:s5] =	ssyncset.done $0x0  }
0x96: {  	s17 =	sld [smem:$0x11];
	[sflag:s5] =	ssyncadd.s32 $0xFFFFFFFF  }
0x97: {  	s18 =	sld [smem:$0x12];
	(tm) =	ssettm $0x1  }
0x98: {  	s7 =	sld [smem:$0x3FFB];
	_ =	sdelay $0x3  }
0x99: {  	_ =	strace s7  }
0x9a: {  	s7 =	sld [smem:$0x3FFC];
	_ =	sdelay $0x3  }
0x9b: {  	_ =	strace s7  }
0x9c: {  	s7 =	sld [smem:$0x3FFD];
	_ =	sdelay $0x3  }
0x9d: {  	_ =	strace s7  }
0x9e: {  	_ =	strace $0x8FFFFFFF  }
0x9f: {  	s19 =	sld [smem:$0x3FDB];
	_ =	sdelay $0x1  }
0xa0: {  	s8 =	simm.s32 $_scs_section_size  }
0xa1: {  	s9 =	simm.s32 $_size__tile_overlayer_lowered;
	s10 =	simm.s32 $_tile_overlayer_lowered  }
0xa2: {  	s22 =	simm.s32 $0x1BFF;
	s21 =	sshll.u32 s10, $0x1;
	s7 =	sadd.s32 s8, s19  }
0xa3: {  	s11 =	simm.s32 $0x0;
	s20 =	sshll.u32 s9, $0x1;
	s9 =	sadd.s32 s21, s7  }
0xa4: {  	[timem:s11], [sflag:s22] =	dma.local [hbm:s9], s20  }
0xa5: {  	_ =	swait.ge [sflag:s22], s20  }
0xa6: {  	s8 =	ssub.s32 $0x0, s20;
	[sflag:s22] =	ssyncset.done $0x0  }
0xa7: {  	[sflag:s22] =	ssyncadd.s32 s8;
	_ =	sdelay $0x1  }
0xa8: {  	s23 =	simm.s32 $0x1B8B  }
0xa9: {  	_ =	swait.ge [sflag:s23], $0x1  }
0xaa: {  	[sflag:s23] =	ssyncset.done $0x0  }
0xab: {  	s25 =	simm.s32 $0x1B8E;
	s24 =	sld [smem:$0x3FFE];
	[sflag:s23] =	ssyncadd.s32 $0xFFFFFFFF  }
0xac: {  	s26 =	simm.s32 $execute0_lowered;
	[smem:$0x3FD2] =	sst s25  }
0xad: {  	s9 =	sshll.u32 s26, $0x1;
	_ =	strace $0x80000046;
	[dreg:$0x1] =	wrdreg $0xFFFFFFFF  }
0xae: {  	s28 =	simm.s32 $_size_execute0_lowered;
	s7 =	sadd.s32 s7, s9;
	[dreg:$0x0] =	wrdreg $0x0  }
0xaf: {  	s9 =	sshll.u32 s28, $0x1;
	[dreg:$0x2] =	wrdreg s7  }
0xb0: {  	[dreg:$0x3] =	wrdreg s9  }
0xb1: {  	[dreg:$0x4] =	wrdreg $0xC0  }
0xb2: {  	_ =	task [dreg:s11], $0x5FFFF  }
0xb3: {  	[dreg:$0x1] =	wrdreg $0xFFFFFFFF  }
0xb4: {  	[dreg:$0x0] =	wrdreg $0x60  }
0xb5: {  	[dreg:$0x2] =	wrdreg s24  }
0xb6: {  	[dreg:$0x3] =	wrdreg s18  }
0xb7: {  	[dreg:$0x4] =	wrdreg s16  }
0xb8: {  	[dreg:$0x5] =	wrdreg s15  }
0xb9: {  	[dreg:$0x6] =	wrdreg s4  }
0xba: {  	[dreg:$0x7] =	wrdreg s17  }
0xbb: {  	[dreg:$0x8] =	wrdreg $0xA8000  }
0xbc: {  	[dreg:$0x9] =	wrdreg $0x1E4000  }
0xbd: {  	[dreg:$0xa] =	wrdreg $0x1F0000  }
0xbe: {  	[dreg:$0xb] =	wrdreg $0x9  }
0xbf: {  	_ =	task.clear_ibuf [dreg:s11], $0xCFFFF;
	_ =	strace $0x90000046  }
0xc0: {  	s29 =	simm.s32 $0x9;
	_ =	strace $0x80000048  }
0xc1: {  	_ =	swait.ge [sflag:s29], $0x1  }
0xc2: {  	[sflag:s29] =	ssyncadd.s32 $0xFFFFFFFF  }
0xc3: {  	_ =	strace $0x90000048  }
0xc4: {  	_ =	sfence  }
0xc5: {  	s30 =	sld [smem:$0x0];
	_ =	sdelay $0x2  }
0xc6: {  	s31 =	sshll.u32 s1, $0xD;
	s1 =	sshrl.u32 s1, $0x2  }
0xc7: {  	s3 =	sand.u32 $0x4000, s31;
	s1 =	sadd.s32 s1, s30  }
0xc8: {  	s0 =	sor.u32 s3, s0;
	s1 =	sshll.u32 s1, $0x11  }
0xc9: {  	s0 =	sor.u32 s1, s0  }
0xca: {  	s0 =	sadd.s32 $0x8F2B, s0  }
0xcb: {  	[sflag:s0] =	ssyncadd.remote.s32 $0x1  }
0xcc: {  	_ =	sfence.sel $0xFFFF  }
0xcd: {  	[dreg:$0x0] =	wrdreg $0xFFFFFFFF;
	(pc) =	sbr.abs _section_cstart, $3  }
0xce: {  	[dreg:$0x1] =	wrdreg $0xFFFFFFFF  }
0xcf: {  	_ =	task.clear_ibuf [dreg:s11], $0x2FFFF;
	_ =	strace $0x9FFFFFFF  }
0xd0: {  	(tm) =	ssettm $0x7FFFFFFF  }
0xd1: {  	_ =	shalt  }
tec
execute0_lowered:
.L_overlay_start_1:
0x0: {  	(tag) =	ssettag $0x1  }
0x1: {  	s1 =	rddreg [dreg:$0x0]  }
0x2: {  	s0 =	rddreg [dreg:$0x1]  }
0x3: {  	s4 =	rddreg [dreg:$0x2]  }
0x4: {  	s5 =	rddreg [dreg:$0x3]  }
0x5: {  	s8 =	rddreg [dreg:$0x4]  }
0x6: {  	s10 =	rddreg [dreg:$0x5]  }
0x7: {  	s2 =	rddreg [dreg:$0x6]  }
0x8: {  	s3 =	rddreg [dreg:$0x7]  }
0x9: {  	s21 =	rddreg [dreg:$0x8]  }
0xa: {  	s6 =	simm.s32 $0x0;
	s22 =	stileid.u32;
	s11 =	srdreg.scid  }
0xb: {  	s30 =	simm.s32 $0x3;
	s31 =	simm.s32 $0x1400;
	s16 =	smul.u32 $0x280, s22  }
0xc: {  	[smem:$0x7FF] =	sst s6;
	s7 =	sadd.s32 $0x1BC00, s1;
	s13 =	smul.u32 $0x2780, s22  }
0xd: {  	s9 =	sadd.s32 $0xCA00, s1;
	s12 =	sadd.s32 $0x14400, s1;
	s15 =	smul.u32 $0x180, s22  }
0xe: {  	s11 =	sand.u32 $0x1, s11;
	s18 =	smul.u32 $0x4F000, s22;
	s23 =	sshll.u32 s22, $0x6  }
0xf: {  	s20 =	sshll.u32 s22, $0x4;
	_ =	strace $0x80000047;
	[dreg:$0xa] =	wrdreg s9  }
0x10: {  	s9 =	sadd.s32 $0x42E00, s1;
	s5 =	sadd.s32 s5, s20;
	s24 =	sadd.s32 s8, s20  }
0x11: {  	p0 =	seq.s32 s11, $0x0;
	s8 =	simm.s32 $0x6800;
	s14 =	sadd.s32 s16, s1  }
0x12: {  	s16 =	ssub.s32 $0x2, s11;
	s15 =	sadd.s32 s15, s1;
	[dreg:$0xb] =	wrdreg s5  }
0x13: {  	s18 =	sshrl.u32 s18, $0x2;
	[dreg:$0xc] =	wrdreg s24;
	s17 =	sshrl.u32 s16, $0x1  }
0x14: {  	s1 =	sadd.s32 s13, s1;
	s19 =	ssub.s32 s16, s17;
	s17 =	smul.u32 $0x2800, s22  }
0x15: {  	s11 =	simm.s32 $0x2780;
	s28 =	sadd.s32 $0x46E00, s15;
	s22 =	smul.u32 $0xC00, s22  }
0x16: {  	s29 =	smax.u32 s19, $0x1;
	s25 =	sshrl.u32 s17, $0x3;
	s17 =	sor.u32 $0x1C03, s23  }
0x17: {  	s23 =	sadd.s32 s10, s13;
	s24 =	sadd.s32 s22, s3;
	s10 =	simm.s32 $0x2  }
0x18: {  	s26 =	sadd.s32 s4, s25;
	s16 =	sadd.s32 s12, s25;
	[dreg:$0x11] =	wrdreg s23  }
0x19: {  	s5 =	sadd.s32 $0x280, s25;
	[dreg:$0x12] =	wrdreg s24;
	s25 =	sadd.s32 $0xF400, s14  }
0x1a: {  	s23 =	sadd.s32 $0xCC00, s14;
	s24 =	sadd.s32 $0x19400, s14;
	[dreg:$0xd] =	wrdreg s26  }
0x1b: {  	[dreg:$0xe] =	wrdreg s16;
	s4 =	sadd.s32 s4, s5;
	s20 =	sadd.s32 s12, s5  }
.Ltmp0:
0x1c: {  	s16 =	sadd.s32 s18, s2;
	[dreg:$0x14] =	wrdreg s25;
	(pc) =	sbr.rel .LBB2_1-.Ltmp0, $4  }
0x1d: {  	s26 =	sadd.s32 $0x11C00, s14;
	s25 =	sadd.s32 $0x48600, s1;
	[dreg:$0xf] =	wrdreg s4  }
0x1e: {  	s1 =	simm.s32 $0x80;
	s5 =	simm.s32 $0x2800;
	[dreg:$0x10] =	wrdreg s20  }
0x1f: {  	s12 =	simm.s32 $0x0;
	s4 =	sadd.s32 s22, s21;
	[dreg:$0x15] =	wrdreg s26  }
0x20: {  	s26 =	sadd.s32 $0x45600, s15;
	[dreg:$0x13] =	wrdreg s4;
	s4 =	simm.s32 $0x1  }
.LBB2_17:
0x21: {  	[spmem:s3] =	stream.indirect.scatter.add.f32 [tilespmem:s21], [sflag:$0x2], $0x80, s11, s1, $0xb8;
	[tilespmem:$0x1FC00] =	vst v63  }
.LBB2_19:
0x22: {  	_ =	swait.ge [sflag:s10], $0x4000  }
0x23: {  	[sflag:s10] =	ssyncset.done $0x0  }
0x24: {  	s18 =	rddreg [dreg:$0xb];
	[sflag:s10] =	ssyncadd.s32 $0xFFFFC000  }
0x25: {  	[tilespmem:s6], [sflag:$0x3] =	stream.linear.gather [hbm4b:s18+s6], $0x80, $0x38;
	[tilespmem:$0x1FC00] =	vst v63  }
0x26: {  	_ =	swait.ge [sflag:s30], $0x80  }
0x27: {  	[sflag:s30] =	ssyncset.done $0x0  }
0x28: {  	s20 =	rddreg [dreg:$0xc];
	[sflag:s30] =	ssyncadd.s32 $0xFFFFFF80  }
0x29: {  	[tilespmem:s31], [sflag:$0x3] =	stream.linear.gather [hbm4b:s20+s6], $0x80, $0x38;
	[tilespmem:$0x1FC00] =	vst v63  }
0x2a: {  	_ =	swait.ge [sflag:s30], $0x80  }
0x2b: {  	[sflag:s30] =	ssyncset.done $0x0  }
0x2c: {  	s21 =	rddreg [dreg:$0xa];
	[sflag:s30] =	ssyncadd.s32 $0xFFFFFF80  }
0x2d: {  	[tilespmem:s5], [sflag:$0x1] =	stream.indirect.gather [hbm4b:s21+s1], $0x80, s6, s1, $0xb8;
	[tilespmem:$0x1FC00] =	vst v63  }
0x2e: {  	_ =	swait.ge [sflag:s4], $0x4000  }
0x2f: {  	[sflag:s4] =	ssyncset.done $0x0  }
0x30: {  	[sflag:s4] =	ssyncadd.s32 $0xFFFFC000  }
0x31: {  	s22 =	rddreg [dreg:$0x8]  }
0x32: {  	[spmem:s22] =	stream.indirect.scatter.add.f32 [tilespmem:s5], [sflag:$0x3], $0x80, s31, s1, $0xb8;
	[tilespmem:$0x1FC00] =	vst v63  }
0x33: {  	_ =	swait.ge [sflag:s30], $0x4000  }
0x34: {  	[sflag:s30] =	ssyncset.done $0x0  }
0x35: {  	[sflag:s30] =	ssyncadd.s32 $0xFFFFC000  }
0x36: {  	[bflag:$0x0] =	sbarrier.arrive $0xFFFF  }
0x37: {  	[hbm:s25], [sflag:s17] =	dma.local [spmem:s13], $0x2780  }
0x38: {  	_ =	swait.ge [sflag:s30], $0x2780  }
0x39: {  	[sflag:s30] =	ssyncset.done $0x0  }
0x3a: {  	[sflag:s30] =	ssyncadd.s32 $0xFFFFD880  }
0x3b: {  	[hbm:s26], [sflag:s17] =	dma.local [spmem:s14], $0x180  }
0x3c: {  	_ =	swait.ge [sflag:s30], $0x180  }
0x3d: {  	[sflag:s30] =	ssyncset.done $0x0  }
0x3e: {  	[sflag:s30] =	ssyncadd.s32 $0xFFFFFE80  }
0x3f: {  	[hbm:s28], [sflag:s17] =	dma.local [spmem:s15], $0x180  }
0x40: {  	_ =	swait.ge [sflag:s30], $0x180  }
0x41: {  	[sflag:s30] =	ssyncset.done $0x0  }
0x42: {  	[sflag:s30] =	ssyncadd.s32 $0xFFFFFE80  }
.LBB2_20:
0x43: {  	s12 =	sadd.s32 $0x1, s12  }
0x44: {  	p1 =	sne.s32 s12, s29  }
.Ltmp1:
0x45: {  	_ = 	snop;
	(pc) =	sbr.rel @!p1 .LBB2_21-.Ltmp1, $1  }
0x46: {  	_ =	sdelay $0x3  }
.LBB2_1:
.Ltmp2:
0x47: {  	s13 =	sshrl.u32 s16, $0x3;
	(pc) =	sbr.rel @!p0 .LBB2_2-.Ltmp2, $4  }
0x48: {  	[spmem:s13], [sflag:s17] =	dma.local [hbm:s9], $0x2780  }
0x49: {  	_ =	swait.ge [sflag:s30], $0x2780  }
0x4a: {  	[sflag:s30] =	ssyncset.done $0x0  }
0x4b: {  	[sflag:s30] =	ssyncadd.s32 $0xFFFFD880  }
0x4c: {  	[bflag:$0x0] =	sbarrier.arrive $0xFFFF  }
0x4d: {  	s14 =	rddreg [dreg:$0xd]  }
0x4e: {  	[tilespmem:s6], [sflag:$0x3] =	stream.linear.gather [hbm4b:s14+s6], $0x1400, $0x38;
	[tilespmem:$0x1FC00] =	vst v63  }
0x4f: {  	_ =	swait.ge [sflag:s30], $0x1400  }
0x50: {  	[sflag:s30] =	ssyncset.done $0x0  }
0x51: {  	s22 =	rddreg [dreg:$0xe];
	[sflag:s30] =	ssyncadd.s32 $0xFFFFEC00  }
0x52: {  	[tilespmem:s31], [sflag:$0x3] =	stream.linear.gather [hbm4b:s22+s6], $0x1400, $0x38;
	[tilespmem:$0x1FC00] =	vst v63  }
0x53: {  	_ =	swait.ge [sflag:s30], $0x1400  }
0x54: {  	[sflag:s30] =	ssyncset.done $0x0  }
0x55: {  	[sflag:s30] =	ssyncadd.s32 $0xFFFFEC00  }
0x56: {  	[tilespmem:s5], [sflag:$0x1] =	stream.indirect.gather [hbm4b:s7+s1], $0x80, s6, s1, $0xb8;
	[tilespmem:$0x1FC00] =	vst v63  }
0x57: {  	_ =	swait.ge [sflag:s4], $0x4000  }
0x58: {  	[sflag:s4] =	ssyncset.done $0x0  }
0x59: {  	[sflag:s4] =	ssyncadd.s32 $0xFFFFC000  }
0x5a: {  	[tilespmem:s8], [sflag:$0x1] =	stream.indirect.gather [hbm4b:s7+s1], $0x80, s1, s1, $0xb8;
	[tilespmem:$0x1FC00] =	vst v63  }
0x5b: {  	s15 =	simm.s32 $0x20000;
	s18 =	simm.s32 $0x100;
	s14 =	simm.s32 $0x1480  }
0x5c: {  	[spmem:s2] =	stream.indirect.scatter.add.f32 [tilespmem:s5], [sflag:$0x2], $0x80, s31, s1, $0xb8;
	[tilespmem:$0x1FC00] =	vst v63  }
.LBB2_6:
0x5d: {  	_ =	swait.ge [sflag:s4], $0x4000;
	p1 =	sne.s32 s15, $0x280000  }
.Ltmp3:
0x5e: {  	[sflag:s4] =	ssyncset.done $0x0;
	(pc) =	sbr.rel @!p1 .LBB2_7-.Ltmp3, $4  }
0x5f: {  	s19 =	sadd.s32 $0xFFFF0000, s15;
	[sflag:s4] =	ssyncadd.s32 $0xFFFFC000  }
0x60: {  	s19 =	sand.u32 $0x10000, s19;
	_ =	swait.ge [sflag:s10], $0x4000  }
0x61: {  	s19 =	sshrl.u32 s19, $0x2;
	[sflag:s10] =	ssyncset.done $0x0  }
0x62: {  	s19 =	sor.u32 $0x2800, s19;
	[sflag:s10] =	ssyncadd.s32 $0xFFFFC000  }
0x63: {  	s20 =	sand.u32 $0x10000, s15  }
0x64: {  	s15 =	sadd.s32 $0x10000, s15;
	s20 =	sshrl.u32 s20, $0x2  }
0x65: {  	p1 =	sne.s32 s15, $0x290000;
	s20 =	sor.u32 $0x2800, s20  }
0x66: {  	[tilespmem:s20], [sflag:$0x1] =	stream.indirect.gather [hbm4b:s7+s1], $0x80, s18, s1, $0xb8;
	[tilespmem:$0x1FC00] =	vst v63  }
.Ltmp4:
0x67: {  	_ = 	snop;
	(pc) =	sbr.rel @p1 .LBB2_6-.Ltmp4, $4  }
.Ltmp5:
0x68: {  	_ = 	snop;
	(pc) =	sbr.rel @!p1 .LBB2_9-.Ltmp5, $4  }
0x69: {  	_ = 	snop  }
0x6a: {  	[spmem:s2] =	stream.indirect.scatter.add.f32 [tilespmem:s19], [sflag:$0x2], $0x80, s14, s1, $0xb8;
	[tilespmem:$0x1FC00] =	vst v63  }
0x6b: {  	s18 =	sadd.s32 $0x80, s18;
	s14 =	sadd.s32 $0x80, s14  }
0x6c: {  	_ = 	snop  }
.LBB2_2:
0x6d: {  	s14 =	rddreg [dreg:$0x12]  }
0x6e: {  	s14 =	sshrl.u32 s14, $0x3  }
0x6f: {  	[spmem:s14], [sflag:s17] =	dma.local [hbm:s9], $0x180  }
0x70: {  	_ =	swait.ge [sflag:s30], $0x180  }
0x71: {  	[sflag:s30] =	ssyncset.done $0x0;
	s15 =	rddreg [dreg:$0x13]  }
0x72: {  	[sflag:s30] =	ssyncadd.s32 $0xFFFFFE80;
	s15 =	sshrl.u32 s15, $0x3  }
0x73: {  	[spmem:s15], [sflag:s17] =	dma.local [hbm:s9], $0x180  }
0x74: {  	_ =	swait.ge [sflag:s30], $0x180  }
0x75: {  	[sflag:s30] =	ssyncset.done $0x0  }
0x76: {  	[sflag:s30] =	ssyncadd.s32 $0xFFFFFE80  }
0x77: {  	[bflag:$0x0] =	sbarrier.arrive $0xFFFF  }
0x78: {  	s18 =	rddreg [dreg:$0x14]  }
0x79: {  	[tilespmem:s6], [sflag:$0x3] =	stream.linear.gather [hbm4b:s18+s6], $0x1400, $0x38;
	[tilespmem:$0x1FC00] =	vst v63  }
0x7a: {  	_ =	swait.ge [sflag:s30], $0x1400  }
0x7b: {  	[sflag:s30] =	ssyncset.done $0x0  }
0x7c: {  	s22 =	rddreg [dreg:$0x15];
	[sflag:s30] =	ssyncadd.s32 $0xFFFFEC00  }
0x7d: {  	[tilespmem:s31], [sflag:$0x3] =	stream.linear.gather [hbm4b:s22+s6], $0x1400, $0x38;
	[tilespmem:$0x1FC00] =	vst v63  }
0x7e: {  	_ =	swait.ge [sflag:s30], $0x1400  }
0x7f: {  	[sflag:s30] =	ssyncset.done $0x0  }
0x80: {  	[sflag:s30] =	ssyncadd.s32 $0xFFFFEC00  }
0x81: {  	[tilespmem:s5], [sflag:$0x1] =	stream.indirect.gather [hbm4b:s0+s1], $0x80, s6, s1, $0xb8;
	[tilespmem:$0x1FC00] =	vst v63  }
0x82: {  	_ =	swait.ge [sflag:s4], $0x4000  }
0x83: {  	[sflag:s4] =	ssyncset.done $0x0  }
0x84: {  	[sflag:s4] =	ssyncadd.s32 $0xFFFFC000  }
0x85: {  	[tilespmem:s8], [sflag:$0x1] =	stream.indirect.gather [hbm4b:s0+s1], $0x80, s1, s1, $0xb8;
	[tilespmem:$0x1FC00] =	vst v63  }
0x86: {  	s19 =	simm.s32 $0x20000;
	s20 =	simm.s32 $0x100;
	s18 =	simm.s32 $0x1480  }
0x87: {  	[spmem:s2] =	stream.indirect.scatter.add.f32 [tilespmem:s5], [sflag:$0x2], $0x80, s31, s1, $0xb8;
	[tilespmem:$0x1FC00] =	vst v63  }
.LBB2_3:
0x88: {  	_ =	swait.ge [sflag:s4], $0x4000;
	p1 =	sne.s32 s19, $0x280000  }
.Ltmp6:
0x89: {  	[sflag:s4] =	ssyncset.done $0x0;
	(pc) =	sbr.rel @!p1 .LBB2_4-.Ltmp6, $4  }
0x8a: {  	s21 =	sadd.s32 $0xFFFF0000, s19;
	[sflag:s4] =	ssyncadd.s32 $0xFFFFC000  }
0x8b: {  	s21 =	sand.u32 $0x10000, s21;
	_ =	swait.ge [sflag:s10], $0x4000  }
0x8c: {  	s21 =	sshrl.u32 s21, $0x2;
	[sflag:s10] =	ssyncset.done $0x0  }
0x8d: {  	s21 =	sor.u32 $0x2800, s21;
	[sflag:s10] =	ssyncadd.s32 $0xFFFFC000  }
0x8e: {  	s22 =	sand.u32 $0x10000, s19  }
0x8f: {  	s19 =	sadd.s32 $0x10000, s19;
	s22 =	sshrl.u32 s22, $0x2  }
0x90: {  	p1 =	sne.s32 s19, $0x290000;
	s22 =	sor.u32 $0x2800, s22  }
0x91: {  	[tilespmem:s22], [sflag:$0x1] =	stream.indirect.gather [hbm4b:s0+s1], $0x80, s20, s1, $0xb8;
	[tilespmem:$0x1FC00] =	vst v63  }
.Ltmp7:
0x92: {  	_ = 	snop;
	(pc) =	sbr.rel @p1 .LBB2_3-.Ltmp7, $4  }
.Ltmp8:
0x93: {  	_ = 	snop;
	(pc) =	sbr.rel @!p1 .LBB2_15-.Ltmp8, $4  }
0x94: {  	_ = 	snop  }
0x95: {  	[spmem:s2] =	stream.indirect.scatter.add.f32 [tilespmem:s21], [sflag:$0x2], $0x80, s18, s1, $0xb8;
	[tilespmem:$0x1FC00] =	vst v63  }
0x96: {  	s20 =	sadd.s32 $0x80, s20;
	s18 =	sadd.s32 $0x80, s18  }
0x97: {  	_ = 	snop  }
.LBB2_7:
0x98: {  	[spmem:s2] =	stream.indirect.scatter.add.f32 [tilespmem:s19], [sflag:$0x2], $0x80, s11, s1, $0xb8;
	[tilespmem:$0x1FC00] =	vst v63  }
.LBB2_9:
0x99: {  	_ =	swait.ge [sflag:s10], $0x4000  }
0x9a: {  	[sflag:s10] =	ssyncset.done $0x0  }
0x9b: {  	s14 =	rddreg [dreg:$0xf];
	[sflag:s10] =	ssyncadd.s32 $0xFFFFC000  }
0x9c: {  	[tilespmem:s6], [sflag:$0x3] =	stream.linear.gather [hbm4b:s14+s6], $0x1400, $0x38;
	[tilespmem:$0x1FC00] =	vst v63  }
0x9d: {  	_ =	swait.ge [sflag:s30], $0x1400  }
0x9e: {  	[sflag:s30] =	ssyncset.done $0x0  }
0x9f: {  	s22 =	rddreg [dreg:$0x10];
	[sflag:s30] =	ssyncadd.s32 $0xFFFFEC00  }
0xa0: {  	[tilespmem:s31], [sflag:$0x3] =	stream.linear.gather [hbm4b:s22+s6], $0x1400, $0x38;
	[tilespmem:$0x1FC00] =	vst v63  }
0xa1: {  	_ =	swait.ge [sflag:s30], $0x1400  }
0xa2: {  	[sflag:s30] =	ssyncset.done $0x0  }
0xa3: {  	[sflag:s30] =	ssyncadd.s32 $0xFFFFEC00  }
0xa4: {  	[tilespmem:s5], [sflag:$0x1] =	stream.indirect.gather [hbm4b:s7+s1], $0x80, s6, s1, $0xb8;
	[tilespmem:$0x1FC00] =	vst v63  }
0xa5: {  	_ =	swait.ge [sflag:s4], $0x4000  }
0xa6: {  	[sflag:s4] =	ssyncset.done $0x0  }
0xa7: {  	[sflag:s4] =	ssyncadd.s32 $0xFFFFC000  }
0xa8: {  	[tilespmem:s8], [sflag:$0x1] =	stream.indirect.gather [hbm4b:s7+s1], $0x80, s1, s1, $0xb8;
	[tilespmem:$0x1FC00] =	vst v63  }
0xa9: {  	s15 =	simm.s32 $0x20000;
	s18 =	simm.s32 $0x100;
	s14 =	simm.s32 $0x1480  }
0xaa: {  	[spmem:s2] =	stream.indirect.scatter.add.f32 [tilespmem:s5], [sflag:$0x2], $0x80, s31, s1, $0xb8;
	[tilespmem:$0x1FC00] =	vst v63  }
.LBB2_10:
0xab: {  	_ =	swait.ge [sflag:s4], $0x4000;
	p1 =	sne.s32 s15, $0x280000  }
.Ltmp9:
0xac: {  	[sflag:s4] =	ssyncset.done $0x0;
	(pc) =	sbr.rel @!p1 .LBB2_11-.Ltmp9, $4  }
0xad: {  	s19 =	sadd.s32 $0xFFFF0000, s15;
	[sflag:s4] =	ssyncadd.s32 $0xFFFFC000  }
0xae: {  	s19 =	sand.u32 $0x10000, s19;
	_ =	swait.ge [sflag:s10], $0x4000  }
0xaf: {  	s19 =	sshrl.u32 s19, $0x2;
	[sflag:s10] =	ssyncset.done $0x0  }
0xb0: {  	s19 =	sor.u32 $0x2800, s19;
	[sflag:s10] =	ssyncadd.s32 $0xFFFFC000  }
0xb1: {  	s20 =	sand.u32 $0x10000, s15  }
0xb2: {  	s15 =	sadd.s32 $0x10000, s15;
	s20 =	sshrl.u32 s20, $0x2  }
0xb3: {  	p1 =	sne.s32 s15, $0x290000;
	s20 =	sor.u32 $0x2800, s20  }
0xb4: {  	[tilespmem:s20], [sflag:$0x1] =	stream.indirect.gather [hbm4b:s7+s1], $0x80, s18, s1, $0xb8;
	[tilespmem:$0x1FC00] =	vst v63  }
.Ltmp10:
0xb5: {  	_ = 	snop;
	(pc) =	sbr.rel @p1 .LBB2_10-.Ltmp10, $4  }
.Ltmp11:
0xb6: {  	_ = 	snop;
	(pc) =	sbr.rel @!p1 .LBB2_13-.Ltmp11, $4  }
0xb7: {  	_ = 	snop  }
0xb8: {  	[spmem:s2] =	stream.indirect.scatter.add.f32 [tilespmem:s19], [sflag:$0x2], $0x80, s14, s1, $0xb8;
	[tilespmem:$0x1FC00] =	vst v63  }
0xb9: {  	s18 =	sadd.s32 $0x80, s18;
	s14 =	sadd.s32 $0x80, s14  }
0xba: {  	_ = 	snop  }
.LBB2_4:
0xbb: {  	[spmem:s2] =	stream.indirect.scatter.add.f32 [tilespmem:s21], [sflag:$0x2], $0x80, s11, s1, $0xb8;
	[tilespmem:$0x1FC00] =	vst v63  }
.LBB2_15:
0xbc: {  	_ =	swait.ge [sflag:s10], $0x4000  }
0xbd: {  	[sflag:s10] =	ssyncset.done $0x0  }
0xbe: {  	[sflag:s10] =	ssyncadd.s32 $0xFFFFC000  }
0xbf: {  	[tilespmem:s6], [sflag:$0x3] =	stream.linear.gather [hbm4b:s23+s6], $0x1400, $0x38;
	[tilespmem:$0x1FC00] =	vst v63  }
0xc0: {  	_ =	swait.ge [sflag:s30], $0x1400  }
0xc1: {  	[sflag:s30] =	ssyncset.done $0x0  }
0xc2: {  	[sflag:s30] =	ssyncadd.s32 $0xFFFFEC00  }
0xc3: {  	[tilespmem:s31], [sflag:$0x3] =	stream.linear.gather [hbm4b:s24+s6], $0x1400, $0x38;
	[tilespmem:$0x1FC00] =	vst v63  }
0xc4: {  	_ =	swait.ge [sflag:s30], $0x1400  }
0xc5: {  	[sflag:s30] =	ssyncset.done $0x0  }
0xc6: {  	[sflag:s30] =	ssyncadd.s32 $0xFFFFEC00  }
0xc7: {  	[tilespmem:s5], [sflag:$0x1] =	stream.indirect.gather [hbm4b:s7+s1], $0x80, s6, s1, $0xb8;
	[tilespmem:$0x1FC00] =	vst v63  }
0xc8: {  	_ =	swait.ge [sflag:s4], $0x4000  }
0xc9: {  	[sflag:s4] =	ssyncset.done $0x0  }
0xca: {  	[sflag:s4] =	ssyncadd.s32 $0xFFFFC000  }
0xcb: {  	[tilespmem:s8], [sflag:$0x1] =	stream.indirect.gather [hbm4b:s7+s1], $0x80, s1, s1, $0xb8;
	[tilespmem:$0x1FC00] =	vst v63  }
0xcc: {  	s18 =	simm.s32 $0x1480;
	s19 =	simm.s32 $0x20000;
	s20 =	simm.s32 $0x100  }
0xcd: {  	[spmem:s3] =	stream.indirect.scatter.add.f32 [tilespmem:s5], [sflag:$0x2], $0x80, s31, s1, $0xb8;
	[tilespmem:$0x1FC00] =	vst v63  }
.LBB2_16:
0xce: {  	_ =	swait.ge [sflag:s4], $0x4000;
	p1 =	sne.s32 s19, $0x280000  }
.Ltmp12:
0xcf: {  	[sflag:s4] =	ssyncset.done $0x0;
	(pc) =	sbr.rel @!p1 .LBB2_17-.Ltmp12, $4  }
0xd0: {  	s21 =	sadd.s32 $0xFFFF0000, s19;
	[sflag:s4] =	ssyncadd.s32 $0xFFFFC000  }
0xd1: {  	s21 =	sand.u32 $0x10000, s21;
	_ =	swait.ge [sflag:s10], $0x4000  }
0xd2: {  	s21 =	sshrl.u32 s21, $0x2;
	[sflag:s10] =	ssyncset.done $0x0  }
0xd3: {  	s21 =	sor.u32 $0x2800, s21;
	[sflag:s10] =	ssyncadd.s32 $0xFFFFC000  }
0xd4: {  	s22 =	sand.u32 $0x10000, s19  }
0xd5: {  	s19 =	sadd.s32 $0x10000, s19;
	s22 =	sshrl.u32 s22, $0x2  }
0xd6: {  	p1 =	sne.s32 s19, $0x290000;
	s22 =	sor.u32 $0x2800, s22  }
0xd7: {  	[tilespmem:s22], [sflag:$0x1] =	stream.indirect.gather [hbm4b:s7+s1], $0x80, s20, s1, $0xb8;
	[tilespmem:$0x1FC00] =	vst v63  }
.Ltmp13:
0xd8: {  	_ = 	snop;
	(pc) =	sbr.rel @p1 .LBB2_16-.Ltmp13, $4  }
.Ltmp14:
0xd9: {  	_ = 	snop;
	(pc) =	sbr.rel @!p1 .LBB2_19-.Ltmp14, $4  }
0xda: {  	_ = 	snop  }
0xdb: {  	[spmem:s3] =	stream.indirect.scatter.add.f32 [tilespmem:s21], [sflag:$0x2], $0x80, s18, s1, $0xb8;
	[tilespmem:$0x1FC00] =	vst v63  }
0xdc: {  	s20 =	sadd.s32 $0x80, s20;
	s18 =	sadd.s32 $0x80, s18  }
0xdd: {  	_ = 	snop  }
.LBB2_11:
0xde: {  	[spmem:s2] =	stream.indirect.scatter.add.f32 [tilespmem:s19], [sflag:$0x2], $0x80, s11, s1, $0xb8;
	[tilespmem:$0x1FC00] =	vst v63  }
.LBB2_13:
0xdf: {  	_ =	swait.ge [sflag:s10], $0x4000  }
0xe0: {  	[sflag:s10] =	ssyncset.done $0x0  }
0xe1: {  	[sflag:s10] =	ssyncadd.s32 $0xFFFFC000  }
0xe2: {  	[bflag:$0x0] =	sbarrier.arrive $0xFFFF  }
.Ltmp15:
0xe3: {  	s14 =	rddreg [dreg:$0x11];
	(pc) =	sbr.rel .LBB2_20-.Ltmp15, $4  }
0xe4: {  	[hbm:s14], [sflag:s17] =	dma.local [spmem:s13], $0x2780  }
0xe5: {  	_ =	swait.ge [sflag:s30], $0x2780  }
0xe6: {  	[sflag:s30] =	ssyncset.done $0x0  }
0xe7: {  	[sflag:s30] =	ssyncadd.s32 $0xFFFFD880  }
.LBB2_21:
0xe8: {  	_ =	sfence.sel $0x180000  }
0xe9: {  	[bflag:$0x0] =	sbarrier.arrive $0xFFFF  }
0xea: {  	_ =	strace $0x90000047  }
0xeb: {  	s0 =	stileid.u32;
	[bflag:$0x2] =	sbarrier.arrive $0xFFFF  }
0xec: {  	p0 =	sne.s32 s0, $0x0;
	s0 =	rddreg [dreg:$0x9]  }
0xed: {  	s0 =	sadd.s32 @!p0 $0x100000, s0  }
0xee: {  	[sflag:s0] =	ssyncadd.tile.s32 @!p0 $0x1;
	_ =	shalt  }
.Lfunc_end2:
_tile_overlayer_lowered:
.L_overlay_start_2:
0xef: {  	(tag) =	ssettag $0x2  }
0xf0: {  	s0 =	rddreg [dreg:$0x0];
	s2 =	stileid.u32  }
0xf1: {  	s1 =	rddreg [dreg:$0x1];
	p0 =	sne.s32 s2, $0x0  }
0xf2: {  	s3 =	rddreg [dreg:$0x2];
	[bflag:$0x3] =	sbarrier.arrive $0xFFFF;
	s2 =	simm.s32 @!p0 $0x1C03  }
0xf3: {  	[timem:s3], [sflag:s2] =	dma.local @!p0 [hbm:s0], s1  }
0xf4: {  	s0 =	simm.s32 @!p0 $0x3  }
0xf5: {  	_ =	swait.ge @!p0 [sflag:s0], s1  }
0xf6: {  	s1 =	ssub.s32 @!p0 $0x0, s1;
	[sflag:s0] =	ssyncset.done @!p0 $0x0  }
0xf7: {  	[sflag:s0] =	ssyncadd.s32 @!p0 s1  }
0xf8: {  	[bflag:$0x3] =	sbarrier.arrive $0xFFFF  }
0xf9: {  	_ =	shalt  }

// kernel: kernel.13.cloned.1.call-start
scs
__scs_entry_jumppad:
0x0: {  	(pc) =	sbr.rel $0x88, $3  }
0x1: {  	(tag) =	ssettag $0x0;
	lr =	simm.s32 $0x1  }
0x2: {  	[smem:$0x3F5E] =	sst lr;
	_ =	strace $0xD0000000  }
0x3: {  	_ = 	snop  }
0x4: {  	_ = 	snop  }
0x5: {  	_ = 	snop  }
0x6: {  	_ = 	snop  }
0x7: {  	_ = 	snop  }
__scs_overlays_trampoline_lowered:
0x8: {  	[smem:$0x3F6D] =	sst s0  }
0x9: {  	[smem:$0x3F6E] =	sst s1  }
0xa: {  	[smem:$0x3F6F] =	sst s2  }
0xb: {  	[smem:$0x3F70] =	sst s3  }
0xc: {  	[smem:$0x3F71] =	sst s4  }
0xd: {  	[smem:$0x3F72] =	sst s5  }
0xe: {  	[smem:$0x3F73] =	sst s6  }
0xf: {  	[smem:$0x3F74] =	sst s7  }
0x10: {  	[smem:$0x3F75] =	sst s8  }
0x11: {  	[smem:$0x3F76] =	sst s9;
	s0 =	simm.s32 @!p0 $0x0  }
0x12: {  	s1 =	sld [smem:$0x3F5C];
	s0 =	simm.s32 @p0 $0x1  }
0x13: {  	[smem:$0x3F77] =	sst s0;
	s0 =	simm.s32 @!p1 $0x0  }
0x14: {  	s2 =	sld [smem:$0x3F5B];
	s0 =	simm.s32 @p1 $0x1  }
0x15: {  	[smem:$0x3F78] =	sst s0;
	s0 =	simm.s32 @!p2 $0x0  }
0x16: {  	s3 =	sld [smem:$0x3FDB];
	s0 =	simm.s32 @p2 $0x1  }
0x17: {  	s4 =	simm.s32 $0x1BF5;
	[smem:$0x3F7A] =	sst s0  }
0x18: {  	s0 =	sld [smem:$0x3F5D];
	_ =	swait.ge [sflag:s4], $0x0  }
0x19: {  	s7 =	sld [smem:$0x3F5E]  }
0x1a: {  	s8 =	sadd.s32 $0xFFFFE003, lr  }
0x1b: {  	s9 =	sadd.s32 $0xFFFFFEF7, lr;
	s5 =	simm.s32 $0xFFFFFFFF;
	p2 =	slt.u32 s8, $0xFFFFF086  }
0x1c: {  	p1 =	slt.u32 s9, $0xF7A;
	s5 =	simm.s32 @!p2 $0x0  }
0x1d: {  	s5 =	simm.s32 @p1 $0x1;
	p0 =	seq.s32 s7, s2  }
0x1e: {  	s7 =	smul.u32 @!p0 $0xF7A, s2;
	p2 =	seq.s32 @!p0 s5, $0x0  }
0x1f: {  	s9 =	smul.u32 $0xF7A, s1;
	s8 =	simm.s32 @!p0 $0x1BF5;
	p2 =	por !p2, p0  }
0x20: {  	[sflag:s8] =	ssyncset.s32 @!p0 $0xFFFFF086;
	s6 =	sadd.s32 @!p0 s3, s7;
	s7 =	simm.s32 @!p0 $0x108  }
0x21: {  	s3 =	sadd.s32 s3, s9;
	s6 =	sadd.s32 @!p0 $0x88, s6;
	s7 =	simm.s32 @p2 $0x1082  }
0x22: {  	[simem:s7], [sflag:s8] =	dma.local @!p0 [hbm:s6], $0xF7A  }
0x23: {  	s9 =	sor.u32 $0xD0000000, s2;
	s6 =	simm.s32 $0x108;
	_ =	swait.ge @!p0 [sflag:s8], $0x0  }
0x24: {  	s3 =	sadd.s32 $0x88, s3;
	s6 =	simm.s32 @!p1 $0x1082;
	[sflag:s4] =	ssyncset.s32 $0xFFFFF086  }
0x25: {  	[simem:s6], [sflag:s4] =	dma.local [hbm:s3], $0xF7A  }
0x26: {  	[smem:$0x3F5E] =	sst s1;
	(tag) =	ssettag s2;
	_ =	strace s9  }
0x27: {  	s1 =	sld [smem:$0x3F6E]  }
0x28: {  	s2 =	sld [smem:$0x3F6F]  }
0x29: {  	s4 =	sld [smem:$0x3F71]  }
0x2a: {  	p0 =	seq.s32 s5, $0x0;
	s5 =	sld [smem:$0x3F72]  }
0x2b: {  	s6 =	sld [smem:$0x3F73]  }
0x2c: {  	s7 =	sld [smem:$0x3F74]  }
0x2d: {  	s3 =	simm.s32 $0x108;
	s8 =	sld [smem:$0x3F75]  }
0x2e: {  	s3 =	simm.s32 @!p0 $0x1082;
	s9 =	sld [smem:$0x3F76]  }
0x2f: {  	lr =	sadd.s32 s0, s3;
	s0 =	sld [smem:$0x3F6D]  }
0x30: {  	s3 =	sld [smem:$0x3F70]  }
0x31: {  	[smem:$0x3F79] =	sst s10  }
0x32: {  	s10 =	sld [smem:$0x3F77];
	_ =	sdelay $0x3  }
0x33: {  	p0 =	seq.s32 s10, $0x1;
	s10 =	sld [smem:$0x3F79];
	_ =	sdelay $0x3  }
0x34: {  	[smem:$0x3F79] =	sst s10  }
0x35: {  	s10 =	sld [smem:$0x3F78];
	_ =	sdelay $0x3  }
0x36: {  	p1 =	seq.s32 s10, $0x1;
	s10 =	sld [smem:$0x3F79];
	_ =	sdelay $0x3  }
0x37: {  	[smem:$0x3F79] =	sst s10  }
0x38: {  	s10 =	sld [smem:$0x3F7A]  }
0x39: {  	_ = 	snop;
	(pc) =	sbr.ind lr, $3  }
0x3a: {  	_ = 	snop  }
0x3b: {  	_ = 	snop  }
0x3c: {  	p2 =	seq.s32 s10, $0x1;
	s10 =	sld [smem:$0x3F79]  }
0x3d: {  	_ =	shalt  }
0x3e: {  	_ =	shalt  }
0x3f: {  	_ =	shalt  }
0x40: {  	_ =	shalt  }
0x41: {  	_ =	shalt  }
0x42: {  	_ =	shalt  }
0x43: {  	_ =	shalt  }
0x44: {  	_ =	shalt  }
0x45: {  	_ =	shalt  }
0x46: {  	_ =	shalt  }
0x47: {  	_ =	shalt  }
0x48: {  	_ =	shalt  }
0x49: {  	_ =	shalt  }
0x4a: {  	_ =	shalt  }
0x4b: {  	_ =	shalt  }
0x4c: {  	_ =	shalt  }
0x4d: {  	_ =	shalt  }
0x4e: {  	_ =	shalt  }
0x4f: {  	_ =	shalt  }
0x50: {  	_ =	shalt  }
0x51: {  	_ =	shalt  }
0x52: {  	_ =	shalt  }
0x53: {  	_ =	shalt  }
0x54: {  	_ =	shalt  }
0x55: {  	_ =	shalt  }
0x56: {  	_ =	shalt  }
0x57: {  	_ =	shalt  }
0x58: {  	_ =	shalt  }
0x59: {  	_ =	shalt  }
0x5a: {  	_ =	shalt  }
0x5b: {  	_ =	shalt  }
0x5c: {  	_ =	shalt  }
0x5d: {  	_ =	shalt  }
0x5e: {  	_ =	shalt  }
0x5f: {  	_ =	shalt  }
0x60: {  	_ =	shalt  }
0x61: {  	_ =	shalt  }
0x62: {  	_ =	shalt  }
0x63: {  	_ =	shalt  }
0x64: {  	_ =	shalt  }
0x65: {  	_ =	shalt  }
0x66: {  	_ =	shalt  }
0x67: {  	_ =	shalt  }
0x68: {  	_ =	shalt  }
0x69: {  	_ =	shalt  }
0x6a: {  	_ =	shalt  }
0x6b: {  	_ =	shalt  }
0x6c: {  	_ =	shalt  }
0x6d: {  	_ =	shalt  }
0x6e: {  	_ =	shalt  }
0x6f: {  	_ =	shalt  }
0x70: {  	_ =	shalt  }
0x71: {  	_ =	shalt  }
0x72: {  	_ =	shalt  }
0x73: {  	_ =	shalt  }
0x74: {  	_ =	shalt  }
0x75: {  	_ =	shalt  }
0x76: {  	_ =	shalt  }
0x77: {  	_ =	shalt  }
0x78: {  	_ =	shalt  }
0x79: {  	_ =	shalt  }
0x7a: {  	_ =	shalt  }
0x7b: {  	_ =	shalt  }
0x7c: {  	_ =	shalt  }
0x7d: {  	_ =	shalt  }
0x7e: {  	_ =	shalt  }
0x7f: {  	_ =	shalt  }
0x80: {  	_ =	shalt  }
0x81: {  	_ =	shalt  }
0x82: {  	_ =	shalt  }
0x83: {  	_ =	shalt  }
0x84: {  	_ =	shalt  }
0x85: {  	_ =	shalt  }
0x86: {  	_ =	shalt  }
0x87: {  	_ =	shalt  }
.Lfunc_end0:
.L_simem_size_0:
called_computation.1_lowered:
.L_overlay_start_0:
0x88: {  	s2 =	sld [smem:$0x3FD9]  }
0x89: {  	s3 =	sld [smem:$0x3FFE];
	_ =	sdelay $0x1  }
0x8a: {  	s1 =	srdreg.scid  }
0x8b: {  	s0 =	sand.u32 $0x1, s1  }
0x8c: {  	s14 =	sshll.u32 s0, $0xA;
	s2 =	sadd.s32 s3, s2  }
0x8d: {  	s2 =	sadd.s32 s2, s14  }
0x8e: {  	[smem:$0x3F85] =	sst s2  }
0x8f: {  	_ = 	snop  }
0x90: {  	s2 =	sld [smem:$0x3FD0];
	_ =	sdelay $0x2  }
0x91: {  	s15 =	simm.s32 $0xA;
	s4 =	simm.s32 $0x10  }
0x92: {  	[smem:s4], [sflag:s15] =	dma.local [hbm:s2], $0x1  }
0x93: {  	_ =	swait.eq [sflag:s15], $0x1  }
0x94: {  	s16 =	sld [smem:$0x10];
	[sflag:s15] =	ssyncset.done $0x0  }
0x95: {  	s17 =	sld [smem:$0x11];
	[sflag:s15] =	ssyncadd.s32 $0xFFFFFFFF  }
0x96: {  	s18 =	sld [smem:$0x12];
	(tm) =	ssettm $0x1  }
0x97: {  	s5 =	sld [smem:$0x3FFB];
	_ =	sdelay $0x3  }
0x98: {  	_ =	strace s5  }
0x99: {  	s5 =	sld [smem:$0x3FFC];
	_ =	sdelay $0x3  }
0x9a: {  	_ =	strace s5  }
0x9b: {  	s5 =	sld [smem:$0x3FFD];
	_ =	sdelay $0x3  }
0x9c: {  	_ =	strace s5  }
0x9d: {  	_ =	strace $0x8FFFFFFF  }
0x9e: {  	s19 =	sld [smem:$0x3FDB];
	_ =	sdelay $0x1  }
0x9f: {  	s6 =	simm.s32 $_scs_section_size  }
0xa0: {  	s7 =	simm.s32 $_size__tile_overlayer_lowered;
	s8 =	simm.s32 $_tile_overlayer_lowered  }
0xa1: {  	s22 =	simm.s32 $0x1BFF;
	s21 =	sshll.u32 s8, $0x1;
	s5 =	sadd.s32 s6, s19  }
0xa2: {  	s9 =	simm.s32 $0x0;
	s20 =	sshll.u32 s7, $0x1;
	s7 =	sadd.s32 s21, s5  }
0xa3: {  	[timem:s9], [sflag:s22] =	dma.local [hbm:s7], s20  }
0xa4: {  	_ =	swait.ge [sflag:s22], s20  }
0xa5: {  	s6 =	ssub.s32 $0x0, s20;
	[sflag:s22] =	ssyncset.done $0x0  }
0xa6: {  	[sflag:s22] =	ssyncadd.s32 s6;
	_ =	sdelay $0x1  }
0xa7: {  	s23 =	simm.s32 $0x1B8B  }
0xa8: {  	_ =	swait.ge [sflag:s23], $0x1  }
0xa9: {  	[sflag:s23] =	ssyncset.done $0x0  }
0xaa: {  	s25 =	simm.s32 $0x1B8E;
	s24 =	sld [smem:$0x3FFE];
	[sflag:s23] =	ssyncadd.s32 $0xFFFFFFFF  }
0xab: {  	s26 =	simm.s32 $execute0_lowered;
	[smem:$0x3FD2] =	sst s25  }
0xac: {  	s7 =	sshll.u32 s26, $0x1;
	_ =	strace $0x80000049;
	[dreg:$0x1] =	wrdreg $0xFFFFFFFF  }
0xad: {  	s28 =	simm.s32 $_size_execute0_lowered;
	s5 =	sadd.s32 s5, s7;
	[dreg:$0x0] =	wrdreg $0x0  }
0xae: {  	s7 =	sshll.u32 s28, $0x1;
	[dreg:$0x2] =	wrdreg s5  }
0xaf: {  	[dreg:$0x3] =	wrdreg s7  }
0xb0: {  	[dreg:$0x4] =	wrdreg $0xC0  }
0xb1: {  	_ =	task [dreg:s9], $0x5FFFF  }
0xb2: {  	[dreg:$0x1] =	wrdreg $0xFFFFFFFF  }
0xb3: {  	[dreg:$0x0] =	wrdreg $0x60  }
0xb4: {  	[dreg:$0x2] =	wrdreg s24  }
0xb5: {  	[dreg:$0x3] =	wrdreg s18  }
0xb6: {  	[dreg:$0x4] =	wrdreg s16  }
0xb7: {  	[dreg:$0x5] =	wrdreg s17  }
0xb8: {  	[dreg:$0x6] =	wrdreg $0xA8000  }
0xb9: {  	[dreg:$0x7] =	wrdreg $0x1E4000  }
0xba: {  	[dreg:$0x8] =	wrdreg $0x9  }
0xbb: {  	_ =	task.clear_ibuf [dreg:s9], $0x9FFFF;
	_ =	strace $0x90000049  }
0xbc: {  	s29 =	simm.s32 $0x9;
	_ =	strace $0x8000004B  }
0xbd: {  	_ =	swait.ge [sflag:s29], $0x1  }
0xbe: {  	[sflag:s29] =	ssyncadd.s32 $0xFFFFFFFF  }
0xbf: {  	_ =	strace $0x9000004B  }
0xc0: {  	_ =	sfence  }
0xc1: {  	s30 =	sld [smem:$0x0];
	_ =	sdelay $0x2  }
0xc2: {  	s31 =	sshll.u32 s1, $0xD;
	s1 =	sshrl.u32 s1, $0x2  }
0xc3: {  	s3 =	sand.u32 $0x4000, s31;
	s1 =	sadd.s32 s1, s30  }
0xc4: {  	s0 =	sor.u32 s3, s0;
	s1 =	sshll.u32 s1, $0x11  }
0xc5: {  	s0 =	sor.u32 s1, s0  }
0xc6: {  	s0 =	sadd.s32 $0x8F2B, s0  }
0xc7: {  	[sflag:s0] =	ssyncadd.remote.s32 $0x1  }
0xc8: {  	_ =	sfence.sel $0xFFFF  }
0xc9: {  	[dreg:$0x0] =	wrdreg $0xFFFFFFFF;
	(pc) =	sbr.abs _section_cstart, $3  }
0xca: {  	[dreg:$0x1] =	wrdreg $0xFFFFFFFF  }
0xcb: {  	_ =	task.clear_ibuf [dreg:s9], $0x2FFFF;
	_ =	strace $0x9FFFFFFF  }
0xcc: {  	(tm) =	ssettm $0x7FFFFFFF  }
0xcd: {  	_ =	shalt  }
tec
execute0_lowered:
.L_overlay_start_1:
0x0: {  	(tag) =	ssettag $0x1  }
0x1: {  	s0 =	rddreg [dreg:$0x0]  }
0x2: {  	s1 =	rddreg [dreg:$0x1]  }
0x3: {  	s3 =	rddreg [dreg:$0x2]  }
0x4: {  	s10 =	rddreg [dreg:$0x3]  }
0x5: {  	s2 =	rddreg [dreg:$0x4]  }
0x6: {  	s4 =	rddreg [dreg:$0x5];
	s19 =	stileid.u32  }
0x7: {  	s5 =	simm.s32 $0x0;
	s8 =	srdreg.scid;
	s7 =	smul.u32 $0x280, s19  }
0x8: {  	s28 =	simm.s32 $0x1;
	s29 =	simm.s32 $0x6800;
	s12 =	smul.u32 $0x2780, s19  }
0x9: {  	s30 =	simm.s32 $0x2;
	s31 =	simm.s32 $0x2780;
	s9 =	smul.u32 $0x180, s19  }
0xa: {  	[smem:$0x7FF] =	sst s5;
	s6 =	sadd.s32 $0x6C800, s0;
	s15 =	smul.u32 $0x4F000, s19  }
0xb: {  	s11 =	sadd.s32 $0x14400, s0;
	s14 =	sand.u32 $0x1, s8;
	s18 =	smul.u32 $0x3000, s19  }
0xc: {  	_ =	strace $0x8000004A;
	s8 =	ssub.s32 $0x2, s14;
	p0 =	seq.s32 s14, $0x0  }
0xd: {  	s13 =	sadd.s32 s7, s0;
	s7 =	sadd.s32 $0x42E00, s0;
	s16 =	sadd.s32 s12, s0  }
0xe: {  	s17 =	sshrl.u32 s8, $0x1;
	s15 =	sshrl.u32 s15, $0x2;
	s18 =	sshrl.u32 s18, $0x2  }
0xf: {  	s22 =	ssub.s32 s8, s17;
	s8 =	sadd.s32 s15, s2;
	s15 =	sadd.s32 s18, s4  }
0x10: {  	s0 =	sadd.s32 s9, s0;
	s20 =	sadd.s32 $0xF400, s13;
	[dreg:$0x7] =	wrdreg s15  }
0x11: {  	s17 =	sshll.u32 s19, $0x6;
	s21 =	sadd.s32 $0x11C00, s13;
	[dreg:$0x8] =	wrdreg s20  }
0x12: {  	s19 =	smul.u32 $0x2800, s19;
	s23 =	sadd.s32 $0xCC00, s13;
	[dreg:$0x9] =	wrdreg s21  }
0x13: {  	s13 =	sadd.s32 $0x19400, s13;
	s24 =	sadd.s32 $0xE3400, s16;
	[dreg:$0xa] =	wrdreg s23  }
0x14: {  	s16 =	sadd.s32 $0xE1C00, s0;
	s0 =	simm.s32 $0x0;
	[dreg:$0xb] =	wrdreg s13  }
.Ltmp0:
0x15: {  	s9 =	sor.u32 $0x1C03, s17;
	[dreg:$0xc] =	wrdreg s24;
	(pc) =	sbr.rel .LBB2_1-.Ltmp0, $4  }
0x16: {  	s21 =	sadd.s32 s10, s12;
	s22 =	smax.u32 s22, $0x1;
	s25 =	sshrl.u32 s19, $0x3  }
0x17: {  	s23 =	simm.s32 $0x3;
	s24 =	simm.s32 $0x1400;
	s17 =	sadd.s32 s3, s25  }
0x18: {  	s26 =	sadd.s32 $0x280, s25;
	s18 =	sadd.s32 s11, s25;
	s25 =	simm.s32 $0x80  }
0x19: {  	s19 =	sadd.s32 s3, s26;
	s20 =	sadd.s32 s11, s26;
	s26 =	simm.s32 $0x2800  }
.LBB2_17:
0x1a: {  	[spmem:s4] =	stream.indirect.scatter.add.f32 [tilespmem:s14], [sflag:$0x2], $0x80, s31, s25, $0xb8;
	[tilespmem:$0x1F000] =	vst v63  }
.LBB2_19:
0x1b: {  	_ =	swait.ge [sflag:s30], $0x4000  }
0x1c: {  	[sflag:s30] =	ssyncset.done $0x0  }
0x1d: {  	[sflag:s30] =	ssyncadd.s32 $0xFFFFC000  }
0x1e: {  	[bflag:$0x0] =	sbarrier.arrive $0xFFFF  }
0x1f: {  	s11 =	rddreg [dreg:$0xc]  }
0x20: {  	[hbm:s11], [sflag:s9] =	dma.local [spmem:s3], $0x2780  }
0x21: {  	_ =	swait.ge [sflag:s23], $0x2780  }
0x22: {  	[sflag:s23] =	ssyncset.done $0x0  }
0x23: {  	[sflag:s23] =	ssyncadd.s32 $0xFFFFD880  }
0x24: {  	[hbm:s16], [sflag:s9] =	dma.local [spmem:s10], $0x180  }
0x25: {  	_ =	swait.ge [sflag:s23], $0x180  }
0x26: {  	[sflag:s23] =	ssyncset.done $0x0  }
0x27: {  	[sflag:s23] =	ssyncadd.s32 $0xFFFFFE80  }
.LBB2_20:
0x28: {  	s0 =	sadd.s32 $0x1, s0  }
0x29: {  	p1 =	sne.s32 s0, s22  }
.Ltmp1:
0x2a: {  	_ = 	snop;
	(pc) =	sbr.rel @!p1 .LBB2_21-.Ltmp1, $1  }
0x2b: {  	_ =	sdelay $0x3  }
.LBB2_1:
.Ltmp2:
0x2c: {  	s3 =	sshrl.u32 s8, $0x3;
	(pc) =	sbr.rel @!p0 .LBB2_2-.Ltmp2, $4  }
0x2d: {  	[spmem:s3], [sflag:s9] =	dma.local [hbm:s7], $0x2780  }
0x2e: {  	_ =	swait.ge [sflag:s23], $0x2780  }
0x2f: {  	[sflag:s23] =	ssyncset.done $0x0  }
0x30: {  	[sflag:s23] =	ssyncadd.s32 $0xFFFFD880  }
0x31: {  	[bflag:$0x0] =	sbarrier.arrive $0xFFFF  }
0x32: {  	[tilespmem:s5], [sflag:$0x3] =	stream.linear.gather [hbm4b:s17+s5], $0x1400, $0x38;
	[tilespmem:$0x1F000] =	vst v63  }
0x33: {  	_ =	swait.ge [sflag:s23], $0x1400  }
0x34: {  	[sflag:s23] =	ssyncset.done $0x0  }
0x35: {  	[sflag:s23] =	ssyncadd.s32 $0xFFFFEC00  }
0x36: {  	[tilespmem:s24], [sflag:$0x3] =	stream.linear.gather [hbm4b:s18+s5], $0x1400, $0x38;
	[tilespmem:$0x1F000] =	vst v63  }
0x37: {  	_ =	swait.ge [sflag:s23], $0x1400  }
0x38: {  	[sflag:s23] =	ssyncset.done $0x0  }
0x39: {  	[sflag:s23] =	ssyncadd.s32 $0xFFFFEC00  }
0x3a: {  	[tilespmem:s26], [sflag:$0x1] =	stream.indirect.gather [hbm4b:s6+s25], $0x80, s5, s25, $0xb8;
	[tilespmem:$0x1F000] =	vst v63  }
0x3b: {  	_ =	swait.ge [sflag:s28], $0x4000  }
0x3c: {  	[sflag:s28] =	ssyncset.done $0x0  }
0x3d: {  	[sflag:s28] =	ssyncadd.s32 $0xFFFFC000  }
0x3e: {  	[tilespmem:s29], [sflag:$0x1] =	stream.indirect.gather [hbm4b:s6+s25], $0x80, s25, s25, $0xb8;
	[tilespmem:$0x1F000] =	vst v63  }
0x3f: {  	s10 =	simm.s32 $0x1480;
	s11 =	simm.s32 $0x20000;
	s12 =	simm.s32 $0x100  }
0x40: {  	[spmem:s2] =	stream.indirect.scatter.add.f32 [tilespmem:s26], [sflag:$0x2], $0x80, s24, s25, $0xb8;
	[tilespmem:$0x1F000] =	vst v63  }
.LBB2_6:
0x41: {  	_ =	swait.ge [sflag:s28], $0x4000;
	p1 =	sne.s32 s11, $0x280000  }
.Ltmp3:
0x42: {  	[sflag:s28] =	ssyncset.done $0x0;
	(pc) =	sbr.rel @!p1 .LBB2_7-.Ltmp3, $4  }
0x43: {  	s13 =	sadd.s32 $0xFFFF0000, s11;
	[sflag:s28] =	ssyncadd.s32 $0xFFFFC000  }
0x44: {  	s13 =	sand.u32 $0x10000, s13;
	_ =	swait.ge [sflag:s30], $0x4000  }
0x45: {  	s13 =	sshrl.u32 s13, $0x2;
	[sflag:s30] =	ssyncset.done $0x0  }
0x46: {  	s13 =	sor.u32 $0x2800, s13;
	[sflag:s30] =	ssyncadd.s32 $0xFFFFC000  }
0x47: {  	s14 =	sand.u32 $0x10000, s11  }
0x48: {  	s11 =	sadd.s32 $0x10000, s11;
	s14 =	sshrl.u32 s14, $0x2  }
0x49: {  	p1 =	sne.s32 s11, $0x290000;
	s14 =	sor.u32 $0x2800, s14  }
0x4a: {  	[tilespmem:s14], [sflag:$0x1] =	stream.indirect.gather [hbm4b:s6+s25], $0x80, s12, s25, $0xb8;
	[tilespmem:$0x1F000] =	vst v63  }
.Ltmp4:
0x4b: {  	_ = 	snop;
	(pc) =	sbr.rel @p1 .LBB2_6-.Ltmp4, $4  }
.Ltmp5:
0x4c: {  	_ = 	snop;
	(pc) =	sbr.rel @!p1 .LBB2_9-.Ltmp5, $4  }
0x4d: {  	_ = 	snop  }
0x4e: {  	[spmem:s2] =	stream.indirect.scatter.add.f32 [tilespmem:s13], [sflag:$0x2], $0x80, s10, s25, $0xb8;
	[tilespmem:$0x1F000] =	vst v63  }
0x4f: {  	s12 =	sadd.s32 $0x80, s12;
	s10 =	sadd.s32 $0x80, s10  }
0x50: {  	_ = 	snop  }
.LBB2_2:
0x51: {  	s10 =	rddreg [dreg:$0x7]  }
0x52: {  	s10 =	sshrl.u32 s10, $0x3  }
0x53: {  	[spmem:s10], [sflag:s9] =	dma.local [hbm:s7], $0x180  }
0x54: {  	_ =	swait.ge [sflag:s23], $0x180  }
0x55: {  	[sflag:s23] =	ssyncset.done $0x0  }
0x56: {  	[sflag:s23] =	ssyncadd.s32 $0xFFFFFE80  }
0x57: {  	[bflag:$0x0] =	sbarrier.arrive $0xFFFF  }
0x58: {  	s11 =	rddreg [dreg:$0x8]  }
0x59: {  	[tilespmem:s5], [sflag:$0x3] =	stream.linear.gather [hbm4b:s11+s5], $0x1400, $0x38;
	[tilespmem:$0x1F000] =	vst v63  }
0x5a: {  	_ =	swait.ge [sflag:s23], $0x1400  }
0x5b: {  	[sflag:s23] =	ssyncset.done $0x0  }
0x5c: {  	s15 =	rddreg [dreg:$0x9];
	[sflag:s23] =	ssyncadd.s32 $0xFFFFEC00  }
0x5d: {  	[tilespmem:s24], [sflag:$0x3] =	stream.linear.gather [hbm4b:s15+s5], $0x1400, $0x38;
	[tilespmem:$0x1F000] =	vst v63  }
0x5e: {  	_ =	swait.ge [sflag:s23], $0x1400  }
0x5f: {  	[sflag:s23] =	ssyncset.done $0x0  }
0x60: {  	[sflag:s23] =	ssyncadd.s32 $0xFFFFEC00  }
0x61: {  	[tilespmem:s26], [sflag:$0x1] =	stream.indirect.gather [hbm4b:s1+s25], $0x80, s5, s25, $0xb8;
	[tilespmem:$0x1F000] =	vst v63  }
0x62: {  	_ =	swait.ge [sflag:s28], $0x4000  }
0x63: {  	[sflag:s28] =	ssyncset.done $0x0  }
0x64: {  	[sflag:s28] =	ssyncadd.s32 $0xFFFFC000  }
0x65: {  	[tilespmem:s29], [sflag:$0x1] =	stream.indirect.gather [hbm4b:s1+s25], $0x80, s25, s25, $0xb8;
	[tilespmem:$0x1F000] =	vst v63  }
0x66: {  	s12 =	simm.s32 $0x20000;
	s13 =	simm.s32 $0x100;
	s11 =	simm.s32 $0x1480  }
0x67: {  	[spmem:s2] =	stream.indirect.scatter.add.f32 [tilespmem:s26], [sflag:$0x2], $0x80, s24, s25, $0xb8;
	[tilespmem:$0x1F000] =	vst v63  }
.LBB2_3:
0x68: {  	_ =	swait.ge [sflag:s28], $0x4000;
	p1 =	sne.s32 s12, $0x280000  }
.Ltmp6:
0x69: {  	[sflag:s28] =	ssyncset.done $0x0;
	(pc) =	sbr.rel @!p1 .LBB2_4-.Ltmp6, $4  }
0x6a: {  	s14 =	sadd.s32 $0xFFFF0000, s12;
	[sflag:s28] =	ssyncadd.s32 $0xFFFFC000  }
0x6b: {  	s14 =	sand.u32 $0x10000, s14;
	_ =	swait.ge [sflag:s30], $0x4000  }
0x6c: {  	s14 =	sshrl.u32 s14, $0x2;
	[sflag:s30] =	ssyncset.done $0x0  }
0x6d: {  	s14 =	sor.u32 $0x2800, s14;
	[sflag:s30] =	ssyncadd.s32 $0xFFFFC000  }
0x6e: {  	s15 =	sand.u32 $0x10000, s12  }
0x6f: {  	s12 =	sadd.s32 $0x10000, s12;
	s15 =	sshrl.u32 s15, $0x2  }
0x70: {  	p1 =	sne.s32 s12, $0x290000;
	s15 =	sor.u32 $0x2800, s15  }
0x71: {  	[tilespmem:s15], [sflag:$0x1] =	stream.indirect.gather [hbm4b:s1+s25], $0x80, s13, s25, $0xb8;
	[tilespmem:$0x1F000] =	vst v63  }
.Ltmp7:
0x72: {  	_ = 	snop;
	(pc) =	sbr.rel @p1 .LBB2_3-.Ltmp7, $4  }
.Ltmp8:
0x73: {  	_ = 	snop;
	(pc) =	sbr.rel @!p1 .LBB2_15-.Ltmp8, $4  }
0x74: {  	_ = 	snop  }
0x75: {  	[spmem:s2] =	stream.indirect.scatter.add.f32 [tilespmem:s14], [sflag:$0x2], $0x80, s11, s25, $0xb8;
	[tilespmem:$0x1F000] =	vst v63  }
0x76: {  	s13 =	sadd.s32 $0x80, s13;
	s11 =	sadd.s32 $0x80, s11  }
0x77: {  	_ = 	snop  }
.LBB2_7:
0x78: {  	[spmem:s2] =	stream.indirect.scatter.add.f32 [tilespmem:s13], [sflag:$0x2], $0x80, s31, s25, $0xb8;
	[tilespmem:$0x1F000] =	vst v63  }
.LBB2_9:
0x79: {  	_ =	swait.ge [sflag:s30], $0x4000  }
0x7a: {  	[sflag:s30] =	ssyncset.done $0x0  }
0x7b: {  	[sflag:s30] =	ssyncadd.s32 $0xFFFFC000  }
0x7c: {  	[tilespmem:s5], [sflag:$0x3] =	stream.linear.gather [hbm4b:s19+s5], $0x1400, $0x38;
	[tilespmem:$0x1F000] =	vst v63  }
0x7d: {  	_ =	swait.ge [sflag:s23], $0x1400  }
0x7e: {  	[sflag:s23] =	ssyncset.done $0x0  }
0x7f: {  	[sflag:s23] =	ssyncadd.s32 $0xFFFFEC00  }
0x80: {  	[tilespmem:s24], [sflag:$0x3] =	stream.linear.gather [hbm4b:s20+s5], $0x1400, $0x38;
	[tilespmem:$0x1F000] =	vst v63  }
0x81: {  	_ =	swait.ge [sflag:s23], $0x1400  }
0x82: {  	[sflag:s23] =	ssyncset.done $0x0  }
0x83: {  	[sflag:s23] =	ssyncadd.s32 $0xFFFFEC00  }
0x84: {  	[tilespmem:s26], [sflag:$0x1] =	stream.indirect.gather [hbm4b:s6+s25], $0x80, s5, s25, $0xb8;
	[tilespmem:$0x1F000] =	vst v63  }
0x85: {  	_ =	swait.ge [sflag:s28], $0x4000  }
0x86: {  	[sflag:s28] =	ssyncset.done $0x0  }
0x87: {  	[sflag:s28] =	ssyncadd.s32 $0xFFFFC000  }
0x88: {  	[tilespmem:s29], [sflag:$0x1] =	stream.indirect.gather [hbm4b:s6+s25], $0x80, s25, s25, $0xb8;
	[tilespmem:$0x1F000] =	vst v63  }
0x89: {  	s10 =	simm.s32 $0x1480;
	s11 =	simm.s32 $0x20000;
	s12 =	simm.s32 $0x100  }
0x8a: {  	[spmem:s2] =	stream.indirect.scatter.add.f32 [tilespmem:s26], [sflag:$0x2], $0x80, s24, s25, $0xb8;
	[tilespmem:$0x1F000] =	vst v63  }
.LBB2_10:
0x8b: {  	_ =	swait.ge [sflag:s28], $0x4000;
	p1 =	sne.s32 s11, $0x280000  }
.Ltmp9:
0x8c: {  	[sflag:s28] =	ssyncset.done $0x0;
	(pc) =	sbr.rel @!p1 .LBB2_11-.Ltmp9, $4  }
0x8d: {  	s13 =	sadd.s32 $0xFFFF0000, s11;
	[sflag:s28] =	ssyncadd.s32 $0xFFFFC000  }
0x8e: {  	s13 =	sand.u32 $0x10000, s13;
	_ =	swait.ge [sflag:s30], $0x4000  }
0x8f: {  	s13 =	sshrl.u32 s13, $0x2;
	[sflag:s30] =	ssyncset.done $0x0  }
0x90: {  	s13 =	sor.u32 $0x2800, s13;
	[sflag:s30] =	ssyncadd.s32 $0xFFFFC000  }
0x91: {  	s14 =	sand.u32 $0x10000, s11  }
0x92: {  	s11 =	sadd.s32 $0x10000, s11;
	s14 =	sshrl.u32 s14, $0x2  }
0x93: {  	p1 =	sne.s32 s11, $0x290000;
	s14 =	sor.u32 $0x2800, s14  }
0x94: {  	[tilespmem:s14], [sflag:$0x1] =	stream.indirect.gather [hbm4b:s6+s25], $0x80, s12, s25, $0xb8;
	[tilespmem:$0x1F000] =	vst v63  }
.Ltmp10:
0x95: {  	_ = 	snop;
	(pc) =	sbr.rel @p1 .LBB2_10-.Ltmp10, $4  }
.Ltmp11:
0x96: {  	_ = 	snop;
	(pc) =	sbr.rel @!p1 .LBB2_13-.Ltmp11, $4  }
0x97: {  	_ = 	snop  }
0x98: {  	[spmem:s2] =	stream.indirect.scatter.add.f32 [tilespmem:s13], [sflag:$0x2], $0x80, s10, s25, $0xb8;
	[tilespmem:$0x1F000] =	vst v63  }
0x99: {  	s12 =	sadd.s32 $0x80, s12;
	s10 =	sadd.s32 $0x80, s10  }
0x9a: {  	_ = 	snop  }
.LBB2_4:
0x9b: {  	[spmem:s2] =	stream.indirect.scatter.add.f32 [tilespmem:s14], [sflag:$0x2], $0x80, s31, s25, $0xb8;
	[tilespmem:$0x1F000] =	vst v63  }
.LBB2_15:
0x9c: {  	_ =	swait.ge [sflag:s30], $0x4000  }
0x9d: {  	[sflag:s30] =	ssyncset.done $0x0  }
0x9e: {  	s11 =	rddreg [dreg:$0xa];
	[sflag:s30] =	ssyncadd.s32 $0xFFFFC000  }
0x9f: {  	[tilespmem:s5], [sflag:$0x3] =	stream.linear.gather [hbm4b:s11+s5], $0x1400, $0x38;
	[tilespmem:$0x1F000] =	vst v63  }
0xa0: {  	_ =	swait.ge [sflag:s23], $0x1400  }
0xa1: {  	[sflag:s23] =	ssyncset.done $0x0  }
0xa2: {  	s15 =	rddreg [dreg:$0xb];
	[sflag:s23] =	ssyncadd.s32 $0xFFFFEC00  }
0xa3: {  	[tilespmem:s24], [sflag:$0x3] =	stream.linear.gather [hbm4b:s15+s5], $0x1400, $0x38;
	[tilespmem:$0x1F000] =	vst v63  }
0xa4: {  	_ =	swait.ge [sflag:s23], $0x1400  }
0xa5: {  	[sflag:s23] =	ssyncset.done $0x0  }
0xa6: {  	[sflag:s23] =	ssyncadd.s32 $0xFFFFEC00  }
0xa7: {  	[tilespmem:s26], [sflag:$0x1] =	stream.indirect.gather [hbm4b:s6+s25], $0x80, s5, s25, $0xb8;
	[tilespmem:$0x1F000] =	vst v63  }
0xa8: {  	_ =	swait.ge [sflag:s28], $0x4000  }
0xa9: {  	[sflag:s28] =	ssyncset.done $0x0  }
0xaa: {  	[sflag:s28] =	ssyncadd.s32 $0xFFFFC000  }
0xab: {  	[tilespmem:s29], [sflag:$0x1] =	stream.indirect.gather [hbm4b:s6+s25], $0x80, s25, s25, $0xb8;
	[tilespmem:$0x1F000] =	vst v63  }
0xac: {  	s12 =	simm.s32 $0x20000;
	s13 =	simm.s32 $0x100;
	s11 =	simm.s32 $0x1480  }
0xad: {  	[spmem:s4] =	stream.indirect.scatter.add.f32 [tilespmem:s26], [sflag:$0x2], $0x80, s24, s25, $0xb8;
	[tilespmem:$0x1F000] =	vst v63  }
.LBB2_16:
0xae: {  	_ =	swait.ge [sflag:s28], $0x4000;
	p1 =	sne.s32 s12, $0x280000  }
.Ltmp12:
0xaf: {  	[sflag:s28] =	ssyncset.done $0x0;
	(pc) =	sbr.rel @!p1 .LBB2_17-.Ltmp12, $4  }
0xb0: {  	s14 =	sadd.s32 $0xFFFF0000, s12;
	[sflag:s28] =	ssyncadd.s32 $0xFFFFC000  }
0xb1: {  	s14 =	sand.u32 $0x10000, s14;
	_ =	swait.ge [sflag:s30], $0x4000  }
0xb2: {  	s14 =	sshrl.u32 s14, $0x2;
	[sflag:s30] =	ssyncset.done $0x0  }
0xb3: {  	s14 =	sor.u32 $0x2800, s14;
	[sflag:s30] =	ssyncadd.s32 $0xFFFFC000  }
0xb4: {  	s15 =	sand.u32 $0x10000, s12  }
0xb5: {  	s12 =	sadd.s32 $0x10000, s12;
	s15 =	sshrl.u32 s15, $0x2  }
0xb6: {  	p1 =	sne.s32 s12, $0x290000;
	s15 =	sor.u32 $0x2800, s15  }
0xb7: {  	[tilespmem:s15], [sflag:$0x1] =	stream.indirect.gather [hbm4b:s6+s25], $0x80, s13, s25, $0xb8;
	[tilespmem:$0x1F000] =	vst v63  }
.Ltmp13:
0xb8: {  	_ = 	snop;
	(pc) =	sbr.rel @p1 .LBB2_16-.Ltmp13, $4  }
.Ltmp14:
0xb9: {  	_ = 	snop;
	(pc) =	sbr.rel @!p1 .LBB2_19-.Ltmp14, $4  }
0xba: {  	_ = 	snop  }
0xbb: {  	[spmem:s4] =	stream.indirect.scatter.add.f32 [tilespmem:s14], [sflag:$0x2], $0x80, s11, s25, $0xb8;
	[tilespmem:$0x1F000] =	vst v63  }
0xbc: {  	s13 =	sadd.s32 $0x80, s13;
	s11 =	sadd.s32 $0x80, s11  }
0xbd: {  	_ = 	snop  }
.LBB2_11:
0xbe: {  	[spmem:s2] =	stream.indirect.scatter.add.f32 [tilespmem:s13], [sflag:$0x2], $0x80, s31, s25, $0xb8;
	[tilespmem:$0x1F000] =	vst v63  }
.LBB2_13:
0xbf: {  	_ =	swait.ge [sflag:s30], $0x4000  }
0xc0: {  	[sflag:s30] =	ssyncset.done $0x0  }
0xc1: {  	[sflag:s30] =	ssyncadd.s32 $0xFFFFC000  }
.Ltmp15:
0xc2: {  	[bflag:$0x0] =	sbarrier.arrive $0xFFFF;
	(pc) =	sbr.rel .LBB2_20-.Ltmp15, $4  }
0xc3: {  	[hbm:s21], [sflag:s9] =	dma.local [spmem:s3], $0x2780  }
0xc4: {  	_ =	swait.ge [sflag:s23], $0x2780  }
0xc5: {  	[sflag:s23] =	ssyncset.done $0x0  }
0xc6: {  	[sflag:s23] =	ssyncadd.s32 $0xFFFFD880  }
.LBB2_21:
0xc7: {  	_ =	sfence.sel $0x180000  }
0xc8: {  	[bflag:$0x0] =	sbarrier.arrive $0xFFFF  }
0xc9: {  	_ =	strace $0x9000004A  }
0xca: {  	s0 =	stileid.u32;
	[bflag:$0x2] =	sbarrier.arrive $0xFFFF  }
0xcb: {  	p0 =	sne.s32 s0, $0x0;
	s0 =	rddreg [dreg:$0x6]  }
0xcc: {  	s0 =	sadd.s32 @!p0 $0x100000, s0  }
0xcd: {  	[sflag:s0] =	ssyncadd.tile.s32 @!p0 $0x1;
	_ =	shalt  }
.Lfunc_end2:
_tile_overlayer_lowered:
.L_overlay_start_2:
0xce: {  	(tag) =	ssettag $0x2  }
0xcf: {  	s0 =	rddreg [dreg:$0x0];
	s2 =	stileid.u32  }
0xd0: {  	s1 =	rddreg [dreg:$0x1];
	p0 =	sne.s32 s2, $0x0  }
0xd1: {  	s3 =	rddreg [dreg:$0x2];
	[bflag:$0x3] =	sbarrier.arrive $0xFFFF;
	s2 =	simm.s32 @!p0 $0x1C03  }
0xd2: {  	[timem:s3], [sflag:s2] =	dma.local @!p0 [hbm:s0], s1  }
0xd3: {  	s0 =	simm.s32 @!p0 $0x3  }
0xd4: {  	_ =	swait.ge @!p0 [sflag:s0], s1  }
0xd5: {  	s1 =	ssub.s32 @!p0 $0x0, s1;
	[sflag:s0] =	ssyncset.done @!p0 $0x0  }
0xd6: {  	[sflag:s0] =	ssyncadd.s32 @!p0 s1  }
0xd7: {  	[bflag:$0x3] =	sbarrier.arrive $0xFFFF  }
0xd8: {  	_ =	shalt  }

// kernel: kernel.16.cloned.1.call-start
scs
__scs_entry_jumppad:
0x0: {  	(pc) =	sbr.rel $0x88, $3  }
0x1: {  	(tag) =	ssettag $0x0;
	lr =	simm.s32 $0x1  }
0x2: {  	[smem:$0x3F5E] =	sst lr;
	_ =	strace $0xD0000000  }
0x3: {  	_ = 	snop  }
0x4: {  	_ = 	snop  }
0x5: {  	_ = 	snop  }
0x6: {  	_ = 	snop  }
0x7: {  	_ = 	snop  }
__scs_overlays_trampoline_lowered:
0x8: {  	[smem:$0x3F6D] =	sst s0  }
0x9: {  	[smem:$0x3F6E] =	sst s1  }
0xa: {  	[smem:$0x3F6F] =	sst s2  }
0xb: {  	[smem:$0x3F70] =	sst s3  }
0xc: {  	[smem:$0x3F71] =	sst s4  }
0xd: {  	[smem:$0x3F72] =	sst s5  }
0xe: {  	[smem:$0x3F73] =	sst s6  }
0xf: {  	[smem:$0x3F74] =	sst s7  }
0x10: {  	[smem:$0x3F75] =	sst s8  }
0x11: {  	[smem:$0x3F76] =	sst s9;
	s0 =	simm.s32 @!p0 $0x0  }
0x12: {  	s1 =	sld [smem:$0x3F5C];
	s0 =	simm.s32 @p0 $0x1  }
0x13: {  	[smem:$0x3F77] =	sst s0;
	s0 =	simm.s32 @!p1 $0x0  }
0x14: {  	s2 =	sld [smem:$0x3F5B];
	s0 =	simm.s32 @p1 $0x1  }
0x15: {  	[smem:$0x3F78] =	sst s0;
	s0 =	simm.s32 @!p2 $0x0  }
0x16: {  	s3 =	sld [smem:$0x3FDB];
	s0 =	simm.s32 @p2 $0x1  }
0x17: {  	s4 =	simm.s32 $0x1BF5;
	[smem:$0x3F7A] =	sst s0  }
0x18: {  	s0 =	sld [smem:$0x3F5D];
	_ =	swait.ge [sflag:s4], $0x0  }
0x19: {  	s7 =	sld [smem:$0x3F5E]  }
0x1a: {  	s8 =	sadd.s32 $0xFFFFE003, lr  }
0x1b: {  	s9 =	sadd.s32 $0xFFFFFEF7, lr;
	s5 =	simm.s32 $0xFFFFFFFF;
	p2 =	slt.u32 s8, $0xFFFFF086  }
0x1c: {  	p1 =	slt.u32 s9, $0xF7A;
	s5 =	simm.s32 @!p2 $0x0  }
0x1d: {  	s5 =	simm.s32 @p1 $0x1;
	p0 =	seq.s32 s7, s2  }
0x1e: {  	s7 =	smul.u32 @!p0 $0xF7A, s2;
	p2 =	seq.s32 @!p0 s5, $0x0  }
0x1f: {  	s9 =	smul.u32 $0xF7A, s1;
	s8 =	simm.s32 @!p0 $0x1BF5;
	p2 =	por !p2, p0  }
0x20: {  	[sflag:s8] =	ssyncset.s32 @!p0 $0xFFFFF086;
	s6 =	sadd.s32 @!p0 s3, s7;
	s7 =	simm.s32 @!p0 $0x108  }
0x21: {  	s3 =	sadd.s32 s3, s9;
	s6 =	sadd.s32 @!p0 $0x88, s6;
	s7 =	simm.s32 @p2 $0x1082  }
0x22: {  	[simem:s7], [sflag:s8] =	dma.local @!p0 [hbm:s6], $0xF7A  }
0x23: {  	s9 =	sor.u32 $0xD0000000, s2;
	s6 =	simm.s32 $0x108;
	_ =	swait.ge @!p0 [sflag:s8], $0x0  }
0x24: {  	s3 =	sadd.s32 $0x88, s3;
	s6 =	simm.s32 @!p1 $0x1082;
	[sflag:s4] =	ssyncset.s32 $0xFFFFF086  }
0x25: {  	[simem:s6], [sflag:s4] =	dma.local [hbm:s3], $0xF7A  }
0x26: {  	[smem:$0x3F5E] =	sst s1;
	(tag) =	ssettag s2;
	_ =	strace s9  }
0x27: {  	s1 =	sld [smem:$0x3F6E]  }
0x28: {  	s2 =	sld [smem:$0x3F6F]  }
0x29: {  	s4 =	sld [smem:$0x3F71]  }
0x2a: {  	p0 =	seq.s32 s5, $0x0;
	s5 =	sld [smem:$0x3F72]  }
0x2b: {  	s6 =	sld [smem:$0x3F73]  }
0x2c: {  	s7 =	sld [smem:$0x3F74]  }
0x2d: {  	s3 =	simm.s32 $0x108;
	s8 =	sld [smem:$0x3F75]  }
0x2e: {  	s3 =	simm.s32 @!p0 $0x1082;
	s9 =	sld [smem:$0x3F76]  }
0x2f: {  	lr =	sadd.s32 s0, s3;
	s0 =	sld [smem:$0x3F6D]  }
0x30: {  	s3 =	sld [smem:$0x3F70]  }
0x31: {  	[smem:$0x3F79] =	sst s10  }
0x32: {  	s10 =	sld [smem:$0x3F77];
	_ =	sdelay $0x3  }
0x33: {  	p0 =	seq.s32 s10, $0x1;
	s10 =	sld [smem:$0x3F79];
	_ =	sdelay $0x3  }
0x34: {  	[smem:$0x3F79] =	sst s10  }
0x35: {  	s10 =	sld [smem:$0x3F78];
	_ =	sdelay $0x3  }
0x36: {  	p1 =	seq.s32 s10, $0x1;
	s10 =	sld [smem:$0x3F79];
	_ =	sdelay $0x3  }
0x37: {  	[smem:$0x3F79] =	sst s10  }
0x38: {  	s10 =	sld [smem:$0x3F7A]  }
0x39: {  	_ = 	snop;
	(pc) =	sbr.ind lr, $3  }
0x3a: {  	_ = 	snop  }
0x3b: {  	_ = 	snop  }
0x3c: {  	p2 =	seq.s32 s10, $0x1;
	s10 =	sld [smem:$0x3F79]  }
0x3d: {  	_ =	shalt  }
0x3e: {  	_ =	shalt  }
0x3f: {  	_ =	shalt  }
0x40: {  	_ =	shalt  }
0x41: {  	_ =	shalt  }
0x42: {  	_ =	shalt  }
0x43: {  	_ =	shalt  }
0x44: {  	_ =	shalt  }
0x45: {  	_ =	shalt  }
0x46: {  	_ =	shalt  }
0x47: {  	_ =	shalt  }
0x48: {  	_ =	shalt  }
0x49: {  	_ =	shalt  }
0x4a: {  	_ =	shalt  }
0x4b: {  	_ =	shalt  }
0x4c: {  	_ =	shalt  }
0x4d: {  	_ =	shalt  }
0x4e: {  	_ =	shalt  }
0x4f: {  	_ =	shalt  }
0x50: {  	_ =	shalt  }
0x51: {  	_ =	shalt  }
0x52: {  	_ =	shalt  }
0x53: {  	_ =	shalt  }
0x54: {  	_ =	shalt  }
0x55: {  	_ =	shalt  }
0x56: {  	_ =	shalt  }
0x57: {  	_ =	shalt  }
0x58: {  	_ =	shalt  }
0x59: {  	_ =	shalt  }
0x5a: {  	_ =	shalt  }
0x5b: {  	_ =	shalt  }
0x5c: {  	_ =	shalt  }
0x5d: {  	_ =	shalt  }
0x5e: {  	_ =	shalt  }
0x5f: {  	_ =	shalt  }
0x60: {  	_ =	shalt  }
0x61: {  	_ =	shalt  }
0x62: {  	_ =	shalt  }
0x63: {  	_ =	shalt  }
0x64: {  	_ =	shalt  }
0x65: {  	_ =	shalt  }
0x66: {  	_ =	shalt  }
0x67: {  	_ =	shalt  }
0x68: {  	_ =	shalt  }
0x69: {  	_ =	shalt  }
0x6a: {  	_ =	shalt  }
0x6b: {  	_ =	shalt  }
0x6c: {  	_ =	shalt  }
0x6d: {  	_ =	shalt  }
0x6e: {  	_ =	shalt  }
0x6f: {  	_ =	shalt  }
0x70: {  	_ =	shalt  }
0x71: {  	_ =	shalt  }
0x72: {  	_ =	shalt  }
0x73: {  	_ =	shalt  }
0x74: {  	_ =	shalt  }
0x75: {  	_ =	shalt  }
0x76: {  	_ =	shalt  }
0x77: {  	_ =	shalt  }
0x78: {  	_ =	shalt  }
0x79: {  	_ =	shalt  }
0x7a: {  	_ =	shalt  }
0x7b: {  	_ =	shalt  }
0x7c: {  	_ =	shalt  }
0x7d: {  	_ =	shalt  }
0x7e: {  	_ =	shalt  }
0x7f: {  	_ =	shalt  }
0x80: {  	_ =	shalt  }
0x81: {  	_ =	shalt  }
0x82: {  	_ =	shalt  }
0x83: {  	_ =	shalt  }
0x84: {  	_ =	shalt  }
0x85: {  	_ =	shalt  }
0x86: {  	_ =	shalt  }
0x87: {  	_ =	shalt  }
.Lfunc_end0:
.L_simem_size_0:
called_computation.2_lowered:
.L_overlay_start_0:
0x88: {  	s2 =	sld [smem:$0x3FD9]  }
0x89: {  	s3 =	sld [smem:$0x3FFE];
	_ =	sdelay $0x1  }
0x8a: {  	s1 =	srdreg.scid  }
0x8b: {  	s0 =	sand.u32 $0x1, s1  }
0x8c: {  	s14 =	sshll.u32 s0, $0xA;
	s2 =	sadd.s32 s3, s2  }
0x8d: {  	s2 =	sadd.s32 s2, s14  }
0x8e: {  	[smem:$0x3F85] =	sst s2  }
0x8f: {  	_ = 	snop  }
0x90: {  	s2 =	sld [smem:$0x3FD0];
	_ =	sdelay $0x2  }
0x91: {  	s15 =	simm.s32 $0xA;
	s4 =	simm.s32 $0x10  }
0x92: {  	[smem:s4], [sflag:s15] =	dma.local [hbm:s2], $0x1  }
0x93: {  	_ =	swait.eq [sflag:s15], $0x1  }
0x94: {  	s16 =	sld [smem:$0x10];
	[sflag:s15] =	ssyncset.done $0x0  }
0x95: {  	s17 =	sld [smem:$0x11];
	[sflag:s15] =	ssyncadd.s32 $0xFFFFFFFF  }
0x96: {  	s18 =	sld [smem:$0x12];
	(tm) =	ssettm $0x1  }
0x97: {  	s5 =	sld [smem:$0x3FFB];
	_ =	sdelay $0x3  }
0x98: {  	_ =	strace s5  }
0x99: {  	s5 =	sld [smem:$0x3FFC];
	_ =	sdelay $0x3  }
0x9a: {  	_ =	strace s5  }
0x9b: {  	s5 =	sld [smem:$0x3FFD];
	_ =	sdelay $0x3  }
0x9c: {  	_ =	strace s5  }
0x9d: {  	_ =	strace $0x8FFFFFFF  }
0x9e: {  	s19 =	sld [smem:$0x3FDB];
	_ =	sdelay $0x1  }
0x9f: {  	s6 =	simm.s32 $_scs_section_size  }
0xa0: {  	s7 =	simm.s32 $_size__tile_overlayer_lowered;
	s8 =	simm.s32 $_tile_overlayer_lowered  }
0xa1: {  	s22 =	simm.s32 $0x1BFF;
	s21 =	sshll.u32 s8, $0x1;
	s5 =	sadd.s32 s6, s19  }
0xa2: {  	s9 =	simm.s32 $0x0;
	s20 =	sshll.u32 s7, $0x1;
	s7 =	sadd.s32 s21, s5  }
0xa3: {  	[timem:s9], [sflag:s22] =	dma.local [hbm:s7], s20  }
0xa4: {  	_ =	swait.ge [sflag:s22], s20  }
0xa5: {  	s6 =	ssub.s32 $0x0, s20;
	[sflag:s22] =	ssyncset.done $0x0  }
0xa6: {  	[sflag:s22] =	ssyncadd.s32 s6;
	_ =	sdelay $0x1  }
0xa7: {  	s23 =	simm.s32 $0x1B8B  }
0xa8: {  	_ =	swait.ge [sflag:s23], $0x1  }
0xa9: {  	[sflag:s23] =	ssyncset.done $0x0  }
0xaa: {  	s25 =	simm.s32 $0x1B8E;
	s24 =	sld [smem:$0x3FFE];
	[sflag:s23] =	ssyncadd.s32 $0xFFFFFFFF  }
0xab: {  	s26 =	simm.s32 $execute0_lowered;
	[smem:$0x3FD2] =	sst s25  }
0xac: {  	s7 =	sshll.u32 s26, $0x1;
	_ =	strace $0x8000004C;
	[dreg:$0x1] =	wrdreg $0xFFFFFFFF  }
0xad: {  	s28 =	simm.s32 $_size_execute0_lowered;
	s5 =	sadd.s32 s5, s7;
	[dreg:$0x0] =	wrdreg $0x0  }
0xae: {  	s7 =	sshll.u32 s28, $0x1;
	[dreg:$0x2] =	wrdreg s5  }
0xaf: {  	[dreg:$0x3] =	wrdreg s7  }
0xb0: {  	[dreg:$0x4] =	wrdreg $0xC0  }
0xb1: {  	_ =	task [dreg:s9], $0x5FFFF  }
0xb2: {  	[dreg:$0x1] =	wrdreg $0xFFFFFFFF  }
0xb3: {  	[dreg:$0x0] =	wrdreg $0x60  }
0xb4: {  	[dreg:$0x2] =	wrdreg s24  }
0xb5: {  	[dreg:$0x3] =	wrdreg s18  }
0xb6: {  	[dreg:$0x4] =	wrdreg s16  }
0xb7: {  	[dreg:$0x5] =	wrdreg s17  }
0xb8: {  	[dreg:$0x6] =	wrdreg $0xA8000  }
0xb9: {  	[dreg:$0x7] =	wrdreg $0x1E4000  }
0xba: {  	[dreg:$0x8] =	wrdreg $0x9  }
0xbb: {  	_ =	task.clear_ibuf [dreg:s9], $0x9FFFF;
	_ =	strace $0x9000004C  }
0xbc: {  	s29 =	simm.s32 $0x9;
	_ =	strace $0x8000004E  }
0xbd: {  	_ =	swait.ge [sflag:s29], $0x1  }
0xbe: {  	[sflag:s29] =	ssyncadd.s32 $0xFFFFFFFF  }
0xbf: {  	_ =	strace $0x9000004E  }
0xc0: {  	_ =	sfence  }
0xc1: {  	s30 =	sld [smem:$0x0];
	_ =	sdelay $0x2  }
0xc2: {  	s31 =	sshll.u32 s1, $0xD;
	s1 =	sshrl.u32 s1, $0x2  }
0xc3: {  	s3 =	sand.u32 $0x4000, s31;
	s1 =	sadd.s32 s1, s30  }
0xc4: {  	s0 =	sor.u32 s3, s0;
	s1 =	sshll.u32 s1, $0x11  }
0xc5: {  	s0 =	sor.u32 s1, s0  }
0xc6: {  	s0 =	sadd.s32 $0x8F2B, s0  }
0xc7: {  	[sflag:s0] =	ssyncadd.remote.s32 $0x1  }
0xc8: {  	_ =	sfence.sel $0xFFFF  }
0xc9: {  	[dreg:$0x0] =	wrdreg $0xFFFFFFFF;
	(pc) =	sbr.abs _section_cstart, $3  }
0xca: {  	[dreg:$0x1] =	wrdreg $0xFFFFFFFF  }
0xcb: {  	_ =	task.clear_ibuf [dreg:s9], $0x2FFFF;
	_ =	strace $0x9FFFFFFF  }
0xcc: {  	(tm) =	ssettm $0x7FFFFFFF  }
0xcd: {  	_ =	shalt  }
tec
execute0_lowered:
.L_overlay_start_1:
0x0: {  	(tag) =	ssettag $0x1  }
0x1: {  	s0 =	rddreg [dreg:$0x0]  }
0x2: {  	s1 =	rddreg [dreg:$0x1]  }
0x3: {  	s3 =	rddreg [dreg:$0x2]  }
0x4: {  	s10 =	rddreg [dreg:$0x3]  }
0x5: {  	s2 =	rddreg [dreg:$0x4]  }
0x6: {  	s4 =	rddreg [dreg:$0x5];
	s19 =	stileid.u32  }
0x7: {  	s5 =	simm.s32 $0x0;
	s8 =	srdreg.scid;
	s7 =	smul.u32 $0x280, s19  }
0x8: {  	s28 =	simm.s32 $0x1;
	s29 =	simm.s32 $0x6800;
	s12 =	smul.u32 $0x2780, s19  }
0x9: {  	s30 =	simm.s32 $0x2;
	s31 =	simm.s32 $0x2780;
	s9 =	smul.u32 $0x180, s19  }
0xa: {  	[smem:$0x7FF] =	sst s5;
	s6 =	sadd.s32 $0x6C800, s0;
	s15 =	smul.u32 $0x4F000, s19  }
0xb: {  	s11 =	sadd.s32 $0x14400, s0;
	s14 =	sand.u32 $0x1, s8;
	s18 =	smul.u32 $0x3000, s19  }
0xc: {  	_ =	strace $0x8000004D;
	s8 =	ssub.s32 $0x2, s14;
	p0 =	seq.s32 s14, $0x0  }
0xd: {  	s13 =	sadd.s32 s7, s0;
	s7 =	sadd.s32 $0x42E00, s0;
	s16 =	sadd.s32 s12, s0  }
0xe: {  	s17 =	sshrl.u32 s8, $0x1;
	s15 =	sshrl.u32 s15, $0x2;
	s18 =	sshrl.u32 s18, $0x2  }
0xf: {  	s22 =	ssub.s32 s8, s17;
	s8 =	sadd.s32 s15, s2;
	s15 =	sadd.s32 s18, s4  }
0x10: {  	s0 =	sadd.s32 s9, s0;
	s20 =	sadd.s32 $0xF400, s13;
	[dreg:$0x7] =	wrdreg s15  }
0x11: {  	s17 =	sshll.u32 s19, $0x6;
	s21 =	sadd.s32 $0x11C00, s13;
	[dreg:$0x8] =	wrdreg s20  }
0x12: {  	s19 =	smul.u32 $0x2800, s19;
	s23 =	sadd.s32 $0xCC00, s13;
	[dreg:$0x9] =	wrdreg s21  }
0x13: {  	s13 =	sadd.s32 $0x19400, s13;
	s24 =	sadd.s32 $0x180000, s16;
	[dreg:$0xa] =	wrdreg s23  }
0x14: {  	s16 =	sadd.s32 $0x130000, s0;
	s0 =	simm.s32 $0x0;
	[dreg:$0xb] =	wrdreg s13  }
.Ltmp0:
0x15: {  	s9 =	sor.u32 $0x1C03, s17;
	[dreg:$0xc] =	wrdreg s24;
	(pc) =	sbr.rel .LBB2_1-.Ltmp0, $4  }
0x16: {  	s21 =	sadd.s32 s10, s12;
	s22 =	smax.u32 s22, $0x1;
	s25 =	sshrl.u32 s19, $0x3  }
0x17: {  	s23 =	simm.s32 $0x3;
	s24 =	simm.s32 $0x1400;
	s17 =	sadd.s32 s3, s25  }
0x18: {  	s26 =	sadd.s32 $0x280, s25;
	s18 =	sadd.s32 s11, s25;
	s25 =	simm.s32 $0x80  }
0x19: {  	s19 =	sadd.s32 s3, s26;
	s20 =	sadd.s32 s11, s26;
	s26 =	simm.s32 $0x2800  }
.LBB2_17:
0x1a: {  	[spmem:s4] =	stream.indirect.scatter.add.f32 [tilespmem:s14], [sflag:$0x2], $0x80, s31, s25, $0xb8;
	[tilespmem:$0x1F000] =	vst v63  }
.LBB2_19:
0x1b: {  	_ =	swait.ge [sflag:s30], $0x4000  }
0x1c: {  	[sflag:s30] =	ssyncset.done $0x0  }
0x1d: {  	[sflag:s30] =	ssyncadd.s32 $0xFFFFC000  }
0x1e: {  	[bflag:$0x0] =	sbarrier.arrive $0xFFFF  }
0x1f: {  	s11 =	rddreg [dreg:$0xc]  }
0x20: {  	[hbm:s11], [sflag:s9] =	dma.local [spmem:s3], $0x2780  }
0x21: {  	_ =	swait.ge [sflag:s23], $0x2780  }
0x22: {  	[sflag:s23] =	ssyncset.done $0x0  }
0x23: {  	[sflag:s23] =	ssyncadd.s32 $0xFFFFD880  }
0x24: {  	[hbm:s16], [sflag:s9] =	dma.local [spmem:s10], $0x180  }
0x25: {  	_ =	swait.ge [sflag:s23], $0x180  }
0x26: {  	[sflag:s23] =	ssyncset.done $0x0  }
0x27: {  	[sflag:s23] =	ssyncadd.s32 $0xFFFFFE80  }
.LBB2_20:
0x28: {  	s0 =	sadd.s32 $0x1, s0  }
0x29: {  	p1 =	sne.s32 s0, s22  }
.Ltmp1:
0x2a: {  	_ = 	snop;
	(pc) =	sbr.rel @!p1 .LBB2_21-.Ltmp1, $1  }
0x2b: {  	_ =	sdelay $0x3  }
.LBB2_1:
.Ltmp2:
0x2c: {  	s3 =	sshrl.u32 s8, $0x3;
	(pc) =	sbr.rel @!p0 .LBB2_2-.Ltmp2, $4  }
0x2d: {  	[spmem:s3], [sflag:s9] =	dma.local [hbm:s7], $0x2780  }
0x2e: {  	_ =	swait.ge [sflag:s23], $0x2780  }
0x2f: {  	[sflag:s23] =	ssyncset.done $0x0  }
0x30: {  	[sflag:s23] =	ssyncadd.s32 $0xFFFFD880  }
0x31: {  	[bflag:$0x0] =	sbarrier.arrive $0xFFFF  }
0x32: {  	[tilespmem:s5], [sflag:$0x3] =	stream.linear.gather [hbm4b:s17+s5], $0x1400, $0x38;
	[tilespmem:$0x1F000] =	vst v63  }
0x33: {  	_ =	swait.ge [sflag:s23], $0x1400  }
0x34: {  	[sflag:s23] =	ssyncset.done $0x0  }
0x35: {  	[sflag:s23] =	ssyncadd.s32 $0xFFFFEC00  }
0x36: {  	[tilespmem:s24], [sflag:$0x3] =	stream.linear.gather [hbm4b:s18+s5], $0x1400, $0x38;
	[tilespmem:$0x1F000] =	vst v63  }
0x37: {  	_ =	swait.ge [sflag:s23], $0x1400  }
0x38: {  	[sflag:s23] =	ssyncset.done $0x0  }
0x39: {  	[sflag:s23] =	ssyncadd.s32 $0xFFFFEC00  }
0x3a: {  	[tilespmem:s26], [sflag:$0x1] =	stream.indirect.gather [hbm4b:s6+s25], $0x80, s5, s25, $0xb8;
	[tilespmem:$0x1F000] =	vst v63  }
0x3b: {  	_ =	swait.ge [sflag:s28], $0x4000  }
0x3c: {  	[sflag:s28] =	ssyncset.done $0x0  }
0x3d: {  	[sflag:s28] =	ssyncadd.s32 $0xFFFFC000  }
0x3e: {  	[tilespmem:s29], [sflag:$0x1] =	stream.indirect.gather [hbm4b:s6+s25], $0x80, s25, s25, $0xb8;
	[tilespmem:$0x1F000] =	vst v63  }
0x3f: {  	s10 =	simm.s32 $0x1480;
	s11 =	simm.s32 $0x20000;
	s12 =	simm.s32 $0x100  }
0x40: {  	[spmem:s2] =	stream.indirect.scatter.add.f32 [tilespmem:s26], [sflag:$0x2], $0x80, s24, s25, $0xb8;
	[tilespmem:$0x1F000] =	vst v63  }
.LBB2_6:
0x41: {  	_ =	swait.ge [sflag:s28], $0x4000;
	p1 =	sne.s32 s11, $0x280000  }
.Ltmp3:
0x42: {  	[sflag:s28] =	ssyncset.done $0x0;
	(pc) =	sbr.rel @!p1 .LBB2_7-.Ltmp3, $4  }
0x43: {  	s13 =	sadd.s32 $0xFFFF0000, s11;
	[sflag:s28] =	ssyncadd.s32 $0xFFFFC000  }
0x44: {  	s13 =	sand.u32 $0x10000, s13;
	_ =	swait.ge [sflag:s30], $0x4000  }
0x45: {  	s13 =	sshrl.u32 s13, $0x2;
	[sflag:s30] =	ssyncset.done $0x0  }
0x46: {  	s13 =	sor.u32 $0x2800, s13;
	[sflag:s30] =	ssyncadd.s32 $0xFFFFC000  }
0x47: {  	s14 =	sand.u32 $0x10000, s11  }
0x48: {  	s11 =	sadd.s32 $0x10000, s11;
	s14 =	sshrl.u32 s14, $0x2  }
0x49: {  	p1 =	sne.s32 s11, $0x290000;
	s14 =	sor.u32 $0x2800, s14  }
0x4a: {  	[tilespmem:s14], [sflag:$0x1] =	stream.indirect.gather [hbm4b:s6+s25], $0x80, s12, s25, $0xb8;
	[tilespmem:$0x1F000] =	vst v63  }
.Ltmp4:
0x4b: {  	_ = 	snop;
	(pc) =	sbr.rel @p1 .LBB2_6-.Ltmp4, $4  }
.Ltmp5:
0x4c: {  	_ = 	snop;
	(pc) =	sbr.rel @!p1 .LBB2_9-.Ltmp5, $4  }
0x4d: {  	_ = 	snop  }
0x4e: {  	[spmem:s2] =	stream.indirect.scatter.add.f32 [tilespmem:s13], [sflag:$0x2], $0x80, s10, s25, $0xb8;
	[tilespmem:$0x1F000] =	vst v63  }
0x4f: {  	s12 =	sadd.s32 $0x80, s12;
	s10 =	sadd.s32 $0x80, s10  }
0x50: {  	_ = 	snop  }
.LBB2_2:
0x51: {  	s10 =	rddreg [dreg:$0x7]  }
0x52: {  	s10 =	sshrl.u32 s10, $0x3  }
0x53: {  	[spmem:s10], [sflag:s9] =	dma.local [hbm:s7], $0x180  }
0x54: {  	_ =	swait.ge [sflag:s23], $0x180  }
0x55: {  	[sflag:s23] =	ssyncset.done $0x0  }
0x56: {  	[sflag:s23] =	ssyncadd.s32 $0xFFFFFE80  }
0x57: {  	[bflag:$0x0] =	sbarrier.arrive $0xFFFF  }
0x58: {  	s11 =	rddreg [dreg:$0x8]  }
0x59: {  	[tilespmem:s5], [sflag:$0x3] =	stream.linear.gather [hbm4b:s11+s5], $0x1400, $0x38;
	[tilespmem:$0x1F000] =	vst v63  }
0x5a: {  	_ =	swait.ge [sflag:s23], $0x1400  }
0x5b: {  	[sflag:s23] =	ssyncset.done $0x0  }
0x5c: {  	s15 =	rddreg [dreg:$0x9];
	[sflag:s23] =	ssyncadd.s32 $0xFFFFEC00  }
0x5d: {  	[tilespmem:s24], [sflag:$0x3] =	stream.linear.gather [hbm4b:s15+s5], $0x1400, $0x38;
	[tilespmem:$0x1F000] =	vst v63  }
0x5e: {  	_ =	swait.ge [sflag:s23], $0x1400  }
0x5f: {  	[sflag:s23] =	ssyncset.done $0x0  }
0x60: {  	[sflag:s23] =	ssyncadd.s32 $0xFFFFEC00  }
0x61: {  	[tilespmem:s26], [sflag:$0x1] =	stream.indirect.gather [hbm4b:s1+s25], $0x80, s5, s25, $0xb8;
	[tilespmem:$0x1F000] =	vst v63  }
0x62: {  	_ =	swait.ge [sflag:s28], $0x4000  }
0x63: {  	[sflag:s28] =	ssyncset.done $0x0  }
0x64: {  	[sflag:s28] =	ssyncadd.s32 $0xFFFFC000  }
0x65: {  	[tilespmem:s29], [sflag:$0x1] =	stream.indirect.gather [hbm4b:s1+s25], $0x80, s25, s25, $0xb8;
	[tilespmem:$0x1F000] =	vst v63  }
0x66: {  	s12 =	simm.s32 $0x20000;
	s13 =	simm.s32 $0x100;
	s11 =	simm.s32 $0x1480  }
0x67: {  	[spmem:s2] =	stream.indirect.scatter.add.f32 [tilespmem:s26], [sflag:$0x2], $0x80, s24, s25, $0xb8;
	[tilespmem:$0x1F000] =	vst v63  }
.LBB2_3:
0x68: {  	_ =	swait.ge [sflag:s28], $0x4000;
	p1 =	sne.s32 s12, $0x280000  }
.Ltmp6:
0x69: {  	[sflag:s28] =	ssyncset.done $0x0;
	(pc) =	sbr.rel @!p1 .LBB2_4-.Ltmp6, $4  }
0x6a: {  	s14 =	sadd.s32 $0xFFFF0000, s12;
	[sflag:s28] =	ssyncadd.s32 $0xFFFFC000  }
0x6b: {  	s14 =	sand.u32 $0x10000, s14;
	_ =	swait.ge [sflag:s30], $0x4000  }
0x6c: {  	s14 =	sshrl.u32 s14, $0x2;
	[sflag:s30] =	ssyncset.done $0x0  }
0x6d: {  	s14 =	sor.u32 $0x2800, s14;
	[sflag:s30] =	ssyncadd.s32 $0xFFFFC000  }
0x6e: {  	s15 =	sand.u32 $0x10000, s12  }
0x6f: {  	s12 =	sadd.s32 $0x10000, s12;
	s15 =	sshrl.u32 s15, $0x2  }
0x70: {  	p1 =	sne.s32 s12, $0x290000;
	s15 =	sor.u32 $0x2800, s15  }
0x71: {  	[tilespmem:s15], [sflag:$0x1] =	stream.indirect.gather [hbm4b:s1+s25], $0x80, s13, s25, $0xb8;
	[tilespmem:$0x1F000] =	vst v63  }
.Ltmp7:
0x72: {  	_ = 	snop;
	(pc) =	sbr.rel @p1 .LBB2_3-.Ltmp7, $4  }
.Ltmp8:
0x73: {  	_ = 	snop;
	(pc) =	sbr.rel @!p1 .LBB2_15-.Ltmp8, $4  }
0x74: {  	_ = 	snop  }
0x75: {  	[spmem:s2] =	stream.indirect.scatter.add.f32 [tilespmem:s14], [sflag:$0x2], $0x80, s11, s25, $0xb8;
	[tilespmem:$0x1F000] =	vst v63  }
0x76: {  	s13 =	sadd.s32 $0x80, s13;
	s11 =	sadd.s32 $0x80, s11  }
0x77: {  	_ = 	snop  }
.LBB2_7:
0x78: {  	[spmem:s2] =	stream.indirect.scatter.add.f32 [tilespmem:s13], [sflag:$0x2], $0x80, s31, s25, $0xb8;
	[tilespmem:$0x1F000] =	vst v63  }
.LBB2_9:
0x79: {  	_ =	swait.ge [sflag:s30], $0x4000  }
0x7a: {  	[sflag:s30] =	ssyncset.done $0x0  }
0x7b: {  	[sflag:s30] =	ssyncadd.s32 $0xFFFFC000  }
0x7c: {  	[tilespmem:s5], [sflag:$0x3] =	stream.linear.gather [hbm4b:s19+s5], $0x1400, $0x38;
	[tilespmem:$0x1F000] =	vst v63  }
0x7d: {  	_ =	swait.ge [sflag:s23], $0x1400  }
0x7e: {  	[sflag:s23] =	ssyncset.done $0x0  }
0x7f: {  	[sflag:s23] =	ssyncadd.s32 $0xFFFFEC00  }
0x80: {  	[tilespmem:s24], [sflag:$0x3] =	stream.linear.gather [hbm4b:s20+s5], $0x1400, $0x38;
	[tilespmem:$0x1F000] =	vst v63  }
0x81: {  	_ =	swait.ge [sflag:s23], $0x1400  }
0x82: {  	[sflag:s23] =	ssyncset.done $0x0  }
0x83: {  	[sflag:s23] =	ssyncadd.s32 $0xFFFFEC00  }
0x84: {  	[tilespmem:s26], [sflag:$0x1] =	stream.indirect.gather [hbm4b:s6+s25], $0x80, s5, s25, $0xb8;
	[tilespmem:$0x1F000] =	vst v63  }
0x85: {  	_ =	swait.ge [sflag:s28], $0x4000  }
0x86: {  	[sflag:s28] =	ssyncset.done $0x0  }
0x87: {  	[sflag:s28] =	ssyncadd.s32 $0xFFFFC000  }
0x88: {  	[tilespmem:s29], [sflag:$0x1] =	stream.indirect.gather [hbm4b:s6+s25], $0x80, s25, s25, $0xb8;
	[tilespmem:$0x1F000] =	vst v63  }
0x89: {  	s10 =	simm.s32 $0x1480;
	s11 =	simm.s32 $0x20000;
	s12 =	simm.s32 $0x100  }
0x8a: {  	[spmem:s2] =	stream.indirect.scatter.add.f32 [tilespmem:s26], [sflag:$0x2], $0x80, s24, s25, $0xb8;
	[tilespmem:$0x1F000] =	vst v63  }
.LBB2_10:
0x8b: {  	_ =	swait.ge [sflag:s28], $0x4000;
	p1 =	sne.s32 s11, $0x280000  }
.Ltmp9:
0x8c: {  	[sflag:s28] =	ssyncset.done $0x0;
	(pc) =	sbr.rel @!p1 .LBB2_11-.Ltmp9, $4  }
0x8d: {  	s13 =	sadd.s32 $0xFFFF0000, s11;
	[sflag:s28] =	ssyncadd.s32 $0xFFFFC000  }
0x8e: {  	s13 =	sand.u32 $0x10000, s13;
	_ =	swait.ge [sflag:s30], $0x4000  }
0x8f: {  	s13 =	sshrl.u32 s13, $0x2;
	[sflag:s30] =	ssyncset.done $0x0  }
0x90: {  	s13 =	sor.u32 $0x2800, s13;
	[sflag:s30] =	ssyncadd.s32 $0xFFFFC000  }
0x91: {  	s14 =	sand.u32 $0x10000, s11  }
0x92: {  	s11 =	sadd.s32 $0x10000, s11;
	s14 =	sshrl.u32 s14, $0x2  }
0x93: {  	p1 =	sne.s32 s11, $0x290000;
	s14 =	sor.u32 $0x2800, s14  }
0x94: {  	[tilespmem:s14], [sflag:$0x1] =	stream.indirect.gather [hbm4b:s6+s25], $0x80, s12, s25, $0xb8;
	[tilespmem:$0x1F000] =	vst v63  }
.Ltmp10:
0x95: {  	_ = 	snop;
	(pc) =	sbr.rel @p1 .LBB2_10-.Ltmp10, $4  }
.Ltmp11:
0x96: {  	_ = 	snop;
	(pc) =	sbr.rel @!p1 .LBB2_13-.Ltmp11, $4  }
0x97: {  	_ = 	snop  }
0x98: {  	[spmem:s2] =	stream.indirect.scatter.add.f32 [tilespmem:s13], [sflag:$0x2], $0x80, s10, s25, $0xb8;
	[tilespmem:$0x1F000] =	vst v63  }
0x99: {  	s12 =	sadd.s32 $0x80, s12;
	s10 =	sadd.s32 $0x80, s10  }
0x9a: {  	_ = 	snop  }
.LBB2_4:
0x9b: {  	[spmem:s2] =	stream.indirect.scatter.add.f32 [tilespmem:s14], [sflag:$0x2], $0x80, s31, s25, $0xb8;
	[tilespmem:$0x1F000] =	vst v63  }
.LBB2_15:
0x9c: {  	_ =	swait.ge [sflag:s30], $0x4000  }
0x9d: {  	[sflag:s30] =	ssyncset.done $0x0  }
0x9e: {  	s11 =	rddreg [dreg:$0xa];
	[sflag:s30] =	ssyncadd.s32 $0xFFFFC000  }
0x9f: {  	[tilespmem:s5], [sflag:$0x3] =	stream.linear.gather [hbm4b:s11+s5], $0x1400, $0x38;
	[tilespmem:$0x1F000] =	vst v63  }
0xa0: {  	_ =	swait.ge [sflag:s23], $0x1400  }
0xa1: {  	[sflag:s23] =	ssyncset.done $0x0  }
0xa2: {  	s15 =	rddreg [dreg:$0xb];
	[sflag:s23] =	ssyncadd.s32 $0xFFFFEC00  }
0xa3: {  	[tilespmem:s24], [sflag:$0x3] =	stream.linear.gather [hbm4b:s15+s5], $0x1400, $0x38;
	[tilespmem:$0x1F000] =	vst v63  }
0xa4: {  	_ =	swait.ge [sflag:s23], $0x1400  }
0xa5: {  	[sflag:s23] =	ssyncset.done $0x0  }
0xa6: {  	[sflag:s23] =	ssyncadd.s32 $0xFFFFEC00  }
0xa7: {  	[tilespmem:s26], [sflag:$0x1] =	stream.indirect.gather [hbm4b:s6+s25], $0x80, s5, s25, $0xb8;
	[tilespmem:$0x1F000] =	vst v63  }
0xa8: {  	_ =	swait.ge [sflag:s28], $0x4000  }
0xa9: {  	[sflag:s28] =	ssyncset.done $0x0  }
0xaa: {  	[sflag:s28] =	ssyncadd.s32 $0xFFFFC000  }
0xab: {  	[tilespmem:s29], [sflag:$0x1] =	stream.indirect.gather [hbm4b:s6+s25], $0x80, s25, s25, $0xb8;
	[tilespmem:$0x1F000] =	vst v63  }
0xac: {  	s12 =	simm.s32 $0x20000;
	s13 =	simm.s32 $0x100;
	s11 =	simm.s32 $0x1480  }
0xad: {  	[spmem:s4] =	stream.indirect.scatter.add.f32 [tilespmem:s26], [sflag:$0x2], $0x80, s24, s25, $0xb8;
	[tilespmem:$0x1F000] =	vst v63  }
.LBB2_16:
0xae: {  	_ =	swait.ge [sflag:s28], $0x4000;
	p1 =	sne.s32 s12, $0x280000  }
.Ltmp12:
0xaf: {  	[sflag:s28] =	ssyncset.done $0x0;
	(pc) =	sbr.rel @!p1 .LBB2_17-.Ltmp12, $4  }
0xb0: {  	s14 =	sadd.s32 $0xFFFF0000, s12;
	[sflag:s28] =	ssyncadd.s32 $0xFFFFC000  }
0xb1: {  	s14 =	sand.u32 $0x10000, s14;
	_ =	swait.ge [sflag:s30], $0x4000  }
0xb2: {  	s14 =	sshrl.u32 s14, $0x2;
	[sflag:s30] =	ssyncset.done $0x0  }
0xb3: {  	s14 =	sor.u32 $0x2800, s14;
	[sflag:s30] =	ssyncadd.s32 $0xFFFFC000  }
0xb4: {  	s15 =	sand.u32 $0x10000, s12  }
0xb5: {  	s12 =	sadd.s32 $0x10000, s12;
	s15 =	sshrl.u32 s15, $0x2  }
0xb6: {  	p1 =	sne.s32 s12, $0x290000;
	s15 =	sor.u32 $0x2800, s15  }
0xb7: {  	[tilespmem:s15], [sflag:$0x1] =	stream.indirect.gather [hbm4b:s6+s25], $0x80, s13, s25, $0xb8;
	[tilespmem:$0x1F000] =	vst v63  }
.Ltmp13:
0xb8: {  	_ = 	snop;
	(pc) =	sbr.rel @p1 .LBB2_16-.Ltmp13, $4  }
.Ltmp14:
0xb9: {  	_ = 	snop;
	(pc) =	sbr.rel @!p1 .LBB2_19-.Ltmp14, $4  }
0xba: {  	_ = 	snop  }
0xbb: {  	[spmem:s4] =	stream.indirect.scatter.add.f32 [tilespmem:s14], [sflag:$0x2], $0x80, s11, s25, $0xb8;
	[tilespmem:$0x1F000] =	vst v63  }
0xbc: {  	s13 =	sadd.s32 $0x80, s13;
	s11 =	sadd.s32 $0x80, s11  }
0xbd: {  	_ = 	snop  }
.LBB2_11:
0xbe: {  	[spmem:s2] =	stream.indirect.scatter.add.f32 [tilespmem:s13], [sflag:$0x2], $0x80, s31, s25, $0xb8;
	[tilespmem:$0x1F000] =	vst v63  }
.LBB2_13:
0xbf: {  	_ =	swait.ge [sflag:s30], $0x4000  }
0xc0: {  	[sflag:s30] =	ssyncset.done $0x0  }
0xc1: {  	[sflag:s30] =	ssyncadd.s32 $0xFFFFC000  }
.Ltmp15:
0xc2: {  	[bflag:$0x0] =	sbarrier.arrive $0xFFFF;
	(pc) =	sbr.rel .LBB2_20-.Ltmp15, $4  }
0xc3: {  	[hbm:s21], [sflag:s9] =	dma.local [spmem:s3], $0x2780  }
0xc4: {  	_ =	swait.ge [sflag:s23], $0x2780  }
0xc5: {  	[sflag:s23] =	ssyncset.done $0x0  }
0xc6: {  	[sflag:s23] =	ssyncadd.s32 $0xFFFFD880  }
.LBB2_21:
0xc7: {  	_ =	sfence.sel $0x180000  }
0xc8: {  	[bflag:$0x0] =	sbarrier.arrive $0xFFFF  }
0xc9: {  	_ =	strace $0x9000004D  }
0xca: {  	s0 =	stileid.u32;
	[bflag:$0x2] =	sbarrier.arrive $0xFFFF  }
0xcb: {  	p0 =	sne.s32 s0, $0x0;
	s0 =	rddreg [dreg:$0x6]  }
0xcc: {  	s0 =	sadd.s32 @!p0 $0x100000, s0  }
0xcd: {  	[sflag:s0] =	ssyncadd.tile.s32 @!p0 $0x1;
	_ =	shalt  }
.Lfunc_end2:
_tile_overlayer_lowered:
.L_overlay_start_2:
0xce: {  	(tag) =	ssettag $0x2  }
0xcf: {  	s0 =	rddreg [dreg:$0x0];
	s2 =	stileid.u32  }
0xd0: {  	s1 =	rddreg [dreg:$0x1];
	p0 =	sne.s32 s2, $0x0  }
0xd1: {  	s3 =	rddreg [dreg:$0x2];
	[bflag:$0x3] =	sbarrier.arrive $0xFFFF;
	s2 =	simm.s32 @!p0 $0x1C03  }
0xd2: {  	[timem:s3], [sflag:s2] =	dma.local @!p0 [hbm:s0], s1  }
0xd3: {  	s0 =	simm.s32 @!p0 $0x3  }
0xd4: {  	_ =	swait.ge @!p0 [sflag:s0], s1  }
0xd5: {  	s1 =	ssub.s32 @!p0 $0x0, s1;
	[sflag:s0] =	ssyncset.done @!p0 $0x0  }
0xd6: {  	[sflag:s0] =	ssyncadd.s32 @!p0 s1  }
0xd7: {  	[bflag:$0x3] =	sbarrier.arrive $0xFFFF  }
0xd8: {  	_ =	shalt  }

// kernel: kernel.19.cloned.1.call-start
scs
__scs_entry_jumppad:
0x0: {  	(pc) =	sbr.rel $0x88, $3  }
0x1: {  	(tag) =	ssettag $0x0;
	lr =	simm.s32 $0x1  }
0x2: {  	[smem:$0x3F5E] =	sst lr;
	_ =	strace $0xD0000000  }
0x3: {  	_ = 	snop  }
0x4: {  	_ = 	snop  }
0x5: {  	_ = 	snop  }
0x6: {  	_ = 	snop  }
0x7: {  	_ = 	snop  }
__scs_overlays_trampoline_lowered:
0x8: {  	[smem:$0x3F6D] =	sst s0  }
0x9: {  	[smem:$0x3F6E] =	sst s1  }
0xa: {  	[smem:$0x3F6F] =	sst s2  }
0xb: {  	[smem:$0x3F70] =	sst s3  }
0xc: {  	[smem:$0x3F71] =	sst s4  }
0xd: {  	[smem:$0x3F72] =	sst s5  }
0xe: {  	[smem:$0x3F73] =	sst s6  }
0xf: {  	[smem:$0x3F74] =	sst s7  }
0x10: {  	[smem:$0x3F75] =	sst s8  }
0x11: {  	[smem:$0x3F76] =	sst s9;
	s0 =	simm.s32 @!p0 $0x0  }
0x12: {  	s1 =	sld [smem:$0x3F5C];
	s0 =	simm.s32 @p0 $0x1  }
0x13: {  	[smem:$0x3F77] =	sst s0;
	s0 =	simm.s32 @!p1 $0x0  }
0x14: {  	s2 =	sld [smem:$0x3F5B];
	s0 =	simm.s32 @p1 $0x1  }
0x15: {  	[smem:$0x3F78] =	sst s0;
	s0 =	simm.s32 @!p2 $0x0  }
0x16: {  	s3 =	sld [smem:$0x3FDB];
	s0 =	simm.s32 @p2 $0x1  }
0x17: {  	s4 =	simm.s32 $0x1BF5;
	[smem:$0x3F7A] =	sst s0  }
0x18: {  	s0 =	sld [smem:$0x3F5D];
	_ =	swait.ge [sflag:s4], $0x0  }
0x19: {  	s7 =	sld [smem:$0x3F5E]  }
0x1a: {  	s8 =	sadd.s32 $0xFFFFE003, lr  }
0x1b: {  	s9 =	sadd.s32 $0xFFFFFEF7, lr;
	s5 =	simm.s32 $0xFFFFFFFF;
	p2 =	slt.u32 s8, $0xFFFFF086  }
0x1c: {  	p1 =	slt.u32 s9, $0xF7A;
	s5 =	simm.s32 @!p2 $0x0  }
0x1d: {  	s5 =	simm.s32 @p1 $0x1;
	p0 =	seq.s32 s7, s2  }
0x1e: {  	s7 =	smul.u32 @!p0 $0xF7A, s2;
	p2 =	seq.s32 @!p0 s5, $0x0  }
0x1f: {  	s9 =	smul.u32 $0xF7A, s1;
	s8 =	simm.s32 @!p0 $0x1BF5;
	p2 =	por !p2, p0  }
0x20: {  	[sflag:s8] =	ssyncset.s32 @!p0 $0xFFFFF086;
	s6 =	sadd.s32 @!p0 s3, s7;
	s7 =	simm.s32 @!p0 $0x108  }
0x21: {  	s3 =	sadd.s32 s3, s9;
	s6 =	sadd.s32 @!p0 $0x88, s6;
	s7 =	simm.s32 @p2 $0x1082  }
0x22: {  	[simem:s7], [sflag:s8] =	dma.local @!p0 [hbm:s6], $0xF7A  }
0x23: {  	s9 =	sor.u32 $0xD0000000, s2;
	s6 =	simm.s32 $0x108;
	_ =	swait.ge @!p0 [sflag:s8], $0x0  }
0x24: {  	s3 =	sadd.s32 $0x88, s3;
	s6 =	simm.s32 @!p1 $0x1082;
	[sflag:s4] =	ssyncset.s32 $0xFFFFF086  }
0x25: {  	[simem:s6], [sflag:s4] =	dma.local [hbm:s3], $0xF7A  }
0x26: {  	[smem:$0x3F5E] =	sst s1;
	(tag) =	ssettag s2;
	_ =	strace s9  }
0x27: {  	s1 =	sld [smem:$0x3F6E]  }
0x28: {  	s2 =	sld [smem:$0x3F6F]  }
0x29: {  	s4 =	sld [smem:$0x3F71]  }
0x2a: {  	p0 =	seq.s32 s5, $0x0;
	s5 =	sld [smem:$0x3F72]  }
0x2b: {  	s6 =	sld [smem:$0x3F73]  }
0x2c: {  	s7 =	sld [smem:$0x3F74]  }
0x2d: {  	s3 =	simm.s32 $0x108;
	s8 =	sld [smem:$0x3F75]  }
0x2e: {  	s3 =	simm.s32 @!p0 $0x1082;
	s9 =	sld [smem:$0x3F76]  }
0x2f: {  	lr =	sadd.s32 s0, s3;
	s0 =	sld [smem:$0x3F6D]  }
0x30: {  	s3 =	sld [smem:$0x3F70]  }
0x31: {  	[smem:$0x3F79] =	sst s10  }
0x32: {  	s10 =	sld [smem:$0x3F77];
	_ =	sdelay $0x3  }
0x33: {  	p0 =	seq.s32 s10, $0x1;
	s10 =	sld [smem:$0x3F79];
	_ =	sdelay $0x3  }
0x34: {  	[smem:$0x3F79] =	sst s10  }
0x35: {  	s10 =	sld [smem:$0x3F78];
	_ =	sdelay $0x3  }
0x36: {  	p1 =	seq.s32 s10, $0x1;
	s10 =	sld [smem:$0x3F79];
	_ =	sdelay $0x3  }
0x37: {  	[smem:$0x3F79] =	sst s10  }
0x38: {  	s10 =	sld [smem:$0x3F7A]  }
0x39: {  	_ = 	snop;
	(pc) =	sbr.ind lr, $3  }
0x3a: {  	_ = 	snop  }
0x3b: {  	_ = 	snop  }
0x3c: {  	p2 =	seq.s32 s10, $0x1;
	s10 =	sld [smem:$0x3F79]  }
0x3d: {  	_ =	shalt  }
0x3e: {  	_ =	shalt  }
0x3f: {  	_ =	shalt  }
0x40: {  	_ =	shalt  }
0x41: {  	_ =	shalt  }
0x42: {  	_ =	shalt  }
0x43: {  	_ =	shalt  }
0x44: {  	_ =	shalt  }
0x45: {  	_ =	shalt  }
0x46: {  	_ =	shalt  }
0x47: {  	_ =	shalt  }
0x48: {  	_ =	shalt  }
0x49: {  	_ =	shalt  }
0x4a: {  	_ =	shalt  }
0x4b: {  	_ =	shalt  }
0x4c: {  	_ =	shalt  }
0x4d: {  	_ =	shalt  }
0x4e: {  	_ =	shalt  }
0x4f: {  	_ =	shalt  }
0x50: {  	_ =	shalt  }
0x51: {  	_ =	shalt  }
0x52: {  	_ =	shalt  }
0x53: {  	_ =	shalt  }
0x54: {  	_ =	shalt  }
0x55: {  	_ =	shalt  }
0x56: {  	_ =	shalt  }
0x57: {  	_ =	shalt  }
0x58: {  	_ =	shalt  }
0x59: {  	_ =	shalt  }
0x5a: {  	_ =	shalt  }
0x5b: {  	_ =	shalt  }
0x5c: {  	_ =	shalt  }
0x5d: {  	_ =	shalt  }
0x5e: {  	_ =	shalt  }
0x5f: {  	_ =	shalt  }
0x60: {  	_ =	shalt  }
0x61: {  	_ =	shalt  }
0x62: {  	_ =	shalt  }
0x63: {  	_ =	shalt  }
0x64: {  	_ =	shalt  }
0x65: {  	_ =	shalt  }
0x66: {  	_ =	shalt  }
0x67: {  	_ =	shalt  }
0x68: {  	_ =	shalt  }
0x69: {  	_ =	shalt  }
0x6a: {  	_ =	shalt  }
0x6b: {  	_ =	shalt  }
0x6c: {  	_ =	shalt  }
0x6d: {  	_ =	shalt  }
0x6e: {  	_ =	shalt  }
0x6f: {  	_ =	shalt  }
0x70: {  	_ =	shalt  }
0x71: {  	_ =	shalt  }
0x72: {  	_ =	shalt  }
0x73: {  	_ =	shalt  }
0x74: {  	_ =	shalt  }
0x75: {  	_ =	shalt  }
0x76: {  	_ =	shalt  }
0x77: {  	_ =	shalt  }
0x78: {  	_ =	shalt  }
0x79: {  	_ =	shalt  }
0x7a: {  	_ =	shalt  }
0x7b: {  	_ =	shalt  }
0x7c: {  	_ =	shalt  }
0x7d: {  	_ =	shalt  }
0x7e: {  	_ =	shalt  }
0x7f: {  	_ =	shalt  }
0x80: {  	_ =	shalt  }
0x81: {  	_ =	shalt  }
0x82: {  	_ =	shalt  }
0x83: {  	_ =	shalt  }
0x84: {  	_ =	shalt  }
0x85: {  	_ =	shalt  }
0x86: {  	_ =	shalt  }
0x87: {  	_ =	shalt  }
.Lfunc_end0:
.L_simem_size_0:
called_computation.3_lowered:
.L_overlay_start_0:
0x88: {  	s2 =	sld [smem:$0x3FD9]  }
0x89: {  	s3 =	sld [smem:$0x3FFE];
	_ =	sdelay $0x1  }
0x8a: {  	s1 =	srdreg.scid  }
0x8b: {  	s0 =	sand.u32 $0x1, s1  }
0x8c: {  	s14 =	sshll.u32 s0, $0xA;
	s2 =	sadd.s32 s3, s2  }
0x8d: {  	s2 =	sadd.s32 s2, s14  }
0x8e: {  	[smem:$0x3F85] =	sst s2  }
0x8f: {  	_ = 	snop  }
0x90: {  	s2 =	sld [smem:$0x3FD0];
	_ =	sdelay $0x2  }
0x91: {  	s15 =	simm.s32 $0xA;
	s4 =	simm.s32 $0x10  }
0x92: {  	[smem:s4], [sflag:s15] =	dma.local [hbm:s2], $0x1  }
0x93: {  	_ =	swait.eq [sflag:s15], $0x1  }
0x94: {  	s16 =	sld [smem:$0x10];
	[sflag:s15] =	ssyncset.done $0x0  }
0x95: {  	s17 =	sld [smem:$0x11];
	[sflag:s15] =	ssyncadd.s32 $0xFFFFFFFF  }
0x96: {  	s18 =	sld [smem:$0x12];
	(tm) =	ssettm $0x1  }
0x97: {  	s5 =	sld [smem:$0x3FFB];
	_ =	sdelay $0x3  }
0x98: {  	_ =	strace s5  }
0x99: {  	s5 =	sld [smem:$0x3FFC];
	_ =	sdelay $0x3  }
0x9a: {  	_ =	strace s5  }
0x9b: {  	s5 =	sld [smem:$0x3FFD];
	_ =	sdelay $0x3  }
0x9c: {  	_ =	strace s5  }
0x9d: {  	_ =	strace $0x8FFFFFFF  }
0x9e: {  	s19 =	sld [smem:$0x3FDB];
	_ =	sdelay $0x1  }
0x9f: {  	s6 =	simm.s32 $_scs_section_size  }
0xa0: {  	s7 =	simm.s32 $_size__tile_overlayer_lowered;
	s8 =	simm.s32 $_tile_overlayer_lowered  }
0xa1: {  	s22 =	simm.s32 $0x1BFF;
	s21 =	sshll.u32 s8, $0x1;
	s5 =	sadd.s32 s6, s19  }
0xa2: {  	s9 =	simm.s32 $0x0;
	s20 =	sshll.u32 s7, $0x1;
	s7 =	sadd.s32 s21, s5  }
0xa3: {  	[timem:s9], [sflag:s22] =	dma.local [hbm:s7], s20  }
0xa4: {  	_ =	swait.ge [sflag:s22], s20  }
0xa5: {  	s6 =	ssub.s32 $0x0, s20;
	[sflag:s22] =	ssyncset.done $0x0  }
0xa6: {  	[sflag:s22] =	ssyncadd.s32 s6;
	_ =	sdelay $0x1  }
0xa7: {  	s23 =	simm.s32 $0x1B8B  }
0xa8: {  	_ =	swait.ge [sflag:s23], $0x1  }
0xa9: {  	[sflag:s23] =	ssyncset.done $0x0  }
0xaa: {  	s25 =	simm.s32 $0x1B8E;
	s24 =	sld [smem:$0x3FFE];
	[sflag:s23] =	ssyncadd.s32 $0xFFFFFFFF  }
0xab: {  	s26 =	simm.s32 $execute0_lowered;
	[smem:$0x3FD2] =	sst s25  }
0xac: {  	s7 =	sshll.u32 s26, $0x1;
	_ =	strace $0x8000004F;
	[dreg:$0x1] =	wrdreg $0xFFFFFFFF  }
0xad: {  	s28 =	simm.s32 $_size_execute0_lowered;
	s5 =	sadd.s32 s5, s7;
	[dreg:$0x0] =	wrdreg $0x0  }
0xae: {  	s7 =	sshll.u32 s28, $0x1;
	[dreg:$0x2] =	wrdreg s5  }
0xaf: {  	[dreg:$0x3] =	wrdreg s7  }
0xb0: {  	[dreg:$0x4] =	wrdreg $0xC0  }
0xb1: {  	_ =	task [dreg:s9], $0x5FFFF  }
0xb2: {  	[dreg:$0x1] =	wrdreg $0xFFFFFFFF  }
0xb3: {  	[dreg:$0x0] =	wrdreg $0x60  }
0xb4: {  	[dreg:$0x2] =	wrdreg s24  }
0xb5: {  	[dreg:$0x3] =	wrdreg s18  }
0xb6: {  	[dreg:$0x4] =	wrdreg s16  }
0xb7: {  	[dreg:$0x5] =	wrdreg s17  }
0xb8: {  	[dreg:$0x6] =	wrdreg $0xA8000  }
0xb9: {  	[dreg:$0x7] =	wrdreg $0x1E4000  }
0xba: {  	[dreg:$0x8] =	wrdreg $0x9  }
0xbb: {  	_ =	task.clear_ibuf [dreg:s9], $0x9FFFF;
	_ =	strace $0x9000004F  }
0xbc: {  	s29 =	simm.s32 $0x9;
	_ =	strace $0x80000051  }
0xbd: {  	_ =	swait.ge [sflag:s29], $0x1  }
0xbe: {  	[sflag:s29] =	ssyncadd.s32 $0xFFFFFFFF  }
0xbf: {  	_ =	strace $0x90000051  }
0xc0: {  	_ =	sfence  }
0xc1: {  	s30 =	sld [smem:$0x0];
	_ =	sdelay $0x2  }
0xc2: {  	s31 =	sshll.u32 s1, $0xD;
	s1 =	sshrl.u32 s1, $0x2  }
0xc3: {  	s3 =	sand.u32 $0x4000, s31;
	s1 =	sadd.s32 s1, s30  }
0xc4: {  	s0 =	sor.u32 s3, s0;
	s1 =	sshll.u32 s1, $0x11  }
0xc5: {  	s0 =	sor.u32 s1, s0  }
0xc6: {  	s0 =	sadd.s32 $0x8F2B, s0  }
0xc7: {  	[sflag:s0] =	ssyncadd.remote.s32 $0x1  }
0xc8: {  	_ =	sfence.sel $0xFFFF  }
0xc9: {  	[dreg:$0x0] =	wrdreg $0xFFFFFFFF;
	(pc) =	sbr.abs _section_cstart, $3  }
0xca: {  	[dreg:$0x1] =	wrdreg $0xFFFFFFFF  }
0xcb: {  	_ =	task.clear_ibuf [dreg:s9], $0x2FFFF;
	_ =	strace $0x9FFFFFFF  }
0xcc: {  	(tm) =	ssettm $0x7FFFFFFF  }
0xcd: {  	_ =	shalt  }
tec
execute0_lowered:
.L_overlay_start_1:
0x0: {  	(tag) =	ssettag $0x1  }
0x1: {  	s0 =	rddreg [dreg:$0x0]  }
0x2: {  	s1 =	rddreg [dreg:$0x1]  }
0x3: {  	s3 =	rddreg [dreg:$0x2]  }
0x4: {  	s10 =	rddreg [dreg:$0x3]  }
0x5: {  	s2 =	rddreg [dreg:$0x4]  }
0x6: {  	s4 =	rddreg [dreg:$0x5];
	s19 =	stileid.u32  }
0x7: {  	s5 =	simm.s32 $0x0;
	s8 =	srdreg.scid;
	s7 =	smul.u32 $0x280, s19  }
0x8: {  	s28 =	simm.s32 $0x1;
	s29 =	simm.s32 $0x6800;
	s12 =	smul.u32 $0x2780, s19  }
0x9: {  	s30 =	simm.s32 $0x2;
	s31 =	simm.s32 $0x2780;
	s9 =	smul.u32 $0x180, s19  }
0xa: {  	[smem:$0x7FF] =	sst s5;
	s6 =	sadd.s32 $0x6C800, s0;
	s15 =	smul.u32 $0x4F000, s19  }
0xb: {  	s11 =	sadd.s32 $0x14400, s0;
	s14 =	sand.u32 $0x1, s8;
	s18 =	smul.u32 $0x3000, s19  }
0xc: {  	_ =	strace $0x80000050;
	s8 =	ssub.s32 $0x2, s14;
	p0 =	seq.s32 s14, $0x0  }
0xd: {  	s13 =	sadd.s32 s7, s0;
	s7 =	sadd.s32 $0x42E00, s0;
	s16 =	sadd.s32 s12, s0  }
0xe: {  	s17 =	sshrl.u32 s8, $0x1;
	s15 =	sshrl.u32 s15, $0x2;
	s18 =	sshrl.u32 s18, $0x2  }
0xf: {  	s22 =	ssub.s32 s8, s17;
	s8 =	sadd.s32 s15, s2;
	s15 =	sadd.s32 s18, s4  }
0x10: {  	s0 =	sadd.s32 s9, s0;
	s20 =	sadd.s32 $0xF400, s13;
	[dreg:$0x7] =	wrdreg s15  }
0x11: {  	s17 =	sshll.u32 s19, $0x6;
	s21 =	sadd.s32 $0x11C00, s13;
	[dreg:$0x8] =	wrdreg s20  }
0x12: {  	s19 =	smul.u32 $0x2800, s19;
	s23 =	sadd.s32 $0xCC00, s13;
	[dreg:$0x9] =	wrdreg s21  }
0x13: {  	s13 =	sadd.s32 $0x19400, s13;
	s24 =	sadd.s32 $0x180000, s16;
	[dreg:$0xa] =	wrdreg s23  }
0x14: {  	s16 =	sadd.s32 $0x130000, s0;
	s0 =	simm.s32 $0x0;
	[dreg:$0xb] =	wrdreg s13  }
.Ltmp0:
0x15: {  	s9 =	sor.u32 $0x1C03, s17;
	[dreg:$0xc] =	wrdreg s24;
	(pc) =	sbr.rel .LBB2_1-.Ltmp0, $4  }
0x16: {  	s21 =	sadd.s32 s10, s12;
	s22 =	smax.u32 s22, $0x1;
	s25 =	sshrl.u32 s19, $0x3  }
0x17: {  	s23 =	simm.s32 $0x3;
	s24 =	simm.s32 $0x1400;
	s17 =	sadd.s32 s3, s25  }
0x18: {  	s26 =	sadd.s32 $0x280, s25;
	s18 =	sadd.s32 s11, s25;
	s25 =	simm.s32 $0x80  }
0x19: {  	s19 =	sadd.s32 s3, s26;
	s20 =	sadd.s32 s11, s26;
	s26 =	simm.s32 $0x2800  }
.LBB2_17:
0x1a: {  	[spmem:s4] =	stream.indirect.scatter.add.f32 [tilespmem:s14], [sflag:$0x2], $0x80, s31, s25, $0xb8;
	[tilespmem:$0x1F000] =	vst v63  }
.LBB2_19:
0x1b: {  	_ =	swait.ge [sflag:s30], $0x4000  }
0x1c: {  	[sflag:s30] =	ssyncset.done $0x0  }
0x1d: {  	[sflag:s30] =	ssyncadd.s32 $0xFFFFC000  }
0x1e: {  	[bflag:$0x0] =	sbarrier.arrive $0xFFFF  }
0x1f: {  	s11 =	rddreg [dreg:$0xc]  }
0x20: {  	[hbm:s11], [sflag:s9] =	dma.local [spmem:s3], $0x2780  }
0x21: {  	_ =	swait.ge [sflag:s23], $0x2780  }
0x22: {  	[sflag:s23] =	ssyncset.done $0x0  }
0x23: {  	[sflag:s23] =	ssyncadd.s32 $0xFFFFD880  }
0x24: {  	[hbm:s16], [sflag:s9] =	dma.local [spmem:s10], $0x180  }
0x25: {  	_ =	swait.ge [sflag:s23], $0x180  }
0x26: {  	[sflag:s23] =	ssyncset.done $0x0  }
0x27: {  	[sflag:s23] =	ssyncadd.s32 $0xFFFFFE80  }
.LBB2_20:
0x28: {  	s0 =	sadd.s32 $0x1, s0  }
0x29: {  	p1 =	sne.s32 s0, s22  }
.Ltmp1:
0x2a: {  	_ = 	snop;
	(pc) =	sbr.rel @!p1 .LBB2_21-.Ltmp1, $1  }
0x2b: {  	_ =	sdelay $0x3  }
.LBB2_1:
.Ltmp2:
0x2c: {  	s3 =	sshrl.u32 s8, $0x3;
	(pc) =	sbr.rel @!p0 .LBB2_2-.Ltmp2, $4  }
0x2d: {  	[spmem:s3], [sflag:s9] =	dma.local [hbm:s7], $0x2780  }
0x2e: {  	_ =	swait.ge [sflag:s23], $0x2780  }
0x2f: {  	[sflag:s23] =	ssyncset.done $0x0  }
0x30: {  	[sflag:s23] =	ssyncadd.s32 $0xFFFFD880  }
0x31: {  	[bflag:$0x0] =	sbarrier.arrive $0xFFFF  }
0x32: {  	[tilespmem:s5], [sflag:$0x3] =	stream.linear.gather [hbm4b:s17+s5], $0x1400, $0x38;
	[tilespmem:$0x1F000] =	vst v63  }
0x33: {  	_ =	swait.ge [sflag:s23], $0x1400  }
0x34: {  	[sflag:s23] =	ssyncset.done $0x0  }
0x35: {  	[sflag:s23] =	ssyncadd.s32 $0xFFFFEC00  }
0x36: {  	[tilespmem:s24], [sflag:$0x3] =	stream.linear.gather [hbm4b:s18+s5], $0x1400, $0x38;
	[tilespmem:$0x1F000] =	vst v63  }
0x37: {  	_ =	swait.ge [sflag:s23], $0x1400  }
0x38: {  	[sflag:s23] =	ssyncset.done $0x0  }
0x39: {  	[sflag:s23] =	ssyncadd.s32 $0xFFFFEC00  }
0x3a: {  	[tilespmem:s26], [sflag:$0x1] =	stream.indirect.gather [hbm4b:s6+s25], $0x80, s5, s25, $0xb8;
	[tilespmem:$0x1F000] =	vst v63  }
0x3b: {  	_ =	swait.ge [sflag:s28], $0x4000  }
0x3c: {  	[sflag:s28] =	ssyncset.done $0x0  }
0x3d: {  	[sflag:s28] =	ssyncadd.s32 $0xFFFFC000  }
0x3e: {  	[tilespmem:s29], [sflag:$0x1] =	stream.indirect.gather [hbm4b:s6+s25], $0x80, s25, s25, $0xb8;
	[tilespmem:$0x1F000] =	vst v63  }
0x3f: {  	s10 =	simm.s32 $0x1480;
	s11 =	simm.s32 $0x20000;
	s12 =	simm.s32 $0x100  }
0x40: {  	[spmem:s2] =	stream.indirect.scatter.add.f32 [tilespmem:s26], [sflag:$0x2], $0x80, s24, s25, $0xb8;
	[tilespmem:$0x1F000] =	vst v63  }
.LBB2_6:
0x41: {  	_ =	swait.ge [sflag:s28], $0x4000;
	p1 =	sne.s32 s11, $0x280000  }
.Ltmp3:
0x42: {  	[sflag:s28] =	ssyncset.done $0x0;
	(pc) =	sbr.rel @!p1 .LBB2_7-.Ltmp3, $4  }
0x43: {  	s13 =	sadd.s32 $0xFFFF0000, s11;
	[sflag:s28] =	ssyncadd.s32 $0xFFFFC000  }
0x44: {  	s13 =	sand.u32 $0x10000, s13;
	_ =	swait.ge [sflag:s30], $0x4000  }
0x45: {  	s13 =	sshrl.u32 s13, $0x2;
	[sflag:s30] =	ssyncset.done $0x0  }
0x46: {  	s13 =	sor.u32 $0x2800, s13;
	[sflag:s30] =	ssyncadd.s32 $0xFFFFC000  }
0x47: {  	s14 =	sand.u32 $0x10000, s11  }
0x48: {  	s11 =	sadd.s32 $0x10000, s11;
	s14 =	sshrl.u32 s14, $0x2  }
0x49: {  	p1 =	sne.s32 s11, $0x290000;
	s14 =	sor.u32 $0x2800, s14  }
0x4a: {  	[tilespmem:s14], [sflag:$0x1] =	stream.indirect.gather [hbm4b:s6+s25], $0x80, s12, s25, $0xb8;
	[tilespmem:$0x1F000] =	vst v63  }
.Ltmp4:
0x4b: {  	_ = 	snop;
	(pc) =	sbr.rel @p1 .LBB2_6-.Ltmp4, $4  }
.Ltmp5:
0x4c: {  	_ = 	snop;
	(pc) =	sbr.rel @!p1 .LBB2_9-.Ltmp5, $4  }
0x4d: {  	_ = 	snop  }
0x4e: {  	[spmem:s2] =	stream.indirect.scatter.add.f32 [tilespmem:s13], [sflag:$0x2], $0x80, s10, s25, $0xb8;
	[tilespmem:$0x1F000] =	vst v63  }
0x4f: {  	s12 =	sadd.s32 $0x80, s12;
	s10 =	sadd.s32 $0x80, s10  }
0x50: {  	_ = 	snop  }
.LBB2_2:
0x51: {  	s10 =	rddreg [dreg:$0x7]  }
0x52: {  	s10 =	sshrl.u32 s10, $0x3  }
0x53: {  	[spmem:s10], [sflag:s9] =	dma.local [hbm:s7], $0x180  }
0x54: {  	_ =	swait.ge [sflag:s23], $0x180  }
0x55: {  	[sflag:s23] =	ssyncset.done $0x0  }
0x56: {  	[sflag:s23] =	ssyncadd.s32 $0xFFFFFE80  }
0x57: {  	[bflag:$0x0] =	sbarrier.arrive $0xFFFF  }
0x58: {  	s11 =	rddreg [dreg:$0x8]  }
0x59: {  	[tilespmem:s5], [sflag:$0x3] =	stream.linear.gather [hbm4b:s11+s5], $0x1400, $0x38;
	[tilespmem:$0x1F000] =	vst v63  }
0x5a: {  	_ =	swait.ge [sflag:s23], $0x1400  }
0x5b: {  	[sflag:s23] =	ssyncset.done $0x0  }
0x5c: {  	s15 =	rddreg [dreg:$0x9];
	[sflag:s23] =	ssyncadd.s32 $0xFFFFEC00  }
0x5d: {  	[tilespmem:s24], [sflag:$0x3] =	stream.linear.gather [hbm4b:s15+s5], $0x1400, $0x38;
	[tilespmem:$0x1F000] =	vst v63  }
0x5e: {  	_ =	swait.ge [sflag:s23], $0x1400  }
0x5f: {  	[sflag:s23] =	ssyncset.done $0x0  }
0x60: {  	[sflag:s23] =	ssyncadd.s32 $0xFFFFEC00  }
0x61: {  	[tilespmem:s26], [sflag:$0x1] =	stream.indirect.gather [hbm4b:s1+s25], $0x80, s5, s25, $0xb8;
	[tilespmem:$0x1F000] =	vst v63  }
0x62: {  	_ =	swait.ge [sflag:s28], $0x4000  }
0x63: {  	[sflag:s28] =	ssyncset.done $0x0  }
0x64: {  	[sflag:s28] =	ssyncadd.s32 $0xFFFFC000  }
0x65: {  	[tilespmem:s29], [sflag:$0x1] =	stream.indirect.gather [hbm4b:s1+s25], $0x80, s25, s25, $0xb8;
	[tilespmem:$0x1F000] =	vst v63  }
0x66: {  	s12 =	simm.s32 $0x20000;
	s13 =	simm.s32 $0x100;
	s11 =	simm.s32 $0x1480  }
0x67: {  	[spmem:s2] =	stream.indirect.scatter.add.f32 [tilespmem:s26], [sflag:$0x2], $0x80, s24, s25, $0xb8;
	[tilespmem:$0x1F000] =	vst v63  }
.LBB2_3:
0x68: {  	_ =	swait.ge [sflag:s28], $0x4000;
	p1 =	sne.s32 s12, $0x280000  }
.Ltmp6:
0x69: {  	[sflag:s28] =	ssyncset.done $0x0;
	(pc) =	sbr.rel @!p1 .LBB2_4-.Ltmp6, $4  }
0x6a: {  	s14 =	sadd.s32 $0xFFFF0000, s12;
	[sflag:s28] =	ssyncadd.s32 $0xFFFFC000  }
0x6b: {  	s14 =	sand.u32 $0x10000, s14;
	_ =	swait.ge [sflag:s30], $0x4000  }
0x6c: {  	s14 =	sshrl.u32 s14, $0x2;
	[sflag:s30] =	ssyncset.done $0x0  }
0x6d: {  	s14 =	sor.u32 $0x2800, s14;
	[sflag:s30] =	ssyncadd.s32 $0xFFFFC000  }
0x6e: {  	s15 =	sand.u32 $0x10000, s12  }
0x6f: {  	s12 =	sadd.s32 $0x10000, s12;
	s15 =	sshrl.u32 s15, $0x2  }
0x70: {  	p1 =	sne.s32 s12, $0x290000;
	s15 =	sor.u32 $0x2800, s15  }
0x71: {  	[tilespmem:s15], [sflag:$0x1] =	stream.indirect.gather [hbm4b:s1+s25], $0x80, s13, s25, $0xb8;
	[tilespmem:$0x1F000] =	vst v63  }
.Ltmp7:
0x72: {  	_ = 	snop;
	(pc) =	sbr.rel @p1 .LBB2_3-.Ltmp7, $4  }
.Ltmp8:
0x73: {  	_ = 	snop;
	(pc) =	sbr.rel @!p1 .LBB2_15-.Ltmp8, $4  }
0x74: {  	_ = 	snop  }
0x75: {  	[spmem:s2] =	stream.indirect.scatter.add.f32 [tilespmem:s14], [sflag:$0x2], $0x80, s11, s25, $0xb8;
	[tilespmem:$0x1F000] =	vst v63  }
0x76: {  	s13 =	sadd.s32 $0x80, s13;
	s11 =	sadd.s32 $0x80, s11  }
0x77: {  	_ = 	snop  }
.LBB2_7:
0x78: {  	[spmem:s2] =	stream.indirect.scatter.add.f32 [tilespmem:s13], [sflag:$0x2], $0x80, s31, s25, $0xb8;
	[tilespmem:$0x1F000] =	vst v63  }
.LBB2_9:
0x79: {  	_ =	swait.ge [sflag:s30], $0x4000  }
0x7a: {  	[sflag:s30] =	ssyncset.done $0x0  }
0x7b: {  	[sflag:s30] =	ssyncadd.s32 $0xFFFFC000  }
0x7c: {  	[tilespmem:s5], [sflag:$0x3] =	stream.linear.gather [hbm4b:s19+s5], $0x1400, $0x38;
	[tilespmem:$0x1F000] =	vst v63  }
0x7d: {  	_ =	swait.ge [sflag:s23], $0x1400  }
0x7e: {  	[sflag:s23] =	ssyncset.done $0x0  }
0x7f: {  	[sflag:s23] =	ssyncadd.s32 $0xFFFFEC00  }
0x80: {  	[tilespmem:s24], [sflag:$0x3] =	stream.linear.gather [hbm4b:s20+s5], $0x1400, $0x38;
	[tilespmem:$0x1F000] =	vst v63  }
0x81: {  	_ =	swait.ge [sflag:s23], $0x1400  }
0x82: {  	[sflag:s23] =	ssyncset.done $0x0  }
0x83: {  	[sflag:s23] =	ssyncadd.s32 $0xFFFFEC00  }
0x84: {  	[tilespmem:s26], [sflag:$0x1] =	stream.indirect.gather [hbm4b:s6+s25], $0x80, s5, s25, $0xb8;
	[tilespmem:$0x1F000] =	vst v63  }
0x85: {  	_ =	swait.ge [sflag:s28], $0x4000  }
0x86: {  	[sflag:s28] =	ssyncset.done $0x0  }
0x87: {  	[sflag:s28] =	ssyncadd.s32 $0xFFFFC000  }
0x88: {  	[tilespmem:s29], [sflag:$0x1] =	stream.indirect.gather [hbm4b:s6+s25], $0x80, s25, s25, $0xb8;
	[tilespmem:$0x1F000] =	vst v63  }
0x89: {  	s10 =	simm.s32 $0x1480;
	s11 =	simm.s32 $0x20000;
	s12 =	simm.s32 $0x100  }
0x8a: {  	[spmem:s2] =	stream.indirect.scatter.add.f32 [tilespmem:s26], [sflag:$0x2], $0x80, s24, s25, $0xb8;
	[tilespmem:$0x1F000] =	vst v63  }
.LBB2_10:
0x8b: {  	_ =	swait.ge [sflag:s28], $0x4000;
	p1 =	sne.s32 s11, $0x280000  }
.Ltmp9:
0x8c: {  	[sflag:s28] =	ssyncset.done $0x0;
	(pc) =	sbr.rel @!p1 .LBB2_11-.Ltmp9, $4  }
0x8d: {  	s13 =	sadd.s32 $0xFFFF0000, s11;
	[sflag:s28] =	ssyncadd.s32 $0xFFFFC000  }
0x8e: {  	s13 =	sand.u32 $0x10000, s13;
	_ =	swait.ge [sflag:s30], $0x4000  }
0x8f: {  	s13 =	sshrl.u32 s13, $0x2;
	[sflag:s30] =	ssyncset.done $0x0  }
0x90: {  	s13 =	sor.u32 $0x2800, s13;
	[sflag:s30] =	ssyncadd.s32 $0xFFFFC000  }
0x91: {  	s14 =	sand.u32 $0x10000, s11  }
0x92: {  	s11 =	sadd.s32 $0x10000, s11;
	s14 =	sshrl.u32 s14, $0x2  }
0x93: {  	p1 =	sne.s32 s11, $0x290000;
	s14 =	sor.u32 $0x2800, s14  }
0x94: {  	[tilespmem:s14], [sflag:$0x1] =	stream.indirect.gather [hbm4b:s6+s25], $0x80, s12, s25, $0xb8;
	[tilespmem:$0x1F000] =	vst v63  }
.Ltmp10:
0x95: {  	_ = 	snop;
	(pc) =	sbr.rel @p1 .LBB2_10-.Ltmp10, $4  }
.Ltmp11:
0x96: {  	_ = 	snop;
	(pc) =	sbr.rel @!p1 .LBB2_13-.Ltmp11, $4  }
0x97: {  	_ = 	snop  }
0x98: {  	[spmem:s2] =	stream.indirect.scatter.add.f32 [tilespmem:s13], [sflag:$0x2], $0x80, s10, s25, $0xb8;
	[tilespmem:$0x1F000] =	vst v63  }
0x99: {  	s12 =	sadd.s32 $0x80, s12;
	s10 =	sadd.s32 $0x80, s10  }
0x9a: {  	_ = 	snop  }
.LBB2_4:
0x9b: {  	[spmem:s2] =	stream.indirect.scatter.add.f32 [tilespmem:s14], [sflag:$0x2], $0x80, s31, s25, $0xb8;
	[tilespmem:$0x1F000] =	vst v63  }
.LBB2_15:
0x9c: {  	_ =	swait.ge [sflag:s30], $0x4000  }
0x9d: {  	[sflag:s30] =	ssyncset.done $0x0  }
0x9e: {  	s11 =	rddreg [dreg:$0xa];
	[sflag:s30] =	ssyncadd.s32 $0xFFFFC000  }
0x9f: {  	[tilespmem:s5], [sflag:$0x3] =	stream.linear.gather [hbm4b:s11+s5], $0x1400, $0x38;
	[tilespmem:$0x1F000] =	vst v63  }
0xa0: {  	_ =	swait.ge [sflag:s23], $0x1400  }
0xa1: {  	[sflag:s23] =	ssyncset.done $0x0  }
0xa2: {  	s15 =	rddreg [dreg:$0xb];
	[sflag:s23] =	ssyncadd.s32 $0xFFFFEC00  }
0xa3: {  	[tilespmem:s24], [sflag:$0x3] =	stream.linear.gather [hbm4b:s15+s5], $0x1400, $0x38;
	[tilespmem:$0x1F000] =	vst v63  }
0xa4: {  	_ =	swait.ge [sflag:s23], $0x1400  }
0xa5: {  	[sflag:s23] =	ssyncset.done $0x0  }
0xa6: {  	[sflag:s23] =	ssyncadd.s32 $0xFFFFEC00  }
0xa7: {  	[tilespmem:s26], [sflag:$0x1] =	stream.indirect.gather [hbm4b:s6+s25], $0x80, s5, s25, $0xb8;
	[tilespmem:$0x1F000] =	vst v63  }
0xa8: {  	_ =	swait.ge [sflag:s28], $0x4000  }
0xa9: {  	[sflag:s28] =	ssyncset.done $0x0  }
0xaa: {  	[sflag:s28] =	ssyncadd.s32 $0xFFFFC000  }
0xab: {  	[tilespmem:s29], [sflag:$0x1] =	stream.indirect.gather [hbm4b:s6+s25], $0x80, s25, s25, $0xb8;
	[tilespmem:$0x1F000] =	vst v63  }
0xac: {  	s12 =	simm.s32 $0x20000;
	s13 =	simm.s32 $0x100;
	s11 =	simm.s32 $0x1480  }
0xad: {  	[spmem:s4] =	stream.indirect.scatter.add.f32 [tilespmem:s26], [sflag:$0x2], $0x80, s24, s25, $0xb8;
	[tilespmem:$0x1F000] =	vst v63  }
.LBB2_16:
0xae: {  	_ =	swait.ge [sflag:s28], $0x4000;
	p1 =	sne.s32 s12, $0x280000  }
.Ltmp12:
0xaf: {  	[sflag:s28] =	ssyncset.done $0x0;
	(pc) =	sbr.rel @!p1 .LBB2_17-.Ltmp12, $4  }
0xb0: {  	s14 =	sadd.s32 $0xFFFF0000, s12;
	[sflag:s28] =	ssyncadd.s32 $0xFFFFC000  }
0xb1: {  	s14 =	sand.u32 $0x10000, s14;
	_ =	swait.ge [sflag:s30], $0x4000  }
0xb2: {  	s14 =	sshrl.u32 s14, $0x2;
	[sflag:s30] =	ssyncset.done $0x0  }
0xb3: {  	s14 =	sor.u32 $0x2800, s14;
	[sflag:s30] =	ssyncadd.s32 $0xFFFFC000  }
0xb4: {  	s15 =	sand.u32 $0x10000, s12  }
0xb5: {  	s12 =	sadd.s32 $0x10000, s12;
	s15 =	sshrl.u32 s15, $0x2  }
0xb6: {  	p1 =	sne.s32 s12, $0x290000;
	s15 =	sor.u32 $0x2800, s15  }
0xb7: {  	[tilespmem:s15], [sflag:$0x1] =	stream.indirect.gather [hbm4b:s6+s25], $0x80, s13, s25, $0xb8;
	[tilespmem:$0x1F000] =	vst v63  }
.Ltmp13:
0xb8: {  	_ = 	snop;
	(pc) =	sbr.rel @p1 .LBB2_16-.Ltmp13, $4  }
.Ltmp14:
0xb9: {  	_ = 	snop;
	(pc) =	sbr.rel @!p1 .LBB2_19-.Ltmp14, $4  }
0xba: {  	_ = 	snop  }
0xbb: {  	[spmem:s4] =	stream.indirect.scatter.add.f32 [tilespmem:s14], [sflag:$0x2], $0x80, s11, s25, $0xb8;
	[tilespmem:$0x1F000] =	vst v63  }
0xbc: {  	s13 =	sadd.s32 $0x80, s13;
	s11 =	sadd.s32 $0x80, s11  }
0xbd: {  	_ = 	snop  }
.LBB2_11:
0xbe: {  	[spmem:s2] =	stream.indirect.scatter.add.f32 [tilespmem:s13], [sflag:$0x2], $0x80, s31, s25, $0xb8;
	[tilespmem:$0x1F000] =	vst v63  }
.LBB2_13:
0xbf: {  	_ =	swait.ge [sflag:s30], $0x4000  }
0xc0: {  	[sflag:s30] =	ssyncset.done $0x0  }
0xc1: {  	[sflag:s30] =	ssyncadd.s32 $0xFFFFC000  }
.Ltmp15:
0xc2: {  	[bflag:$0x0] =	sbarrier.arrive $0xFFFF;
	(pc) =	sbr.rel .LBB2_20-.Ltmp15, $4  }
0xc3: {  	[hbm:s21], [sflag:s9] =	dma.local [spmem:s3], $0x2780  }
0xc4: {  	_ =	swait.ge [sflag:s23], $0x2780  }
0xc5: {  	[sflag:s23] =	ssyncset.done $0x0  }
0xc6: {  	[sflag:s23] =	ssyncadd.s32 $0xFFFFD880  }
.LBB2_21:
0xc7: {  	_ =	sfence.sel $0x180000  }
0xc8: {  	[bflag:$0x0] =	sbarrier.arrive $0xFFFF  }
0xc9: {  	_ =	strace $0x90000050  }
0xca: {  	s0 =	stileid.u32;
	[bflag:$0x2] =	sbarrier.arrive $0xFFFF  }
0xcb: {  	p0 =	sne.s32 s0, $0x0;
	s0 =	rddreg [dreg:$0x6]  }
0xcc: {  	s0 =	sadd.s32 @!p0 $0x100000, s0  }
0xcd: {  	[sflag:s0] =	ssyncadd.tile.s32 @!p0 $0x1;
	_ =	shalt  }
.Lfunc_end2:
_tile_overlayer_lowered:
.L_overlay_start_2:
0xce: {  	(tag) =	ssettag $0x2  }
0xcf: {  	s0 =	rddreg [dreg:$0x0];
	s2 =	stileid.u32  }
0xd0: {  	s1 =	rddreg [dreg:$0x1];
	p0 =	sne.s32 s2, $0x0  }
0xd1: {  	s3 =	rddreg [dreg:$0x2];
	[bflag:$0x3] =	sbarrier.arrive $0xFFFF;
	s2 =	simm.s32 @!p0 $0x1C03  }
0xd2: {  	[timem:s3], [sflag:s2] =	dma.local @!p0 [hbm:s0], s1  }
0xd3: {  	s0 =	simm.s32 @!p0 $0x3  }
0xd4: {  	_ =	swait.ge @!p0 [sflag:s0], s1  }
0xd5: {  	s1 =	ssub.s32 @!p0 $0x0, s1;
	[sflag:s0] =	ssyncset.done @!p0 $0x0  }
0xd6: {  	[sflag:s0] =	ssyncadd.s32 @!p0 s1  }
0xd7: {  	[bflag:$0x3] =	sbarrier.arrive $0xFFFF  }
0xd8: {  	_ =	shalt  }

</sc_bundles>
